<compile_context>
chip_gen: v7x
topology: tpu7x:2x2x1
jax: 0.10.2.dev20260603
libtpu: 0.0.44.dev20260713+nightly
codegen_flags: <defaults>
</compile_context>

<pallas_src>
import functools

import jax
import jax.numpy as jnp
from jax import lax
from jax.experimental import pallas as pl
from jax.experimental.pallas import tpu as pltpu
from jax.experimental.pallas import tpu_sc as plsc

N = 10000
E = 320000
DS = 128
DT = 128
DE = 16
M = 144
MP = 160
GW = 128
U = DS + 4 * M + GW
UP = DS + 4 * MP + GW

NC = 2
NS = 16
NW = NC * NS
LANES = 16

LEAKY = 0.2
F32EPS = 1.1920929e-07


def _leaky(x):
    return jnp.where(x >= 0, x, LEAKY * x)



_RB = 2048


def _split_bf16(x):
    hi = x.astype(jnp.bfloat16)
    lo = (x - hi.astype(jnp.float32)).astype(jnp.bfloat16)
    return hi, lo


def _mm3(x, wh, wl):
    xh, xl = _split_bf16(x)
    f = jnp.float32
    return (jnp.dot(xh, wh, preferred_element_type=f)
            + jnp.dot(xh, wl, preferred_element_type=f)
            + jnp.dot(xl, wh, preferred_element_type=f))


def _edge_mlp_body(g_ref, ea_ref, w1h_ref, w1l_ref,
                   b1_ref, w2h_ref, w2l_ref, b2_ref, out_ref):
    x = jnp.concatenate([g_ref[...], ea_ref[...]], axis=1)
    z = _mm3(x, w1h_ref[...], w1l_ref[...]) + b1_ref[...]
    a = _leaky(z)
    out_ref[...] = _mm3(a, w2h_ref[...], w2l_ref[...]) + b2_ref[...]


def _edge_mlp(g, edge_attr, W1h, W1l, b1, W2h, W2l, b2p):
    grid = (E // _RB,)
    return pl.pallas_call(
        _edge_mlp_body,
        grid=grid,
        in_specs=[
            pl.BlockSpec((_RB, DT), lambda i: (i, 0)),
            pl.BlockSpec((_RB, DE), lambda i: (i, 0)),
            pl.BlockSpec((M, M), lambda i: (0, 0)),
            pl.BlockSpec((M, M), lambda i: (0, 0)),
            pl.BlockSpec((1, M), lambda i: (0, 0)),
            pl.BlockSpec((M, MP), lambda i: (0, 0)),
            pl.BlockSpec((M, MP), lambda i: (0, 0)),
            pl.BlockSpec((1, MP), lambda i: (0, 0)),
        ],
        out_specs=pl.BlockSpec((_RB, MP), lambda i: (i, 0)),
        out_shape=jax.ShapeDtypeStruct((E, MP), jnp.float32),
    )(g, edge_attr, W1h, W1l, b1, W2h, W2l, b2p)


_NB = 1000


def _node_mlp_body(xs_ref, s1_ref, s2_ref, s3_ref, s4_ref, xu_ref,
                   w3h_ref, w3l_ref, b3_ref, w4h_ref, w4l_ref, b4_ref, g_ref,
                   out_ref):
    s1 = s1_ref[0] + s1_ref[1]
    cmask = lax.broadcasted_iota(jnp.int32, (_NB, MP), 1) == M
    c = jnp.maximum(
        jnp.sum(jnp.where(cmask, s1, 0.0), axis=-1, keepdims=True), 1.0)
    s2 = s2_ref[0] + s2_ref[1]
    s3 = s3_ref[0] + s3_ref[1]
    s4 = s4_ref[0] + s4_ref[1]
    mean = s1 / c
    m2 = s2 / c
    m3 = s3 / c
    m4 = s4 / c
    mm = mean * mean
    var = _leaky(m2 - mm)
    s2v = var + 1e-6
    std = jnp.sqrt(s2v)
    m3c = m3 - 3.0 * mean * m2 + 2.0 * mean * mm
    m4c = m4 - 4.0 * mean * m3 + 6.0 * mm * m2 - 3.0 * mm * mm
    ok = var > 2e-5 * m2
    zero = jnp.zeros_like(var)
    skew = jnp.where(ok, m3c / (s2v * std), zero)
    kurt = jnp.where(ok, m4c / (s2v * s2v), zero)

    t = (
        _mm3(xs_ref[...], w3h_ref[0:DS, :], w3l_ref[0:DS, :])
        + _mm3(mean, w3h_ref[DS:DS + MP, :], w3l_ref[DS:DS + MP, :])
        + _mm3(std, w3h_ref[DS + MP:DS + 2 * MP, :], w3l_ref[DS + MP:DS + 2 * MP, :])
        + _mm3(skew, w3h_ref[DS + 2 * MP:DS + 3 * MP, :], w3l_ref[DS + 2 * MP:DS + 3 * MP, :])
        + _mm3(kurt, w3h_ref[DS + 3 * MP:DS + 4 * MP, :], w3l_ref[DS + 3 * MP:DS + 4 * MP, :])
        + _mm3(xu_ref[...], w3h_ref[DS + 4 * MP:UP, :], w3l_ref[DS + 4 * MP:UP, :])
        + b3_ref[...]
    )
    a = _leaky(t)
    out = _mm3(a, w4h_ref[...], w4l_ref[...]) + b4_ref[...]
    r = out * lax.rsqrt(jnp.mean(out * out, axis=-1, keepdims=True) + F32EPS)
    out_ref[...] = r * g_ref[...]


def _node_mlp(x_s, S1, S2, S3, S4, x_u, W3h, W3l, b3, W4h, W4l, b4, g):
    grid = (N // _NB,)
    sspec = pl.BlockSpec((NC, _NB, MP), lambda i: (0, i, 0))
    return pl.pallas_call(
        _node_mlp_body,
        grid=grid,
        in_specs=[
            pl.BlockSpec((_NB, DS), lambda i: (i, 0)),
            sspec, sspec, sspec, sspec,
            pl.BlockSpec((1, GW), lambda i: (0, 0)),
            pl.BlockSpec((UP, U), lambda i: (0, 0)),
            pl.BlockSpec((UP, U), lambda i: (0, 0)),
            pl.BlockSpec((1, U), lambda i: (0, 0)),
            pl.BlockSpec((U, DS), lambda i: (0, 0)),
            pl.BlockSpec((U, DS), lambda i: (0, 0)),
            pl.BlockSpec((1, DS), lambda i: (0, 0)),
            pl.BlockSpec((1, DS), lambda i: (0, 0)),
        ],
        out_specs=pl.BlockSpec((_NB, DS), lambda i: (i, 0)),
        out_shape=jax.ShapeDtypeStruct((N, DS), jnp.float32),
    )(x_s, S1, S2, S3, S4, x_u, W3h, W3l, b3, W4h, W4l, b4, g)



_CK = 80
_EPW = E // NW
_NCH = _EPW // _CK

_mesh = plsc.VectorSubcoreMesh(
    core_axis_name="c", subcore_axis_name="s", num_cores=NC, num_subcores=NS)


@functools.partial(
    pl.kernel,
    out_type=jax.ShapeDtypeStruct((E, DT), jnp.float32),
    mesh=_mesh,
    scratch_types=[
        pltpu.VMEM((_NCH, _CK), jnp.int32),
        pltpu.VMEM((_CK, DT), jnp.float32),
        pltpu.VMEM((_CK, DT), jnp.float32),
        pltpu.SemaphoreType.DMA,
        pltpu.SemaphoreType.DMA,
    ],
)
def _sc_gather(yt_hbm, tgt_hbm, out_hbm, idx_v, rows_a, rows_b, sem_a, sem_b):
    wid = lax.axis_index("c") * NS + lax.axis_index("s")
    base = wid * _EPW
    pltpu.sync_copy(tgt_hbm.at[wid], idx_v)

    bufs = (rows_a, rows_b)
    sems = (sem_a, sem_b)

    def start(i, b):
        pltpu.async_copy(yt_hbm.at[idx_v.at[i]], bufs[b], sems[b])

    def wait(i, b):
        pltpu.make_async_copy(yt_hbm.at[idx_v.at[i]], bufs[b], sems[b]).wait()

    def store(i, b):
        pltpu.sync_copy(bufs[b], out_hbm.at[pl.ds(base + i * _CK, _CK)])

    start(0, 0)

    def body(j, _):
        i0 = 2 * j
        wait(i0, 0)
        start(i0 + 1, 1)
        store(i0, 0)
        i1 = i0 + 1
        wait(i1, 1)

        @pl.when(i1 + 1 < _NCH)
        def _():
            start(i1 + 1, 0)

        store(i1, 1)
        return 0

    lax.fori_loop(0, (_NCH - 1) // 2, body, 0)
    wait(_NCH - 1, 0)
    store(_NCH - 1, 0)


_PC = 80
_NPIECE = N // _PC
_TP = (_NPIECE + NS - 1) // NS


@functools.partial(
    pl.kernel,
    out_type=(
        jax.ShapeDtypeStruct((NC, N, MP), jnp.float32),
        jax.ShapeDtypeStruct((NC, N, MP), jnp.float32),
        jax.ShapeDtypeStruct((NC, N, MP), jnp.float32),
        jax.ShapeDtypeStruct((NC, N, MP), jnp.float32),
    ),
    mesh=_mesh,
    scratch_types=[
        pltpu.VMEM((_CK,), jnp.int32),
        pltpu.VMEM((_CK,), jnp.int32),
        pltpu.VMEM((_CK, MP), jnp.float32),
        pltpu.VMEM((_CK, MP), jnp.float32),
        pltpu.VMEM_SHARED((N, MP), jnp.float32),
        pltpu.SemaphoreType.DMA,
        pltpu.SemaphoreType.DMA,
        pltpu.SemaphoreType.DMA,
        pltpu.SemaphoreType.DMA,
        pltpu.SemaphoreType.DMA,
        pltpu.SemaphoreType.DMA,
    ],
    compiler_params=pltpu.CompilerParams(use_tc_tiling_on_sc=False),
)
def _sc_moments(msg_hbm, src_hbm, zero_hbm, s1_hbm, s2_hbm, s3_hbm, s4_hbm,
                idx_a, idx_b, rows_a, rows_b, acc,
                smi_a, smi_b, smr_a, smr_b, sms_a, sms_b):
    cid = lax.axis_index("c")
    sid = lax.axis_index("s")
    wid = cid * NS + sid
    ebase = wid * _EPW
    souts = (s1_hbm, s2_hbm, s3_hbm, s4_hbm)

    idxs = (idx_a, idx_b)
    rows = (rows_a, rows_b)
    smi = (smi_a, smi_b)
    smr = (smr_a, smr_b)
    sms = (sms_a, sms_b)

    def load_start(i, b):
        pltpu.async_copy(src_hbm.at[wid, i], idxs[b], smi[b])
        pltpu.async_copy(msg_hbm.at[pl.ds(ebase + i * _CK, _CK)], rows[b],
                         smr[b])

    def load_wait(i, b):
        pltpu.make_async_copy(src_hbm.at[wid, i], idxs[b], smi[b]).wait()
        pltpu.make_async_copy(msg_hbm.at[pl.ds(ebase + i * _CK, _CK)],
                              rows[b], smr[b]).wait()

    def scat_start(b):
        pltpu.async_copy(rows[b], acc.at[idxs[b]], sms[b], add=True)

    def scat_wait(b):
        pltpu.make_async_copy(rows[b], acc.at[idxs[b]], sms[b]).wait()

    for p in range(4):
        for t in range(_TP):
            q = sid + NS * t

            @pl.when(q < _NPIECE)
            def _(q=q):
                pltpu.sync_copy(zero_hbm, acc.at[pl.ds(q * _PC, _PC)])

        plsc.subcore_barrier()

        def powers(buf, pass_id):
            if pass_id == 0:
                return

            def body(r, __):
                for gix in range(MP // LANES):
                    sl = pl.ds(gix * LANES, LANES)
                    v = buf[r, sl]
                    v2 = v * v
                    if pass_id == 1:
                        buf[r, sl] = v2
                    elif pass_id == 2:
                        buf[r, sl] = v2 * v
                    else:
                        buf[r, sl] = v2 * v2
                return 0

            lax.fori_loop(0, _CK, body, 0)

        load_start(0, 0)

        def pair(j, _, pass_id=p):
            i0 = 2 * j
            load_wait(i0, 0)

            @pl.when(j > 0)
            def _():
                scat_wait(1)

            load_start(i0 + 1, 1)
            powers(rows[0], pass_id)
            scat_start(0)

            i1 = i0 + 1
            load_wait(i1, 1)
            scat_wait(0)

            @pl.when(i1 + 1 < _NCH)
            def _():
                load_start(i1 + 1, 0)

            powers(rows[1], pass_id)
            scat_start(1)
            return 0

        lax.fori_loop(0, (_NCH - 1) // 2, pair, 0)
        i_last = _NCH - 1
        load_wait(i_last, 0)
        scat_wait(1)
        powers(rows[0], p)
        scat_start(0)
        scat_wait(0)
        plsc.subcore_barrier()

        for t in range(_TP):
            q = sid + NS * t

            @pl.when(q < _NPIECE)
            def _(q=q, p=p):
                rs = pl.ds(q * _PC, _PC)
                pltpu.sync_copy(acc.at[rs], souts[p].at[cid, rs])

        plsc.subcore_barrier()



def kernel(x_s, x_t, edge_index, edge_attr, x_u, W1, b1, W2, b2, W3, b3, W4,
           b4, g):
    src = edge_index[0].astype(jnp.int32).reshape(NW, _NCH, _CK)
    tgt = edge_index[1].astype(jnp.int32).reshape(NW, _NCH, _CK)

    W1h, W1l = _split_bf16(W1)
    W2p = jnp.pad(W2, ((0, 0), (0, MP - M)))
    W2h, W2l = _split_bf16(W2p)
    b2p = jnp.concatenate(
        [b2, jnp.ones((1,), jnp.float32),
         jnp.zeros((MP - M - 1,), jnp.float32)]).reshape(1, MP)
    z16 = jnp.zeros((MP - M, U), jnp.float32)
    W3p = jnp.concatenate([
        W3[0:DS],
        W3[DS:DS + M], z16,
        W3[DS + M:DS + 2 * M], z16,
        W3[DS + 2 * M:DS + 3 * M], z16,
        W3[DS + 3 * M:DS + 4 * M], z16,
        W3[DS + 4 * M:U],
    ], axis=0)

    W3h, W3l = _split_bf16(W3p)
    W4h, W4l = _split_bf16(W4)
    gathered = _sc_gather(x_t, tgt)
    msg = _edge_mlp(gathered, edge_attr, W1h, W1l,
                    b1.reshape(1, M), W2h, W2l, b2p)
    S1, S2, S3, S4 = _sc_moments(msg, src, jnp.zeros((_PC, MP), jnp.float32))
    return _node_mlp(x_s, S1, S2, S3, S4, x_u.reshape(1, GW),
                     W3h, W3l, b3.reshape(1, U), W4h, W4l, b4.reshape(1, DS),
                     g.reshape(1, DS))

# --- scband reference (transcript-rebuilt; emitter-appended) ---
"""Pipeline reference for scband-source-model-5420248727650 (READ-ONLY COPY).

The authoritative reference and input builder live on the scoring server;
editing this copy changes nothing except your own understanding.
"""

import jax, jax.numpy as jnp
import numpy as np

LEAKY_SLOPE = 0.2
N_NODES = 10000
N_EDGES = 320000
D_S = 128
D_T = 128
D_E = 16
G = 128
M = D_T + D_E  # 144
U = D_S + 4 * M + G  # 832


def _leaky(x):
    return jnp.where(x >= 0, x, LEAKY_SLOPE * x)


def setup_inputs(seed: int = 0) -> dict:
    key = jax.random.key(seed)
    ks = jax.random.split(key, 16)
    x_s = jax.random.normal(ks[0], (N_NODES, D_S), dtype=jnp.float32)
    x_t = jax.random.normal(ks[1], (N_NODES, D_T), dtype=jnp.float32)
    edge_index = jax.random.randint(ks[2], (2, N_EDGES), 0, N_NODES, dtype=jnp.int64)
    edge_attr = jax.random.normal(ks[3], (N_EDGES, D_E), dtype=jnp.float32)
    x_u = jax.random.normal(ks[4], (1, G), dtype=jnp.float32)
    s1 = 1.0 / np.sqrt(M)
    W1 = jax.random.uniform(ks[5], (M, M), jnp.float32, -s1, s1)
    b1 = jax.random.uniform(ks[6], (M,), jnp.float32, -s1, s1)
    W2 = jax.random.uniform(ks[7], (M, M), jnp.float32, -s1, s1)
    b2 = jax.random.uniform(ks[8], (M,), jnp.float32, -s1, s1)
    s2 = 1.0 / np.sqrt(U)
    W3 = jax.random.uniform(ks[9], (U, U), jnp.float32, -s2, s2)
    b3 = jax.random.uniform(ks[10], (U,), jnp.float32, -s2, s2)
    W4 = jax.random.uniform(ks[11], (U, D_S), jnp.float32, -s2, s2)
    b4 = jax.random.uniform(ks[12], (D_S,), jnp.float32, -s2, s2)
    g = jnp.ones((D_S,), dtype=jnp.float32)
    return {"x_s": x_s, "x_t": x_t, "edge_index": edge_index, "edge_attr": edge_attr,
            "x_u": x_u, "W1": W1, "b1": b1, "W2": W2, "b2": b2,
            "W3": W3, "b3": b3, "W4": W4, "b4": b4, "g": g}


def reference(x_s, x_t, edge_index, edge_attr, x_u, W1, b1, W2, b2, W3, b3, W4, b4, g):
    n = x_s.shape[0]
    src = edge_index[0]
    tgt = edge_index[1]
    msg = jnp.concatenate([jnp.take(x_t, tgt, axis=0), edge_attr], axis=1)
    msg = _leaky(msg @ W1 + b1) @ W2 + b2
    cnt = jnp.maximum(jax.ops.segment_sum(jnp.ones((src.shape[0],), jnp.float32), src, num_segments=n), 1.0)

    def smean(v):
        return jax.ops.segment_sum(v, src, num_segments=n) / cnt[:, None]

    mean = jnp.nan_to_num(smean(msg), nan=0.0)
    var = _leaky(smean(msg ** 2) - mean ** 2)
    var = jnp.nan_to_num(var, nan=0.0)
    std = jnp.sqrt(var + 1e-06)
    diff = msg - jnp.take(mean, src, axis=0)
    skew = jnp.nan_to_num(smean(diff ** 3) / std ** 3, nan=0.0)
    kurt = jnp.nan_to_num(smean(diff ** 4) / std ** 4, nan=0.0)
    h = jnp.concatenate([x_s, mean, std, skew, kurt, jnp.broadcast_to(x_u, (n, x_u.shape[1]))], axis=-1)
    out = _leaky(h @ W3 + b3) @ W4 + b4
    eps = jnp.finfo(jnp.float32).eps
    rms = out * jax.lax.rsqrt(jnp.mean(out ** 2, axis=-1, keepdims=True) + eps)
    return rms * g

if __name__ == "__main__":
    import jax
    _d = setup_inputs()
    print(jax.jit(kernel)(*tuple(_d.values())))

</pallas_src>

<mosaic_0001>
#map = affine_map<(d0, d1) -> (0, 0)>
#map1 = affine_map<(d0, d1) -> (0, 0, 0)>
module attributes {stable_mosaic.version = 14 : i64} {
  func.func @_sc_gather(%arg0: i32, %arg1: i32, %arg2: memref<10000x128xf32, #tpu.memory_space<hbm>>, %arg3: memref<32x125x80xi32, #tpu.memory_space<hbm>>, %arg4: memref<320000x128xf32, #tpu.memory_space<hbm>>, %arg5: memref<125x80xi32, #tpu.memory_space<vmem>>, %arg6: memref<80x128xf32, #tpu.memory_space<vmem>>, %arg7: memref<80x128xf32, #tpu.memory_space<vmem>>, %arg8: memref<!tpu.dma_semaphore, #tpu.memory_space<semaphore_mem>>, %arg9: memref<!tpu.dma_semaphore, #tpu.memory_space<semaphore_mem>>) attributes {dimension_semantics = [#tpu.dimension_semantics<core_parallel>, #tpu.dimension_semantics<subcore_parallel>], iteration_bounds = array<i64: 2, 16>, scalar_prefetch = 0 : i64, scratch_operands = 5 : i64, tpu.core_type = #tpu.core_type<sc_vector_subcore>, window_params = [{transform_indices = #map}, {transform_indices = #map1}, {transform_indices = #map}]} {
    %mul3A = arith.constant 16 : i32
    %mul3A_0 = arith.muli %arg0, %mul3A : i32
    %add3A = arith.addi %mul3A_0, %arg1 : i32
    %mul3A_1 = arith.constant 10000 : i32
    %mul3A_2 = arith.muli %add3A, %mul3A_1 : i32
    "tpu.region"() ({
      %run_scoped3A = tpu.sem_alloc : memref<!tpu.dma_semaphore, #tpu.memory_space<semaphore_mem>>
      %dma_start3A_23 = arith.constant 0 : i32
      %dma_start3A_24 = arith.constant 0 : i32
      %dma_start3A_25 = tpu.memref_slice %arg3[%add3A, %dma_start3A_23, %dma_start3A_24] : memref<32x125x80xi32, #tpu.memory_space<hbm>> -> memref<1x125x80xi32, #tpu.memory_space<hbm>>
      %dma_start3A_26 = tpu.memref_squeeze %dma_start3A_25 : memref<1x125x80xi32, #tpu.memory_space<hbm>> -> memref<125x80xi32, #tpu.memory_space<hbm>>
      %dma_start3A_27 = arith.constant 0 : i32
      %dma_start3A_28 = arith.constant 0 : i32
      %dma_start3A_29 = tpu.memref_slice %arg3[%add3A, %dma_start3A_27, %dma_start3A_28] : memref<32x125x80xi32, #tpu.memory_space<hbm>> -> memref<1x125x80xi32, #tpu.memory_space<hbm>>
      %dma_start3A_30 = tpu.memref_squeeze %dma_start3A_29 : memref<1x125x80xi32, #tpu.memory_space<hbm>> -> memref<125x80xi32, #tpu.memory_space<hbm>>
      tpu.enqueue_dma source(%dma_start3A_30 : memref<125x80xi32, #tpu.memory_space<hbm>>) target(%arg5 : memref<125x80xi32, #tpu.memory_space<vmem>>) target_semaphore(%run_scoped3A : memref<!tpu.dma_semaphore, #tpu.memory_space<semaphore_mem>>)
      %dma_wait3A_31 = arith.constant 0 : i32
      %dma_wait3A_32 = arith.constant 0 : i32
      %dma_wait3A_33 = tpu.memref_slice %arg3[%add3A, %dma_wait3A_31, %dma_wait3A_32] : memref<32x125x80xi32, #tpu.memory_space<hbm>> -> memref<1x125x80xi32, #tpu.memory_space<hbm>>
      %dma_wait3A_34 = tpu.memref_squeeze %dma_wait3A_33 : memref<1x125x80xi32, #tpu.memory_space<hbm>> -> memref<125x80xi32, #tpu.memory_space<hbm>>
      %dma_wait3A_35 = arith.constant 0 : i32
      %dma_wait3A_36 = arith.constant 0 : i32
      %dma_wait3A_37 = tpu.memref_slice %arg3[%add3A, %dma_wait3A_35, %dma_wait3A_36] : memref<32x125x80xi32, #tpu.memory_space<hbm>> -> memref<1x125x80xi32, #tpu.memory_space<hbm>>
      %dma_wait3A_38 = tpu.memref_squeeze %dma_wait3A_37 : memref<1x125x80xi32, #tpu.memory_space<hbm>> -> memref<125x80xi32, #tpu.memory_space<hbm>>
      tpu.wait_dma2 semaphore(%run_scoped3A : memref<!tpu.dma_semaphore, #tpu.memory_space<semaphore_mem>>) src(%dma_wait3A_38 : memref<125x80xi32, #tpu.memory_space<hbm>>) dst(%arg5 : memref<125x80xi32, #tpu.memory_space<vmem>>)
      tpu.yield
    }) : () -> ()
    %dma_start3A = arith.constant 0 : i32
    %dma_start3A_3 = arith.constant 0 : i32
    %dma_start3A_4 = tpu.memref_slice %arg5[%dma_start3A, %dma_start3A_3] : memref<125x80xi32, #tpu.memory_space<vmem>> -> memref<1x80xi32, #tpu.memory_space<vmem>>
    %dma_start3A_5 = tpu.memref_squeeze %dma_start3A_4 : memref<1x80xi32, #tpu.memory_space<vmem>> -> memref<80xi32, #tpu.memory_space<vmem>>
    %dma_start3A_6 = arith.constant 0 : i32
    %dma_start3A_7 = arith.constant 0 : i32
    %dma_start3A_8 = tpu.memref_slice %arg2[%dma_start3A_6, %dma_start3A_7] : memref<10000x128xf32, #tpu.memory_space<hbm>> -> memref<10000x128xf32, #tpu.memory_space<hbm>>
    tpu.enqueue_indirect_dma source(%dma_start3A_8 : memref<10000x128xf32, #tpu.memory_space<hbm>>) target(%arg6 : memref<80x128xf32, #tpu.memory_space<vmem>>) offsets(%dma_start3A_5 : memref<80xi32, #tpu.memory_space<vmem>>) semaphore(%arg8 : memref<!tpu.dma_semaphore, #tpu.memory_space<semaphore_mem>>)
    %scan3A = arith.constant 0 : i32
    %scan3A_9 = arith.constant 0 : i32
    %scan3A_10 = arith.constant 62 : i32
    %scan3A_11 = arith.addi %scan3A_9, %scan3A_10 : i32
    %scan3A_12 = arith.constant 1 : i32
    %scan3A_13 = scf.for %scan3A_23 = %scan3A_9 to %scan3A_11 step %scan3A_12 iter_args(%scan3A_24 = %scan3A) -> (i32)  : i32 {
      %mul3A_25 = arith.constant 2 : i32
      %mul3A_26 = arith.muli %mul3A_25, %scan3A_23 : i32
      %dma_wait3A_27 = arith.constant 0 : i32
      %dma_wait3A_28 = tpu.memref_slice %arg5[%mul3A_26, %dma_wait3A_27] : memref<125x80xi32, #tpu.memory_space<vmem>> -> memref<1x80xi32, #tpu.memory_space<vmem>>
      %dma_wait3A_29 = tpu.memref_squeeze %dma_wait3A_28 : memref<1x80xi32, #tpu.memory_space<vmem>> -> memref<80xi32, #tpu.memory_space<vmem>>
      %dma_wait3A_30 = arith.constant 0 : i32
      %dma_wait3A_31 = arith.constant 0 : i32
      %dma_wait3A_32 = tpu.memref_slice %arg2[%dma_wait3A_30, %dma_wait3A_31] : memref<10000x128xf32, #tpu.memory_space<hbm>> -> memref<10000x128xf32, #tpu.memory_space<hbm>>
      tpu.wait_indirect_dma semaphore(%arg8 : memref<!tpu.dma_semaphore, #tpu.memory_space<semaphore_mem>>) src(%dma_wait3A_32 : memref<10000x128xf32, #tpu.memory_space<hbm>>) dst(%arg6 : memref<80x128xf32, #tpu.memory_space<vmem>>)
      %add3A_33 = arith.constant 1 : i32
      %add3A_34 = arith.addi %mul3A_26, %add3A_33 : i32
      %dma_start3A_35 = arith.constant 0 : i32
      %dma_start3A_36 = tpu.memref_slice %arg5[%add3A_34, %dma_start3A_35] : memref<125x80xi32, #tpu.memory_space<vmem>> -> memref<1x80xi32, #tpu.memory_space<vmem>>
      %dma_start3A_37 = tpu.memref_squeeze %dma_start3A_36 : memref<1x80xi32, #tpu.memory_space<vmem>> -> memref<80xi32, #tpu.memory_space<vmem>>
      %dma_start3A_38 = arith.constant 0 : i32
      %dma_start3A_39 = arith.constant 0 : i32
      %dma_start3A_40 = tpu.memref_slice %arg2[%dma_start3A_38, %dma_start3A_39] : memref<10000x128xf32, #tpu.memory_space<hbm>> -> memref<10000x128xf32, #tpu.memory_space<hbm>>
      tpu.enqueue_indirect_dma source(%dma_start3A_40 : memref<10000x128xf32, #tpu.memory_space<hbm>>) target(%arg7 : memref<80x128xf32, #tpu.memory_space<vmem>>) offsets(%dma_start3A_37 : memref<80xi32, #tpu.memory_space<vmem>>) semaphore(%arg9 : memref<!tpu.dma_semaphore, #tpu.memory_space<semaphore_mem>>)
      %mul3A_41 = arith.constant 80 : i32
      %mul3A_42 = arith.muli %mul3A_26, %mul3A_41 : i32
      %add3A_43 = arith.addi %mul3A_2, %mul3A_42 : i32
      "tpu.region"() ({
        %run_scoped3A = tpu.sem_alloc : memref<!tpu.dma_semaphore, #tpu.memory_space<semaphore_mem>>
        %dma_start3A_60 = arith.constant 0 : i32
        %dma_start3A_61 = tpu.memref_slice %arg4[%add3A_43, %dma_start3A_60] : memref<320000x128xf32, #tpu.memory_space<hbm>> -> memref<80x128xf32, #tpu.memory_space<hbm>>
        %dma_start3A_62 = arith.constant 0 : i32
        %dma_start3A_63 = tpu.memref_slice %arg4[%add3A_43, %dma_start3A_62] : memref<320000x128xf32, #tpu.memory_space<hbm>> -> memref<80x128xf32, #tpu.memory_space<hbm>>
        tpu.enqueue_dma source(%arg6 : memref<80x128xf32, #tpu.memory_space<vmem>>) target(%dma_start3A_63 : memref<80x128xf32, #tpu.memory_space<hbm>>) target_semaphore(%run_scoped3A : memref<!tpu.dma_semaphore, #tpu.memory_space<semaphore_mem>>)
        %dma_wait3A_64 = arith.constant 0 : i32
        %dma_wait3A_65 = tpu.memref_slice %arg4[%add3A_43, %dma_wait3A_64] : memref<320000x128xf32, #tpu.memory_space<hbm>> -> memref<80x128xf32, #tpu.memory_space<hbm>>
        %dma_wait3A_66 = arith.constant 0 : i32
        %dma_wait3A_67 = tpu.memref_slice %arg4[%add3A_43, %dma_wait3A_66] : memref<320000x128xf32, #tpu.memory_space<hbm>> -> memref<80x128xf32, #tpu.memory_space<hbm>>
        tpu.wait_dma2 semaphore(%run_scoped3A : memref<!tpu.dma_semaphore, #tpu.memory_space<semaphore_mem>>) src(%arg6 : memref<80x128xf32, #tpu.memory_space<vmem>>) dst(%dma_wait3A_67 : memref<80x128xf32, #tpu.memory_space<hbm>>)
        tpu.yield
      }) : () -> ()
      %add3A_44 = arith.constant 1 : i32
      %add3A_45 = arith.addi %mul3A_26, %add3A_44 : i32
      %dma_wait3A_46 = arith.constant 0 : i32
      %dma_wait3A_47 = tpu.memref_slice %arg5[%add3A_45, %dma_wait3A_46] : memref<125x80xi32, #tpu.memory_space<vmem>> -> memref<1x80xi32, #tpu.memory_space<vmem>>
      %dma_wait3A_48 = tpu.memref_squeeze %dma_wait3A_47 : memref<1x80xi32, #tpu.memory_space<vmem>> -> memref<80xi32, #tpu.memory_space<vmem>>
      %dma_wait3A_49 = arith.constant 0 : i32
      %dma_wait3A_50 = arith.constant 0 : i32
      %dma_wait3A_51 = tpu.memref_slice %arg2[%dma_wait3A_49, %dma_wait3A_50] : memref<10000x128xf32, #tpu.memory_space<hbm>> -> memref<10000x128xf32, #tpu.memory_space<hbm>>
      tpu.wait_indirect_dma semaphore(%arg9 : memref<!tpu.dma_semaphore, #tpu.memory_space<semaphore_mem>>) src(%dma_wait3A_51 : memref<10000x128xf32, #tpu.memory_space<hbm>>) dst(%arg7 : memref<80x128xf32, #tpu.memory_space<vmem>>)
      %add3A_52 = arith.constant 1 : i32
      %add3A_53 = arith.addi %add3A_45, %add3A_52 : i32
      %lt3A = arith.constant 125 : i32
      %lt3A_54 = arith.cmpi slt, %add3A_53, %lt3A : i32
      %convert_element_type3A = arith.extui %lt3A_54 : i1 to i32
      %cond3A = arith.constant 0 : i32
      %cond3A_55 = arith.cmpi ne, %convert_element_type3A, %cond3A : i32
      scf.if %cond3A_55 {
        %add3A_60 = arith.constant 1 : i32
        %add3A_61 = arith.addi %add3A_45, %add3A_60 : i32
        %dma_start3A_62 = arith.constant 0 : i32
        %dma_start3A_63 = tpu.memref_slice %arg5[%add3A_61, %dma_start3A_62] : memref<125x80xi32, #tpu.memory_space<vmem>> -> memref<1x80xi32, #tpu.memory_space<vmem>>
        %dma_start3A_64 = tpu.memref_squeeze %dma_start3A_63 : memref<1x80xi32, #tpu.memory_space<vmem>> -> memref<80xi32, #tpu.memory_space<vmem>>
        %dma_start3A_65 = arith.constant 0 : i32
        %dma_start3A_66 = arith.constant 0 : i32
        %dma_start3A_67 = tpu.memref_slice %arg2[%dma_start3A_65, %dma_start3A_66] : memref<10000x128xf32, #tpu.memory_space<hbm>> -> memref<10000x128xf32, #tpu.memory_space<hbm>>
        tpu.enqueue_indirect_dma source(%dma_start3A_67 : memref<10000x128xf32, #tpu.memory_space<hbm>>) target(%arg6 : memref<80x128xf32, #tpu.memory_space<vmem>>) offsets(%dma_start3A_64 : memref<80xi32, #tpu.memory_space<vmem>>) semaphore(%arg8 : memref<!tpu.dma_semaphore, #tpu.memory_space<semaphore_mem>>)
      } else {
      }
      %mul3A_56 = arith.constant 80 : i32
      %mul3A_57 = arith.muli %add3A_45, %mul3A_56 : i32
      %add3A_58 = arith.addi %mul3A_2, %mul3A_57 : i32
      "tpu.region"() ({
        %run_scoped3A = tpu.sem_alloc : memref<!tpu.dma_semaphore, #tpu.memory_space<semaphore_mem>>
        %dma_start3A_60 = arith.constant 0 : i32
        %dma_start3A_61 = tpu.memref_slice %arg4[%add3A_58, %dma_start3A_60] : memref<320000x128xf32, #tpu.memory_space<hbm>> -> memref<80x128xf32, #tpu.memory_space<hbm>>
        %dma_start3A_62 = arith.constant 0 : i32
        %dma_start3A_63 = tpu.memref_slice %arg4[%add3A_58, %dma_start3A_62] : memref<320000x128xf32, #tpu.memory_space<hbm>> -> memref<80x128xf32, #tpu.memory_space<hbm>>
        tpu.enqueue_dma source(%arg7 : memref<80x128xf32, #tpu.memory_space<vmem>>) target(%dma_start3A_63 : memref<80x128xf32, #tpu.memory_space<hbm>>) target_semaphore(%run_scoped3A : memref<!tpu.dma_semaphore, #tpu.memory_space<semaphore_mem>>)
        %dma_wait3A_64 = arith.constant 0 : i32
        %dma_wait3A_65 = tpu.memref_slice %arg4[%add3A_58, %dma_wait3A_64] : memref<320000x128xf32, #tpu.memory_space<hbm>> -> memref<80x128xf32, #tpu.memory_space<hbm>>
        %dma_wait3A_66 = arith.constant 0 : i32
        %dma_wait3A_67 = tpu.memref_slice %arg4[%add3A_58, %dma_wait3A_66] : memref<320000x128xf32, #tpu.memory_space<hbm>> -> memref<80x128xf32, #tpu.memory_space<hbm>>
        tpu.wait_dma2 semaphore(%run_scoped3A : memref<!tpu.dma_semaphore, #tpu.memory_space<semaphore_mem>>) src(%arg7 : memref<80x128xf32, #tpu.memory_space<vmem>>) dst(%dma_wait3A_67 : memref<80x128xf32, #tpu.memory_space<hbm>>)
        tpu.yield
      }) : () -> ()
      %scan3A_59 = arith.constant 0 : i32
      scf.yield %scan3A_59 : i32
    }
    %scan3A_14 = arith.constant 62 : i32
    %dma_wait3A = arith.constant 124 : i32
    %dma_wait3A_15 = arith.constant 0 : i32
    %dma_wait3A_16 = tpu.memref_slice %arg5[%dma_wait3A, %dma_wait3A_15] : memref<125x80xi32, #tpu.memory_space<vmem>> -> memref<1x80xi32, #tpu.memory_space<vmem>>
    %dma_wait3A_17 = tpu.memref_squeeze %dma_wait3A_16 : memref<1x80xi32, #tpu.memory_space<vmem>> -> memref<80xi32, #tpu.memory_space<vmem>>
    %dma_wait3A_18 = arith.constant 0 : i32
    %dma_wait3A_19 = arith.constant 0 : i32
    %dma_wait3A_20 = tpu.memref_slice %arg2[%dma_wait3A_18, %dma_wait3A_19] : memref<10000x128xf32, #tpu.memory_space<hbm>> -> memref<10000x128xf32, #tpu.memory_space<hbm>>
    tpu.wait_indirect_dma semaphore(%arg8 : memref<!tpu.dma_semaphore, #tpu.memory_space<semaphore_mem>>) src(%dma_wait3A_20 : memref<10000x128xf32, #tpu.memory_space<hbm>>) dst(%arg6 : memref<80x128xf32, #tpu.memory_space<vmem>>)
    %add3A_21 = arith.constant 9920 : i32
    %add3A_22 = arith.addi %mul3A_2, %add3A_21 : i32
    "tpu.region"() ({
      %run_scoped3A = tpu.sem_alloc : memref<!tpu.dma_semaphore, #tpu.memory_space<semaphore_mem>>
      %dma_start3A_23 = arith.constant 0 : i32
      %dma_start3A_24 = tpu.memref_slice %arg4[%add3A_22, %dma_start3A_23] : memref<320000x128xf32, #tpu.memory_space<hbm>> -> memref<80x128xf32, #tpu.memory_space<hbm>>
      %dma_start3A_25 = arith.constant 0 : i32
      %dma_start3A_26 = tpu.memref_slice %arg4[%add3A_22, %dma_start3A_25] : memref<320000x128xf32, #tpu.memory_space<hbm>> -> memref<80x128xf32, #tpu.memory_space<hbm>>
      tpu.enqueue_dma source(%arg6 : memref<80x128xf32, #tpu.memory_space<vmem>>) target(%dma_start3A_26 : memref<80x128xf32, #tpu.memory_space<hbm>>) target_semaphore(%run_scoped3A : memref<!tpu.dma_semaphore, #tpu.memory_space<semaphore_mem>>)
      %dma_wait3A_27 = arith.constant 0 : i32
      %dma_wait3A_28 = tpu.memref_slice %arg4[%add3A_22, %dma_wait3A_27] : memref<320000x128xf32, #tpu.memory_space<hbm>> -> memref<80x128xf32, #tpu.memory_space<hbm>>
      %dma_wait3A_29 = arith.constant 0 : i32
      %dma_wait3A_30 = tpu.memref_slice %arg4[%add3A_22, %dma_wait3A_29] : memref<320000x128xf32, #tpu.memory_space<hbm>> -> memref<80x128xf32, #tpu.memory_space<hbm>>
      tpu.wait_dma2 semaphore(%run_scoped3A : memref<!tpu.dma_semaphore, #tpu.memory_space<semaphore_mem>>) src(%arg6 : memref<80x128xf32, #tpu.memory_space<vmem>>) dst(%dma_wait3A_30 : memref<80x128xf32, #tpu.memory_space<hbm>>)
      tpu.yield
    }) : () -> ()
    return
  }
}

#map = affine_map<(d0, d1) -> (0, 0)>
#map1 = affine_map<(d0, d1) -> (0, 0, 0)>
module attributes {stable_mosaic.version = 14 : i64} {
  func.func @_sc_moments(%arg0: i32, %arg1: i32, %arg2: memref<320000x160xf32, #tpu.memory_space<hbm>>, %arg3: memref<32x125x80xi32, #tpu.memory_space<hbm>>, %arg4: memref<80x160xf32, #tpu.memory_space<hbm>>, %arg5: memref<2x10000x160xf32, #tpu.memory_space<hbm>>, %arg6: memref<2x10000x160xf32, #tpu.memory_space<hbm>>, %arg7: memref<2x10000x160xf32, #tpu.memory_space<hbm>>, %arg8: memref<2x10000x160xf32, #tpu.memory_space<hbm>>, %arg9: memref<80xi32, #tpu.memory_space<vmem>>, %arg10: memref<80xi32, #tpu.memory_space<vmem>>, %arg11: memref<80x160xf32, #tpu.memory_space<vmem>>, %arg12: memref<80x160xf32, #tpu.memory_space<vmem>>, %arg13: memref<10000x160xf32, #tpu.memory_space<vmem_shared>>, %arg14: memref<!tpu.dma_semaphore, #tpu.memory_space<semaphore_mem>>, %arg15: memref<!tpu.dma_semaphore, #tpu.memory_space<semaphore_mem>>, %arg16: memref<!tpu.dma_semaphore, #tpu.memory_space<semaphore_mem>>, %arg17: memref<!tpu.dma_semaphore, #tpu.memory_space<semaphore_mem>>, %arg18: memref<!tpu.dma_semaphore, #tpu.memory_space<semaphore_mem>>, %arg19: memref<!tpu.dma_semaphore, #tpu.memory_space<semaphore_mem>>) attributes {dimension_semantics = [#tpu.dimension_semantics<core_parallel>, #tpu.dimension_semantics<subcore_parallel>], iteration_bounds = array<i64: 2, 16>, scalar_prefetch = 0 : i64, scratch_operands = 11 : i64, tpu.core_type = #tpu.core_type<sc_vector_subcore>, window_params = [{transform_indices = #map}, {transform_indices = #map1}, {transform_indices = #map}, {transform_indices = #map1}, {transform_indices = #map1}, {transform_indices = #map1}, {transform_indices = #map1}]} {
    %mul3A = arith.constant 16 : i32
    %mul3A_0 = arith.muli %arg0, %mul3A : i32
    %add3A = arith.addi %mul3A_0, %arg1 : i32
    %mul3A_1 = arith.constant 10000 : i32
    %mul3A_2 = arith.muli %add3A, %mul3A_1 : i32
    %add3A_3 = arith.constant 0 : i32
    %add3A_4 = arith.addi %arg1, %add3A_3 : i32
    %lt3A = arith.constant 125 : i32
    %lt3A_5 = arith.cmpi slt, %add3A_4, %lt3A : i32
    %convert_element_type3A = arith.extui %lt3A_5 : i1 to i32
    %cond3A = arith.constant 0 : i32
    %cond3A_6 = arith.cmpi ne, %convert_element_type3A, %cond3A : i32
    scf.if %cond3A_6 {
      %mul3A_645 = arith.constant 80 : i32
      %mul3A_646 = arith.muli %add3A_4, %mul3A_645 : i32
      "tpu.region"() ({
        %run_scoped3A = tpu.sem_alloc : memref<!tpu.dma_semaphore, #tpu.memory_space<semaphore_mem>>
        %dma_start3A_647 = arith.constant 0 : i32
        %dma_start3A_648 = tpu.memref_slice %arg13[%mul3A_646, %dma_start3A_647] : memref<10000x160xf32, #tpu.memory_space<vmem_shared>> -> memref<80x160xf32, #tpu.memory_space<vmem_shared>>
        tpu.enqueue_dma source(%arg4 : memref<80x160xf32, #tpu.memory_space<hbm>>) target(%dma_start3A_648 : memref<80x160xf32, #tpu.memory_space<vmem_shared>>) target_semaphore(%run_scoped3A : memref<!tpu.dma_semaphore, #tpu.memory_space<semaphore_mem>>)
        %dma_wait3A_649 = arith.constant 0 : i32
        %dma_wait3A_650 = tpu.memref_slice %arg13[%mul3A_646, %dma_wait3A_649] : memref<10000x160xf32, #tpu.memory_space<vmem_shared>> -> memref<80x160xf32, #tpu.memory_space<vmem_shared>>
        tpu.wait_dma2 semaphore(%run_scoped3A : memref<!tpu.dma_semaphore, #tpu.memory_space<semaphore_mem>>) src(%arg4 : memref<80x160xf32, #tpu.memory_space<hbm>>) dst(%dma_wait3A_650 : memref<80x160xf32, #tpu.memory_space<vmem_shared>>)
        tpu.yield
      }) : () -> ()
    } else {
    }
    %add3A_7 = arith.constant 16 : i32
    %add3A_8 = arith.addi %arg1, %add3A_7 : i32
    %lt3A_9 = arith.constant 125 : i32
    %lt3A_10 = arith.cmpi slt, %add3A_8, %lt3A_9 : i32
    %convert_element_type3A_11 = arith.extui %lt3A_10 : i1 to i32
    %cond3A_12 = arith.constant 0 : i32
    %cond3A_13 = arith.cmpi ne, %convert_element_type3A_11, %cond3A_12 : i32
    scf.if %cond3A_13 {
      %mul3A_645 = arith.constant 80 : i32
      %mul3A_646 = arith.muli %add3A_8, %mul3A_645 : i32
      "tpu.region"() ({
        %run_scoped3A = tpu.sem_alloc : memref<!tpu.dma_semaphore, #tpu.memory_space<semaphore_mem>>
        %dma_start3A_647 = arith.constant 0 : i32
        %dma_start3A_648 = tpu.memref_slice %arg13[%mul3A_646, %dma_start3A_647] : memref<10000x160xf32, #tpu.memory_space<vmem_shared>> -> memref<80x160xf32, #tpu.memory_space<vmem_shared>>
        tpu.enqueue_dma source(%arg4 : memref<80x160xf32, #tpu.memory_space<hbm>>) target(%dma_start3A_648 : memref<80x160xf32, #tpu.memory_space<vmem_shared>>) target_semaphore(%run_scoped3A : memref<!tpu.dma_semaphore, #tpu.memory_space<semaphore_mem>>)
        %dma_wait3A_649 = arith.constant 0 : i32
        %dma_wait3A_650 = tpu.memref_slice %arg13[%mul3A_646, %dma_wait3A_649] : memref<10000x160xf32, #tpu.memory_space<vmem_shared>> -> memref<80x160xf32, #tpu.memory_space<vmem_shared>>
        tpu.wait_dma2 semaphore(%run_scoped3A : memref<!tpu.dma_semaphore, #tpu.memory_space<semaphore_mem>>) src(%arg4 : memref<80x160xf32, #tpu.memory_space<hbm>>) dst(%dma_wait3A_650 : memref<80x160xf32, #tpu.memory_space<vmem_shared>>)
        tpu.yield
      }) : () -> ()
    } else {
    }
    %add3A_14 = arith.constant 32 : i32
    %add3A_15 = arith.addi %arg1, %add3A_14 : i32
    %lt3A_16 = arith.constant 125 : i32
    %lt3A_17 = arith.cmpi slt, %add3A_15, %lt3A_16 : i32
    %convert_element_type3A_18 = arith.extui %lt3A_17 : i1 to i32
    %cond3A_19 = arith.constant 0 : i32
    %cond3A_20 = arith.cmpi ne, %convert_element_type3A_18, %cond3A_19 : i32
    scf.if %cond3A_20 {
      %mul3A_645 = arith.constant 80 : i32
      %mul3A_646 = arith.muli %add3A_15, %mul3A_645 : i32
      "tpu.region"() ({
        %run_scoped3A = tpu.sem_alloc : memref<!tpu.dma_semaphore, #tpu.memory_space<semaphore_mem>>
        %dma_start3A_647 = arith.constant 0 : i32
        %dma_start3A_648 = tpu.memref_slice %arg13[%mul3A_646, %dma_start3A_647] : memref<10000x160xf32, #tpu.memory_space<vmem_shared>> -> memref<80x160xf32, #tpu.memory_space<vmem_shared>>
        tpu.enqueue_dma source(%arg4 : memref<80x160xf32, #tpu.memory_space<hbm>>) target(%dma_start3A_648 : memref<80x160xf32, #tpu.memory_space<vmem_shared>>) target_semaphore(%run_scoped3A : memref<!tpu.dma_semaphore, #tpu.memory_space<semaphore_mem>>)
        %dma_wait3A_649 = arith.constant 0 : i32
        %dma_wait3A_650 = tpu.memref_slice %arg13[%mul3A_646, %dma_wait3A_649] : memref<10000x160xf32, #tpu.memory_space<vmem_shared>> -> memref<80x160xf32, #tpu.memory_space<vmem_shared>>
        tpu.wait_dma2 semaphore(%run_scoped3A : memref<!tpu.dma_semaphore, #tpu.memory_space<semaphore_mem>>) src(%arg4 : memref<80x160xf32, #tpu.memory_space<hbm>>) dst(%dma_wait3A_650 : memref<80x160xf32, #tpu.memory_space<vmem_shared>>)
        tpu.yield
      }) : () -> ()
    } else {
    }
    %add3A_21 = arith.constant 48 : i32
    %add3A_22 = arith.addi %arg1, %add3A_21 : i32
    %lt3A_23 = arith.constant 125 : i32
    %lt3A_24 = arith.cmpi slt, %add3A_22, %lt3A_23 : i32
    %convert_element_type3A_25 = arith.extui %lt3A_24 : i1 to i32
    %cond3A_26 = arith.constant 0 : i32
    %cond3A_27 = arith.cmpi ne, %convert_element_type3A_25, %cond3A_26 : i32
    scf.if %cond3A_27 {
      %mul3A_645 = arith.constant 80 : i32
      %mul3A_646 = arith.muli %add3A_22, %mul3A_645 : i32
      "tpu.region"() ({
        %run_scoped3A = tpu.sem_alloc : memref<!tpu.dma_semaphore, #tpu.memory_space<semaphore_mem>>
        %dma_start3A_647 = arith.constant 0 : i32
        %dma_start3A_648 = tpu.memref_slice %arg13[%mul3A_646, %dma_start3A_647] : memref<10000x160xf32, #tpu.memory_space<vmem_shared>> -> memref<80x160xf32, #tpu.memory_space<vmem_shared>>
        tpu.enqueue_dma source(%arg4 : memref<80x160xf32, #tpu.memory_space<hbm>>) target(%dma_start3A_648 : memref<80x160xf32, #tpu.memory_space<vmem_shared>>) target_semaphore(%run_scoped3A : memref<!tpu.dma_semaphore, #tpu.memory_space<semaphore_mem>>)
        %dma_wait3A_649 = arith.constant 0 : i32
        %dma_wait3A_650 = tpu.memref_slice %arg13[%mul3A_646, %dma_wait3A_649] : memref<10000x160xf32, #tpu.memory_space<vmem_shared>> -> memref<80x160xf32, #tpu.memory_space<vmem_shared>>
        tpu.wait_dma2 semaphore(%run_scoped3A : memref<!tpu.dma_semaphore, #tpu.memory_space<semaphore_mem>>) src(%arg4 : memref<80x160xf32, #tpu.memory_space<hbm>>) dst(%dma_wait3A_650 : memref<80x160xf32, #tpu.memory_space<vmem_shared>>)
        tpu.yield
      }) : () -> ()
    } else {
    }
    %add3A_28 = arith.constant 64 : i32
    %add3A_29 = arith.addi %arg1, %add3A_28 : i32
    %lt3A_30 = arith.constant 125 : i32
    %lt3A_31 = arith.cmpi slt, %add3A_29, %lt3A_30 : i32
    %convert_element_type3A_32 = arith.extui %lt3A_31 : i1 to i32
    %cond3A_33 = arith.constant 0 : i32
    %cond3A_34 = arith.cmpi ne, %convert_element_type3A_32, %cond3A_33 : i32
    scf.if %cond3A_34 {
      %mul3A_645 = arith.constant 80 : i32
      %mul3A_646 = arith.muli %add3A_29, %mul3A_645 : i32
      "tpu.region"() ({
        %run_scoped3A = tpu.sem_alloc : memref<!tpu.dma_semaphore, #tpu.memory_space<semaphore_mem>>
        %dma_start3A_647 = arith.constant 0 : i32
        %dma_start3A_648 = tpu.memref_slice %arg13[%mul3A_646, %dma_start3A_647] : memref<10000x160xf32, #tpu.memory_space<vmem_shared>> -> memref<80x160xf32, #tpu.memory_space<vmem_shared>>
        tpu.enqueue_dma source(%arg4 : memref<80x160xf32, #tpu.memory_space<hbm>>) target(%dma_start3A_648 : memref<80x160xf32, #tpu.memory_space<vmem_shared>>) target_semaphore(%run_scoped3A : memref<!tpu.dma_semaphore, #tpu.memory_space<semaphore_mem>>)
        %dma_wait3A_649 = arith.constant 0 : i32
        %dma_wait3A_650 = tpu.memref_slice %arg13[%mul3A_646, %dma_wait3A_649] : memref<10000x160xf32, #tpu.memory_space<vmem_shared>> -> memref<80x160xf32, #tpu.memory_space<vmem_shared>>
        tpu.wait_dma2 semaphore(%run_scoped3A : memref<!tpu.dma_semaphore, #tpu.memory_space<semaphore_mem>>) src(%arg4 : memref<80x160xf32, #tpu.memory_space<hbm>>) dst(%dma_wait3A_650 : memref<80x160xf32, #tpu.memory_space<vmem_shared>>)
        tpu.yield
      }) : () -> ()
    } else {
    }
    %add3A_35 = arith.constant 80 : i32
    %add3A_36 = arith.addi %arg1, %add3A_35 : i32
    %lt3A_37 = arith.constant 125 : i32
    %lt3A_38 = arith.cmpi slt, %add3A_36, %lt3A_37 : i32
    %convert_element_type3A_39 = arith.extui %lt3A_38 : i1 to i32
    %cond3A_40 = arith.constant 0 : i32
    %cond3A_41 = arith.cmpi ne, %convert_element_type3A_39, %cond3A_40 : i32
    scf.if %cond3A_41 {
      %mul3A_645 = arith.constant 80 : i32
      %mul3A_646 = arith.muli %add3A_36, %mul3A_645 : i32
      "tpu.region"() ({
        %run_scoped3A = tpu.sem_alloc : memref<!tpu.dma_semaphore, #tpu.memory_space<semaphore_mem>>
        %dma_start3A_647 = arith.constant 0 : i32
        %dma_start3A_648 = tpu.memref_slice %arg13[%mul3A_646, %dma_start3A_647] : memref<10000x160xf32, #tpu.memory_space<vmem_shared>> -> memref<80x160xf32, #tpu.memory_space<vmem_shared>>
        tpu.enqueue_dma source(%arg4 : memref<80x160xf32, #tpu.memory_space<hbm>>) target(%dma_start3A_648 : memref<80x160xf32, #tpu.memory_space<vmem_shared>>) target_semaphore(%run_scoped3A : memref<!tpu.dma_semaphore, #tpu.memory_space<semaphore_mem>>)
        %dma_wait3A_649 = arith.constant 0 : i32
        %dma_wait3A_650 = tpu.memref_slice %arg13[%mul3A_646, %dma_wait3A_649] : memref<10000x160xf32, #tpu.memory_space<vmem_shared>> -> memref<80x160xf32, #tpu.memory_space<vmem_shared>>
        tpu.wait_dma2 semaphore(%run_scoped3A : memref<!tpu.dma_semaphore, #tpu.memory_space<semaphore_mem>>) src(%arg4 : memref<80x160xf32, #tpu.memory_space<hbm>>) dst(%dma_wait3A_650 : memref<80x160xf32, #tpu.memory_space<vmem_shared>>)
        tpu.yield
      }) : () -> ()
    } else {
    }
    %add3A_42 = arith.constant 96 : i32
    %add3A_43 = arith.addi %arg1, %add3A_42 : i32
    %lt3A_44 = arith.constant 125 : i32
    %lt3A_45 = arith.cmpi slt, %add3A_43, %lt3A_44 : i32
    %convert_element_type3A_46 = arith.extui %lt3A_45 : i1 to i32
    %cond3A_47 = arith.constant 0 : i32
    %cond3A_48 = arith.cmpi ne, %convert_element_type3A_46, %cond3A_47 : i32
    scf.if %cond3A_48 {
      %mul3A_645 = arith.constant 80 : i32
      %mul3A_646 = arith.muli %add3A_43, %mul3A_645 : i32
      "tpu.region"() ({
        %run_scoped3A = tpu.sem_alloc : memref<!tpu.dma_semaphore, #tpu.memory_space<semaphore_mem>>
        %dma_start3A_647 = arith.constant 0 : i32
        %dma_start3A_648 = tpu.memref_slice %arg13[%mul3A_646, %dma_start3A_647] : memref<10000x160xf32, #tpu.memory_space<vmem_shared>> -> memref<80x160xf32, #tpu.memory_space<vmem_shared>>
        tpu.enqueue_dma source(%arg4 : memref<80x160xf32, #tpu.memory_space<hbm>>) target(%dma_start3A_648 : memref<80x160xf32, #tpu.memory_space<vmem_shared>>) target_semaphore(%run_scoped3A : memref<!tpu.dma_semaphore, #tpu.memory_space<semaphore_mem>>)
        %dma_wait3A_649 = arith.constant 0 : i32
        %dma_wait3A_650 = tpu.memref_slice %arg13[%mul3A_646, %dma_wait3A_649] : memref<10000x160xf32, #tpu.memory_space<vmem_shared>> -> memref<80x160xf32, #tpu.memory_space<vmem_shared>>
        tpu.wait_dma2 semaphore(%run_scoped3A : memref<!tpu.dma_semaphore, #tpu.memory_space<semaphore_mem>>) src(%arg4 : memref<80x160xf32, #tpu.memory_space<hbm>>) dst(%dma_wait3A_650 : memref<80x160xf32, #tpu.memory_space<vmem_shared>>)
        tpu.yield
      }) : () -> ()
    } else {
    }
    %add3A_49 = arith.constant 112 : i32
    %add3A_50 = arith.addi %arg1, %add3A_49 : i32
    %lt3A_51 = arith.constant 125 : i32
    %lt3A_52 = arith.cmpi slt, %add3A_50, %lt3A_51 : i32
    %convert_element_type3A_53 = arith.extui %lt3A_52 : i1 to i32
    %cond3A_54 = arith.constant 0 : i32
    %cond3A_55 = arith.cmpi ne, %convert_element_type3A_53, %cond3A_54 : i32
    scf.if %cond3A_55 {
      %mul3A_645 = arith.constant 80 : i32
      %mul3A_646 = arith.muli %add3A_50, %mul3A_645 : i32
      "tpu.region"() ({
        %run_scoped3A = tpu.sem_alloc : memref<!tpu.dma_semaphore, #tpu.memory_space<semaphore_mem>>
        %dma_start3A_647 = arith.constant 0 : i32
        %dma_start3A_648 = tpu.memref_slice %arg13[%mul3A_646, %dma_start3A_647] : memref<10000x160xf32, #tpu.memory_space<vmem_shared>> -> memref<80x160xf32, #tpu.memory_space<vmem_shared>>
        tpu.enqueue_dma source(%arg4 : memref<80x160xf32, #tpu.memory_space<hbm>>) target(%dma_start3A_648 : memref<80x160xf32, #tpu.memory_space<vmem_shared>>) target_semaphore(%run_scoped3A : memref<!tpu.dma_semaphore, #tpu.memory_space<semaphore_mem>>)
        %dma_wait3A_649 = arith.constant 0 : i32
        %dma_wait3A_650 = tpu.memref_slice %arg13[%mul3A_646, %dma_wait3A_649] : memref<10000x160xf32, #tpu.memory_space<vmem_shared>> -> memref<80x160xf32, #tpu.memory_space<vmem_shared>>
        tpu.wait_dma2 semaphore(%run_scoped3A : memref<!tpu.dma_semaphore, #tpu.memory_space<semaphore_mem>>) src(%arg4 : memref<80x160xf32, #tpu.memory_space<hbm>>) dst(%dma_wait3A_650 : memref<80x160xf32, #tpu.memory_space<vmem_shared>>)
        tpu.yield
      }) : () -> ()
    } else {
    }
    %barrier3A = arith.constant 0 : index
    tpu.barrier barrier_id(%barrier3A)
    %dma_start3A = arith.constant 0 : i32
    %dma_start3A_56 = arith.constant 0 : i32
    %dma_start3A_57 = tpu.memref_slice %arg3[%add3A, %dma_start3A, %dma_start3A_56] : memref<32x125x80xi32, #tpu.memory_space<hbm>> -> memref<1x1x80xi32, #tpu.memory_space<hbm>>
    %dma_start3A_58 = tpu.memref_squeeze %dma_start3A_57 : memref<1x1x80xi32, #tpu.memory_space<hbm>> -> memref<80xi32, #tpu.memory_space<hbm>>
    %dma_start3A_59 = arith.constant 0 : i32
    %dma_start3A_60 = tpu.memref_slice %arg3[%add3A, %dma_start3A, %dma_start3A_59] : memref<32x125x80xi32, #tpu.memory_space<hbm>> -> memref<1x1x80xi32, #tpu.memory_space<hbm>>
    %dma_start3A_61 = tpu.memref_squeeze %dma_start3A_60 : memref<1x1x80xi32, #tpu.memory_space<hbm>> -> memref<80xi32, #tpu.memory_space<hbm>>
    tpu.enqueue_dma source(%dma_start3A_61 : memref<80xi32, #tpu.memory_space<hbm>>) target(%arg9 : memref<80xi32, #tpu.memory_space<vmem>>) target_semaphore(%arg14 : memref<!tpu.dma_semaphore, #tpu.memory_space<semaphore_mem>>)
    %add3A_62 = arith.constant 0 : i32
    %add3A_63 = arith.addi %mul3A_2, %add3A_62 : i32
    %dma_start3A_64 = arith.constant 0 : i32
    %dma_start3A_65 = tpu.memref_slice %arg2[%add3A_63, %dma_start3A_64] : memref<320000x160xf32, #tpu.memory_space<hbm>> -> memref<80x160xf32, #tpu.memory_space<hbm>>
    %dma_start3A_66 = arith.constant 0 : i32
    %dma_start3A_67 = tpu.memref_slice %arg2[%add3A_63, %dma_start3A_66] : memref<320000x160xf32, #tpu.memory_space<hbm>> -> memref<80x160xf32, #tpu.memory_space<hbm>>
    tpu.enqueue_dma source(%dma_start3A_67 : memref<80x160xf32, #tpu.memory_space<hbm>>) target(%arg11 : memref<80x160xf32, #tpu.memory_space<vmem>>) target_semaphore(%arg16 : memref<!tpu.dma_semaphore, #tpu.memory_space<semaphore_mem>>)
    %scan3A = arith.constant 0 : i32
    %scan3A_68 = arith.constant 0 : i32
    %scan3A_69 = arith.constant 62 : i32
    %scan3A_70 = arith.addi %scan3A_68, %scan3A_69 : i32
    %scan3A_71 = arith.constant 1 : i32
    %scan3A_72 = scf.for %scan3A_645 = %scan3A_68 to %scan3A_70 step %scan3A_71 iter_args(%scan3A_646 = %scan3A) -> (i32)  : i32 {
      %mul3A_647 = arith.constant 2 : i32
      %mul3A_648 = arith.muli %mul3A_647, %scan3A_645 : i32
      %dma_wait3A_649 = arith.constant 0 : i32
      %dma_wait3A_650 = tpu.memref_slice %arg3[%add3A, %mul3A_648, %dma_wait3A_649] : memref<32x125x80xi32, #tpu.memory_space<hbm>> -> memref<1x1x80xi32, #tpu.memory_space<hbm>>
      %dma_wait3A_651 = tpu.memref_squeeze %dma_wait3A_650 : memref<1x1x80xi32, #tpu.memory_space<hbm>> -> memref<80xi32, #tpu.memory_space<hbm>>
      %dma_wait3A_652 = arith.constant 0 : i32
      %dma_wait3A_653 = tpu.memref_slice %arg3[%add3A, %mul3A_648, %dma_wait3A_652] : memref<32x125x80xi32, #tpu.memory_space<hbm>> -> memref<1x1x80xi32, #tpu.memory_space<hbm>>
      %dma_wait3A_654 = tpu.memref_squeeze %dma_wait3A_653 : memref<1x1x80xi32, #tpu.memory_space<hbm>> -> memref<80xi32, #tpu.memory_space<hbm>>
      tpu.wait_dma2 semaphore(%arg14 : memref<!tpu.dma_semaphore, #tpu.memory_space<semaphore_mem>>) src(%dma_wait3A_654 : memref<80xi32, #tpu.memory_space<hbm>>) dst(%arg9 : memref<80xi32, #tpu.memory_space<vmem>>)
      %mul3A_655 = arith.constant 80 : i32
      %mul3A_656 = arith.muli %mul3A_648, %mul3A_655 : i32
      %add3A_657 = arith.addi %mul3A_2, %mul3A_656 : i32
      %dma_wait3A_658 = arith.constant 0 : i32
      %dma_wait3A_659 = tpu.memref_slice %arg2[%add3A_657, %dma_wait3A_658] : memref<320000x160xf32, #tpu.memory_space<hbm>> -> memref<80x160xf32, #tpu.memory_space<hbm>>
      %dma_wait3A_660 = arith.constant 0 : i32
      %dma_wait3A_661 = tpu.memref_slice %arg2[%add3A_657, %dma_wait3A_660] : memref<320000x160xf32, #tpu.memory_space<hbm>> -> memref<80x160xf32, #tpu.memory_space<hbm>>
      tpu.wait_dma2 semaphore(%arg16 : memref<!tpu.dma_semaphore, #tpu.memory_space<semaphore_mem>>) src(%dma_wait3A_661 : memref<80x160xf32, #tpu.memory_space<hbm>>) dst(%arg11 : memref<80x160xf32, #tpu.memory_space<vmem>>)
      %gt3A = arith.constant 0 : i32
      %gt3A_662 = arith.cmpi sgt, %scan3A_645, %gt3A : i32
      %convert_element_type3A_663 = arith.extui %gt3A_662 : i1 to i32
      %cond3A_664 = arith.constant 0 : i32
      %cond3A_665 = arith.cmpi ne, %convert_element_type3A_663, %cond3A_664 : i32
      scf.if %cond3A_665 {
        %dma_wait3A_713 = arith.constant 0 : i32
        %dma_wait3A_714 = arith.constant 0 : i32
        %dma_wait3A_715 = tpu.memref_slice %arg13[%dma_wait3A_713, %dma_wait3A_714] : memref<10000x160xf32, #tpu.memory_space<vmem_shared>> -> memref<10000x160xf32, #tpu.memory_space<vmem_shared>>
        tpu.wait_indirect_dma semaphore(%arg19 : memref<!tpu.dma_semaphore, #tpu.memory_space<semaphore_mem>>) src(%arg12 : memref<80x160xf32, #tpu.memory_space<vmem>>) dst(%dma_wait3A_715 : memref<10000x160xf32, #tpu.memory_space<vmem_shared>>)
      } else {
      }
      %add3A_666 = arith.constant 1 : i32
      %add3A_667 = arith.addi %mul3A_648, %add3A_666 : i32
      %dma_start3A_668 = arith.constant 0 : i32
      %dma_start3A_669 = tpu.memref_slice %arg3[%add3A, %add3A_667, %dma_start3A_668] : memref<32x125x80xi32, #tpu.memory_space<hbm>> -> memref<1x1x80xi32, #tpu.memory_space<hbm>>
      %dma_start3A_670 = tpu.memref_squeeze %dma_start3A_669 : memref<1x1x80xi32, #tpu.memory_space<hbm>> -> memref<80xi32, #tpu.memory_space<hbm>>
      %dma_start3A_671 = arith.constant 0 : i32
      %dma_start3A_672 = tpu.memref_slice %arg3[%add3A, %add3A_667, %dma_start3A_671] : memref<32x125x80xi32, #tpu.memory_space<hbm>> -> memref<1x1x80xi32, #tpu.memory_space<hbm>>
      %dma_start3A_673 = tpu.memref_squeeze %dma_start3A_672 : memref<1x1x80xi32, #tpu.memory_space<hbm>> -> memref<80xi32, #tpu.memory_space<hbm>>
      tpu.enqueue_dma source(%dma_start3A_673 : memref<80xi32, #tpu.memory_space<hbm>>) target(%arg10 : memref<80xi32, #tpu.memory_space<vmem>>) target_semaphore(%arg15 : memref<!tpu.dma_semaphore, #tpu.memory_space<semaphore_mem>>)
      %mul3A_674 = arith.constant 80 : i32
      %mul3A_675 = arith.muli %add3A_667, %mul3A_674 : i32
      %add3A_676 = arith.addi %mul3A_2, %mul3A_675 : i32
      %dma_start3A_677 = arith.constant 0 : i32
      %dma_start3A_678 = tpu.memref_slice %arg2[%add3A_676, %dma_start3A_677] : memref<320000x160xf32, #tpu.memory_space<hbm>> -> memref<80x160xf32, #tpu.memory_space<hbm>>
      %dma_start3A_679 = arith.constant 0 : i32
      %dma_start3A_680 = tpu.memref_slice %arg2[%add3A_676, %dma_start3A_679] : memref<320000x160xf32, #tpu.memory_space<hbm>> -> memref<80x160xf32, #tpu.memory_space<hbm>>
      tpu.enqueue_dma source(%dma_start3A_680 : memref<80x160xf32, #tpu.memory_space<hbm>>) target(%arg12 : memref<80x160xf32, #tpu.memory_space<vmem>>) target_semaphore(%arg17 : memref<!tpu.dma_semaphore, #tpu.memory_space<semaphore_mem>>)
      %dma_start3A_681 = arith.constant 0 : i32
      %dma_start3A_682 = arith.constant 0 : i32
      %dma_start3A_683 = tpu.memref_slice %arg13[%dma_start3A_681, %dma_start3A_682] : memref<10000x160xf32, #tpu.memory_space<vmem_shared>> -> memref<10000x160xf32, #tpu.memory_space<vmem_shared>>
      tpu.enqueue_indirect_dma source(%arg11 : memref<80x160xf32, #tpu.memory_space<vmem>>) target(%dma_start3A_683 : memref<10000x160xf32, #tpu.memory_space<vmem_shared>>) offsets(%arg9 : memref<80xi32, #tpu.memory_space<vmem>>) semaphore(%arg18 : memref<!tpu.dma_semaphore, #tpu.memory_space<semaphore_mem>>) {add = true}
      %add3A_684 = arith.constant 1 : i32
      %add3A_685 = arith.addi %mul3A_648, %add3A_684 : i32
      %dma_wait3A_686 = arith.constant 0 : i32
      %dma_wait3A_687 = tpu.memref_slice %arg3[%add3A, %add3A_685, %dma_wait3A_686] : memref<32x125x80xi32, #tpu.memory_space<hbm>> -> memref<1x1x80xi32, #tpu.memory_space<hbm>>
      %dma_wait3A_688 = tpu.memref_squeeze %dma_wait3A_687 : memref<1x1x80xi32, #tpu.memory_space<hbm>> -> memref<80xi32, #tpu.memory_space<hbm>>
      %dma_wait3A_689 = arith.constant 0 : i32
      %dma_wait3A_690 = tpu.memref_slice %arg3[%add3A, %add3A_685, %dma_wait3A_689] : memref<32x125x80xi32, #tpu.memory_space<hbm>> -> memref<1x1x80xi32, #tpu.memory_space<hbm>>
      %dma_wait3A_691 = tpu.memref_squeeze %dma_wait3A_690 : memref<1x1x80xi32, #tpu.memory_space<hbm>> -> memref<80xi32, #tpu.memory_space<hbm>>
      tpu.wait_dma2 semaphore(%arg15 : memref<!tpu.dma_semaphore, #tpu.memory_space<semaphore_mem>>) src(%dma_wait3A_691 : memref<80xi32, #tpu.memory_space<hbm>>) dst(%arg10 : memref<80xi32, #tpu.memory_space<vmem>>)
      %mul3A_692 = arith.constant 80 : i32
      %mul3A_693 = arith.muli %add3A_685, %mul3A_692 : i32
      %add3A_694 = arith.addi %mul3A_2, %mul3A_693 : i32
      %dma_wait3A_695 = arith.constant 0 : i32
      %dma_wait3A_696 = tpu.memref_slice %arg2[%add3A_694, %dma_wait3A_695] : memref<320000x160xf32, #tpu.memory_space<hbm>> -> memref<80x160xf32, #tpu.memory_space<hbm>>
      %dma_wait3A_697 = arith.constant 0 : i32
      %dma_wait3A_698 = tpu.memref_slice %arg2[%add3A_694, %dma_wait3A_697] : memref<320000x160xf32, #tpu.memory_space<hbm>> -> memref<80x160xf32, #tpu.memory_space<hbm>>
      tpu.wait_dma2 semaphore(%arg17 : memref<!tpu.dma_semaphore, #tpu.memory_space<semaphore_mem>>) src(%dma_wait3A_698 : memref<80x160xf32, #tpu.memory_space<hbm>>) dst(%arg12 : memref<80x160xf32, #tpu.memory_space<vmem>>)
      %dma_wait3A_699 = arith.constant 0 : i32
      %dma_wait3A_700 = arith.constant 0 : i32
      %dma_wait3A_701 = tpu.memref_slice %arg13[%dma_wait3A_699, %dma_wait3A_700] : memref<10000x160xf32, #tpu.memory_space<vmem_shared>> -> memref<10000x160xf32, #tpu.memory_space<vmem_shared>>
      tpu.wait_indirect_dma semaphore(%arg18 : memref<!tpu.dma_semaphore, #tpu.memory_space<semaphore_mem>>) src(%arg11 : memref<80x160xf32, #tpu.memory_space<vmem>>) dst(%dma_wait3A_701 : memref<10000x160xf32, #tpu.memory_space<vmem_shared>>)
      %add3A_702 = arith.constant 1 : i32
      %add3A_703 = arith.addi %add3A_685, %add3A_702 : i32
      %lt3A_704 = arith.constant 125 : i32
      %lt3A_705 = arith.cmpi slt, %add3A_703, %lt3A_704 : i32
      %convert_element_type3A_706 = arith.extui %lt3A_705 : i1 to i32
      %cond3A_707 = arith.constant 0 : i32
      %cond3A_708 = arith.cmpi ne, %convert_element_type3A_706, %cond3A_707 : i32
      scf.if %cond3A_708 {
        %add3A_713 = arith.constant 1 : i32
        %add3A_714 = arith.addi %add3A_685, %add3A_713 : i32
        %dma_start3A_715 = arith.constant 0 : i32
        %dma_start3A_716 = tpu.memref_slice %arg3[%add3A, %add3A_714, %dma_start3A_715] : memref<32x125x80xi32, #tpu.memory_space<hbm>> -> memref<1x1x80xi32, #tpu.memory_space<hbm>>
        %dma_start3A_717 = tpu.memref_squeeze %dma_start3A_716 : memref<1x1x80xi32, #tpu.memory_space<hbm>> -> memref<80xi32, #tpu.memory_space<hbm>>
        %dma_start3A_718 = arith.constant 0 : i32
        %dma_start3A_719 = tpu.memref_slice %arg3[%add3A, %add3A_714, %dma_start3A_718] : memref<32x125x80xi32, #tpu.memory_space<hbm>> -> memref<1x1x80xi32, #tpu.memory_space<hbm>>
        %dma_start3A_720 = tpu.memref_squeeze %dma_start3A_719 : memref<1x1x80xi32, #tpu.memory_space<hbm>> -> memref<80xi32, #tpu.memory_space<hbm>>
        tpu.enqueue_dma source(%dma_start3A_720 : memref<80xi32, #tpu.memory_space<hbm>>) target(%arg9 : memref<80xi32, #tpu.memory_space<vmem>>) target_semaphore(%arg14 : memref<!tpu.dma_semaphore, #tpu.memory_space<semaphore_mem>>)
        %mul3A_721 = arith.constant 80 : i32
        %mul3A_722 = arith.muli %add3A_714, %mul3A_721 : i32
        %add3A_723 = arith.addi %mul3A_2, %mul3A_722 : i32
        %dma_start3A_724 = arith.constant 0 : i32
        %dma_start3A_725 = tpu.memref_slice %arg2[%add3A_723, %dma_start3A_724] : memref<320000x160xf32, #tpu.memory_space<hbm>> -> memref<80x160xf32, #tpu.memory_space<hbm>>
        %dma_start3A_726 = arith.constant 0 : i32
        %dma_start3A_727 = tpu.memref_slice %arg2[%add3A_723, %dma_start3A_726] : memref<320000x160xf32, #tpu.memory_space<hbm>> -> memref<80x160xf32, #tpu.memory_space<hbm>>
        tpu.enqueue_dma source(%dma_start3A_727 : memref<80x160xf32, #tpu.memory_space<hbm>>) target(%arg11 : memref<80x160xf32, #tpu.memory_space<vmem>>) target_semaphore(%arg16 : memref<!tpu.dma_semaphore, #tpu.memory_space<semaphore_mem>>)
      } else {
      }
      %dma_start3A_709 = arith.constant 0 : i32
      %dma_start3A_710 = arith.constant 0 : i32
      %dma_start3A_711 = tpu.memref_slice %arg13[%dma_start3A_709, %dma_start3A_710] : memref<10000x160xf32, #tpu.memory_space<vmem_shared>> -> memref<10000x160xf32, #tpu.memory_space<vmem_shared>>
      tpu.enqueue_indirect_dma source(%arg12 : memref<80x160xf32, #tpu.memory_space<vmem>>) target(%dma_start3A_711 : memref<10000x160xf32, #tpu.memory_space<vmem_shared>>) offsets(%arg10 : memref<80xi32, #tpu.memory_space<vmem>>) semaphore(%arg19 : memref<!tpu.dma_semaphore, #tpu.memory_space<semaphore_mem>>) {add = true}
      %scan3A_712 = arith.constant 0 : i32
      scf.yield %scan3A_712 : i32
    }
    %scan3A_73 = arith.constant 62 : i32
    %dma_wait3A = arith.constant 124 : i32
    %dma_wait3A_74 = arith.constant 0 : i32
    %dma_wait3A_75 = tpu.memref_slice %arg3[%add3A, %dma_wait3A, %dma_wait3A_74] : memref<32x125x80xi32, #tpu.memory_space<hbm>> -> memref<1x1x80xi32, #tpu.memory_space<hbm>>
    %dma_wait3A_76 = tpu.memref_squeeze %dma_wait3A_75 : memref<1x1x80xi32, #tpu.memory_space<hbm>> -> memref<80xi32, #tpu.memory_space<hbm>>
    %dma_wait3A_77 = arith.constant 0 : i32
    %dma_wait3A_78 = tpu.memref_slice %arg3[%add3A, %dma_wait3A, %dma_wait3A_77] : memref<32x125x80xi32, #tpu.memory_space<hbm>> -> memref<1x1x80xi32, #tpu.memory_space<hbm>>
    %dma_wait3A_79 = tpu.memref_squeeze %dma_wait3A_78 : memref<1x1x80xi32, #tpu.memory_space<hbm>> -> memref<80xi32, #tpu.memory_space<hbm>>
    tpu.wait_dma2 semaphore(%arg14 : memref<!tpu.dma_semaphore, #tpu.memory_space<semaphore_mem>>) src(%dma_wait3A_79 : memref<80xi32, #tpu.memory_space<hbm>>) dst(%arg9 : memref<80xi32, #tpu.memory_space<vmem>>)
    %add3A_80 = arith.constant 9920 : i32
    %add3A_81 = arith.addi %mul3A_2, %add3A_80 : i32
    %dma_wait3A_82 = arith.constant 0 : i32
    %dma_wait3A_83 = tpu.memref_slice %arg2[%add3A_81, %dma_wait3A_82] : memref<320000x160xf32, #tpu.memory_space<hbm>> -> memref<80x160xf32, #tpu.memory_space<hbm>>
    %dma_wait3A_84 = arith.constant 0 : i32
    %dma_wait3A_85 = tpu.memref_slice %arg2[%add3A_81, %dma_wait3A_84] : memref<320000x160xf32, #tpu.memory_space<hbm>> -> memref<80x160xf32, #tpu.memory_space<hbm>>
    tpu.wait_dma2 semaphore(%arg16 : memref<!tpu.dma_semaphore, #tpu.memory_space<semaphore_mem>>) src(%dma_wait3A_85 : memref<80x160xf32, #tpu.memory_space<hbm>>) dst(%arg11 : memref<80x160xf32, #tpu.memory_space<vmem>>)
    %dma_wait3A_86 = arith.constant 0 : i32
    %dma_wait3A_87 = arith.constant 0 : i32
    %dma_wait3A_88 = tpu.memref_slice %arg13[%dma_wait3A_86, %dma_wait3A_87] : memref<10000x160xf32, #tpu.memory_space<vmem_shared>> -> memref<10000x160xf32, #tpu.memory_space<vmem_shared>>
    tpu.wait_indirect_dma semaphore(%arg19 : memref<!tpu.dma_semaphore, #tpu.memory_space<semaphore_mem>>) src(%arg12 : memref<80x160xf32, #tpu.memory_space<vmem>>) dst(%dma_wait3A_88 : memref<10000x160xf32, #tpu.memory_space<vmem_shared>>)
    %dma_start3A_89 = arith.constant 0 : i32
    %dma_start3A_90 = arith.constant 0 : i32
    %dma_start3A_91 = tpu.memref_slice %arg13[%dma_start3A_89, %dma_start3A_90] : memref<10000x160xf32, #tpu.memory_space<vmem_shared>> -> memref<10000x160xf32, #tpu.memory_space<vmem_shared>>
    tpu.enqueue_indirect_dma source(%arg11 : memref<80x160xf32, #tpu.memory_space<vmem>>) target(%dma_start3A_91 : memref<10000x160xf32, #tpu.memory_space<vmem_shared>>) offsets(%arg9 : memref<80xi32, #tpu.memory_space<vmem>>) semaphore(%arg18 : memref<!tpu.dma_semaphore, #tpu.memory_space<semaphore_mem>>) {add = true}
    %dma_wait3A_92 = arith.constant 0 : i32
    %dma_wait3A_93 = arith.constant 0 : i32
    %dma_wait3A_94 = tpu.memref_slice %arg13[%dma_wait3A_92, %dma_wait3A_93] : memref<10000x160xf32, #tpu.memory_space<vmem_shared>> -> memref<10000x160xf32, #tpu.memory_space<vmem_shared>>
    tpu.wait_indirect_dma semaphore(%arg18 : memref<!tpu.dma_semaphore, #tpu.memory_space<semaphore_mem>>) src(%arg11 : memref<80x160xf32, #tpu.memory_space<vmem>>) dst(%dma_wait3A_94 : memref<10000x160xf32, #tpu.memory_space<vmem_shared>>)
    %barrier3A_95 = arith.constant 0 : index
    tpu.barrier barrier_id(%barrier3A_95)
    %add3A_96 = arith.constant 0 : i32
    %add3A_97 = arith.addi %arg1, %add3A_96 : i32
    %lt3A_98 = arith.constant 125 : i32
    %lt3A_99 = arith.cmpi slt, %add3A_97, %lt3A_98 : i32
    %convert_element_type3A_100 = arith.extui %lt3A_99 : i1 to i32
    %cond3A_101 = arith.constant 0 : i32
    %cond3A_102 = arith.cmpi ne, %convert_element_type3A_100, %cond3A_101 : i32
    scf.if %cond3A_102 {
      %mul3A_645 = arith.constant 80 : i32
      %mul3A_646 = arith.muli %add3A_97, %mul3A_645 : i32
      "tpu.region"() ({
        %run_scoped3A = tpu.sem_alloc : memref<!tpu.dma_semaphore, #tpu.memory_space<semaphore_mem>>
        %dma_start3A_647 = arith.constant 0 : i32
        %dma_start3A_648 = tpu.memref_slice %arg5[%arg0, %mul3A_646, %dma_start3A_647] : memref<2x10000x160xf32, #tpu.memory_space<hbm>> -> memref<1x80x160xf32, #tpu.memory_space<hbm>>
        %dma_start3A_649 = tpu.memref_squeeze %dma_start3A_648 : memref<1x80x160xf32, #tpu.memory_space<hbm>> -> memref<80x160xf32, #tpu.memory_space<hbm>>
        %dma_start3A_650 = arith.constant 0 : i32
        %dma_start3A_651 = tpu.memref_slice %arg13[%mul3A_646, %dma_start3A_650] : memref<10000x160xf32, #tpu.memory_space<vmem_shared>> -> memref<80x160xf32, #tpu.memory_space<vmem_shared>>
        tpu.enqueue_dma source(%dma_start3A_651 : memref<80x160xf32, #tpu.memory_space<vmem_shared>>) target(%dma_start3A_649 : memref<80x160xf32, #tpu.memory_space<hbm>>) target_semaphore(%run_scoped3A : memref<!tpu.dma_semaphore, #tpu.memory_space<semaphore_mem>>)
        %dma_wait3A_652 = arith.constant 0 : i32
        %dma_wait3A_653 = tpu.memref_slice %arg5[%arg0, %mul3A_646, %dma_wait3A_652] : memref<2x10000x160xf32, #tpu.memory_space<hbm>> -> memref<1x80x160xf32, #tpu.memory_space<hbm>>
        %dma_wait3A_654 = tpu.memref_squeeze %dma_wait3A_653 : memref<1x80x160xf32, #tpu.memory_space<hbm>> -> memref<80x160xf32, #tpu.memory_space<hbm>>
        %dma_wait3A_655 = arith.constant 0 : i32
        %dma_wait3A_656 = tpu.memref_slice %arg13[%mul3A_646, %dma_wait3A_655] : memref<10000x160xf32, #tpu.memory_space<vmem_shared>> -> memref<80x160xf32, #tpu.memory_space<vmem_shared>>
        tpu.wait_dma2 semaphore(%run_scoped3A : memref<!tpu.dma_semaphore, #tpu.memory_space<semaphore_mem>>) src(%dma_wait3A_656 : memref<80x160xf32, #tpu.memory_space<vmem_shared>>) dst(%dma_wait3A_654 : memref<80x160xf32, #tpu.memory_space<hbm>>)
        tpu.yield
      }) : () -> ()
    } else {
    }
    %add3A_103 = arith.constant 16 : i32
    %add3A_104 = arith.addi %arg1, %add3A_103 : i32
    %lt3A_105 = arith.constant 125 : i32
    %lt3A_106 = arith.cmpi slt, %add3A_104, %lt3A_105 : i32
    %convert_element_type3A_107 = arith.extui %lt3A_106 : i1 to i32
    %cond3A_108 = arith.constant 0 : i32
    %cond3A_109 = arith.cmpi ne, %convert_element_type3A_107, %cond3A_108 : i32
    scf.if %cond3A_109 {
      %mul3A_645 = arith.constant 80 : i32
      %mul3A_646 = arith.muli %add3A_104, %mul3A_645 : i32
      "tpu.region"() ({
        %run_scoped3A = tpu.sem_alloc : memref<!tpu.dma_semaphore, #tpu.memory_space<semaphore_mem>>
        %dma_start3A_647 = arith.constant 0 : i32
        %dma_start3A_648 = tpu.memref_slice %arg5[%arg0, %mul3A_646, %dma_start3A_647] : memref<2x10000x160xf32, #tpu.memory_space<hbm>> -> memref<1x80x160xf32, #tpu.memory_space<hbm>>
        %dma_start3A_649 = tpu.memref_squeeze %dma_start3A_648 : memref<1x80x160xf32, #tpu.memory_space<hbm>> -> memref<80x160xf32, #tpu.memory_space<hbm>>
        %dma_start3A_650 = arith.constant 0 : i32
        %dma_start3A_651 = tpu.memref_slice %arg13[%mul3A_646, %dma_start3A_650] : memref<10000x160xf32, #tpu.memory_space<vmem_shared>> -> memref<80x160xf32, #tpu.memory_space<vmem_shared>>
        tpu.enqueue_dma source(%dma_start3A_651 : memref<80x160xf32, #tpu.memory_space<vmem_shared>>) target(%dma_start3A_649 : memref<80x160xf32, #tpu.memory_space<hbm>>) target_semaphore(%run_scoped3A : memref<!tpu.dma_semaphore, #tpu.memory_space<semaphore_mem>>)
        %dma_wait3A_652 = arith.constant 0 : i32
        %dma_wait3A_653 = tpu.memref_slice %arg5[%arg0, %mul3A_646, %dma_wait3A_652] : memref<2x10000x160xf32, #tpu.memory_space<hbm>> -> memref<1x80x160xf32, #tpu.memory_space<hbm>>
        %dma_wait3A_654 = tpu.memref_squeeze %dma_wait3A_653 : memref<1x80x160xf32, #tpu.memory_space<hbm>> -> memref<80x160xf32, #tpu.memory_space<hbm>>
        %dma_wait3A_655 = arith.constant 0 : i32
        %dma_wait3A_656 = tpu.memref_slice %arg13[%mul3A_646, %dma_wait3A_655] : memref<10000x160xf32, #tpu.memory_space<vmem_shared>> -> memref<80x160xf32, #tpu.memory_space<vmem_shared>>
        tpu.wait_dma2 semaphore(%run_scoped3A : memref<!tpu.dma_semaphore, #tpu.memory_space<semaphore_mem>>) src(%dma_wait3A_656 : memref<80x160xf32, #tpu.memory_space<vmem_shared>>) dst(%dma_wait3A_654 : memref<80x160xf32, #tpu.memory_space<hbm>>)
        tpu.yield
      }) : () -> ()
    } else {
    }
    %add3A_110 = arith.constant 32 : i32
    %add3A_111 = arith.addi %arg1, %add3A_110 : i32
    %lt3A_112 = arith.constant 125 : i32
    %lt3A_113 = arith.cmpi slt, %add3A_111, %lt3A_112 : i32
    %convert_element_type3A_114 = arith.extui %lt3A_113 : i1 to i32
    %cond3A_115 = arith.constant 0 : i32
    %cond3A_116 = arith.cmpi ne, %convert_element_type3A_114, %cond3A_115 : i32
    scf.if %cond3A_116 {
      %mul3A_645 = arith.constant 80 : i32
      %mul3A_646 = arith.muli %add3A_111, %mul3A_645 : i32
      "tpu.region"() ({
        %run_scoped3A = tpu.sem_alloc : memref<!tpu.dma_semaphore, #tpu.memory_space<semaphore_mem>>
        %dma_start3A_647 = arith.constant 0 : i32
        %dma_start3A_648 = tpu.memref_slice %arg5[%arg0, %mul3A_646, %dma_start3A_647] : memref<2x10000x160xf32, #tpu.memory_space<hbm>> -> memref<1x80x160xf32, #tpu.memory_space<hbm>>
        %dma_start3A_649 = tpu.memref_squeeze %dma_start3A_648 : memref<1x80x160xf32, #tpu.memory_space<hbm>> -> memref<80x160xf32, #tpu.memory_space<hbm>>
        %dma_start3A_650 = arith.constant 0 : i32
        %dma_start3A_651 = tpu.memref_slice %arg13[%mul3A_646, %dma_start3A_650] : memref<10000x160xf32, #tpu.memory_space<vmem_shared>> -> memref<80x160xf32, #tpu.memory_space<vmem_shared>>
        tpu.enqueue_dma source(%dma_start3A_651 : memref<80x160xf32, #tpu.memory_space<vmem_shared>>) target(%dma_start3A_649 : memref<80x160xf32, #tpu.memory_space<hbm>>) target_semaphore(%run_scoped3A : memref<!tpu.dma_semaphore, #tpu.memory_space<semaphore_mem>>)
        %dma_wait3A_652 = arith.constant 0 : i32
        %dma_wait3A_653 = tpu.memref_slice %arg5[%arg0, %mul3A_646, %dma_wait3A_652] : memref<2x10000x160xf32, #tpu.memory_space<hbm>> -> memref<1x80x160xf32, #tpu.memory_space<hbm>>
        %dma_wait3A_654 = tpu.memref_squeeze %dma_wait3A_653 : memref<1x80x160xf32, #tpu.memory_space<hbm>> -> memref<80x160xf32, #tpu.memory_space<hbm>>
        %dma_wait3A_655 = arith.constant 0 : i32
        %dma_wait3A_656 = tpu.memref_slice %arg13[%mul3A_646, %dma_wait3A_655] : memref<10000x160xf32, #tpu.memory_space<vmem_shared>> -> memref<80x160xf32, #tpu.memory_space<vmem_shared>>
        tpu.wait_dma2 semaphore(%run_scoped3A : memref<!tpu.dma_semaphore, #tpu.memory_space<semaphore_mem>>) src(%dma_wait3A_656 : memref<80x160xf32, #tpu.memory_space<vmem_shared>>) dst(%dma_wait3A_654 : memref<80x160xf32, #tpu.memory_space<hbm>>)
        tpu.yield
      }) : () -> ()
    } else {
    }
    %add3A_117 = arith.constant 48 : i32
    %add3A_118 = arith.addi %arg1, %add3A_117 : i32
    %lt3A_119 = arith.constant 125 : i32
    %lt3A_120 = arith.cmpi slt, %add3A_118, %lt3A_119 : i32
    %convert_element_type3A_121 = arith.extui %lt3A_120 : i1 to i32
    %cond3A_122 = arith.constant 0 : i32
    %cond3A_123 = arith.cmpi ne, %convert_element_type3A_121, %cond3A_122 : i32
    scf.if %cond3A_123 {
      %mul3A_645 = arith.constant 80 : i32
      %mul3A_646 = arith.muli %add3A_118, %mul3A_645 : i32
      "tpu.region"() ({
        %run_scoped3A = tpu.sem_alloc : memref<!tpu.dma_semaphore, #tpu.memory_space<semaphore_mem>>
        %dma_start3A_647 = arith.constant 0 : i32
        %dma_start3A_648 = tpu.memref_slice %arg5[%arg0, %mul3A_646, %dma_start3A_647] : memref<2x10000x160xf32, #tpu.memory_space<hbm>> -> memref<1x80x160xf32, #tpu.memory_space<hbm>>
        %dma_start3A_649 = tpu.memref_squeeze %dma_start3A_648 : memref<1x80x160xf32, #tpu.memory_space<hbm>> -> memref<80x160xf32, #tpu.memory_space<hbm>>
        %dma_start3A_650 = arith.constant 0 : i32
        %dma_start3A_651 = tpu.memref_slice %arg13[%mul3A_646, %dma_start3A_650] : memref<10000x160xf32, #tpu.memory_space<vmem_shared>> -> memref<80x160xf32, #tpu.memory_space<vmem_shared>>
        tpu.enqueue_dma source(%dma_start3A_651 : memref<80x160xf32, #tpu.memory_space<vmem_shared>>) target(%dma_start3A_649 : memref<80x160xf32, #tpu.memory_space<hbm>>) target_semaphore(%run_scoped3A : memref<!tpu.dma_semaphore, #tpu.memory_space<semaphore_mem>>)
        %dma_wait3A_652 = arith.constant 0 : i32
        %dma_wait3A_653 = tpu.memref_slice %arg5[%arg0, %mul3A_646, %dma_wait3A_652] : memref<2x10000x160xf32, #tpu.memory_space<hbm>> -> memref<1x80x160xf32, #tpu.memory_space<hbm>>
        %dma_wait3A_654 = tpu.memref_squeeze %dma_wait3A_653 : memref<1x80x160xf32, #tpu.memory_space<hbm>> -> memref<80x160xf32, #tpu.memory_space<hbm>>
        %dma_wait3A_655 = arith.constant 0 : i32
        %dma_wait3A_656 = tpu.memref_slice %arg13[%mul3A_646, %dma_wait3A_655] : memref<10000x160xf32, #tpu.memory_space<vmem_shared>> -> memref<80x160xf32, #tpu.memory_space<vmem_shared>>
        tpu.wait_dma2 semaphore(%run_scoped3A : memref<!tpu.dma_semaphore, #tpu.memory_space<semaphore_mem>>) src(%dma_wait3A_656 : memref<80x160xf32, #tpu.memory_space<vmem_shared>>) dst(%dma_wait3A_654 : memref<80x160xf32, #tpu.memory_space<hbm>>)
        tpu.yield
      }) : () -> ()
    } else {
    }
    %add3A_124 = arith.constant 64 : i32
    %add3A_125 = arith.addi %arg1, %add3A_124 : i32
    %lt3A_126 = arith.constant 125 : i32
    %lt3A_127 = arith.cmpi slt, %add3A_125, %lt3A_126 : i32
    %convert_element_type3A_128 = arith.extui %lt3A_127 : i1 to i32
    %cond3A_129 = arith.constant 0 : i32
    %cond3A_130 = arith.cmpi ne, %convert_element_type3A_128, %cond3A_129 : i32
    scf.if %cond3A_130 {
      %mul3A_645 = arith.constant 80 : i32
      %mul3A_646 = arith.muli %add3A_125, %mul3A_645 : i32
      "tpu.region"() ({
        %run_scoped3A = tpu.sem_alloc : memref<!tpu.dma_semaphore, #tpu.memory_space<semaphore_mem>>
        %dma_start3A_647 = arith.constant 0 : i32
        %dma_start3A_648 = tpu.memref_slice %arg5[%arg0, %mul3A_646, %dma_start3A_647] : memref<2x10000x160xf32, #tpu.memory_space<hbm>> -> memref<1x80x160xf32, #tpu.memory_space<hbm>>
        %dma_start3A_649 = tpu.memref_squeeze %dma_start3A_648 : memref<1x80x160xf32, #tpu.memory_space<hbm>> -> memref<80x160xf32, #tpu.memory_space<hbm>>
        %dma_start3A_650 = arith.constant 0 : i32
        %dma_start3A_651 = tpu.memref_slice %arg13[%mul3A_646, %dma_start3A_650] : memref<10000x160xf32, #tpu.memory_space<vmem_shared>> -> memref<80x160xf32, #tpu.memory_space<vmem_shared>>
        tpu.enqueue_dma source(%dma_start3A_651 : memref<80x160xf32, #tpu.memory_space<vmem_shared>>) target(%dma_start3A_649 : memref<80x160xf32, #tpu.memory_space<hbm>>) target_semaphore(%run_scoped3A : memref<!tpu.dma_semaphore, #tpu.memory_space<semaphore_mem>>)
        %dma_wait3A_652 = arith.constant 0 : i32
        %dma_wait3A_653 = tpu.memref_slice %arg5[%arg0, %mul3A_646, %dma_wait3A_652] : memref<2x10000x160xf32, #tpu.memory_space<hbm>> -> memref<1x80x160xf32, #tpu.memory_space<hbm>>
        %dma_wait3A_654 = tpu.memref_squeeze %dma_wait3A_653 : memref<1x80x160xf32, #tpu.memory_space<hbm>> -> memref<80x160xf32, #tpu.memory_space<hbm>>
        %dma_wait3A_655 = arith.constant 0 : i32
        %dma_wait3A_656 = tpu.memref_slice %arg13[%mul3A_646, %dma_wait3A_655] : memref<10000x160xf32, #tpu.memory_space<vmem_shared>> -> memref<80x160xf32, #tpu.memory_space<vmem_shared>>
        tpu.wait_dma2 semaphore(%run_scoped3A : memref<!tpu.dma_semaphore, #tpu.memory_space<semaphore_mem>>) src(%dma_wait3A_656 : memref<80x160xf32, #tpu.memory_space<vmem_shared>>) dst(%dma_wait3A_654 : memref<80x160xf32, #tpu.memory_space<hbm>>)
        tpu.yield
      }) : () -> ()
    } else {
    }
    %add3A_131 = arith.constant 80 : i32
    %add3A_132 = arith.addi %arg1, %add3A_131 : i32
    %lt3A_133 = arith.constant 125 : i32
    %lt3A_134 = arith.cmpi slt, %add3A_132, %lt3A_133 : i32
    %convert_element_type3A_135 = arith.extui %lt3A_134 : i1 to i32
    %cond3A_136 = arith.constant 0 : i32
    %cond3A_137 = arith.cmpi ne, %convert_element_type3A_135, %cond3A_136 : i32
    scf.if %cond3A_137 {
      %mul3A_645 = arith.constant 80 : i32
      %mul3A_646 = arith.muli %add3A_132, %mul3A_645 : i32
      "tpu.region"() ({
        %run_scoped3A = tpu.sem_alloc : memref<!tpu.dma_semaphore, #tpu.memory_space<semaphore_mem>>
        %dma_start3A_647 = arith.constant 0 : i32
        %dma_start3A_648 = tpu.memref_slice %arg5[%arg0, %mul3A_646, %dma_start3A_647] : memref<2x10000x160xf32, #tpu.memory_space<hbm>> -> memref<1x80x160xf32, #tpu.memory_space<hbm>>
        %dma_start3A_649 = tpu.memref_squeeze %dma_start3A_648 : memref<1x80x160xf32, #tpu.memory_space<hbm>> -> memref<80x160xf32, #tpu.memory_space<hbm>>
        %dma_start3A_650 = arith.constant 0 : i32
        %dma_start3A_651 = tpu.memref_slice %arg13[%mul3A_646, %dma_start3A_650] : memref<10000x160xf32, #tpu.memory_space<vmem_shared>> -> memref<80x160xf32, #tpu.memory_space<vmem_shared>>
        tpu.enqueue_dma source(%dma_start3A_651 : memref<80x160xf32, #tpu.memory_space<vmem_shared>>) target(%dma_start3A_649 : memref<80x160xf32, #tpu.memory_space<hbm>>) target_semaphore(%run_scoped3A : memref<!tpu.dma_semaphore, #tpu.memory_space<semaphore_mem>>)
        %dma_wait3A_652 = arith.constant 0 : i32
        %dma_wait3A_653 = tpu.memref_slice %arg5[%arg0, %mul3A_646, %dma_wait3A_652] : memref<2x10000x160xf32, #tpu.memory_space<hbm>> -> memref<1x80x160xf32, #tpu.memory_space<hbm>>
        %dma_wait3A_654 = tpu.memref_squeeze %dma_wait3A_653 : memref<1x80x160xf32, #tpu.memory_space<hbm>> -> memref<80x160xf32, #tpu.memory_space<hbm>>
        %dma_wait3A_655 = arith.constant 0 : i32
        %dma_wait3A_656 = tpu.memref_slice %arg13[%mul3A_646, %dma_wait3A_655] : memref<10000x160xf32, #tpu.memory_space<vmem_shared>> -> memref<80x160xf32, #tpu.memory_space<vmem_shared>>
        tpu.wait_dma2 semaphore(%run_scoped3A : memref<!tpu.dma_semaphore, #tpu.memory_space<semaphore_mem>>) src(%dma_wait3A_656 : memref<80x160xf32, #tpu.memory_space<vmem_shared>>) dst(%dma_wait3A_654 : memref<80x160xf32, #tpu.memory_space<hbm>>)
        tpu.yield
      }) : () -> ()
    } else {
    }
    %add3A_138 = arith.constant 96 : i32
    %add3A_139 = arith.addi %arg1, %add3A_138 : i32
    %lt3A_140 = arith.constant 125 : i32
    %lt3A_141 = arith.cmpi slt, %add3A_139, %lt3A_140 : i32
    %convert_element_type3A_142 = arith.extui %lt3A_141 : i1 to i32
    %cond3A_143 = arith.constant 0 : i32
    %cond3A_144 = arith.cmpi ne, %convert_element_type3A_142, %cond3A_143 : i32
    scf.if %cond3A_144 {
      %mul3A_645 = arith.constant 80 : i32
      %mul3A_646 = arith.muli %add3A_139, %mul3A_645 : i32
      "tpu.region"() ({
        %run_scoped3A = tpu.sem_alloc : memref<!tpu.dma_semaphore, #tpu.memory_space<semaphore_mem>>
        %dma_start3A_647 = arith.constant 0 : i32
        %dma_start3A_648 = tpu.memref_slice %arg5[%arg0, %mul3A_646, %dma_start3A_647] : memref<2x10000x160xf32, #tpu.memory_space<hbm>> -> memref<1x80x160xf32, #tpu.memory_space<hbm>>
        %dma_start3A_649 = tpu.memref_squeeze %dma_start3A_648 : memref<1x80x160xf32, #tpu.memory_space<hbm>> -> memref<80x160xf32, #tpu.memory_space<hbm>>
        %dma_start3A_650 = arith.constant 0 : i32
        %dma_start3A_651 = tpu.memref_slice %arg13[%mul3A_646, %dma_start3A_650] : memref<10000x160xf32, #tpu.memory_space<vmem_shared>> -> memref<80x160xf32, #tpu.memory_space<vmem_shared>>
        tpu.enqueue_dma source(%dma_start3A_651 : memref<80x160xf32, #tpu.memory_space<vmem_shared>>) target(%dma_start3A_649 : memref<80x160xf32, #tpu.memory_space<hbm>>) target_semaphore(%run_scoped3A : memref<!tpu.dma_semaphore, #tpu.memory_space<semaphore_mem>>)
        %dma_wait3A_652 = arith.constant 0 : i32
        %dma_wait3A_653 = tpu.memref_slice %arg5[%arg0, %mul3A_646, %dma_wait3A_652] : memref<2x10000x160xf32, #tpu.memory_space<hbm>> -> memref<1x80x160xf32, #tpu.memory_space<hbm>>
        %dma_wait3A_654 = tpu.memref_squeeze %dma_wait3A_653 : memref<1x80x160xf32, #tpu.memory_space<hbm>> -> memref<80x160xf32, #tpu.memory_space<hbm>>
        %dma_wait3A_655 = arith.constant 0 : i32
        %dma_wait3A_656 = tpu.memref_slice %arg13[%mul3A_646, %dma_wait3A_655] : memref<10000x160xf32, #tpu.memory_space<vmem_shared>> -> memref<80x160xf32, #tpu.memory_space<vmem_shared>>
        tpu.wait_dma2 semaphore(%run_scoped3A : memref<!tpu.dma_semaphore, #tpu.memory_space<semaphore_mem>>) src(%dma_wait3A_656 : memref<80x160xf32, #tpu.memory_space<vmem_shared>>) dst(%dma_wait3A_654 : memref<80x160xf32, #tpu.memory_space<hbm>>)
        tpu.yield
      }) : () -> ()
    } else {
    }
    %add3A_145 = arith.constant 112 : i32
    %add3A_146 = arith.addi %arg1, %add3A_145 : i32
    %lt3A_147 = arith.constant 125 : i32
    %lt3A_148 = arith.cmpi slt, %add3A_146, %lt3A_147 : i32
    %convert_element_type3A_149 = arith.extui %lt3A_148 : i1 to i32
    %cond3A_150 = arith.constant 0 : i32
    %cond3A_151 = arith.cmpi ne, %convert_element_type3A_149, %cond3A_150 : i32
    scf.if %cond3A_151 {
      %mul3A_645 = arith.constant 80 : i32
      %mul3A_646 = arith.muli %add3A_146, %mul3A_645 : i32
      "tpu.region"() ({
        %run_scoped3A = tpu.sem_alloc : memref<!tpu.dma_semaphore, #tpu.memory_space<semaphore_mem>>
        %dma_start3A_647 = arith.constant 0 : i32
        %dma_start3A_648 = tpu.memref_slice %arg5[%arg0, %mul3A_646, %dma_start3A_647] : memref<2x10000x160xf32, #tpu.memory_space<hbm>> -> memref<1x80x160xf32, #tpu.memory_space<hbm>>
        %dma_start3A_649 = tpu.memref_squeeze %dma_start3A_648 : memref<1x80x160xf32, #tpu.memory_space<hbm>> -> memref<80x160xf32, #tpu.memory_space<hbm>>
        %dma_start3A_650 = arith.constant 0 : i32
        %dma_start3A_651 = tpu.memref_slice %arg13[%mul3A_646, %dma_start3A_650] : memref<10000x160xf32, #tpu.memory_space<vmem_shared>> -> memref<80x160xf32, #tpu.memory_space<vmem_shared>>
        tpu.enqueue_dma source(%dma_start3A_651 : memref<80x160xf32, #tpu.memory_space<vmem_shared>>) target(%dma_start3A_649 : memref<80x160xf32, #tpu.memory_space<hbm>>) target_semaphore(%run_scoped3A : memref<!tpu.dma_semaphore, #tpu.memory_space<semaphore_mem>>)
        %dma_wait3A_652 = arith.constant 0 : i32
        %dma_wait3A_653 = tpu.memref_slice %arg5[%arg0, %mul3A_646, %dma_wait3A_652] : memref<2x10000x160xf32, #tpu.memory_space<hbm>> -> memref<1x80x160xf32, #tpu.memory_space<hbm>>
        %dma_wait3A_654 = tpu.memref_squeeze %dma_wait3A_653 : memref<1x80x160xf32, #tpu.memory_space<hbm>> -> memref<80x160xf32, #tpu.memory_space<hbm>>
        %dma_wait3A_655 = arith.constant 0 : i32
        %dma_wait3A_656 = tpu.memref_slice %arg13[%mul3A_646, %dma_wait3A_655] : memref<10000x160xf32, #tpu.memory_space<vmem_shared>> -> memref<80x160xf32, #tpu.memory_space<vmem_shared>>
        tpu.wait_dma2 semaphore(%run_scoped3A : memref<!tpu.dma_semaphore, #tpu.memory_space<semaphore_mem>>) src(%dma_wait3A_656 : memref<80x160xf32, #tpu.memory_space<vmem_shared>>) dst(%dma_wait3A_654 : memref<80x160xf32, #tpu.memory_space<hbm>>)
        tpu.yield
      }) : () -> ()
    } else {
    }
    %barrier3A_152 = arith.constant 0 : index
    tpu.barrier barrier_id(%barrier3A_152)
    %add3A_153 = arith.constant 0 : i32
    %add3A_154 = arith.addi %arg1, %add3A_153 : i32
    %lt3A_155 = arith.constant 125 : i32
    %lt3A_156 = arith.cmpi slt, %add3A_154, %lt3A_155 : i32
    %convert_element_type3A_157 = arith.extui %lt3A_156 : i1 to i32
    %cond3A_158 = arith.constant 0 : i32
    %cond3A_159 = arith.cmpi ne, %convert_element_type3A_157, %cond3A_158 : i32
    scf.if %cond3A_159 {
      %mul3A_645 = arith.constant 80 : i32
      %mul3A_646 = arith.muli %add3A_154, %mul3A_645 : i32
      "tpu.region"() ({
        %run_scoped3A = tpu.sem_alloc : memref<!tpu.dma_semaphore, #tpu.memory_space<semaphore_mem>>
        %dma_start3A_647 = arith.constant 0 : i32
        %dma_start3A_648 = tpu.memref_slice %arg13[%mul3A_646, %dma_start3A_647] : memref<10000x160xf32, #tpu.memory_space<vmem_shared>> -> memref<80x160xf32, #tpu.memory_space<vmem_shared>>
        tpu.enqueue_dma source(%arg4 : memref<80x160xf32, #tpu.memory_space<hbm>>) target(%dma_start3A_648 : memref<80x160xf32, #tpu.memory_space<vmem_shared>>) target_semaphore(%run_scoped3A : memref<!tpu.dma_semaphore, #tpu.memory_space<semaphore_mem>>)
        %dma_wait3A_649 = arith.constant 0 : i32
        %dma_wait3A_650 = tpu.memref_slice %arg13[%mul3A_646, %dma_wait3A_649] : memref<10000x160xf32, #tpu.memory_space<vmem_shared>> -> memref<80x160xf32, #tpu.memory_space<vmem_shared>>
        tpu.wait_dma2 semaphore(%run_scoped3A : memref<!tpu.dma_semaphore, #tpu.memory_space<semaphore_mem>>) src(%arg4 : memref<80x160xf32, #tpu.memory_space<hbm>>) dst(%dma_wait3A_650 : memref<80x160xf32, #tpu.memory_space<vmem_shared>>)
        tpu.yield
      }) : () -> ()
    } else {
    }
    %add3A_160 = arith.constant 16 : i32
    %add3A_161 = arith.addi %arg1, %add3A_160 : i32
    %lt3A_162 = arith.constant 125 : i32
    %lt3A_163 = arith.cmpi slt, %add3A_161, %lt3A_162 : i32
    %convert_element_type3A_164 = arith.extui %lt3A_163 : i1 to i32
    %cond3A_165 = arith.constant 0 : i32
    %cond3A_166 = arith.cmpi ne, %convert_element_type3A_164, %cond3A_165 : i32
    scf.if %cond3A_166 {
      %mul3A_645 = arith.constant 80 : i32
      %mul3A_646 = arith.muli %add3A_161, %mul3A_645 : i32
      "tpu.region"() ({
        %run_scoped3A = tpu.sem_alloc : memref<!tpu.dma_semaphore, #tpu.memory_space<semaphore_mem>>
        %dma_start3A_647 = arith.constant 0 : i32
        %dma_start3A_648 = tpu.memref_slice %arg13[%mul3A_646, %dma_start3A_647] : memref<10000x160xf32, #tpu.memory_space<vmem_shared>> -> memref<80x160xf32, #tpu.memory_space<vmem_shared>>
        tpu.enqueue_dma source(%arg4 : memref<80x160xf32, #tpu.memory_space<hbm>>) target(%dma_start3A_648 : memref<80x160xf32, #tpu.memory_space<vmem_shared>>) target_semaphore(%run_scoped3A : memref<!tpu.dma_semaphore, #tpu.memory_space<semaphore_mem>>)
        %dma_wait3A_649 = arith.constant 0 : i32
        %dma_wait3A_650 = tpu.memref_slice %arg13[%mul3A_646, %dma_wait3A_649] : memref<10000x160xf32, #tpu.memory_space<vmem_shared>> -> memref<80x160xf32, #tpu.memory_space<vmem_shared>>
        tpu.wait_dma2 semaphore(%run_scoped3A : memref<!tpu.dma_semaphore, #tpu.memory_space<semaphore_mem>>) src(%arg4 : memref<80x160xf32, #tpu.memory_space<hbm>>) dst(%dma_wait3A_650 : memref<80x160xf32, #tpu.memory_space<vmem_shared>>)
        tpu.yield
      }) : () -> ()
    } else {
    }
    %add3A_167 = arith.constant 32 : i32
    %add3A_168 = arith.addi %arg1, %add3A_167 : i32
    %lt3A_169 = arith.constant 125 : i32
    %lt3A_170 = arith.cmpi slt, %add3A_168, %lt3A_169 : i32
    %convert_element_type3A_171 = arith.extui %lt3A_170 : i1 to i32
    %cond3A_172 = arith.constant 0 : i32
    %cond3A_173 = arith.cmpi ne, %convert_element_type3A_171, %cond3A_172 : i32
    scf.if %cond3A_173 {
      %mul3A_645 = arith.constant 80 : i32
      %mul3A_646 = arith.muli %add3A_168, %mul3A_645 : i32
      "tpu.region"() ({
        %run_scoped3A = tpu.sem_alloc : memref<!tpu.dma_semaphore, #tpu.memory_space<semaphore_mem>>
        %dma_start3A_647 = arith.constant 0 : i32
        %dma_start3A_648 = tpu.memref_slice %arg13[%mul3A_646, %dma_start3A_647] : memref<10000x160xf32, #tpu.memory_space<vmem_shared>> -> memref<80x160xf32, #tpu.memory_space<vmem_shared>>
        tpu.enqueue_dma source(%arg4 : memref<80x160xf32, #tpu.memory_space<hbm>>) target(%dma_start3A_648 : memref<80x160xf32, #tpu.memory_space<vmem_shared>>) target_semaphore(%run_scoped3A : memref<!tpu.dma_semaphore, #tpu.memory_space<semaphore_mem>>)
        %dma_wait3A_649 = arith.constant 0 : i32
        %dma_wait3A_650 = tpu.memref_slice %arg13[%mul3A_646, %dma_wait3A_649] : memref<10000x160xf32, #tpu.memory_space<vmem_shared>> -> memref<80x160xf32, #tpu.memory_space<vmem_shared>>
        tpu.wait_dma2 semaphore(%run_scoped3A : memref<!tpu.dma_semaphore, #tpu.memory_space<semaphore_mem>>) src(%arg4 : memref<80x160xf32, #tpu.memory_space<hbm>>) dst(%dma_wait3A_650 : memref<80x160xf32, #tpu.memory_space<vmem_shared>>)
        tpu.yield
      }) : () -> ()
    } else {
    }
    %add3A_174 = arith.constant 48 : i32
    %add3A_175 = arith.addi %arg1, %add3A_174 : i32
    %lt3A_176 = arith.constant 125 : i32
    %lt3A_177 = arith.cmpi slt, %add3A_175, %lt3A_176 : i32
    %convert_element_type3A_178 = arith.extui %lt3A_177 : i1 to i32
    %cond3A_179 = arith.constant 0 : i32
    %cond3A_180 = arith.cmpi ne, %convert_element_type3A_178, %cond3A_179 : i32
    scf.if %cond3A_180 {
      %mul3A_645 = arith.constant 80 : i32
      %mul3A_646 = arith.muli %add3A_175, %mul3A_645 : i32
      "tpu.region"() ({
        %run_scoped3A = tpu.sem_alloc : memref<!tpu.dma_semaphore, #tpu.memory_space<semaphore_mem>>
        %dma_start3A_647 = arith.constant 0 : i32
        %dma_start3A_648 = tpu.memref_slice %arg13[%mul3A_646, %dma_start3A_647] : memref<10000x160xf32, #tpu.memory_space<vmem_shared>> -> memref<80x160xf32, #tpu.memory_space<vmem_shared>>
        tpu.enqueue_dma source(%arg4 : memref<80x160xf32, #tpu.memory_space<hbm>>) target(%dma_start3A_648 : memref<80x160xf32, #tpu.memory_space<vmem_shared>>) target_semaphore(%run_scoped3A : memref<!tpu.dma_semaphore, #tpu.memory_space<semaphore_mem>>)
        %dma_wait3A_649 = arith.constant 0 : i32
        %dma_wait3A_650 = tpu.memref_slice %arg13[%mul3A_646, %dma_wait3A_649] : memref<10000x160xf32, #tpu.memory_space<vmem_shared>> -> memref<80x160xf32, #tpu.memory_space<vmem_shared>>
        tpu.wait_dma2 semaphore(%run_scoped3A : memref<!tpu.dma_semaphore, #tpu.memory_space<semaphore_mem>>) src(%arg4 : memref<80x160xf32, #tpu.memory_space<hbm>>) dst(%dma_wait3A_650 : memref<80x160xf32, #tpu.memory_space<vmem_shared>>)
        tpu.yield
      }) : () -> ()
    } else {
    }
    %add3A_181 = arith.constant 64 : i32
    %add3A_182 = arith.addi %arg1, %add3A_181 : i32
    %lt3A_183 = arith.constant 125 : i32
    %lt3A_184 = arith.cmpi slt, %add3A_182, %lt3A_183 : i32
    %convert_element_type3A_185 = arith.extui %lt3A_184 : i1 to i32
    %cond3A_186 = arith.constant 0 : i32
    %cond3A_187 = arith.cmpi ne, %convert_element_type3A_185, %cond3A_186 : i32
    scf.if %cond3A_187 {
      %mul3A_645 = arith.constant 80 : i32
      %mul3A_646 = arith.muli %add3A_182, %mul3A_645 : i32
      "tpu.region"() ({
        %run_scoped3A = tpu.sem_alloc : memref<!tpu.dma_semaphore, #tpu.memory_space<semaphore_mem>>
        %dma_start3A_647 = arith.constant 0 : i32
        %dma_start3A_648 = tpu.memref_slice %arg13[%mul3A_646, %dma_start3A_647] : memref<10000x160xf32, #tpu.memory_space<vmem_shared>> -> memref<80x160xf32, #tpu.memory_space<vmem_shared>>
        tpu.enqueue_dma source(%arg4 : memref<80x160xf32, #tpu.memory_space<hbm>>) target(%dma_start3A_648 : memref<80x160xf32, #tpu.memory_space<vmem_shared>>) target_semaphore(%run_scoped3A : memref<!tpu.dma_semaphore, #tpu.memory_space<semaphore_mem>>)
        %dma_wait3A_649 = arith.constant 0 : i32
        %dma_wait3A_650 = tpu.memref_slice %arg13[%mul3A_646, %dma_wait3A_649] : memref<10000x160xf32, #tpu.memory_space<vmem_shared>> -> memref<80x160xf32, #tpu.memory_space<vmem_shared>>
        tpu.wait_dma2 semaphore(%run_scoped3A : memref<!tpu.dma_semaphore, #tpu.memory_space<semaphore_mem>>) src(%arg4 : memref<80x160xf32, #tpu.memory_space<hbm>>) dst(%dma_wait3A_650 : memref<80x160xf32, #tpu.memory_space<vmem_shared>>)
        tpu.yield
      }) : () -> ()
    } else {
    }
    %add3A_188 = arith.constant 80 : i32
    %add3A_189 = arith.addi %arg1, %add3A_188 : i32
    %lt3A_190 = arith.constant 125 : i32
    %lt3A_191 = arith.cmpi slt, %add3A_189, %lt3A_190 : i32
    %convert_element_type3A_192 = arith.extui %lt3A_191 : i1 to i32
    %cond3A_193 = arith.constant 0 : i32
    %cond3A_194 = arith.cmpi ne, %convert_element_type3A_192, %cond3A_193 : i32
    scf.if %cond3A_194 {
      %mul3A_645 = arith.constant 80 : i32
      %mul3A_646 = arith.muli %add3A_189, %mul3A_645 : i32
      "tpu.region"() ({
        %run_scoped3A = tpu.sem_alloc : memref<!tpu.dma_semaphore, #tpu.memory_space<semaphore_mem>>
        %dma_start3A_647 = arith.constant 0 : i32
        %dma_start3A_648 = tpu.memref_slice %arg13[%mul3A_646, %dma_start3A_647] : memref<10000x160xf32, #tpu.memory_space<vmem_shared>> -> memref<80x160xf32, #tpu.memory_space<vmem_shared>>
        tpu.enqueue_dma source(%arg4 : memref<80x160xf32, #tpu.memory_space<hbm>>) target(%dma_start3A_648 : memref<80x160xf32, #tpu.memory_space<vmem_shared>>) target_semaphore(%run_scoped3A : memref<!tpu.dma_semaphore, #tpu.memory_space<semaphore_mem>>)
        %dma_wait3A_649 = arith.constant 0 : i32
        %dma_wait3A_650 = tpu.memref_slice %arg13[%mul3A_646, %dma_wait3A_649] : memref<10000x160xf32, #tpu.memory_space<vmem_shared>> -> memref<80x160xf32, #tpu.memory_space<vmem_shared>>
        tpu.wait_dma2 semaphore(%run_scoped3A : memref<!tpu.dma_semaphore, #tpu.memory_space<semaphore_mem>>) src(%arg4 : memref<80x160xf32, #tpu.memory_space<hbm>>) dst(%dma_wait3A_650 : memref<80x160xf32, #tpu.memory_space<vmem_shared>>)
        tpu.yield
      }) : () -> ()
    } else {
    }
    %add3A_195 = arith.constant 96 : i32
    %add3A_196 = arith.addi %arg1, %add3A_195 : i32
    %lt3A_197 = arith.constant 125 : i32
    %lt3A_198 = arith.cmpi slt, %add3A_196, %lt3A_197 : i32
    %convert_element_type3A_199 = arith.extui %lt3A_198 : i1 to i32
    %cond3A_200 = arith.constant 0 : i32
    %cond3A_201 = arith.cmpi ne, %convert_element_type3A_199, %cond3A_200 : i32
    scf.if %cond3A_201 {
      %mul3A_645 = arith.constant 80 : i32
      %mul3A_646 = arith.muli %add3A_196, %mul3A_645 : i32
      "tpu.region"() ({
        %run_scoped3A = tpu.sem_alloc : memref<!tpu.dma_semaphore, #tpu.memory_space<semaphore_mem>>
        %dma_start3A_647 = arith.constant 0 : i32
        %dma_start3A_648 = tpu.memref_slice %arg13[%mul3A_646, %dma_start3A_647] : memref<10000x160xf32, #tpu.memory_space<vmem_shared>> -> memref<80x160xf32, #tpu.memory_space<vmem_shared>>
        tpu.enqueue_dma source(%arg4 : memref<80x160xf32, #tpu.memory_space<hbm>>) target(%dma_start3A_648 : memref<80x160xf32, #tpu.memory_space<vmem_shared>>) target_semaphore(%run_scoped3A : memref<!tpu.dma_semaphore, #tpu.memory_space<semaphore_mem>>)
        %dma_wait3A_649 = arith.constant 0 : i32
        %dma_wait3A_650 = tpu.memref_slice %arg13[%mul3A_646, %dma_wait3A_649] : memref<10000x160xf32, #tpu.memory_space<vmem_shared>> -> memref<80x160xf32, #tpu.memory_space<vmem_shared>>
        tpu.wait_dma2 semaphore(%run_scoped3A : memref<!tpu.dma_semaphore, #tpu.memory_space<semaphore_mem>>) src(%arg4 : memref<80x160xf32, #tpu.memory_space<hbm>>) dst(%dma_wait3A_650 : memref<80x160xf32, #tpu.memory_space<vmem_shared>>)
        tpu.yield
      }) : () -> ()
    } else {
    }
    %add3A_202 = arith.constant 112 : i32
    %add3A_203 = arith.addi %arg1, %add3A_202 : i32
    %lt3A_204 = arith.constant 125 : i32
    %lt3A_205 = arith.cmpi slt, %add3A_203, %lt3A_204 : i32
    %convert_element_type3A_206 = arith.extui %lt3A_205 : i1 to i32
    %cond3A_207 = arith.constant 0 : i32
    %cond3A_208 = arith.cmpi ne, %convert_element_type3A_206, %cond3A_207 : i32
    scf.if %cond3A_208 {
      %mul3A_645 = arith.constant 80 : i32
      %mul3A_646 = arith.muli %add3A_203, %mul3A_645 : i32
      "tpu.region"() ({
        %run_scoped3A = tpu.sem_alloc : memref<!tpu.dma_semaphore, #tpu.memory_space<semaphore_mem>>
        %dma_start3A_647 = arith.constant 0 : i32
        %dma_start3A_648 = tpu.memref_slice %arg13[%mul3A_646, %dma_start3A_647] : memref<10000x160xf32, #tpu.memory_space<vmem_shared>> -> memref<80x160xf32, #tpu.memory_space<vmem_shared>>
        tpu.enqueue_dma source(%arg4 : memref<80x160xf32, #tpu.memory_space<hbm>>) target(%dma_start3A_648 : memref<80x160xf32, #tpu.memory_space<vmem_shared>>) target_semaphore(%run_scoped3A : memref<!tpu.dma_semaphore, #tpu.memory_space<semaphore_mem>>)
        %dma_wait3A_649 = arith.constant 0 : i32
        %dma_wait3A_650 = tpu.memref_slice %arg13[%mul3A_646, %dma_wait3A_649] : memref<10000x160xf32, #tpu.memory_space<vmem_shared>> -> memref<80x160xf32, #tpu.memory_space<vmem_shared>>
        tpu.wait_dma2 semaphore(%run_scoped3A : memref<!tpu.dma_semaphore, #tpu.memory_space<semaphore_mem>>) src(%arg4 : memref<80x160xf32, #tpu.memory_space<hbm>>) dst(%dma_wait3A_650 : memref<80x160xf32, #tpu.memory_space<vmem_shared>>)
        tpu.yield
      }) : () -> ()
    } else {
    }
    %barrier3A_209 = arith.constant 0 : index
    tpu.barrier barrier_id(%barrier3A_209)
    %dma_start3A_210 = arith.constant 0 : i32
    %dma_start3A_211 = arith.constant 0 : i32
    %dma_start3A_212 = tpu.memref_slice %arg3[%add3A, %dma_start3A_210, %dma_start3A_211] : memref<32x125x80xi32, #tpu.memory_space<hbm>> -> memref<1x1x80xi32, #tpu.memory_space<hbm>>
    %dma_start3A_213 = tpu.memref_squeeze %dma_start3A_212 : memref<1x1x80xi32, #tpu.memory_space<hbm>> -> memref<80xi32, #tpu.memory_space<hbm>>
    %dma_start3A_214 = arith.constant 0 : i32
    %dma_start3A_215 = tpu.memref_slice %arg3[%add3A, %dma_start3A_210, %dma_start3A_214] : memref<32x125x80xi32, #tpu.memory_space<hbm>> -> memref<1x1x80xi32, #tpu.memory_space<hbm>>
    %dma_start3A_216 = tpu.memref_squeeze %dma_start3A_215 : memref<1x1x80xi32, #tpu.memory_space<hbm>> -> memref<80xi32, #tpu.memory_space<hbm>>
    tpu.enqueue_dma source(%dma_start3A_216 : memref<80xi32, #tpu.memory_space<hbm>>) target(%arg9 : memref<80xi32, #tpu.memory_space<vmem>>) target_semaphore(%arg14 : memref<!tpu.dma_semaphore, #tpu.memory_space<semaphore_mem>>)
    %add3A_217 = arith.constant 0 : i32
    %add3A_218 = arith.addi %mul3A_2, %add3A_217 : i32
    %dma_start3A_219 = arith.constant 0 : i32
    %dma_start3A_220 = tpu.memref_slice %arg2[%add3A_218, %dma_start3A_219] : memref<320000x160xf32, #tpu.memory_space<hbm>> -> memref<80x160xf32, #tpu.memory_space<hbm>>
    %dma_start3A_221 = arith.constant 0 : i32
    %dma_start3A_222 = tpu.memref_slice %arg2[%add3A_218, %dma_start3A_221] : memref<320000x160xf32, #tpu.memory_space<hbm>> -> memref<80x160xf32, #tpu.memory_space<hbm>>
    tpu.enqueue_dma source(%dma_start3A_222 : memref<80x160xf32, #tpu.memory_space<hbm>>) target(%arg11 : memref<80x160xf32, #tpu.memory_space<vmem>>) target_semaphore(%arg16 : memref<!tpu.dma_semaphore, #tpu.memory_space<semaphore_mem>>)
    %scan3A_223 = arith.constant 0 : i32
    %scan3A_224 = arith.constant 0 : i32
    %scan3A_225 = arith.constant 62 : i32
    %scan3A_226 = arith.addi %scan3A_224, %scan3A_225 : i32
    %scan3A_227 = arith.constant 1 : i32
    %scan3A_228 = scf.for %scan3A_645 = %scan3A_224 to %scan3A_226 step %scan3A_227 iter_args(%scan3A_646 = %scan3A_223) -> (i32)  : i32 {
      %mul3A_647 = arith.constant 2 : i32
      %mul3A_648 = arith.muli %mul3A_647, %scan3A_645 : i32
      %dma_wait3A_649 = arith.constant 0 : i32
      %dma_wait3A_650 = tpu.memref_slice %arg3[%add3A, %mul3A_648, %dma_wait3A_649] : memref<32x125x80xi32, #tpu.memory_space<hbm>> -> memref<1x1x80xi32, #tpu.memory_space<hbm>>
      %dma_wait3A_651 = tpu.memref_squeeze %dma_wait3A_650 : memref<1x1x80xi32, #tpu.memory_space<hbm>> -> memref<80xi32, #tpu.memory_space<hbm>>
      %dma_wait3A_652 = arith.constant 0 : i32
      %dma_wait3A_653 = tpu.memref_slice %arg3[%add3A, %mul3A_648, %dma_wait3A_652] : memref<32x125x80xi32, #tpu.memory_space<hbm>> -> memref<1x1x80xi32, #tpu.memory_space<hbm>>
      %dma_wait3A_654 = tpu.memref_squeeze %dma_wait3A_653 : memref<1x1x80xi32, #tpu.memory_space<hbm>> -> memref<80xi32, #tpu.memory_space<hbm>>
      tpu.wait_dma2 semaphore(%arg14 : memref<!tpu.dma_semaphore, #tpu.memory_space<semaphore_mem>>) src(%dma_wait3A_654 : memref<80xi32, #tpu.memory_space<hbm>>) dst(%arg9 : memref<80xi32, #tpu.memory_space<vmem>>)
      %mul3A_655 = arith.constant 80 : i32
      %mul3A_656 = arith.muli %mul3A_648, %mul3A_655 : i32
      %add3A_657 = arith.addi %mul3A_2, %mul3A_656 : i32
      %dma_wait3A_658 = arith.constant 0 : i32
      %dma_wait3A_659 = tpu.memref_slice %arg2[%add3A_657, %dma_wait3A_658] : memref<320000x160xf32, #tpu.memory_space<hbm>> -> memref<80x160xf32, #tpu.memory_space<hbm>>
      %dma_wait3A_660 = arith.constant 0 : i32
      %dma_wait3A_661 = tpu.memref_slice %arg2[%add3A_657, %dma_wait3A_660] : memref<320000x160xf32, #tpu.memory_space<hbm>> -> memref<80x160xf32, #tpu.memory_space<hbm>>
      tpu.wait_dma2 semaphore(%arg16 : memref<!tpu.dma_semaphore, #tpu.memory_space<semaphore_mem>>) src(%dma_wait3A_661 : memref<80x160xf32, #tpu.memory_space<hbm>>) dst(%arg11 : memref<80x160xf32, #tpu.memory_space<vmem>>)
      %gt3A = arith.constant 0 : i32
      %gt3A_662 = arith.cmpi sgt, %scan3A_645, %gt3A : i32
      %convert_element_type3A_663 = arith.extui %gt3A_662 : i1 to i32
      %cond3A_664 = arith.constant 0 : i32
      %cond3A_665 = arith.cmpi ne, %convert_element_type3A_663, %cond3A_664 : i32
      scf.if %cond3A_665 {
        %dma_wait3A_727 = arith.constant 0 : i32
        %dma_wait3A_728 = arith.constant 0 : i32
        %dma_wait3A_729 = tpu.memref_slice %arg13[%dma_wait3A_727, %dma_wait3A_728] : memref<10000x160xf32, #tpu.memory_space<vmem_shared>> -> memref<10000x160xf32, #tpu.memory_space<vmem_shared>>
        tpu.wait_indirect_dma semaphore(%arg19 : memref<!tpu.dma_semaphore, #tpu.memory_space<semaphore_mem>>) src(%arg12 : memref<80x160xf32, #tpu.memory_space<vmem>>) dst(%dma_wait3A_729 : memref<10000x160xf32, #tpu.memory_space<vmem_shared>>)
      } else {
      }
      %add3A_666 = arith.constant 1 : i32
      %add3A_667 = arith.addi %mul3A_648, %add3A_666 : i32
      %dma_start3A_668 = arith.constant 0 : i32
      %dma_start3A_669 = tpu.memref_slice %arg3[%add3A, %add3A_667, %dma_start3A_668] : memref<32x125x80xi32, #tpu.memory_space<hbm>> -> memref<1x1x80xi32, #tpu.memory_space<hbm>>
      %dma_start3A_670 = tpu.memref_squeeze %dma_start3A_669 : memref<1x1x80xi32, #tpu.memory_space<hbm>> -> memref<80xi32, #tpu.memory_space<hbm>>
      %dma_start3A_671 = arith.constant 0 : i32
      %dma_start3A_672 = tpu.memref_slice %arg3[%add3A, %add3A_667, %dma_start3A_671] : memref<32x125x80xi32, #tpu.memory_space<hbm>> -> memref<1x1x80xi32, #tpu.memory_space<hbm>>
      %dma_start3A_673 = tpu.memref_squeeze %dma_start3A_672 : memref<1x1x80xi32, #tpu.memory_space<hbm>> -> memref<80xi32, #tpu.memory_space<hbm>>
      tpu.enqueue_dma source(%dma_start3A_673 : memref<80xi32, #tpu.memory_space<hbm>>) target(%arg10 : memref<80xi32, #tpu.memory_space<vmem>>) target_semaphore(%arg15 : memref<!tpu.dma_semaphore, #tpu.memory_space<semaphore_mem>>)
      %mul3A_674 = arith.constant 80 : i32
      %mul3A_675 = arith.muli %add3A_667, %mul3A_674 : i32
      %add3A_676 = arith.addi %mul3A_2, %mul3A_675 : i32
      %dma_start3A_677 = arith.constant 0 : i32
      %dma_start3A_678 = tpu.memref_slice %arg2[%add3A_676, %dma_start3A_677] : memref<320000x160xf32, #tpu.memory_space<hbm>> -> memref<80x160xf32, #tpu.memory_space<hbm>>
      %dma_start3A_679 = arith.constant 0 : i32
      %dma_start3A_680 = tpu.memref_slice %arg2[%add3A_676, %dma_start3A_679] : memref<320000x160xf32, #tpu.memory_space<hbm>> -> memref<80x160xf32, #tpu.memory_space<hbm>>
      tpu.enqueue_dma source(%dma_start3A_680 : memref<80x160xf32, #tpu.memory_space<hbm>>) target(%arg12 : memref<80x160xf32, #tpu.memory_space<vmem>>) target_semaphore(%arg17 : memref<!tpu.dma_semaphore, #tpu.memory_space<semaphore_mem>>)
      %scan3A_681 = arith.constant 0 : i32
      %scan3A_682 = arith.constant 0 : i32
      %scan3A_683 = arith.constant 80 : i32
      %scan3A_684 = arith.addi %scan3A_682, %scan3A_683 : i32
      %scan3A_685 = arith.constant 1 : i32
      %scan3A_686 = scf.for %scan3A_727 = %scan3A_682 to %scan3A_684 step %scan3A_685 iter_args(%scan3A_728 = %scan3A_681) -> (i32)  : i32 {
        %get3A = arith.index_cast %scan3A_727 : i32 to index
        %get3A_729 = arith.constant 0 : index
        %get3A_730 = tpu.vector_load %arg11[%get3A, %get3A_729] {strides = array<i32>} : memref<80x160xf32, #tpu.memory_space<vmem>>, vector<1x16xf32>,
        %get3A_731 = vector.shape_cast %get3A_730 : vector<1x16xf32> to vector<16xf32>
        %mul3A_732 = arith.mulf %get3A_731, %get3A_731 : vector<16xf32>
        %swap3A = arith.index_cast %scan3A_727 : i32 to index
        %swap3A_733 = arith.constant 0 : index
        %swap3A_734 = tpu.vector_load %arg11[%swap3A, %swap3A_733] {strides = array<i32>} : memref<80x160xf32, #tpu.memory_space<vmem>>, vector<1x16xf32>,
        %swap3A_735 = vector.shape_cast %swap3A_734 : vector<1x16xf32> to vector<16xf32>
        %swap3A_736 = vector.shape_cast %mul3A_732 : vector<16xf32> to vector<1x16xf32>
        tpu.vector_store %arg11[%swap3A, %swap3A_733], %swap3A_736 {strides = array<i32>} : memref<80x160xf32, #tpu.memory_space<vmem>>, vector<1x16xf32>,
        %get3A_737 = arith.index_cast %scan3A_727 : i32 to index
        %get3A_738 = arith.constant 16 : index
        %get3A_739 = tpu.vector_load %arg11[%get3A_737, %get3A_738] {strides = array<i32>} : memref<80x160xf32, #tpu.memory_space<vmem>>, vector<1x16xf32>,
        %get3A_740 = vector.shape_cast %get3A_739 : vector<1x16xf32> to vector<16xf32>
        %mul3A_741 = arith.mulf %get3A_740, %get3A_740 : vector<16xf32>
        %swap3A_742 = arith.index_cast %scan3A_727 : i32 to index
        %swap3A_743 = arith.constant 16 : index
        %swap3A_744 = tpu.vector_load %arg11[%swap3A_742, %swap3A_743] {strides = array<i32>} : memref<80x160xf32, #tpu.memory_space<vmem>>, vector<1x16xf32>,
        %swap3A_745 = vector.shape_cast %swap3A_744 : vector<1x16xf32> to vector<16xf32>
        %swap3A_746 = vector.shape_cast %mul3A_741 : vector<16xf32> to vector<1x16xf32>
        tpu.vector_store %arg11[%swap3A_742, %swap3A_743], %swap3A_746 {strides = array<i32>} : memref<80x160xf32, #tpu.memory_space<vmem>>, vector<1x16xf32>,
        %get3A_747 = arith.index_cast %scan3A_727 : i32 to index
        %get3A_748 = arith.constant 32 : index
        %get3A_749 = tpu.vector_load %arg11[%get3A_747, %get3A_748] {strides = array<i32>} : memref<80x160xf32, #tpu.memory_space<vmem>>, vector<1x16xf32>,
        %get3A_750 = vector.shape_cast %get3A_749 : vector<1x16xf32> to vector<16xf32>
        %mul3A_751 = arith.mulf %get3A_750, %get3A_750 : vector<16xf32>
        %swap3A_752 = arith.index_cast %scan3A_727 : i32 to index
        %swap3A_753 = arith.constant 32 : index
        %swap3A_754 = tpu.vector_load %arg11[%swap3A_752, %swap3A_753] {strides = array<i32>} : memref<80x160xf32, #tpu.memory_space<vmem>>, vector<1x16xf32>,
        %swap3A_755 = vector.shape_cast %swap3A_754 : vector<1x16xf32> to vector<16xf32>
        %swap3A_756 = vector.shape_cast %mul3A_751 : vector<16xf32> to vector<1x16xf32>
        tpu.vector_store %arg11[%swap3A_752, %swap3A_753], %swap3A_756 {strides = array<i32>} : memref<80x160xf32, #tpu.memory_space<vmem>>, vector<1x16xf32>,
        %get3A_757 = arith.index_cast %scan3A_727 : i32 to index
        %get3A_758 = arith.constant 48 : index
        %get3A_759 = tpu.vector_load %arg11[%get3A_757, %get3A_758] {strides = array<i32>} : memref<80x160xf32, #tpu.memory_space<vmem>>, vector<1x16xf32>,
        %get3A_760 = vector.shape_cast %get3A_759 : vector<1x16xf32> to vector<16xf32>
        %mul3A_761 = arith.mulf %get3A_760, %get3A_760 : vector<16xf32>
        %swap3A_762 = arith.index_cast %scan3A_727 : i32 to index
        %swap3A_763 = arith.constant 48 : index
        %swap3A_764 = tpu.vector_load %arg11[%swap3A_762, %swap3A_763] {strides = array<i32>} : memref<80x160xf32, #tpu.memory_space<vmem>>, vector<1x16xf32>,
        %swap3A_765 = vector.shape_cast %swap3A_764 : vector<1x16xf32> to vector<16xf32>
        %swap3A_766 = vector.shape_cast %mul3A_761 : vector<16xf32> to vector<1x16xf32>
        tpu.vector_store %arg11[%swap3A_762, %swap3A_763], %swap3A_766 {strides = array<i32>} : memref<80x160xf32, #tpu.memory_space<vmem>>, vector<1x16xf32>,
        %get3A_767 = arith.index_cast %scan3A_727 : i32 to index
        %get3A_768 = arith.constant 64 : index
        %get3A_769 = tpu.vector_load %arg11[%get3A_767, %get3A_768] {strides = array<i32>} : memref<80x160xf32, #tpu.memory_space<vmem>>, vector<1x16xf32>,
        %get3A_770 = vector.shape_cast %get3A_769 : vector<1x16xf32> to vector<16xf32>
        %mul3A_771 = arith.mulf %get3A_770, %get3A_770 : vector<16xf32>
        %swap3A_772 = arith.index_cast %scan3A_727 : i32 to index
        %swap3A_773 = arith.constant 64 : index
        %swap3A_774 = tpu.vector_load %arg11[%swap3A_772, %swap3A_773] {strides = array<i32>} : memref<80x160xf32, #tpu.memory_space<vmem>>, vector<1x16xf32>,
        %swap3A_775 = vector.shape_cast %swap3A_774 : vector<1x16xf32> to vector<16xf32>
        %swap3A_776 = vector.shape_cast %mul3A_771 : vector<16xf32> to vector<1x16xf32>
        tpu.vector_store %arg11[%swap3A_772, %swap3A_773], %swap3A_776 {strides = array<i32>} : memref<80x160xf32, #tpu.memory_space<vmem>>, vector<1x16xf32>,
        %get3A_777 = arith.index_cast %scan3A_727 : i32 to index
        %get3A_778 = arith.constant 80 : index
        %get3A_779 = tpu.vector_load %arg11[%get3A_777, %get3A_778] {strides = array<i32>} : memref<80x160xf32, #tpu.memory_space<vmem>>, vector<1x16xf32>,
        %get3A_780 = vector.shape_cast %get3A_779 : vector<1x16xf32> to vector<16xf32>
        %mul3A_781 = arith.mulf %get3A_780, %get3A_780 : vector<16xf32>
        %swap3A_782 = arith.index_cast %scan3A_727 : i32 to index
        %swap3A_783 = arith.constant 80 : index
        %swap3A_784 = tpu.vector_load %arg11[%swap3A_782, %swap3A_783] {strides = array<i32>} : memref<80x160xf32, #tpu.memory_space<vmem>>, vector<1x16xf32>,
        %swap3A_785 = vector.shape_cast %swap3A_784 : vector<1x16xf32> to vector<16xf32>
        %swap3A_786 = vector.shape_cast %mul3A_781 : vector<16xf32> to vector<1x16xf32>
        tpu.vector_store %arg11[%swap3A_782, %swap3A_783], %swap3A_786 {strides = array<i32>} : memref<80x160xf32, #tpu.memory_space<vmem>>, vector<1x16xf32>,
        %get3A_787 = arith.index_cast %scan3A_727 : i32 to index
        %get3A_788 = arith.constant 96 : index
        %get3A_789 = tpu.vector_load %arg11[%get3A_787, %get3A_788] {strides = array<i32>} : memref<80x160xf32, #tpu.memory_space<vmem>>, vector<1x16xf32>,
        %get3A_790 = vector.shape_cast %get3A_789 : vector<1x16xf32> to vector<16xf32>
        %mul3A_791 = arith.mulf %get3A_790, %get3A_790 : vector<16xf32>
        %swap3A_792 = arith.index_cast %scan3A_727 : i32 to index
        %swap3A_793 = arith.constant 96 : index
        %swap3A_794 = tpu.vector_load %arg11[%swap3A_792, %swap3A_793] {strides = array<i32>} : memref<80x160xf32, #tpu.memory_space<vmem>>, vector<1x16xf32>,
        %swap3A_795 = vector.shape_cast %swap3A_794 : vector<1x16xf32> to vector<16xf32>
        %swap3A_796 = vector.shape_cast %mul3A_791 : vector<16xf32> to vector<1x16xf32>
        tpu.vector_store %arg11[%swap3A_792, %swap3A_793], %swap3A_796 {strides = array<i32>} : memref<80x160xf32, #tpu.memory_space<vmem>>, vector<1x16xf32>,
        %get3A_797 = arith.index_cast %scan3A_727 : i32 to index
        %get3A_798 = arith.constant 112 : index
        %get3A_799 = tpu.vector_load %arg11[%get3A_797, %get3A_798] {strides = array<i32>} : memref<80x160xf32, #tpu.memory_space<vmem>>, vector<1x16xf32>,
        %get3A_800 = vector.shape_cast %get3A_799 : vector<1x16xf32> to vector<16xf32>
        %mul3A_801 = arith.mulf %get3A_800, %get3A_800 : vector<16xf32>
        %swap3A_802 = arith.index_cast %scan3A_727 : i32 to index
        %swap3A_803 = arith.constant 112 : index
        %swap3A_804 = tpu.vector_load %arg11[%swap3A_802, %swap3A_803] {strides = array<i32>} : memref<80x160xf32, #tpu.memory_space<vmem>>, vector<1x16xf32>,
        %swap3A_805 = vector.shape_cast %swap3A_804 : vector<1x16xf32> to vector<16xf32>
        %swap3A_806 = vector.shape_cast %mul3A_801 : vector<16xf32> to vector<1x16xf32>
        tpu.vector_store %arg11[%swap3A_802, %swap3A_803], %swap3A_806 {strides = array<i32>} : memref<80x160xf32, #tpu.memory_space<vmem>>, vector<1x16xf32>,
        %get3A_807 = arith.index_cast %scan3A_727 : i32 to index
        %get3A_808 = arith.constant 128 : index
        %get3A_809 = tpu.vector_load %arg11[%get3A_807, %get3A_808] {strides = array<i32>} : memref<80x160xf32, #tpu.memory_space<vmem>>, vector<1x16xf32>,
        %get3A_810 = vector.shape_cast %get3A_809 : vector<1x16xf32> to vector<16xf32>
        %mul3A_811 = arith.mulf %get3A_810, %get3A_810 : vector<16xf32>
        %swap3A_812 = arith.index_cast %scan3A_727 : i32 to index
        %swap3A_813 = arith.constant 128 : index
        %swap3A_814 = tpu.vector_load %arg11[%swap3A_812, %swap3A_813] {strides = array<i32>} : memref<80x160xf32, #tpu.memory_space<vmem>>, vector<1x16xf32>,
        %swap3A_815 = vector.shape_cast %swap3A_814 : vector<1x16xf32> to vector<16xf32>
        %swap3A_816 = vector.shape_cast %mul3A_811 : vector<16xf32> to vector<1x16xf32>
        tpu.vector_store %arg11[%swap3A_812, %swap3A_813], %swap3A_816 {strides = array<i32>} : memref<80x160xf32, #tpu.memory_space<vmem>>, vector<1x16xf32>,
        %get3A_817 = arith.index_cast %scan3A_727 : i32 to index
        %get3A_818 = arith.constant 144 : index
        %get3A_819 = tpu.vector_load %arg11[%get3A_817, %get3A_818] {strides = array<i32>} : memref<80x160xf32, #tpu.memory_space<vmem>>, vector<1x16xf32>,
        %get3A_820 = vector.shape_cast %get3A_819 : vector<1x16xf32> to vector<16xf32>
        %mul3A_821 = arith.mulf %get3A_820, %get3A_820 : vector<16xf32>
        %swap3A_822 = arith.index_cast %scan3A_727 : i32 to index
        %swap3A_823 = arith.constant 144 : index
        %swap3A_824 = tpu.vector_load %arg11[%swap3A_822, %swap3A_823] {strides = array<i32>} : memref<80x160xf32, #tpu.memory_space<vmem>>, vector<1x16xf32>,
        %swap3A_825 = vector.shape_cast %swap3A_824 : vector<1x16xf32> to vector<16xf32>
        %swap3A_826 = vector.shape_cast %mul3A_821 : vector<16xf32> to vector<1x16xf32>
        tpu.vector_store %arg11[%swap3A_822, %swap3A_823], %swap3A_826 {strides = array<i32>} : memref<80x160xf32, #tpu.memory_space<vmem>>, vector<1x16xf32>,
        %scan3A_827 = arith.constant 0 : i32
        scf.yield %scan3A_827 : i32
      }
      %scan3A_687 = arith.constant 80 : i32
      %dma_start3A_688 = arith.constant 0 : i32
      %dma_start3A_689 = arith.constant 0 : i32
      %dma_start3A_690 = tpu.memref_slice %arg13[%dma_start3A_688, %dma_start3A_689] : memref<10000x160xf32, #tpu.memory_space<vmem_shared>> -> memref<10000x160xf32, #tpu.memory_space<vmem_shared>>
      tpu.enqueue_indirect_dma source(%arg11 : memref<80x160xf32, #tpu.memory_space<vmem>>) target(%dma_start3A_690 : memref<10000x160xf32, #tpu.memory_space<vmem_shared>>) offsets(%arg9 : memref<80xi32, #tpu.memory_space<vmem>>) semaphore(%arg18 : memref<!tpu.dma_semaphore, #tpu.memory_space<semaphore_mem>>) {add = true}
      %add3A_691 = arith.constant 1 : i32
      %add3A_692 = arith.addi %mul3A_648, %add3A_691 : i32
      %dma_wait3A_693 = arith.constant 0 : i32
      %dma_wait3A_694 = tpu.memref_slice %arg3[%add3A, %add3A_692, %dma_wait3A_693] : memref<32x125x80xi32, #tpu.memory_space<hbm>> -> memref<1x1x80xi32, #tpu.memory_space<hbm>>
      %dma_wait3A_695 = tpu.memref_squeeze %dma_wait3A_694 : memref<1x1x80xi32, #tpu.memory_space<hbm>> -> memref<80xi32, #tpu.memory_space<hbm>>
      %dma_wait3A_696 = arith.constant 0 : i32
      %dma_wait3A_697 = tpu.memref_slice %arg3[%add3A, %add3A_692, %dma_wait3A_696] : memref<32x125x80xi32, #tpu.memory_space<hbm>> -> memref<1x1x80xi32, #tpu.memory_space<hbm>>
      %dma_wait3A_698 = tpu.memref_squeeze %dma_wait3A_697 : memref<1x1x80xi32, #tpu.memory_space<hbm>> -> memref<80xi32, #tpu.memory_space<hbm>>
      tpu.wait_dma2 semaphore(%arg15 : memref<!tpu.dma_semaphore, #tpu.memory_space<semaphore_mem>>) src(%dma_wait3A_698 : memref<80xi32, #tpu.memory_space<hbm>>) dst(%arg10 : memref<80xi32, #tpu.memory_space<vmem>>)
      %mul3A_699 = arith.constant 80 : i32
      %mul3A_700 = arith.muli %add3A_692, %mul3A_699 : i32
      %add3A_701 = arith.addi %mul3A_2, %mul3A_700 : i32
      %dma_wait3A_702 = arith.constant 0 : i32
      %dma_wait3A_703 = tpu.memref_slice %arg2[%add3A_701, %dma_wait3A_702] : memref<320000x160xf32, #tpu.memory_space<hbm>> -> memref<80x160xf32, #tpu.memory_space<hbm>>
      %dma_wait3A_704 = arith.constant 0 : i32
      %dma_wait3A_705 = tpu.memref_slice %arg2[%add3A_701, %dma_wait3A_704] : memref<320000x160xf32, #tpu.memory_space<hbm>> -> memref<80x160xf32, #tpu.memory_space<hbm>>
      tpu.wait_dma2 semaphore(%arg17 : memref<!tpu.dma_semaphore, #tpu.memory_space<semaphore_mem>>) src(%dma_wait3A_705 : memref<80x160xf32, #tpu.memory_space<hbm>>) dst(%arg12 : memref<80x160xf32, #tpu.memory_space<vmem>>)
      %dma_wait3A_706 = arith.constant 0 : i32
      %dma_wait3A_707 = arith.constant 0 : i32
      %dma_wait3A_708 = tpu.memref_slice %arg13[%dma_wait3A_706, %dma_wait3A_707] : memref<10000x160xf32, #tpu.memory_space<vmem_shared>> -> memref<10000x160xf32, #tpu.memory_space<vmem_shared>>
      tpu.wait_indirect_dma semaphore(%arg18 : memref<!tpu.dma_semaphore, #tpu.memory_space<semaphore_mem>>) src(%arg11 : memref<80x160xf32, #tpu.memory_space<vmem>>) dst(%dma_wait3A_708 : memref<10000x160xf32, #tpu.memory_space<vmem_shared>>)
      %add3A_709 = arith.constant 1 : i32
      %add3A_710 = arith.addi %add3A_692, %add3A_709 : i32
      %lt3A_711 = arith.constant 125 : i32
      %lt3A_712 = arith.cmpi slt, %add3A_710, %lt3A_711 : i32
      %convert_element_type3A_713 = arith.extui %lt3A_712 : i1 to i32
      %cond3A_714 = arith.constant 0 : i32
      %cond3A_715 = arith.cmpi ne, %convert_element_type3A_713, %cond3A_714 : i32
      scf.if %cond3A_715 {
        %add3A_727 = arith.constant 1 : i32
        %add3A_728 = arith.addi %add3A_692, %add3A_727 : i32
        %dma_start3A_729 = arith.constant 0 : i32
        %dma_start3A_730 = tpu.memref_slice %arg3[%add3A, %add3A_728, %dma_start3A_729] : memref<32x125x80xi32, #tpu.memory_space<hbm>> -> memref<1x1x80xi32, #tpu.memory_space<hbm>>
        %dma_start3A_731 = tpu.memref_squeeze %dma_start3A_730 : memref<1x1x80xi32, #tpu.memory_space<hbm>> -> memref<80xi32, #tpu.memory_space<hbm>>
        %dma_start3A_732 = arith.constant 0 : i32
        %dma_start3A_733 = tpu.memref_slice %arg3[%add3A, %add3A_728, %dma_start3A_732] : memref<32x125x80xi32, #tpu.memory_space<hbm>> -> memref<1x1x80xi32, #tpu.memory_space<hbm>>
        %dma_start3A_734 = tpu.memref_squeeze %dma_start3A_733 : memref<1x1x80xi32, #tpu.memory_space<hbm>> -> memref<80xi32, #tpu.memory_space<hbm>>
        tpu.enqueue_dma source(%dma_start3A_734 : memref<80xi32, #tpu.memory_space<hbm>>) target(%arg9 : memref<80xi32, #tpu.memory_space<vmem>>) target_semaphore(%arg14 : memref<!tpu.dma_semaphore, #tpu.memory_space<semaphore_mem>>)
        %mul3A_735 = arith.constant 80 : i32
        %mul3A_736 = arith.muli %add3A_728, %mul3A_735 : i32
        %add3A_737 = arith.addi %mul3A_2, %mul3A_736 : i32
        %dma_start3A_738 = arith.constant 0 : i32
        %dma_start3A_739 = tpu.memref_slice %arg2[%add3A_737, %dma_start3A_738] : memref<320000x160xf32, #tpu.memory_space<hbm>> -> memref<80x160xf32, #tpu.memory_space<hbm>>
        %dma_start3A_740 = arith.constant 0 : i32
        %dma_start3A_741 = tpu.memref_slice %arg2[%add3A_737, %dma_start3A_740] : memref<320000x160xf32, #tpu.memory_space<hbm>> -> memref<80x160xf32, #tpu.memory_space<hbm>>
        tpu.enqueue_dma source(%dma_start3A_741 : memref<80x160xf32, #tpu.memory_space<hbm>>) target(%arg11 : memref<80x160xf32, #tpu.memory_space<vmem>>) target_semaphore(%arg16 : memref<!tpu.dma_semaphore, #tpu.memory_space<semaphore_mem>>)
      } else {
      }
      %scan3A_716 = arith.constant 0 : i32
      %scan3A_717 = arith.constant 0 : i32
      %scan3A_718 = arith.constant 80 : i32
      %scan3A_719 = arith.addi %scan3A_717, %scan3A_718 : i32
      %scan3A_720 = arith.constant 1 : i32
      %scan3A_721 = scf.for %scan3A_727 = %scan3A_717 to %scan3A_719 step %scan3A_720 iter_args(%scan3A_728 = %scan3A_716) -> (i32)  : i32 {
        %get3A = arith.index_cast %scan3A_727 : i32 to index
        %get3A_729 = arith.constant 0 : index
        %get3A_730 = tpu.vector_load %arg12[%get3A, %get3A_729] {strides = array<i32>} : memref<80x160xf32, #tpu.memory_space<vmem>>, vector<1x16xf32>,
        %get3A_731 = vector.shape_cast %get3A_730 : vector<1x16xf32> to vector<16xf32>
        %mul3A_732 = arith.mulf %get3A_731, %get3A_731 : vector<16xf32>
        %swap3A = arith.index_cast %scan3A_727 : i32 to index
        %swap3A_733 = arith.constant 0 : index
        %swap3A_734 = tpu.vector_load %arg12[%swap3A, %swap3A_733] {strides = array<i32>} : memref<80x160xf32, #tpu.memory_space<vmem>>, vector<1x16xf32>,
        %swap3A_735 = vector.shape_cast %swap3A_734 : vector<1x16xf32> to vector<16xf32>
        %swap3A_736 = vector.shape_cast %mul3A_732 : vector<16xf32> to vector<1x16xf32>
        tpu.vector_store %arg12[%swap3A, %swap3A_733], %swap3A_736 {strides = array<i32>} : memref<80x160xf32, #tpu.memory_space<vmem>>, vector<1x16xf32>,
        %get3A_737 = arith.index_cast %scan3A_727 : i32 to index
        %get3A_738 = arith.constant 16 : index
        %get3A_739 = tpu.vector_load %arg12[%get3A_737, %get3A_738] {strides = array<i32>} : memref<80x160xf32, #tpu.memory_space<vmem>>, vector<1x16xf32>,
        %get3A_740 = vector.shape_cast %get3A_739 : vector<1x16xf32> to vector<16xf32>
        %mul3A_741 = arith.mulf %get3A_740, %get3A_740 : vector<16xf32>
        %swap3A_742 = arith.index_cast %scan3A_727 : i32 to index
        %swap3A_743 = arith.constant 16 : index
        %swap3A_744 = tpu.vector_load %arg12[%swap3A_742, %swap3A_743] {strides = array<i32>} : memref<80x160xf32, #tpu.memory_space<vmem>>, vector<1x16xf32>,
        %swap3A_745 = vector.shape_cast %swap3A_744 : vector<1x16xf32> to vector<16xf32>
        %swap3A_746 = vector.shape_cast %mul3A_741 : vector<16xf32> to vector<1x16xf32>
        tpu.vector_store %arg12[%swap3A_742, %swap3A_743], %swap3A_746 {strides = array<i32>} : memref<80x160xf32, #tpu.memory_space<vmem>>, vector<1x16xf32>,
        %get3A_747 = arith.index_cast %scan3A_727 : i32 to index
        %get3A_748 = arith.constant 32 : index
        %get3A_749 = tpu.vector_load %arg12[%get3A_747, %get3A_748] {strides = array<i32>} : memref<80x160xf32, #tpu.memory_space<vmem>>, vector<1x16xf32>,
        %get3A_750 = vector.shape_cast %get3A_749 : vector<1x16xf32> to vector<16xf32>
        %mul3A_751 = arith.mulf %get3A_750, %get3A_750 : vector<16xf32>
        %swap3A_752 = arith.index_cast %scan3A_727 : i32 to index
        %swap3A_753 = arith.constant 32 : index
        %swap3A_754 = tpu.vector_load %arg12[%swap3A_752, %swap3A_753] {strides = array<i32>} : memref<80x160xf32, #tpu.memory_space<vmem>>, vector<1x16xf32>,
        %swap3A_755 = vector.shape_cast %swap3A_754 : vector<1x16xf32> to vector<16xf32>
        %swap3A_756 = vector.shape_cast %mul3A_751 : vector<16xf32> to vector<1x16xf32>
        tpu.vector_store %arg12[%swap3A_752, %swap3A_753], %swap3A_756 {strides = array<i32>} : memref<80x160xf32, #tpu.memory_space<vmem>>, vector<1x16xf32>,
        %get3A_757 = arith.index_cast %scan3A_727 : i32 to index
        %get3A_758 = arith.constant 48 : index
        %get3A_759 = tpu.vector_load %arg12[%get3A_757, %get3A_758] {strides = array<i32>} : memref<80x160xf32, #tpu.memory_space<vmem>>, vector<1x16xf32>,
        %get3A_760 = vector.shape_cast %get3A_759 : vector<1x16xf32> to vector<16xf32>
        %mul3A_761 = arith.mulf %get3A_760, %get3A_760 : vector<16xf32>
        %swap3A_762 = arith.index_cast %scan3A_727 : i32 to index
        %swap3A_763 = arith.constant 48 : index
        %swap3A_764 = tpu.vector_load %arg12[%swap3A_762, %swap3A_763] {strides = array<i32>} : memref<80x160xf32, #tpu.memory_space<vmem>>, vector<1x16xf32>,
        %swap3A_765 = vector.shape_cast %swap3A_764 : vector<1x16xf32> to vector<16xf32>
        %swap3A_766 = vector.shape_cast %mul3A_761 : vector<16xf32> to vector<1x16xf32>
        tpu.vector_store %arg12[%swap3A_762, %swap3A_763], %swap3A_766 {strides = array<i32>} : memref<80x160xf32, #tpu.memory_space<vmem>>, vector<1x16xf32>,
        %get3A_767 = arith.index_cast %scan3A_727 : i32 to index
        %get3A_768 = arith.constant 64 : index
        %get3A_769 = tpu.vector_load %arg12[%get3A_767, %get3A_768] {strides = array<i32>} : memref<80x160xf32, #tpu.memory_space<vmem>>, vector<1x16xf32>,
        %get3A_770 = vector.shape_cast %get3A_769 : vector<1x16xf32> to vector<16xf32>
        %mul3A_771 = arith.mulf %get3A_770, %get3A_770 : vector<16xf32>
        %swap3A_772 = arith.index_cast %scan3A_727 : i32 to index
        %swap3A_773 = arith.constant 64 : index
        %swap3A_774 = tpu.vector_load %arg12[%swap3A_772, %swap3A_773] {strides = array<i32>} : memref<80x160xf32, #tpu.memory_space<vmem>>, vector<1x16xf32>,
        %swap3A_775 = vector.shape_cast %swap3A_774 : vector<1x16xf32> to vector<16xf32>
        %swap3A_776 = vector.shape_cast %mul3A_771 : vector<16xf32> to vector<1x16xf32>
        tpu.vector_store %arg12[%swap3A_772, %swap3A_773], %swap3A_776 {strides = array<i32>} : memref<80x160xf32, #tpu.memory_space<vmem>>, vector<1x16xf32>,
        %get3A_777 = arith.index_cast %scan3A_727 : i32 to index
        %get3A_778 = arith.constant 80 : index
        %get3A_779 = tpu.vector_load %arg12[%get3A_777, %get3A_778] {strides = array<i32>} : memref<80x160xf32, #tpu.memory_space<vmem>>, vector<1x16xf32>,
        %get3A_780 = vector.shape_cast %get3A_779 : vector<1x16xf32> to vector<16xf32>
        %mul3A_781 = arith.mulf %get3A_780, %get3A_780 : vector<16xf32>
        %swap3A_782 = arith.index_cast %scan3A_727 : i32 to index
        %swap3A_783 = arith.constant 80 : index
        %swap3A_784 = tpu.vector_load %arg12[%swap3A_782, %swap3A_783] {strides = array<i32>} : memref<80x160xf32, #tpu.memory_space<vmem>>, vector<1x16xf32>,
        %swap3A_785 = vector.shape_cast %swap3A_784 : vector<1x16xf32> to vector<16xf32>
        %swap3A_786 = vector.shape_cast %mul3A_781 : vector<16xf32> to vector<1x16xf32>
        tpu.vector_store %arg12[%swap3A_782, %swap3A_783], %swap3A_786 {strides = array<i32>} : memref<80x160xf32, #tpu.memory_space<vmem>>, vector<1x16xf32>,
        %get3A_787 = arith.index_cast %scan3A_727 : i32 to index
        %get3A_788 = arith.constant 96 : index
        %get3A_789 = tpu.vector_load %arg12[%get3A_787, %get3A_788] {strides = array<i32>} : memref<80x160xf32, #tpu.memory_space<vmem>>, vector<1x16xf32>,
        %get3A_790 = vector.shape_cast %get3A_789 : vector<1x16xf32> to vector<16xf32>
        %mul3A_791 = arith.mulf %get3A_790, %get3A_790 : vector<16xf32>
        %swap3A_792 = arith.index_cast %scan3A_727 : i32 to index
        %swap3A_793 = arith.constant 96 : index
        %swap3A_794 = tpu.vector_load %arg12[%swap3A_792, %swap3A_793] {strides = array<i32>} : memref<80x160xf32, #tpu.memory_space<vmem>>, vector<1x16xf32>,
        %swap3A_795 = vector.shape_cast %swap3A_794 : vector<1x16xf32> to vector<16xf32>
        %swap3A_796 = vector.shape_cast %mul3A_791 : vector<16xf32> to vector<1x16xf32>
        tpu.vector_store %arg12[%swap3A_792, %swap3A_793], %swap3A_796 {strides = array<i32>} : memref<80x160xf32, #tpu.memory_space<vmem>>, vector<1x16xf32>,
        %get3A_797 = arith.index_cast %scan3A_727 : i32 to index
        %get3A_798 = arith.constant 112 : index
        %get3A_799 = tpu.vector_load %arg12[%get3A_797, %get3A_798] {strides = array<i32>} : memref<80x160xf32, #tpu.memory_space<vmem>>, vector<1x16xf32>,
        %get3A_800 = vector.shape_cast %get3A_799 : vector<1x16xf32> to vector<16xf32>
        %mul3A_801 = arith.mulf %get3A_800, %get3A_800 : vector<16xf32>
        %swap3A_802 = arith.index_cast %scan3A_727 : i32 to index
        %swap3A_803 = arith.constant 112 : index
        %swap3A_804 = tpu.vector_load %arg12[%swap3A_802, %swap3A_803] {strides = array<i32>} : memref<80x160xf32, #tpu.memory_space<vmem>>, vector<1x16xf32>,
        %swap3A_805 = vector.shape_cast %swap3A_804 : vector<1x16xf32> to vector<16xf32>
        %swap3A_806 = vector.shape_cast %mul3A_801 : vector<16xf32> to vector<1x16xf32>
        tpu.vector_store %arg12[%swap3A_802, %swap3A_803], %swap3A_806 {strides = array<i32>} : memref<80x160xf32, #tpu.memory_space<vmem>>, vector<1x16xf32>,
        %get3A_807 = arith.index_cast %scan3A_727 : i32 to index
        %get3A_808 = arith.constant 128 : index
        %get3A_809 = tpu.vector_load %arg12[%get3A_807, %get3A_808] {strides = array<i32>} : memref<80x160xf32, #tpu.memory_space<vmem>>, vector<1x16xf32>,
        %get3A_810 = vector.shape_cast %get3A_809 : vector<1x16xf32> to vector<16xf32>
        %mul3A_811 = arith.mulf %get3A_810, %get3A_810 : vector<16xf32>
        %swap3A_812 = arith.index_cast %scan3A_727 : i32 to index
        %swap3A_813 = arith.constant 128 : index
        %swap3A_814 = tpu.vector_load %arg12[%swap3A_812, %swap3A_813] {strides = array<i32>} : memref<80x160xf32, #tpu.memory_space<vmem>>, vector<1x16xf32>,
        %swap3A_815 = vector.shape_cast %swap3A_814 : vector<1x16xf32> to vector<16xf32>
        %swap3A_816 = vector.shape_cast %mul3A_811 : vector<16xf32> to vector<1x16xf32>
        tpu.vector_store %arg12[%swap3A_812, %swap3A_813], %swap3A_816 {strides = array<i32>} : memref<80x160xf32, #tpu.memory_space<vmem>>, vector<1x16xf32>,
        %get3A_817 = arith.index_cast %scan3A_727 : i32 to index
        %get3A_818 = arith.constant 144 : index
        %get3A_819 = tpu.vector_load %arg12[%get3A_817, %get3A_818] {strides = array<i32>} : memref<80x160xf32, #tpu.memory_space<vmem>>, vector<1x16xf32>,
        %get3A_820 = vector.shape_cast %get3A_819 : vector<1x16xf32> to vector<16xf32>
        %mul3A_821 = arith.mulf %get3A_820, %get3A_820 : vector<16xf32>
        %swap3A_822 = arith.index_cast %scan3A_727 : i32 to index
        %swap3A_823 = arith.constant 144 : index
        %swap3A_824 = tpu.vector_load %arg12[%swap3A_822, %swap3A_823] {strides = array<i32>} : memref<80x160xf32, #tpu.memory_space<vmem>>, vector<1x16xf32>,
        %swap3A_825 = vector.shape_cast %swap3A_824 : vector<1x16xf32> to vector<16xf32>
        %swap3A_826 = vector.shape_cast %mul3A_821 : vector<16xf32> to vector<1x16xf32>
        tpu.vector_store %arg12[%swap3A_822, %swap3A_823], %swap3A_826 {strides = array<i32>} : memref<80x160xf32, #tpu.memory_space<vmem>>, vector<1x16xf32>,
        %scan3A_827 = arith.constant 0 : i32
        scf.yield %scan3A_827 : i32
      }
      %scan3A_722 = arith.constant 80 : i32
      %dma_start3A_723 = arith.constant 0 : i32
      %dma_start3A_724 = arith.constant 0 : i32
      %dma_start3A_725 = tpu.memref_slice %arg13[%dma_start3A_723, %dma_start3A_724] : memref<10000x160xf32, #tpu.memory_space<vmem_shared>> -> memref<10000x160xf32, #tpu.memory_space<vmem_shared>>
      tpu.enqueue_indirect_dma source(%arg12 : memref<80x160xf32, #tpu.memory_space<vmem>>) target(%dma_start3A_725 : memref<10000x160xf32, #tpu.memory_space<vmem_shared>>) offsets(%arg10 : memref<80xi32, #tpu.memory_space<vmem>>) semaphore(%arg19 : memref<!tpu.dma_semaphore, #tpu.memory_space<semaphore_mem>>) {add = true}
      %scan3A_726 = arith.constant 0 : i32
      scf.yield %scan3A_726 : i32
    }
    %scan3A_229 = arith.constant 62 : i32
    %dma_wait3A_230 = arith.constant 124 : i32
    %dma_wait3A_231 = arith.constant 0 : i32
    %dma_wait3A_232 = tpu.memref_slice %arg3[%add3A, %dma_wait3A_230, %dma_wait3A_231] : memref<32x125x80xi32, #tpu.memory_space<hbm>> -> memref<1x1x80xi32, #tpu.memory_space<hbm>>
    %dma_wait3A_233 = tpu.memref_squeeze %dma_wait3A_232 : memref<1x1x80xi32, #tpu.memory_space<hbm>> -> memref<80xi32, #tpu.memory_space<hbm>>
    %dma_wait3A_234 = arith.constant 0 : i32
    %dma_wait3A_235 = tpu.memref_slice %arg3[%add3A, %dma_wait3A_230, %dma_wait3A_234] : memref<32x125x80xi32, #tpu.memory_space<hbm>> -> memref<1x1x80xi32, #tpu.memory_space<hbm>>
    %dma_wait3A_236 = tpu.memref_squeeze %dma_wait3A_235 : memref<1x1x80xi32, #tpu.memory_space<hbm>> -> memref<80xi32, #tpu.memory_space<hbm>>
    tpu.wait_dma2 semaphore(%arg14 : memref<!tpu.dma_semaphore, #tpu.memory_space<semaphore_mem>>) src(%dma_wait3A_236 : memref<80xi32, #tpu.memory_space<hbm>>) dst(%arg9 : memref<80xi32, #tpu.memory_space<vmem>>)
    %add3A_237 = arith.constant 9920 : i32
    %add3A_238 = arith.addi %mul3A_2, %add3A_237 : i32
    %dma_wait3A_239 = arith.constant 0 : i32
    %dma_wait3A_240 = tpu.memref_slice %arg2[%add3A_238, %dma_wait3A_239] : memref<320000x160xf32, #tpu.memory_space<hbm>> -> memref<80x160xf32, #tpu.memory_space<hbm>>
    %dma_wait3A_241 = arith.constant 0 : i32
    %dma_wait3A_242 = tpu.memref_slice %arg2[%add3A_238, %dma_wait3A_241] : memref<320000x160xf32, #tpu.memory_space<hbm>> -> memref<80x160xf32, #tpu.memory_space<hbm>>
    tpu.wait_dma2 semaphore(%arg16 : memref<!tpu.dma_semaphore, #tpu.memory_space<semaphore_mem>>) src(%dma_wait3A_242 : memref<80x160xf32, #tpu.memory_space<hbm>>) dst(%arg11 : memref<80x160xf32, #tpu.memory_space<vmem>>)
    %dma_wait3A_243 = arith.constant 0 : i32
    %dma_wait3A_244 = arith.constant 0 : i32
    %dma_wait3A_245 = tpu.memref_slice %arg13[%dma_wait3A_243, %dma_wait3A_244] : memref<10000x160xf32, #tpu.memory_space<vmem_shared>> -> memref<10000x160xf32, #tpu.memory_space<vmem_shared>>
    tpu.wait_indirect_dma semaphore(%arg19 : memref<!tpu.dma_semaphore, #tpu.memory_space<semaphore_mem>>) src(%arg12 : memref<80x160xf32, #tpu.memory_space<vmem>>) dst(%dma_wait3A_245 : memref<10000x160xf32, #tpu.memory_space<vmem_shared>>)
    %scan3A_246 = arith.constant 0 : i32
    %scan3A_247 = arith.constant 0 : i32
    %scan3A_248 = arith.constant 80 : i32
    %scan3A_249 = arith.addi %scan3A_247, %scan3A_248 : i32
    %scan3A_250 = arith.constant 1 : i32
    %scan3A_251 = scf.for %scan3A_645 = %scan3A_247 to %scan3A_249 step %scan3A_250 iter_args(%scan3A_646 = %scan3A_246) -> (i32)  : i32 {
      %get3A = arith.index_cast %scan3A_645 : i32 to index
      %get3A_647 = arith.constant 0 : index
      %get3A_648 = tpu.vector_load %arg11[%get3A, %get3A_647] {strides = array<i32>} : memref<80x160xf32, #tpu.memory_space<vmem>>, vector<1x16xf32>,
      %get3A_649 = vector.shape_cast %get3A_648 : vector<1x16xf32> to vector<16xf32>
      %mul3A_650 = arith.mulf %get3A_649, %get3A_649 : vector<16xf32>
      %swap3A = arith.index_cast %scan3A_645 : i32 to index
      %swap3A_651 = arith.constant 0 : index
      %swap3A_652 = tpu.vector_load %arg11[%swap3A, %swap3A_651] {strides = array<i32>} : memref<80x160xf32, #tpu.memory_space<vmem>>, vector<1x16xf32>,
      %swap3A_653 = vector.shape_cast %swap3A_652 : vector<1x16xf32> to vector<16xf32>
      %swap3A_654 = vector.shape_cast %mul3A_650 : vector<16xf32> to vector<1x16xf32>
      tpu.vector_store %arg11[%swap3A, %swap3A_651], %swap3A_654 {strides = array<i32>} : memref<80x160xf32, #tpu.memory_space<vmem>>, vector<1x16xf32>,
      %get3A_655 = arith.index_cast %scan3A_645 : i32 to index
      %get3A_656 = arith.constant 16 : index
      %get3A_657 = tpu.vector_load %arg11[%get3A_655, %get3A_656] {strides = array<i32>} : memref<80x160xf32, #tpu.memory_space<vmem>>, vector<1x16xf32>,
      %get3A_658 = vector.shape_cast %get3A_657 : vector<1x16xf32> to vector<16xf32>
      %mul3A_659 = arith.mulf %get3A_658, %get3A_658 : vector<16xf32>
      %swap3A_660 = arith.index_cast %scan3A_645 : i32 to index
      %swap3A_661 = arith.constant 16 : index
      %swap3A_662 = tpu.vector_load %arg11[%swap3A_660, %swap3A_661] {strides = array<i32>} : memref<80x160xf32, #tpu.memory_space<vmem>>, vector<1x16xf32>,
      %swap3A_663 = vector.shape_cast %swap3A_662 : vector<1x16xf32> to vector<16xf32>
      %swap3A_664 = vector.shape_cast %mul3A_659 : vector<16xf32> to vector<1x16xf32>
      tpu.vector_store %arg11[%swap3A_660, %swap3A_661], %swap3A_664 {strides = array<i32>} : memref<80x160xf32, #tpu.memory_space<vmem>>, vector<1x16xf32>,
      %get3A_665 = arith.index_cast %scan3A_645 : i32 to index
      %get3A_666 = arith.constant 32 : index
      %get3A_667 = tpu.vector_load %arg11[%get3A_665, %get3A_666] {strides = array<i32>} : memref<80x160xf32, #tpu.memory_space<vmem>>, vector<1x16xf32>,
      %get3A_668 = vector.shape_cast %get3A_667 : vector<1x16xf32> to vector<16xf32>
      %mul3A_669 = arith.mulf %get3A_668, %get3A_668 : vector<16xf32>
      %swap3A_670 = arith.index_cast %scan3A_645 : i32 to index
      %swap3A_671 = arith.constant 32 : index
      %swap3A_672 = tpu.vector_load %arg11[%swap3A_670, %swap3A_671] {strides = array<i32>} : memref<80x160xf32, #tpu.memory_space<vmem>>, vector<1x16xf32>,
      %swap3A_673 = vector.shape_cast %swap3A_672 : vector<1x16xf32> to vector<16xf32>
      %swap3A_674 = vector.shape_cast %mul3A_669 : vector<16xf32> to vector<1x16xf32>
      tpu.vector_store %arg11[%swap3A_670, %swap3A_671], %swap3A_674 {strides = array<i32>} : memref<80x160xf32, #tpu.memory_space<vmem>>, vector<1x16xf32>,
      %get3A_675 = arith.index_cast %scan3A_645 : i32 to index
      %get3A_676 = arith.constant 48 : index
      %get3A_677 = tpu.vector_load %arg11[%get3A_675, %get3A_676] {strides = array<i32>} : memref<80x160xf32, #tpu.memory_space<vmem>>, vector<1x16xf32>,
      %get3A_678 = vector.shape_cast %get3A_677 : vector<1x16xf32> to vector<16xf32>
      %mul3A_679 = arith.mulf %get3A_678, %get3A_678 : vector<16xf32>
      %swap3A_680 = arith.index_cast %scan3A_645 : i32 to index
      %swap3A_681 = arith.constant 48 : index
      %swap3A_682 = tpu.vector_load %arg11[%swap3A_680, %swap3A_681] {strides = array<i32>} : memref<80x160xf32, #tpu.memory_space<vmem>>, vector<1x16xf32>,
      %swap3A_683 = vector.shape_cast %swap3A_682 : vector<1x16xf32> to vector<16xf32>
      %swap3A_684 = vector.shape_cast %mul3A_679 : vector<16xf32> to vector<1x16xf32>
      tpu.vector_store %arg11[%swap3A_680, %swap3A_681], %swap3A_684 {strides = array<i32>} : memref<80x160xf32, #tpu.memory_space<vmem>>, vector<1x16xf32>,
      %get3A_685 = arith.index_cast %scan3A_645 : i32 to index
      %get3A_686 = arith.constant 64 : index
      %get3A_687 = tpu.vector_load %arg11[%get3A_685, %get3A_686] {strides = array<i32>} : memref<80x160xf32, #tpu.memory_space<vmem>>, vector<1x16xf32>,
      %get3A_688 = vector.shape_cast %get3A_687 : vector<1x16xf32> to vector<16xf32>
      %mul3A_689 = arith.mulf %get3A_688, %get3A_688 : vector<16xf32>
      %swap3A_690 = arith.index_cast %scan3A_645 : i32 to index
      %swap3A_691 = arith.constant 64 : index
      %swap3A_692 = tpu.vector_load %arg11[%swap3A_690, %swap3A_691] {strides = array<i32>} : memref<80x160xf32, #tpu.memory_space<vmem>>, vector<1x16xf32>,
      %swap3A_693 = vector.shape_cast %swap3A_692 : vector<1x16xf32> to vector<16xf32>
      %swap3A_694 = vector.shape_cast %mul3A_689 : vector<16xf32> to vector<1x16xf32>
      tpu.vector_store %arg11[%swap3A_690, %swap3A_691], %swap3A_694 {strides = array<i32>} : memref<80x160xf32, #tpu.memory_space<vmem>>, vector<1x16xf32>,
      %get3A_695 = arith.index_cast %scan3A_645 : i32 to index
      %get3A_696 = arith.constant 80 : index
      %get3A_697 = tpu.vector_load %arg11[%get3A_695, %get3A_696] {strides = array<i32>} : memref<80x160xf32, #tpu.memory_space<vmem>>, vector<1x16xf32>,
      %get3A_698 = vector.shape_cast %get3A_697 : vector<1x16xf32> to vector<16xf32>
      %mul3A_699 = arith.mulf %get3A_698, %get3A_698 : vector<16xf32>
      %swap3A_700 = arith.index_cast %scan3A_645 : i32 to index
      %swap3A_701 = arith.constant 80 : index
      %swap3A_702 = tpu.vector_load %arg11[%swap3A_700, %swap3A_701] {strides = array<i32>} : memref<80x160xf32, #tpu.memory_space<vmem>>, vector<1x16xf32>,
      %swap3A_703 = vector.shape_cast %swap3A_702 : vector<1x16xf32> to vector<16xf32>
      %swap3A_704 = vector.shape_cast %mul3A_699 : vector<16xf32> to vector<1x16xf32>
      tpu.vector_store %arg11[%swap3A_700, %swap3A_701], %swap3A_704 {strides = array<i32>} : memref<80x160xf32, #tpu.memory_space<vmem>>, vector<1x16xf32>,
      %get3A_705 = arith.index_cast %scan3A_645 : i32 to index
      %get3A_706 = arith.constant 96 : index
      %get3A_707 = tpu.vector_load %arg11[%get3A_705, %get3A_706] {strides = array<i32>} : memref<80x160xf32, #tpu.memory_space<vmem>>, vector<1x16xf32>,
      %get3A_708 = vector.shape_cast %get3A_707 : vector<1x16xf32> to vector<16xf32>
      %mul3A_709 = arith.mulf %get3A_708, %get3A_708 : vector<16xf32>
      %swap3A_710 = arith.index_cast %scan3A_645 : i32 to index
      %swap3A_711 = arith.constant 96 : index
      %swap3A_712 = tpu.vector_load %arg11[%swap3A_710, %swap3A_711] {strides = array<i32>} : memref<80x160xf32, #tpu.memory_space<vmem>>, vector<1x16xf32>,
      %swap3A_713 = vector.shape_cast %swap3A_712 : vector<1x16xf32> to vector<16xf32>
      %swap3A_714 = vector.shape_cast %mul3A_709 : vector<16xf32> to vector<1x16xf32>
      tpu.vector_store %arg11[%swap3A_710, %swap3A_711], %swap3A_714 {strides = array<i32>} : memref<80x160xf32, #tpu.memory_space<vmem>>, vector<1x16xf32>,
      %get3A_715 = arith.index_cast %scan3A_645 : i32 to index
      %get3A_716 = arith.constant 112 : index
      %get3A_717 = tpu.vector_load %arg11[%get3A_715, %get3A_716] {strides = array<i32>} : memref<80x160xf32, #tpu.memory_space<vmem>>, vector<1x16xf32>,
      %get3A_718 = vector.shape_cast %get3A_717 : vector<1x16xf32> to vector<16xf32>
      %mul3A_719 = arith.mulf %get3A_718, %get3A_718 : vector<16xf32>
      %swap3A_720 = arith.index_cast %scan3A_645 : i32 to index
      %swap3A_721 = arith.constant 112 : index
      %swap3A_722 = tpu.vector_load %arg11[%swap3A_720, %swap3A_721] {strides = array<i32>} : memref<80x160xf32, #tpu.memory_space<vmem>>, vector<1x16xf32>,
      %swap3A_723 = vector.shape_cast %swap3A_722 : vector<1x16xf32> to vector<16xf32>
      %swap3A_724 = vector.shape_cast %mul3A_719 : vector<16xf32> to vector<1x16xf32>
      tpu.vector_store %arg11[%swap3A_720, %swap3A_721], %swap3A_724 {strides = array<i32>} : memref<80x160xf32, #tpu.memory_space<vmem>>, vector<1x16xf32>,
      %get3A_725 = arith.index_cast %scan3A_645 : i32 to index
      %get3A_726 = arith.constant 128 : index
      %get3A_727 = tpu.vector_load %arg11[%get3A_725, %get3A_726] {strides = array<i32>} : memref<80x160xf32, #tpu.memory_space<vmem>>, vector<1x16xf32>,
      %get3A_728 = vector.shape_cast %get3A_727 : vector<1x16xf32> to vector<16xf32>
      %mul3A_729 = arith.mulf %get3A_728, %get3A_728 : vector<16xf32>
      %swap3A_730 = arith.index_cast %scan3A_645 : i32 to index
      %swap3A_731 = arith.constant 128 : index
      %swap3A_732 = tpu.vector_load %arg11[%swap3A_730, %swap3A_731] {strides = array<i32>} : memref<80x160xf32, #tpu.memory_space<vmem>>, vector<1x16xf32>,
      %swap3A_733 = vector.shape_cast %swap3A_732 : vector<1x16xf32> to vector<16xf32>
      %swap3A_734 = vector.shape_cast %mul3A_729 : vector<16xf32> to vector<1x16xf32>
      tpu.vector_store %arg11[%swap3A_730, %swap3A_731], %swap3A_734 {strides = array<i32>} : memref<80x160xf32, #tpu.memory_space<vmem>>, vector<1x16xf32>,
      %get3A_735 = arith.index_cast %scan3A_645 : i32 to index
      %get3A_736 = arith.constant 144 : index
      %get3A_737 = tpu.vector_load %arg11[%get3A_735, %get3A_736] {strides = array<i32>} : memref<80x160xf32, #tpu.memory_space<vmem>>, vector<1x16xf32>,
      %get3A_738 = vector.shape_cast %get3A_737 : vector<1x16xf32> to vector<16xf32>
      %mul3A_739 = arith.mulf %get3A_738, %get3A_738 : vector<16xf32>
      %swap3A_740 = arith.index_cast %scan3A_645 : i32 to index
      %swap3A_741 = arith.constant 144 : index
      %swap3A_742 = tpu.vector_load %arg11[%swap3A_740, %swap3A_741] {strides = array<i32>} : memref<80x160xf32, #tpu.memory_space<vmem>>, vector<1x16xf32>,
      %swap3A_743 = vector.shape_cast %swap3A_742 : vector<1x16xf32> to vector<16xf32>
      %swap3A_744 = vector.shape_cast %mul3A_739 : vector<16xf32> to vector<1x16xf32>
      tpu.vector_store %arg11[%swap3A_740, %swap3A_741], %swap3A_744 {strides = array<i32>} : memref<80x160xf32, #tpu.memory_space<vmem>>, vector<1x16xf32>,
      %scan3A_745 = arith.constant 0 : i32
      scf.yield %scan3A_745 : i32
    }
    %scan3A_252 = arith.constant 80 : i32
    %dma_start3A_253 = arith.constant 0 : i32
    %dma_start3A_254 = arith.constant 0 : i32
    %dma_start3A_255 = tpu.memref_slice %arg13[%dma_start3A_253, %dma_start3A_254] : memref<10000x160xf32, #tpu.memory_space<vmem_shared>> -> memref<10000x160xf32, #tpu.memory_space<vmem_shared>>
    tpu.enqueue_indirect_dma source(%arg11 : memref<80x160xf32, #tpu.memory_space<vmem>>) target(%dma_start3A_255 : memref<10000x160xf32, #tpu.memory_space<vmem_shared>>) offsets(%arg9 : memref<80xi32, #tpu.memory_space<vmem>>) semaphore(%arg18 : memref<!tpu.dma_semaphore, #tpu.memory_space<semaphore_mem>>) {add = true}
    %dma_wait3A_256 = arith.constant 0 : i32
    %dma_wait3A_257 = arith.constant 0 : i32
    %dma_wait3A_258 = tpu.memref_slice %arg13[%dma_wait3A_256, %dma_wait3A_257] : memref<10000x160xf32, #tpu.memory_space<vmem_shared>> -> memref<10000x160xf32, #tpu.memory_space<vmem_shared>>
    tpu.wait_indirect_dma semaphore(%arg18 : memref<!tpu.dma_semaphore, #tpu.memory_space<semaphore_mem>>) src(%arg11 : memref<80x160xf32, #tpu.memory_space<vmem>>) dst(%dma_wait3A_258 : memref<10000x160xf32, #tpu.memory_space<vmem_shared>>)
    %barrier3A_259 = arith.constant 0 : index
    tpu.barrier barrier_id(%barrier3A_259)
    %add3A_260 = arith.constant 0 : i32
    %add3A_261 = arith.addi %arg1, %add3A_260 : i32
    %lt3A_262 = arith.constant 125 : i32
    %lt3A_263 = arith.cmpi slt, %add3A_261, %lt3A_262 : i32
    %convert_element_type3A_264 = arith.extui %lt3A_263 : i1 to i32
    %cond3A_265 = arith.constant 0 : i32
    %cond3A_266 = arith.cmpi ne, %convert_element_type3A_264, %cond3A_265 : i32
    scf.if %cond3A_266 {
      %mul3A_645 = arith.constant 80 : i32
      %mul3A_646 = arith.muli %add3A_261, %mul3A_645 : i32
      "tpu.region"() ({
        %run_scoped3A = tpu.sem_alloc : memref<!tpu.dma_semaphore, #tpu.memory_space<semaphore_mem>>
        %dma_start3A_647 = arith.constant 0 : i32
        %dma_start3A_648 = tpu.memref_slice %arg6[%arg0, %mul3A_646, %dma_start3A_647] : memref<2x10000x160xf32, #tpu.memory_space<hbm>> -> memref<1x80x160xf32, #tpu.memory_space<hbm>>
        %dma_start3A_649 = tpu.memref_squeeze %dma_start3A_648 : memref<1x80x160xf32, #tpu.memory_space<hbm>> -> memref<80x160xf32, #tpu.memory_space<hbm>>
        %dma_start3A_650 = arith.constant 0 : i32
        %dma_start3A_651 = tpu.memref_slice %arg13[%mul3A_646, %dma_start3A_650] : memref<10000x160xf32, #tpu.memory_space<vmem_shared>> -> memref<80x160xf32, #tpu.memory_space<vmem_shared>>
        tpu.enqueue_dma source(%dma_start3A_651 : memref<80x160xf32, #tpu.memory_space<vmem_shared>>) target(%dma_start3A_649 : memref<80x160xf32, #tpu.memory_space<hbm>>) target_semaphore(%run_scoped3A : memref<!tpu.dma_semaphore, #tpu.memory_space<semaphore_mem>>)
        %dma_wait3A_652 = arith.constant 0 : i32
        %dma_wait3A_653 = tpu.memref_slice %arg6[%arg0, %mul3A_646, %dma_wait3A_652] : memref<2x10000x160xf32, #tpu.memory_space<hbm>> -> memref<1x80x160xf32, #tpu.memory_space<hbm>>
        %dma_wait3A_654 = tpu.memref_squeeze %dma_wait3A_653 : memref<1x80x160xf32, #tpu.memory_space<hbm>> -> memref<80x160xf32, #tpu.memory_space<hbm>>
        %dma_wait3A_655 = arith.constant 0 : i32
        %dma_wait3A_656 = tpu.memref_slice %arg13[%mul3A_646, %dma_wait3A_655] : memref<10000x160xf32, #tpu.memory_space<vmem_shared>> -> memref<80x160xf32, #tpu.memory_space<vmem_shared>>
        tpu.wait_dma2 semaphore(%run_scoped3A : memref<!tpu.dma_semaphore, #tpu.memory_space<semaphore_mem>>) src(%dma_wait3A_656 : memref<80x160xf32, #tpu.memory_space<vmem_shared>>) dst(%dma_wait3A_654 : memref<80x160xf32, #tpu.memory_space<hbm>>)
        tpu.yield
      }) : () -> ()
    } else {
    }
    %add3A_267 = arith.constant 16 : i32
    %add3A_268 = arith.addi %arg1, %add3A_267 : i32
    %lt3A_269 = arith.constant 125 : i32
    %lt3A_270 = arith.cmpi slt, %add3A_268, %lt3A_269 : i32
    %convert_element_type3A_271 = arith.extui %lt3A_270 : i1 to i32
    %cond3A_272 = arith.constant 0 : i32
    %cond3A_273 = arith.cmpi ne, %convert_element_type3A_271, %cond3A_272 : i32
    scf.if %cond3A_273 {
      %mul3A_645 = arith.constant 80 : i32
      %mul3A_646 = arith.muli %add3A_268, %mul3A_645 : i32
      "tpu.region"() ({
        %run_scoped3A = tpu.sem_alloc : memref<!tpu.dma_semaphore, #tpu.memory_space<semaphore_mem>>
        %dma_start3A_647 = arith.constant 0 : i32
        %dma_start3A_648 = tpu.memref_slice %arg6[%arg0, %mul3A_646, %dma_start3A_647] : memref<2x10000x160xf32, #tpu.memory_space<hbm>> -> memref<1x80x160xf32, #tpu.memory_space<hbm>>
        %dma_start3A_649 = tpu.memref_squeeze %dma_start3A_648 : memref<1x80x160xf32, #tpu.memory_space<hbm>> -> memref<80x160xf32, #tpu.memory_space<hbm>>
        %dma_start3A_650 = arith.constant 0 : i32
        %dma_start3A_651 = tpu.memref_slice %arg13[%mul3A_646, %dma_start3A_650] : memref<10000x160xf32, #tpu.memory_space<vmem_shared>> -> memref<80x160xf32, #tpu.memory_space<vmem_shared>>
        tpu.enqueue_dma source(%dma_start3A_651 : memref<80x160xf32, #tpu.memory_space<vmem_shared>>) target(%dma_start3A_649 : memref<80x160xf32, #tpu.memory_space<hbm>>) target_semaphore(%run_scoped3A : memref<!tpu.dma_semaphore, #tpu.memory_space<semaphore_mem>>)
        %dma_wait3A_652 = arith.constant 0 : i32
        %dma_wait3A_653 = tpu.memref_slice %arg6[%arg0, %mul3A_646, %dma_wait3A_652] : memref<2x10000x160xf32, #tpu.memory_space<hbm>> -> memref<1x80x160xf32, #tpu.memory_space<hbm>>
        %dma_wait3A_654 = tpu.memref_squeeze %dma_wait3A_653 : memref<1x80x160xf32, #tpu.memory_space<hbm>> -> memref<80x160xf32, #tpu.memory_space<hbm>>
        %dma_wait3A_655 = arith.constant 0 : i32
        %dma_wait3A_656 = tpu.memref_slice %arg13[%mul3A_646, %dma_wait3A_655] : memref<10000x160xf32, #tpu.memory_space<vmem_shared>> -> memref<80x160xf32, #tpu.memory_space<vmem_shared>>
        tpu.wait_dma2 semaphore(%run_scoped3A : memref<!tpu.dma_semaphore, #tpu.memory_space<semaphore_mem>>) src(%dma_wait3A_656 : memref<80x160xf32, #tpu.memory_space<vmem_shared>>) dst(%dma_wait3A_654 : memref<80x160xf32, #tpu.memory_space<hbm>>)
        tpu.yield
      }) : () -> ()
    } else {
    }
    %add3A_274 = arith.constant 32 : i32
    %add3A_275 = arith.addi %arg1, %add3A_274 : i32
    %lt3A_276 = arith.constant 125 : i32
    %lt3A_277 = arith.cmpi slt, %add3A_275, %lt3A_276 : i32
    %convert_element_type3A_278 = arith.extui %lt3A_277 : i1 to i32
    %cond3A_279 = arith.constant 0 : i32
    %cond3A_280 = arith.cmpi ne, %convert_element_type3A_278, %cond3A_279 : i32
    scf.if %cond3A_280 {
      %mul3A_645 = arith.constant 80 : i32
      %mul3A_646 = arith.muli %add3A_275, %mul3A_645 : i32
      "tpu.region"() ({
        %run_scoped3A = tpu.sem_alloc : memref<!tpu.dma_semaphore, #tpu.memory_space<semaphore_mem>>
        %dma_start3A_647 = arith.constant 0 : i32
        %dma_start3A_648 = tpu.memref_slice %arg6[%arg0, %mul3A_646, %dma_start3A_647] : memref<2x10000x160xf32, #tpu.memory_space<hbm>> -> memref<1x80x160xf32, #tpu.memory_space<hbm>>
        %dma_start3A_649 = tpu.memref_squeeze %dma_start3A_648 : memref<1x80x160xf32, #tpu.memory_space<hbm>> -> memref<80x160xf32, #tpu.memory_space<hbm>>
        %dma_start3A_650 = arith.constant 0 : i32
        %dma_start3A_651 = tpu.memref_slice %arg13[%mul3A_646, %dma_start3A_650] : memref<10000x160xf32, #tpu.memory_space<vmem_shared>> -> memref<80x160xf32, #tpu.memory_space<vmem_shared>>
        tpu.enqueue_dma source(%dma_start3A_651 : memref<80x160xf32, #tpu.memory_space<vmem_shared>>) target(%dma_start3A_649 : memref<80x160xf32, #tpu.memory_space<hbm>>) target_semaphore(%run_scoped3A : memref<!tpu.dma_semaphore, #tpu.memory_space<semaphore_mem>>)
        %dma_wait3A_652 = arith.constant 0 : i32
        %dma_wait3A_653 = tpu.memref_slice %arg6[%arg0, %mul3A_646, %dma_wait3A_652] : memref<2x10000x160xf32, #tpu.memory_space<hbm>> -> memref<1x80x160xf32, #tpu.memory_space<hbm>>
        %dma_wait3A_654 = tpu.memref_squeeze %dma_wait3A_653 : memref<1x80x160xf32, #tpu.memory_space<hbm>> -> memref<80x160xf32, #tpu.memory_space<hbm>>
        %dma_wait3A_655 = arith.constant 0 : i32
        %dma_wait3A_656 = tpu.memref_slice %arg13[%mul3A_646, %dma_wait3A_655] : memref<10000x160xf32, #tpu.memory_space<vmem_shared>> -> memref<80x160xf32, #tpu.memory_space<vmem_shared>>
        tpu.wait_dma2 semaphore(%run_scoped3A : memref<!tpu.dma_semaphore, #tpu.memory_space<semaphore_mem>>) src(%dma_wait3A_656 : memref<80x160xf32, #tpu.memory_space<vmem_shared>>) dst(%dma_wait3A_654 : memref<80x160xf32, #tpu.memory_space<hbm>>)
        tpu.yield
      }) : () -> ()
    } else {
    }
    %add3A_281 = arith.constant 48 : i32
    %add3A_282 = arith.addi %arg1, %add3A_281 : i32
    %lt3A_283 = arith.constant 125 : i32
    %lt3A_284 = arith.cmpi slt, %add3A_282, %lt3A_283 : i32
    %convert_element_type3A_285 = arith.extui %lt3A_284 : i1 to i32
    %cond3A_286 = arith.constant 0 : i32
    %cond3A_287 = arith.cmpi ne, %convert_element_type3A_285, %cond3A_286 : i32
    scf.if %cond3A_287 {
      %mul3A_645 = arith.constant 80 : i32
      %mul3A_646 = arith.muli %add3A_282, %mul3A_645 : i32
      "tpu.region"() ({
        %run_scoped3A = tpu.sem_alloc : memref<!tpu.dma_semaphore, #tpu.memory_space<semaphore_mem>>
        %dma_start3A_647 = arith.constant 0 : i32
        %dma_start3A_648 = tpu.memref_slice %arg6[%arg0, %mul3A_646, %dma_start3A_647] : memref<2x10000x160xf32, #tpu.memory_space<hbm>> -> memref<1x80x160xf32, #tpu.memory_space<hbm>>
        %dma_start3A_649 = tpu.memref_squeeze %dma_start3A_648 : memref<1x80x160xf32, #tpu.memory_space<hbm>> -> memref<80x160xf32, #tpu.memory_space<hbm>>
        %dma_start3A_650 = arith.constant 0 : i32
        %dma_start3A_651 = tpu.memref_slice %arg13[%mul3A_646, %dma_start3A_650] : memref<10000x160xf32, #tpu.memory_space<vmem_shared>> -> memref<80x160xf32, #tpu.memory_space<vmem_shared>>
        tpu.enqueue_dma source(%dma_start3A_651 : memref<80x160xf32, #tpu.memory_space<vmem_shared>>) target(%dma_start3A_649 : memref<80x160xf32, #tpu.memory_space<hbm>>) target_semaphore(%run_scoped3A : memref<!tpu.dma_semaphore, #tpu.memory_space<semaphore_mem>>)
        %dma_wait3A_652 = arith.constant 0 : i32
        %dma_wait3A_653 = tpu.memref_slice %arg6[%arg0, %mul3A_646, %dma_wait3A_652] : memref<2x10000x160xf32, #tpu.memory_space<hbm>> -> memref<1x80x160xf32, #tpu.memory_space<hbm>>
        %dma_wait3A_654 = tpu.memref_squeeze %dma_wait3A_653 : memref<1x80x160xf32, #tpu.memory_space<hbm>> -> memref<80x160xf32, #tpu.memory_space<hbm>>
        %dma_wait3A_655 = arith.constant 0 : i32
        %dma_wait3A_656 = tpu.memref_slice %arg13[%mul3A_646, %dma_wait3A_655] : memref<10000x160xf32, #tpu.memory_space<vmem_shared>> -> memref<80x160xf32, #tpu.memory_space<vmem_shared>>
        tpu.wait_dma2 semaphore(%run_scoped3A : memref<!tpu.dma_semaphore, #tpu.memory_space<semaphore_mem>>) src(%dma_wait3A_656 : memref<80x160xf32, #tpu.memory_space<vmem_shared>>) dst(%dma_wait3A_654 : memref<80x160xf32, #tpu.memory_space<hbm>>)
        tpu.yield
      }) : () -> ()
    } else {
    }
    %add3A_288 = arith.constant 64 : i32
    %add3A_289 = arith.addi %arg1, %add3A_288 : i32
    %lt3A_290 = arith.constant 125 : i32
    %lt3A_291 = arith.cmpi slt, %add3A_289, %lt3A_290 : i32
    %convert_element_type3A_292 = arith.extui %lt3A_291 : i1 to i32
    %cond3A_293 = arith.constant 0 : i32
    %cond3A_294 = arith.cmpi ne, %convert_element_type3A_292, %cond3A_293 : i32
    scf.if %cond3A_294 {
      %mul3A_645 = arith.constant 80 : i32
      %mul3A_646 = arith.muli %add3A_289, %mul3A_645 : i32
      "tpu.region"() ({
        %run_scoped3A = tpu.sem_alloc : memref<!tpu.dma_semaphore, #tpu.memory_space<semaphore_mem>>
        %dma_start3A_647 = arith.constant 0 : i32
        %dma_start3A_648 = tpu.memref_slice %arg6[%arg0, %mul3A_646, %dma_start3A_647] : memref<2x10000x160xf32, #tpu.memory_space<hbm>> -> memref<1x80x160xf32, #tpu.memory_space<hbm>>
        %dma_start3A_649 = tpu.memref_squeeze %dma_start3A_648 : memref<1x80x160xf32, #tpu.memory_space<hbm>> -> memref<80x160xf32, #tpu.memory_space<hbm>>
        %dma_start3A_650 = arith.constant 0 : i32
        %dma_start3A_651 = tpu.memref_slice %arg13[%mul3A_646, %dma_start3A_650] : memref<10000x160xf32, #tpu.memory_space<vmem_shared>> -> memref<80x160xf32, #tpu.memory_space<vmem_shared>>
        tpu.enqueue_dma source(%dma_start3A_651 : memref<80x160xf32, #tpu.memory_space<vmem_shared>>) target(%dma_start3A_649 : memref<80x160xf32, #tpu.memory_space<hbm>>) target_semaphore(%run_scoped3A : memref<!tpu.dma_semaphore, #tpu.memory_space<semaphore_mem>>)
        %dma_wait3A_652 = arith.constant 0 : i32
        %dma_wait3A_653 = tpu.memref_slice %arg6[%arg0, %mul3A_646, %dma_wait3A_652] : memref<2x10000x160xf32, #tpu.memory_space<hbm>> -> memref<1x80x160xf32, #tpu.memory_space<hbm>>
        %dma_wait3A_654 = tpu.memref_squeeze %dma_wait3A_653 : memref<1x80x160xf32, #tpu.memory_space<hbm>> -> memref<80x160xf32, #tpu.memory_space<hbm>>
        %dma_wait3A_655 = arith.constant 0 : i32
        %dma_wait3A_656 = tpu.memref_slice %arg13[%mul3A_646, %dma_wait3A_655] : memref<10000x160xf32, #tpu.memory_space<vmem_shared>> -> memref<80x160xf32, #tpu.memory_space<vmem_shared>>
        tpu.wait_dma2 semaphore(%run_scoped3A : memref<!tpu.dma_semaphore, #tpu.memory_space<semaphore_mem>>) src(%dma_wait3A_656 : memref<80x160xf32, #tpu.memory_space<vmem_shared>>) dst(%dma_wait3A_654 : memref<80x160xf32, #tpu.memory_space<hbm>>)
        tpu.yield
      }) : () -> ()
    } else {
    }
    %add3A_295 = arith.constant 80 : i32
    %add3A_296 = arith.addi %arg1, %add3A_295 : i32
    %lt3A_297 = arith.constant 125 : i32
    %lt3A_298 = arith.cmpi slt, %add3A_296, %lt3A_297 : i32
    %convert_element_type3A_299 = arith.extui %lt3A_298 : i1 to i32
    %cond3A_300 = arith.constant 0 : i32
    %cond3A_301 = arith.cmpi ne, %convert_element_type3A_299, %cond3A_300 : i32
    scf.if %cond3A_301 {
      %mul3A_645 = arith.constant 80 : i32
      %mul3A_646 = arith.muli %add3A_296, %mul3A_645 : i32
      "tpu.region"() ({
        %run_scoped3A = tpu.sem_alloc : memref<!tpu.dma_semaphore, #tpu.memory_space<semaphore_mem>>
        %dma_start3A_647 = arith.constant 0 : i32
        %dma_start3A_648 = tpu.memref_slice %arg6[%arg0, %mul3A_646, %dma_start3A_647] : memref<2x10000x160xf32, #tpu.memory_space<hbm>> -> memref<1x80x160xf32, #tpu.memory_space<hbm>>
        %dma_start3A_649 = tpu.memref_squeeze %dma_start3A_648 : memref<1x80x160xf32, #tpu.memory_space<hbm>> -> memref<80x160xf32, #tpu.memory_space<hbm>>
        %dma_start3A_650 = arith.constant 0 : i32
        %dma_start3A_651 = tpu.memref_slice %arg13[%mul3A_646, %dma_start3A_650] : memref<10000x160xf32, #tpu.memory_space<vmem_shared>> -> memref<80x160xf32, #tpu.memory_space<vmem_shared>>
        tpu.enqueue_dma source(%dma_start3A_651 : memref<80x160xf32, #tpu.memory_space<vmem_shared>>) target(%dma_start3A_649 : memref<80x160xf32, #tpu.memory_space<hbm>>) target_semaphore(%run_scoped3A : memref<!tpu.dma_semaphore, #tpu.memory_space<semaphore_mem>>)
        %dma_wait3A_652 = arith.constant 0 : i32
        %dma_wait3A_653 = tpu.memref_slice %arg6[%arg0, %mul3A_646, %dma_wait3A_652] : memref<2x10000x160xf32, #tpu.memory_space<hbm>> -> memref<1x80x160xf32, #tpu.memory_space<hbm>>
        %dma_wait3A_654 = tpu.memref_squeeze %dma_wait3A_653 : memref<1x80x160xf32, #tpu.memory_space<hbm>> -> memref<80x160xf32, #tpu.memory_space<hbm>>
        %dma_wait3A_655 = arith.constant 0 : i32
        %dma_wait3A_656 = tpu.memref_slice %arg13[%mul3A_646, %dma_wait3A_655] : memref<10000x160xf32, #tpu.memory_space<vmem_shared>> -> memref<80x160xf32, #tpu.memory_space<vmem_shared>>
        tpu.wait_dma2 semaphore(%run_scoped3A : memref<!tpu.dma_semaphore, #tpu.memory_space<semaphore_mem>>) src(%dma_wait3A_656 : memref<80x160xf32, #tpu.memory_space<vmem_shared>>) dst(%dma_wait3A_654 : memref<80x160xf32, #tpu.memory_space<hbm>>)
        tpu.yield
      }) : () -> ()
    } else {
    }
    %add3A_302 = arith.constant 96 : i32
    %add3A_303 = arith.addi %arg1, %add3A_302 : i32
    %lt3A_304 = arith.constant 125 : i32
    %lt3A_305 = arith.cmpi slt, %add3A_303, %lt3A_304 : i32
    %convert_element_type3A_306 = arith.extui %lt3A_305 : i1 to i32
    %cond3A_307 = arith.constant 0 : i32
    %cond3A_308 = arith.cmpi ne, %convert_element_type3A_306, %cond3A_307 : i32
    scf.if %cond3A_308 {
      %mul3A_645 = arith.constant 80 : i32
      %mul3A_646 = arith.muli %add3A_303, %mul3A_645 : i32
      "tpu.region"() ({
        %run_scoped3A = tpu.sem_alloc : memref<!tpu.dma_semaphore, #tpu.memory_space<semaphore_mem>>
        %dma_start3A_647 = arith.constant 0 : i32
        %dma_start3A_648 = tpu.memref_slice %arg6[%arg0, %mul3A_646, %dma_start3A_647] : memref<2x10000x160xf32, #tpu.memory_space<hbm>> -> memref<1x80x160xf32, #tpu.memory_space<hbm>>
        %dma_start3A_649 = tpu.memref_squeeze %dma_start3A_648 : memref<1x80x160xf32, #tpu.memory_space<hbm>> -> memref<80x160xf32, #tpu.memory_space<hbm>>
        %dma_start3A_650 = arith.constant 0 : i32
        %dma_start3A_651 = tpu.memref_slice %arg13[%mul3A_646, %dma_start3A_650] : memref<10000x160xf32, #tpu.memory_space<vmem_shared>> -> memref<80x160xf32, #tpu.memory_space<vmem_shared>>
        tpu.enqueue_dma source(%dma_start3A_651 : memref<80x160xf32, #tpu.memory_space<vmem_shared>>) target(%dma_start3A_649 : memref<80x160xf32, #tpu.memory_space<hbm>>) target_semaphore(%run_scoped3A : memref<!tpu.dma_semaphore, #tpu.memory_space<semaphore_mem>>)
        %dma_wait3A_652 = arith.constant 0 : i32
        %dma_wait3A_653 = tpu.memref_slice %arg6[%arg0, %mul3A_646, %dma_wait3A_652] : memref<2x10000x160xf32, #tpu.memory_space<hbm>> -> memref<1x80x160xf32, #tpu.memory_space<hbm>>
        %dma_wait3A_654 = tpu.memref_squeeze %dma_wait3A_653 : memref<1x80x160xf32, #tpu.memory_space<hbm>> -> memref<80x160xf32, #tpu.memory_space<hbm>>
        %dma_wait3A_655 = arith.constant 0 : i32
        %dma_wait3A_656 = tpu.memref_slice %arg13[%mul3A_646, %dma_wait3A_655] : memref<10000x160xf32, #tpu.memory_space<vmem_shared>> -> memref<80x160xf32, #tpu.memory_space<vmem_shared>>
        tpu.wait_dma2 semaphore(%run_scoped3A : memref<!tpu.dma_semaphore, #tpu.memory_space<semaphore_mem>>) src(%dma_wait3A_656 : memref<80x160xf32, #tpu.memory_space<vmem_shared>>) dst(%dma_wait3A_654 : memref<80x160xf32, #tpu.memory_space<hbm>>)
        tpu.yield
      }) : () -> ()
    } else {
    }
    %add3A_309 = arith.constant 112 : i32
    %add3A_310 = arith.addi %arg1, %add3A_309 : i32
    %lt3A_311 = arith.constant 125 : i32
    %lt3A_312 = arith.cmpi slt, %add3A_310, %lt3A_311 : i32
    %convert_element_type3A_313 = arith.extui %lt3A_312 : i1 to i32
    %cond3A_314 = arith.constant 0 : i32
    %cond3A_315 = arith.cmpi ne, %convert_element_type3A_313, %cond3A_314 : i32
    scf.if %cond3A_315 {
      %mul3A_645 = arith.constant 80 : i32
      %mul3A_646 = arith.muli %add3A_310, %mul3A_645 : i32
      "tpu.region"() ({
        %run_scoped3A = tpu.sem_alloc : memref<!tpu.dma_semaphore, #tpu.memory_space<semaphore_mem>>
        %dma_start3A_647 = arith.constant 0 : i32
        %dma_start3A_648 = tpu.memref_slice %arg6[%arg0, %mul3A_646, %dma_start3A_647] : memref<2x10000x160xf32, #tpu.memory_space<hbm>> -> memref<1x80x160xf32, #tpu.memory_space<hbm>>
        %dma_start3A_649 = tpu.memref_squeeze %dma_start3A_648 : memref<1x80x160xf32, #tpu.memory_space<hbm>> -> memref<80x160xf32, #tpu.memory_space<hbm>>
        %dma_start3A_650 = arith.constant 0 : i32
        %dma_start3A_651 = tpu.memref_slice %arg13[%mul3A_646, %dma_start3A_650] : memref<10000x160xf32, #tpu.memory_space<vmem_shared>> -> memref<80x160xf32, #tpu.memory_space<vmem_shared>>
        tpu.enqueue_dma source(%dma_start3A_651 : memref<80x160xf32, #tpu.memory_space<vmem_shared>>) target(%dma_start3A_649 : memref<80x160xf32, #tpu.memory_space<hbm>>) target_semaphore(%run_scoped3A : memref<!tpu.dma_semaphore, #tpu.memory_space<semaphore_mem>>)
        %dma_wait3A_652 = arith.constant 0 : i32
        %dma_wait3A_653 = tpu.memref_slice %arg6[%arg0, %mul3A_646, %dma_wait3A_652] : memref<2x10000x160xf32, #tpu.memory_space<hbm>> -> memref<1x80x160xf32, #tpu.memory_space<hbm>>
        %dma_wait3A_654 = tpu.memref_squeeze %dma_wait3A_653 : memref<1x80x160xf32, #tpu.memory_space<hbm>> -> memref<80x160xf32, #tpu.memory_space<hbm>>
        %dma_wait3A_655 = arith.constant 0 : i32
        %dma_wait3A_656 = tpu.memref_slice %arg13[%mul3A_646, %dma_wait3A_655] : memref<10000x160xf32, #tpu.memory_space<vmem_shared>> -> memref<80x160xf32, #tpu.memory_space<vmem_shared>>
        tpu.wait_dma2 semaphore(%run_scoped3A : memref<!tpu.dma_semaphore, #tpu.memory_space<semaphore_mem>>) src(%dma_wait3A_656 : memref<80x160xf32, #tpu.memory_space<vmem_shared>>) dst(%dma_wait3A_654 : memref<80x160xf32, #tpu.memory_space<hbm>>)
        tpu.yield
      }) : () -> ()
    } else {
    }
    %barrier3A_316 = arith.constant 0 : index
    tpu.barrier barrier_id(%barrier3A_316)
    %add3A_317 = arith.constant 0 : i32
    %add3A_318 = arith.addi %arg1, %add3A_317 : i32
    %lt3A_319 = arith.constant 125 : i32
    %lt3A_320 = arith.cmpi slt, %add3A_318, %lt3A_319 : i32
    %convert_element_type3A_321 = arith.extui %lt3A_320 : i1 to i32
    %cond3A_322 = arith.constant 0 : i32
    %cond3A_323 = arith.cmpi ne, %convert_element_type3A_321, %cond3A_322 : i32
    scf.if %cond3A_323 {
      %mul3A_645 = arith.constant 80 : i32
      %mul3A_646 = arith.muli %add3A_318, %mul3A_645 : i32
      "tpu.region"() ({
        %run_scoped3A = tpu.sem_alloc : memref<!tpu.dma_semaphore, #tpu.memory_space<semaphore_mem>>
        %dma_start3A_647 = arith.constant 0 : i32
        %dma_start3A_648 = tpu.memref_slice %arg13[%mul3A_646, %dma_start3A_647] : memref<10000x160xf32, #tpu.memory_space<vmem_shared>> -> memref<80x160xf32, #tpu.memory_space<vmem_shared>>
        tpu.enqueue_dma source(%arg4 : memref<80x160xf32, #tpu.memory_space<hbm>>) target(%dma_start3A_648 : memref<80x160xf32, #tpu.memory_space<vmem_shared>>) target_semaphore(%run_scoped3A : memref<!tpu.dma_semaphore, #tpu.memory_space<semaphore_mem>>)
        %dma_wait3A_649 = arith.constant 0 : i32
        %dma_wait3A_650 = tpu.memref_slice %arg13[%mul3A_646, %dma_wait3A_649] : memref<10000x160xf32, #tpu.memory_space<vmem_shared>> -> memref<80x160xf32, #tpu.memory_space<vmem_shared>>
        tpu.wait_dma2 semaphore(%run_scoped3A : memref<!tpu.dma_semaphore, #tpu.memory_space<semaphore_mem>>) src(%arg4 : memref<80x160xf32, #tpu.memory_space<hbm>>) dst(%dma_wait3A_650 : memref<80x160xf32, #tpu.memory_space<vmem_shared>>)
        tpu.yield
      }) : () -> ()
    } else {
    }
    %add3A_324 = arith.constant 16 : i32
    %add3A_325 = arith.addi %arg1, %add3A_324 : i32
    %lt3A_326 = arith.constant 125 : i32
    %lt3A_327 = arith.cmpi slt, %add3A_325, %lt3A_326 : i32
    %convert_element_type3A_328 = arith.extui %lt3A_327 : i1 to i32
    %cond3A_329 = arith.constant 0 : i32
    %cond3A_330 = arith.cmpi ne, %convert_element_type3A_328, %cond3A_329 : i32
    scf.if %cond3A_330 {
      %mul3A_645 = arith.constant 80 : i32
      %mul3A_646 = arith.muli %add3A_325, %mul3A_645 : i32
      "tpu.region"() ({
        %run_scoped3A = tpu.sem_alloc : memref<!tpu.dma_semaphore, #tpu.memory_space<semaphore_mem>>
        %dma_start3A_647 = arith.constant 0 : i32
        %dma_start3A_648 = tpu.memref_slice %arg13[%mul3A_646, %dma_start3A_647] : memref<10000x160xf32, #tpu.memory_space<vmem_shared>> -> memref<80x160xf32, #tpu.memory_space<vmem_shared>>
        tpu.enqueue_dma source(%arg4 : memref<80x160xf32, #tpu.memory_space<hbm>>) target(%dma_start3A_648 : memref<80x160xf32, #tpu.memory_space<vmem_shared>>) target_semaphore(%run_scoped3A : memref<!tpu.dma_semaphore, #tpu.memory_space<semaphore_mem>>)
        %dma_wait3A_649 = arith.constant 0 : i32
        %dma_wait3A_650 = tpu.memref_slice %arg13[%mul3A_646, %dma_wait3A_649] : memref<10000x160xf32, #tpu.memory_space<vmem_shared>> -> memref<80x160xf32, #tpu.memory_space<vmem_shared>>
        tpu.wait_dma2 semaphore(%run_scoped3A : memref<!tpu.dma_semaphore, #tpu.memory_space<semaphore_mem>>) src(%arg4 : memref<80x160xf32, #tpu.memory_space<hbm>>) dst(%dma_wait3A_650 : memref<80x160xf32, #tpu.memory_space<vmem_shared>>)
        tpu.yield
      }) : () -> ()
    } else {
    }
    %add3A_331 = arith.constant 32 : i32
    %add3A_332 = arith.addi %arg1, %add3A_331 : i32
    %lt3A_333 = arith.constant 125 : i32
    %lt3A_334 = arith.cmpi slt, %add3A_332, %lt3A_333 : i32
    %convert_element_type3A_335 = arith.extui %lt3A_334 : i1 to i32
    %cond3A_336 = arith.constant 0 : i32
    %cond3A_337 = arith.cmpi ne, %convert_element_type3A_335, %cond3A_336 : i32
    scf.if %cond3A_337 {
      %mul3A_645 = arith.constant 80 : i32
      %mul3A_646 = arith.muli %add3A_332, %mul3A_645 : i32
      "tpu.region"() ({
        %run_scoped3A = tpu.sem_alloc : memref<!tpu.dma_semaphore, #tpu.memory_space<semaphore_mem>>
        %dma_start3A_647 = arith.constant 0 : i32
        %dma_start3A_648 = tpu.memref_slice %arg13[%mul3A_646, %dma_start3A_647] : memref<10000x160xf32, #tpu.memory_space<vmem_shared>> -> memref<80x160xf32, #tpu.memory_space<vmem_shared>>
        tpu.enqueue_dma source(%arg4 : memref<80x160xf32, #tpu.memory_space<hbm>>) target(%dma_start3A_648 : memref<80x160xf32, #tpu.memory_space<vmem_shared>>) target_semaphore(%run_scoped3A : memref<!tpu.dma_semaphore, #tpu.memory_space<semaphore_mem>>)
        %dma_wait3A_649 = arith.constant 0 : i32
        %dma_wait3A_650 = tpu.memref_slice %arg13[%mul3A_646, %dma_wait3A_649] : memref<10000x160xf32, #tpu.memory_space<vmem_shared>> -> memref<80x160xf32, #tpu.memory_space<vmem_shared>>
        tpu.wait_dma2 semaphore(%run_scoped3A : memref<!tpu.dma_semaphore, #tpu.memory_space<semaphore_mem>>) src(%arg4 : memref<80x160xf32, #tpu.memory_space<hbm>>) dst(%dma_wait3A_650 : memref<80x160xf32, #tpu.memory_space<vmem_shared>>)
        tpu.yield
      }) : () -> ()
    } else {
    }
    %add3A_338 = arith.constant 48 : i32
    %add3A_339 = arith.addi %arg1, %add3A_338 : i32
    %lt3A_340 = arith.constant 125 : i32
    %lt3A_341 = arith.cmpi slt, %add3A_339, %lt3A_340 : i32
    %convert_element_type3A_342 = arith.extui %lt3A_341 : i1 to i32
    %cond3A_343 = arith.constant 0 : i32
    %cond3A_344 = arith.cmpi ne, %convert_element_type3A_342, %cond3A_343 : i32
    scf.if %cond3A_344 {
      %mul3A_645 = arith.constant 80 : i32
      %mul3A_646 = arith.muli %add3A_339, %mul3A_645 : i32
      "tpu.region"() ({
        %run_scoped3A = tpu.sem_alloc : memref<!tpu.dma_semaphore, #tpu.memory_space<semaphore_mem>>
        %dma_start3A_647 = arith.constant 0 : i32
        %dma_start3A_648 = tpu.memref_slice %arg13[%mul3A_646, %dma_start3A_647] : memref<10000x160xf32, #tpu.memory_space<vmem_shared>> -> memref<80x160xf32, #tpu.memory_space<vmem_shared>>
        tpu.enqueue_dma source(%arg4 : memref<80x160xf32, #tpu.memory_space<hbm>>) target(%dma_start3A_648 : memref<80x160xf32, #tpu.memory_space<vmem_shared>>) target_semaphore(%run_scoped3A : memref<!tpu.dma_semaphore, #tpu.memory_space<semaphore_mem>>)
        %dma_wait3A_649 = arith.constant 0 : i32
        %dma_wait3A_650 = tpu.memref_slice %arg13[%mul3A_646, %dma_wait3A_649] : memref<10000x160xf32, #tpu.memory_space<vmem_shared>> -> memref<80x160xf32, #tpu.memory_space<vmem_shared>>
        tpu.wait_dma2 semaphore(%run_scoped3A : memref<!tpu.dma_semaphore, #tpu.memory_space<semaphore_mem>>) src(%arg4 : memref<80x160xf32, #tpu.memory_space<hbm>>) dst(%dma_wait3A_650 : memref<80x160xf32, #tpu.memory_space<vmem_shared>>)
        tpu.yield
      }) : () -> ()
    } else {
    }
    %add3A_345 = arith.constant 64 : i32
    %add3A_346 = arith.addi %arg1, %add3A_345 : i32
    %lt3A_347 = arith.constant 125 : i32
    %lt3A_348 = arith.cmpi slt, %add3A_346, %lt3A_347 : i32
    %convert_element_type3A_349 = arith.extui %lt3A_348 : i1 to i32
    %cond3A_350 = arith.constant 0 : i32
    %cond3A_351 = arith.cmpi ne, %convert_element_type3A_349, %cond3A_350 : i32
    scf.if %cond3A_351 {
      %mul3A_645 = arith.constant 80 : i32
      %mul3A_646 = arith.muli %add3A_346, %mul3A_645 : i32
      "tpu.region"() ({
        %run_scoped3A = tpu.sem_alloc : memref<!tpu.dma_semaphore, #tpu.memory_space<semaphore_mem>>
        %dma_start3A_647 = arith.constant 0 : i32
        %dma_start3A_648 = tpu.memref_slice %arg13[%mul3A_646, %dma_start3A_647] : memref<10000x160xf32, #tpu.memory_space<vmem_shared>> -> memref<80x160xf32, #tpu.memory_space<vmem_shared>>
        tpu.enqueue_dma source(%arg4 : memref<80x160xf32, #tpu.memory_space<hbm>>) target(%dma_start3A_648 : memref<80x160xf32, #tpu.memory_space<vmem_shared>>) target_semaphore(%run_scoped3A : memref<!tpu.dma_semaphore, #tpu.memory_space<semaphore_mem>>)
        %dma_wait3A_649 = arith.constant 0 : i32
        %dma_wait3A_650 = tpu.memref_slice %arg13[%mul3A_646, %dma_wait3A_649] : memref<10000x160xf32, #tpu.memory_space<vmem_shared>> -> memref<80x160xf32, #tpu.memory_space<vmem_shared>>
        tpu.wait_dma2 semaphore(%run_scoped3A : memref<!tpu.dma_semaphore, #tpu.memory_space<semaphore_mem>>) src(%arg4 : memref<80x160xf32, #tpu.memory_space<hbm>>) dst(%dma_wait3A_650 : memref<80x160xf32, #tpu.memory_space<vmem_shared>>)
        tpu.yield
      }) : () -> ()
    } else {
    }
    %add3A_352 = arith.constant 80 : i32
    %add3A_353 = arith.addi %arg1, %add3A_352 : i32
    %lt3A_354 = arith.constant 125 : i32
    %lt3A_355 = arith.cmpi slt, %add3A_353, %lt3A_354 : i32
    %convert_element_type3A_356 = arith.extui %lt3A_355 : i1 to i32
    %cond3A_357 = arith.constant 0 : i32
    %cond3A_358 = arith.cmpi ne, %convert_element_type3A_356, %cond3A_357 : i32
    scf.if %cond3A_358 {
      %mul3A_645 = arith.constant 80 : i32
      %mul3A_646 = arith.muli %add3A_353, %mul3A_645 : i32
      "tpu.region"() ({
        %run_scoped3A = tpu.sem_alloc : memref<!tpu.dma_semaphore, #tpu.memory_space<semaphore_mem>>
        %dma_start3A_647 = arith.constant 0 : i32
        %dma_start3A_648 = tpu.memref_slice %arg13[%mul3A_646, %dma_start3A_647] : memref<10000x160xf32, #tpu.memory_space<vmem_shared>> -> memref<80x160xf32, #tpu.memory_space<vmem_shared>>
        tpu.enqueue_dma source(%arg4 : memref<80x160xf32, #tpu.memory_space<hbm>>) target(%dma_start3A_648 : memref<80x160xf32, #tpu.memory_space<vmem_shared>>) target_semaphore(%run_scoped3A : memref<!tpu.dma_semaphore, #tpu.memory_space<semaphore_mem>>)
        %dma_wait3A_649 = arith.constant 0 : i32
        %dma_wait3A_650 = tpu.memref_slice %arg13[%mul3A_646, %dma_wait3A_649] : memref<10000x160xf32, #tpu.memory_space<vmem_shared>> -> memref<80x160xf32, #tpu.memory_space<vmem_shared>>
        tpu.wait_dma2 semaphore(%run_scoped3A : memref<!tpu.dma_semaphore, #tpu.memory_space<semaphore_mem>>) src(%arg4 : memref<80x160xf32, #tpu.memory_space<hbm>>) dst(%dma_wait3A_650 : memref<80x160xf32, #tpu.memory_space<vmem_shared>>)
        tpu.yield
      }) : () -> ()
    } else {
    }
    %add3A_359 = arith.constant 96 : i32
    %add3A_360 = arith.addi %arg1, %add3A_359 : i32
    %lt3A_361 = arith.constant 125 : i32
    %lt3A_362 = arith.cmpi slt, %add3A_360, %lt3A_361 : i32
    %convert_element_type3A_363 = arith.extui %lt3A_362 : i1 to i32
    %cond3A_364 = arith.constant 0 : i32
    %cond3A_365 = arith.cmpi ne, %convert_element_type3A_363, %cond3A_364 : i32
    scf.if %cond3A_365 {
      %mul3A_645 = arith.constant 80 : i32
      %mul3A_646 = arith.muli %add3A_360, %mul3A_645 : i32
      "tpu.region"() ({
        %run_scoped3A = tpu.sem_alloc : memref<!tpu.dma_semaphore, #tpu.memory_space<semaphore_mem>>
        %dma_start3A_647 = arith.constant 0 : i32
        %dma_start3A_648 = tpu.memref_slice %arg13[%mul3A_646, %dma_start3A_647] : memref<10000x160xf32, #tpu.memory_space<vmem_shared>> -> memref<80x160xf32, #tpu.memory_space<vmem_shared>>
        tpu.enqueue_dma source(%arg4 : memref<80x160xf32, #tpu.memory_space<hbm>>) target(%dma_start3A_648 : memref<80x160xf32, #tpu.memory_space<vmem_shared>>) target_semaphore(%run_scoped3A : memref<!tpu.dma_semaphore, #tpu.memory_space<semaphore_mem>>)
        %dma_wait3A_649 = arith.constant 0 : i32
        %dma_wait3A_650 = tpu.memref_slice %arg13[%mul3A_646, %dma_wait3A_649] : memref<10000x160xf32, #tpu.memory_space<vmem_shared>> -> memref<80x160xf32, #tpu.memory_space<vmem_shared>>
        tpu.wait_dma2 semaphore(%run_scoped3A : memref<!tpu.dma_semaphore, #tpu.memory_space<semaphore_mem>>) src(%arg4 : memref<80x160xf32, #tpu.memory_space<hbm>>) dst(%dma_wait3A_650 : memref<80x160xf32, #tpu.memory_space<vmem_shared>>)
        tpu.yield
      }) : () -> ()
    } else {
    }
    %add3A_366 = arith.constant 112 : i32
    %add3A_367 = arith.addi %arg1, %add3A_366 : i32
    %lt3A_368 = arith.constant 125 : i32
    %lt3A_369 = arith.cmpi slt, %add3A_367, %lt3A_368 : i32
    %convert_element_type3A_370 = arith.extui %lt3A_369 : i1 to i32
    %cond3A_371 = arith.constant 0 : i32
    %cond3A_372 = arith.cmpi ne, %convert_element_type3A_370, %cond3A_371 : i32
    scf.if %cond3A_372 {
      %mul3A_645 = arith.constant 80 : i32
      %mul3A_646 = arith.muli %add3A_367, %mul3A_645 : i32
      "tpu.region"() ({
        %run_scoped3A = tpu.sem_alloc : memref<!tpu.dma_semaphore, #tpu.memory_space<semaphore_mem>>
        %dma_start3A_647 = arith.constant 0 : i32
        %dma_start3A_648 = tpu.memref_slice %arg13[%mul3A_646, %dma_start3A_647] : memref<10000x160xf32, #tpu.memory_space<vmem_shared>> -> memref<80x160xf32, #tpu.memory_space<vmem_shared>>
        tpu.enqueue_dma source(%arg4 : memref<80x160xf32, #tpu.memory_space<hbm>>) target(%dma_start3A_648 : memref<80x160xf32, #tpu.memory_space<vmem_shared>>) target_semaphore(%run_scoped3A : memref<!tpu.dma_semaphore, #tpu.memory_space<semaphore_mem>>)
        %dma_wait3A_649 = arith.constant 0 : i32
        %dma_wait3A_650 = tpu.memref_slice %arg13[%mul3A_646, %dma_wait3A_649] : memref<10000x160xf32, #tpu.memory_space<vmem_shared>> -> memref<80x160xf32, #tpu.memory_space<vmem_shared>>
        tpu.wait_dma2 semaphore(%run_scoped3A : memref<!tpu.dma_semaphore, #tpu.memory_space<semaphore_mem>>) src(%arg4 : memref<80x160xf32, #tpu.memory_space<hbm>>) dst(%dma_wait3A_650 : memref<80x160xf32, #tpu.memory_space<vmem_shared>>)
        tpu.yield
      }) : () -> ()
    } else {
    }
    %barrier3A_373 = arith.constant 0 : index
    tpu.barrier barrier_id(%barrier3A_373)
    %dma_start3A_374 = arith.constant 0 : i32
    %dma_start3A_375 = arith.constant 0 : i32
    %dma_start3A_376 = tpu.memref_slice %arg3[%add3A, %dma_start3A_374, %dma_start3A_375] : memref<32x125x80xi32, #tpu.memory_space<hbm>> -> memref<1x1x80xi32, #tpu.memory_space<hbm>>
    %dma_start3A_377 = tpu.memref_squeeze %dma_start3A_376 : memref<1x1x80xi32, #tpu.memory_space<hbm>> -> memref<80xi32, #tpu.memory_space<hbm>>
    %dma_start3A_378 = arith.constant 0 : i32
    %dma_start3A_379 = tpu.memref_slice %arg3[%add3A, %dma_start3A_374, %dma_start3A_378] : memref<32x125x80xi32, #tpu.memory_space<hbm>> -> memref<1x1x80xi32, #tpu.memory_space<hbm>>
    %dma_start3A_380 = tpu.memref_squeeze %dma_start3A_379 : memref<1x1x80xi32, #tpu.memory_space<hbm>> -> memref<80xi32, #tpu.memory_space<hbm>>
    tpu.enqueue_dma source(%dma_start3A_380 : memref<80xi32, #tpu.memory_space<hbm>>) target(%arg9 : memref<80xi32, #tpu.memory_space<vmem>>) target_semaphore(%arg14 : memref<!tpu.dma_semaphore, #tpu.memory_space<semaphore_mem>>)
    %add3A_381 = arith.constant 0 : i32
    %add3A_382 = arith.addi %mul3A_2, %add3A_381 : i32
    %dma_start3A_383 = arith.constant 0 : i32
    %dma_start3A_384 = tpu.memref_slice %arg2[%add3A_382, %dma_start3A_383] : memref<320000x160xf32, #tpu.memory_space<hbm>> -> memref<80x160xf32, #tpu.memory_space<hbm>>
    %dma_start3A_385 = arith.constant 0 : i32
    %dma_start3A_386 = tpu.memref_slice %arg2[%add3A_382, %dma_start3A_385] : memref<320000x160xf32, #tpu.memory_space<hbm>> -> memref<80x160xf32, #tpu.memory_space<hbm>>
    tpu.enqueue_dma source(%dma_start3A_386 : memref<80x160xf32, #tpu.memory_space<hbm>>) target(%arg11 : memref<80x160xf32, #tpu.memory_space<vmem>>) target_semaphore(%arg16 : memref<!tpu.dma_semaphore, #tpu.memory_space<semaphore_mem>>)
    %scan3A_387 = arith.constant 0 : i32
    %scan3A_388 = arith.constant 0 : i32
    %scan3A_389 = arith.constant 62 : i32
    %scan3A_390 = arith.addi %scan3A_388, %scan3A_389 : i32
    %scan3A_391 = arith.constant 1 : i32
    %scan3A_392 = scf.for %scan3A_645 = %scan3A_388 to %scan3A_390 step %scan3A_391 iter_args(%scan3A_646 = %scan3A_387) -> (i32)  : i32 {
      %mul3A_647 = arith.constant 2 : i32
      %mul3A_648 = arith.muli %mul3A_647, %scan3A_645 : i32
      %dma_wait3A_649 = arith.constant 0 : i32
      %dma_wait3A_650 = tpu.memref_slice %arg3[%add3A, %mul3A_648, %dma_wait3A_649] : memref<32x125x80xi32, #tpu.memory_space<hbm>> -> memref<1x1x80xi32, #tpu.memory_space<hbm>>
      %dma_wait3A_651 = tpu.memref_squeeze %dma_wait3A_650 : memref<1x1x80xi32, #tpu.memory_space<hbm>> -> memref<80xi32, #tpu.memory_space<hbm>>
      %dma_wait3A_652 = arith.constant 0 : i32
      %dma_wait3A_653 = tpu.memref_slice %arg3[%add3A, %mul3A_648, %dma_wait3A_652] : memref<32x125x80xi32, #tpu.memory_space<hbm>> -> memref<1x1x80xi32, #tpu.memory_space<hbm>>
      %dma_wait3A_654 = tpu.memref_squeeze %dma_wait3A_653 : memref<1x1x80xi32, #tpu.memory_space<hbm>> -> memref<80xi32, #tpu.memory_space<hbm>>
      tpu.wait_dma2 semaphore(%arg14 : memref<!tpu.dma_semaphore, #tpu.memory_space<semaphore_mem>>) src(%dma_wait3A_654 : memref<80xi32, #tpu.memory_space<hbm>>) dst(%arg9 : memref<80xi32, #tpu.memory_space<vmem>>)
      %mul3A_655 = arith.constant 80 : i32
      %mul3A_656 = arith.muli %mul3A_648, %mul3A_655 : i32
      %add3A_657 = arith.addi %mul3A_2, %mul3A_656 : i32
      %dma_wait3A_658 = arith.constant 0 : i32
      %dma_wait3A_659 = tpu.memref_slice %arg2[%add3A_657, %dma_wait3A_658] : memref<320000x160xf32, #tpu.memory_space<hbm>> -> memref<80x160xf32, #tpu.memory_space<hbm>>
      %dma_wait3A_660 = arith.constant 0 : i32
      %dma_wait3A_661 = tpu.memref_slice %arg2[%add3A_657, %dma_wait3A_660] : memref<320000x160xf32, #tpu.memory_space<hbm>> -> memref<80x160xf32, #tpu.memory_space<hbm>>
      tpu.wait_dma2 semaphore(%arg16 : memref<!tpu.dma_semaphore, #tpu.memory_space<semaphore_mem>>) src(%dma_wait3A_661 : memref<80x160xf32, #tpu.memory_space<hbm>>) dst(%arg11 : memref<80x160xf32, #tpu.memory_space<vmem>>)
      %gt3A = arith.constant 0 : i32
      %gt3A_662 = arith.cmpi sgt, %scan3A_645, %gt3A : i32
      %convert_element_type3A_663 = arith.extui %gt3A_662 : i1 to i32
      %cond3A_664 = arith.constant 0 : i32
      %cond3A_665 = arith.cmpi ne, %convert_element_type3A_663, %cond3A_664 : i32
      scf.if %cond3A_665 {
        %dma_wait3A_727 = arith.constant 0 : i32
        %dma_wait3A_728 = arith.constant 0 : i32
        %dma_wait3A_729 = tpu.memref_slice %arg13[%dma_wait3A_727, %dma_wait3A_728] : memref<10000x160xf32, #tpu.memory_space<vmem_shared>> -> memref<10000x160xf32, #tpu.memory_space<vmem_shared>>
        tpu.wait_indirect_dma semaphore(%arg19 : memref<!tpu.dma_semaphore, #tpu.memory_space<semaphore_mem>>) src(%arg12 : memref<80x160xf32, #tpu.memory_space<vmem>>) dst(%dma_wait3A_729 : memref<10000x160xf32, #tpu.memory_space<vmem_shared>>)
      } else {
      }
      %add3A_666 = arith.constant 1 : i32
      %add3A_667 = arith.addi %mul3A_648, %add3A_666 : i32
      %dma_start3A_668 = arith.constant 0 : i32
      %dma_start3A_669 = tpu.memref_slice %arg3[%add3A, %add3A_667, %dma_start3A_668] : memref<32x125x80xi32, #tpu.memory_space<hbm>> -> memref<1x1x80xi32, #tpu.memory_space<hbm>>
      %dma_start3A_670 = tpu.memref_squeeze %dma_start3A_669 : memref<1x1x80xi32, #tpu.memory_space<hbm>> -> memref<80xi32, #tpu.memory_space<hbm>>
      %dma_start3A_671 = arith.constant 0 : i32
      %dma_start3A_672 = tpu.memref_slice %arg3[%add3A, %add3A_667, %dma_start3A_671] : memref<32x125x80xi32, #tpu.memory_space<hbm>> -> memref<1x1x80xi32, #tpu.memory_space<hbm>>
      %dma_start3A_673 = tpu.memref_squeeze %dma_start3A_672 : memref<1x1x80xi32, #tpu.memory_space<hbm>> -> memref<80xi32, #tpu.memory_space<hbm>>
      tpu.enqueue_dma source(%dma_start3A_673 : memref<80xi32, #tpu.memory_space<hbm>>) target(%arg10 : memref<80xi32, #tpu.memory_space<vmem>>) target_semaphore(%arg15 : memref<!tpu.dma_semaphore, #tpu.memory_space<semaphore_mem>>)
      %mul3A_674 = arith.constant 80 : i32
      %mul3A_675 = arith.muli %add3A_667, %mul3A_674 : i32
      %add3A_676 = arith.addi %mul3A_2, %mul3A_675 : i32
      %dma_start3A_677 = arith.constant 0 : i32
      %dma_start3A_678 = tpu.memref_slice %arg2[%add3A_676, %dma_start3A_677] : memref<320000x160xf32, #tpu.memory_space<hbm>> -> memref<80x160xf32, #tpu.memory_space<hbm>>
      %dma_start3A_679 = arith.constant 0 : i32
      %dma_start3A_680 = tpu.memref_slice %arg2[%add3A_676, %dma_start3A_679] : memref<320000x160xf32, #tpu.memory_space<hbm>> -> memref<80x160xf32, #tpu.memory_space<hbm>>
      tpu.enqueue_dma source(%dma_start3A_680 : memref<80x160xf32, #tpu.memory_space<hbm>>) target(%arg12 : memref<80x160xf32, #tpu.memory_space<vmem>>) target_semaphore(%arg17 : memref<!tpu.dma_semaphore, #tpu.memory_space<semaphore_mem>>)
      %scan3A_681 = arith.constant 0 : i32
      %scan3A_682 = arith.constant 0 : i32
      %scan3A_683 = arith.constant 80 : i32
      %scan3A_684 = arith.addi %scan3A_682, %scan3A_683 : i32
      %scan3A_685 = arith.constant 1 : i32
      %scan3A_686 = scf.for %scan3A_727 = %scan3A_682 to %scan3A_684 step %scan3A_685 iter_args(%scan3A_728 = %scan3A_681) -> (i32)  : i32 {
        %get3A = arith.index_cast %scan3A_727 : i32 to index
        %get3A_729 = arith.constant 0 : index
        %get3A_730 = tpu.vector_load %arg11[%get3A, %get3A_729] {strides = array<i32>} : memref<80x160xf32, #tpu.memory_space<vmem>>, vector<1x16xf32>,
        %get3A_731 = vector.shape_cast %get3A_730 : vector<1x16xf32> to vector<16xf32>
        %mul3A_732 = arith.mulf %get3A_731, %get3A_731 : vector<16xf32>
        %mul3A_733 = arith.mulf %mul3A_732, %get3A_731 : vector<16xf32>
        %swap3A = arith.index_cast %scan3A_727 : i32 to index
        %swap3A_734 = arith.constant 0 : index
        %swap3A_735 = tpu.vector_load %arg11[%swap3A, %swap3A_734] {strides = array<i32>} : memref<80x160xf32, #tpu.memory_space<vmem>>, vector<1x16xf32>,
        %swap3A_736 = vector.shape_cast %swap3A_735 : vector<1x16xf32> to vector<16xf32>
        %swap3A_737 = vector.shape_cast %mul3A_733 : vector<16xf32> to vector<1x16xf32>
        tpu.vector_store %arg11[%swap3A, %swap3A_734], %swap3A_737 {strides = array<i32>} : memref<80x160xf32, #tpu.memory_space<vmem>>, vector<1x16xf32>,
        %get3A_738 = arith.index_cast %scan3A_727 : i32 to index
        %get3A_739 = arith.constant 16 : index
        %get3A_740 = tpu.vector_load %arg11[%get3A_738, %get3A_739] {strides = array<i32>} : memref<80x160xf32, #tpu.memory_space<vmem>>, vector<1x16xf32>,
        %get3A_741 = vector.shape_cast %get3A_740 : vector<1x16xf32> to vector<16xf32>
        %mul3A_742 = arith.mulf %get3A_741, %get3A_741 : vector<16xf32>
        %mul3A_743 = arith.mulf %mul3A_742, %get3A_741 : vector<16xf32>
        %swap3A_744 = arith.index_cast %scan3A_727 : i32 to index
        %swap3A_745 = arith.constant 16 : index
        %swap3A_746 = tpu.vector_load %arg11[%swap3A_744, %swap3A_745] {strides = array<i32>} : memref<80x160xf32, #tpu.memory_space<vmem>>, vector<1x16xf32>,
        %swap3A_747 = vector.shape_cast %swap3A_746 : vector<1x16xf32> to vector<16xf32>
        %swap3A_748 = vector.shape_cast %mul3A_743 : vector<16xf32> to vector<1x16xf32>
        tpu.vector_store %arg11[%swap3A_744, %swap3A_745], %swap3A_748 {strides = array<i32>} : memref<80x160xf32, #tpu.memory_space<vmem>>, vector<1x16xf32>,
        %get3A_749 = arith.index_cast %scan3A_727 : i32 to index
        %get3A_750 = arith.constant 32 : index
        %get3A_751 = tpu.vector_load %arg11[%get3A_749, %get3A_750] {strides = array<i32>} : memref<80x160xf32, #tpu.memory_space<vmem>>, vector<1x16xf32>,
        %get3A_752 = vector.shape_cast %get3A_751 : vector<1x16xf32> to vector<16xf32>
        %mul3A_753 = arith.mulf %get3A_752, %get3A_752 : vector<16xf32>
        %mul3A_754 = arith.mulf %mul3A_753, %get3A_752 : vector<16xf32>
        %swap3A_755 = arith.index_cast %scan3A_727 : i32 to index
        %swap3A_756 = arith.constant 32 : index
        %swap3A_757 = tpu.vector_load %arg11[%swap3A_755, %swap3A_756] {strides = array<i32>} : memref<80x160xf32, #tpu.memory_space<vmem>>, vector<1x16xf32>,
        %swap3A_758 = vector.shape_cast %swap3A_757 : vector<1x16xf32> to vector<16xf32>
        %swap3A_759 = vector.shape_cast %mul3A_754 : vector<16xf32> to vector<1x16xf32>
        tpu.vector_store %arg11[%swap3A_755, %swap3A_756], %swap3A_759 {strides = array<i32>} : memref<80x160xf32, #tpu.memory_space<vmem>>, vector<1x16xf32>,
        %get3A_760 = arith.index_cast %scan3A_727 : i32 to index
        %get3A_761 = arith.constant 48 : index
        %get3A_762 = tpu.vector_load %arg11[%get3A_760, %get3A_761] {strides = array<i32>} : memref<80x160xf32, #tpu.memory_space<vmem>>, vector<1x16xf32>,
        %get3A_763 = vector.shape_cast %get3A_762 : vector<1x16xf32> to vector<16xf32>
        %mul3A_764 = arith.mulf %get3A_763, %get3A_763 : vector<16xf32>
        %mul3A_765 = arith.mulf %mul3A_764, %get3A_763 : vector<16xf32>
        %swap3A_766 = arith.index_cast %scan3A_727 : i32 to index
        %swap3A_767 = arith.constant 48 : index
        %swap3A_768 = tpu.vector_load %arg11[%swap3A_766, %swap3A_767] {strides = array<i32>} : memref<80x160xf32, #tpu.memory_space<vmem>>, vector<1x16xf32>,
        %swap3A_769 = vector.shape_cast %swap3A_768 : vector<1x16xf32> to vector<16xf32>
        %swap3A_770 = vector.shape_cast %mul3A_765 : vector<16xf32> to vector<1x16xf32>
        tpu.vector_store %arg11[%swap3A_766, %swap3A_767], %swap3A_770 {strides = array<i32>} : memref<80x160xf32, #tpu.memory_space<vmem>>, vector<1x16xf32>,
        %get3A_771 = arith.index_cast %scan3A_727 : i32 to index
        %get3A_772 = arith.constant 64 : index
        %get3A_773 = tpu.vector_load %arg11[%get3A_771, %get3A_772] {strides = array<i32>} : memref<80x160xf32, #tpu.memory_space<vmem>>, vector<1x16xf32>,
        %get3A_774 = vector.shape_cast %get3A_773 : vector<1x16xf32> to vector<16xf32>
        %mul3A_775 = arith.mulf %get3A_774, %get3A_774 : vector<16xf32>
        %mul3A_776 = arith.mulf %mul3A_775, %get3A_774 : vector<16xf32>
        %swap3A_777 = arith.index_cast %scan3A_727 : i32 to index
        %swap3A_778 = arith.constant 64 : index
        %swap3A_779 = tpu.vector_load %arg11[%swap3A_777, %swap3A_778] {strides = array<i32>} : memref<80x160xf32, #tpu.memory_space<vmem>>, vector<1x16xf32>,
        %swap3A_780 = vector.shape_cast %swap3A_779 : vector<1x16xf32> to vector<16xf32>
        %swap3A_781 = vector.shape_cast %mul3A_776 : vector<16xf32> to vector<1x16xf32>
        tpu.vector_store %arg11[%swap3A_777, %swap3A_778], %swap3A_781 {strides = array<i32>} : memref<80x160xf32, #tpu.memory_space<vmem>>, vector<1x16xf32>,
        %get3A_782 = arith.index_cast %scan3A_727 : i32 to index
        %get3A_783 = arith.constant 80 : index
        %get3A_784 = tpu.vector_load %arg11[%get3A_782, %get3A_783] {strides = array<i32>} : memref<80x160xf32, #tpu.memory_space<vmem>>, vector<1x16xf32>,
        %get3A_785 = vector.shape_cast %get3A_784 : vector<1x16xf32> to vector<16xf32>
        %mul3A_786 = arith.mulf %get3A_785, %get3A_785 : vector<16xf32>
        %mul3A_787 = arith.mulf %mul3A_786, %get3A_785 : vector<16xf32>
        %swap3A_788 = arith.index_cast %scan3A_727 : i32 to index
        %swap3A_789 = arith.constant 80 : index
        %swap3A_790 = tpu.vector_load %arg11[%swap3A_788, %swap3A_789] {strides = array<i32>} : memref<80x160xf32, #tpu.memory_space<vmem>>, vector<1x16xf32>,
        %swap3A_791 = vector.shape_cast %swap3A_790 : vector<1x16xf32> to vector<16xf32>
        %swap3A_792 = vector.shape_cast %mul3A_787 : vector<16xf32> to vector<1x16xf32>
        tpu.vector_store %arg11[%swap3A_788, %swap3A_789], %swap3A_792 {strides = array<i32>} : memref<80x160xf32, #tpu.memory_space<vmem>>, vector<1x16xf32>,
        %get3A_793 = arith.index_cast %scan3A_727 : i32 to index
        %get3A_794 = arith.constant 96 : index
        %get3A_795 = tpu.vector_load %arg11[%get3A_793, %get3A_794] {strides = array<i32>} : memref<80x160xf32, #tpu.memory_space<vmem>>, vector<1x16xf32>,
        %get3A_796 = vector.shape_cast %get3A_795 : vector<1x16xf32> to vector<16xf32>
        %mul3A_797 = arith.mulf %get3A_796, %get3A_796 : vector<16xf32>
        %mul3A_798 = arith.mulf %mul3A_797, %get3A_796 : vector<16xf32>
        %swap3A_799 = arith.index_cast %scan3A_727 : i32 to index
        %swap3A_800 = arith.constant 96 : index
        %swap3A_801 = tpu.vector_load %arg11[%swap3A_799, %swap3A_800] {strides = array<i32>} : memref<80x160xf32, #tpu.memory_space<vmem>>, vector<1x16xf32>,
        %swap3A_802 = vector.shape_cast %swap3A_801 : vector<1x16xf32> to vector<16xf32>
        %swap3A_803 = vector.shape_cast %mul3A_798 : vector<16xf32> to vector<1x16xf32>
        tpu.vector_store %arg11[%swap3A_799, %swap3A_800], %swap3A_803 {strides = array<i32>} : memref<80x160xf32, #tpu.memory_space<vmem>>, vector<1x16xf32>,
        %get3A_804 = arith.index_cast %scan3A_727 : i32 to index
        %get3A_805 = arith.constant 112 : index
        %get3A_806 = tpu.vector_load %arg11[%get3A_804, %get3A_805] {strides = array<i32>} : memref<80x160xf32, #tpu.memory_space<vmem>>, vector<1x16xf32>,
        %get3A_807 = vector.shape_cast %get3A_806 : vector<1x16xf32> to vector<16xf32>
        %mul3A_808 = arith.mulf %get3A_807, %get3A_807 : vector<16xf32>
        %mul3A_809 = arith.mulf %mul3A_808, %get3A_807 : vector<16xf32>
        %swap3A_810 = arith.index_cast %scan3A_727 : i32 to index
        %swap3A_811 = arith.constant 112 : index
        %swap3A_812 = tpu.vector_load %arg11[%swap3A_810, %swap3A_811] {strides = array<i32>} : memref<80x160xf32, #tpu.memory_space<vmem>>, vector<1x16xf32>,
        %swap3A_813 = vector.shape_cast %swap3A_812 : vector<1x16xf32> to vector<16xf32>
        %swap3A_814 = vector.shape_cast %mul3A_809 : vector<16xf32> to vector<1x16xf32>
        tpu.vector_store %arg11[%swap3A_810, %swap3A_811], %swap3A_814 {strides = array<i32>} : memref<80x160xf32, #tpu.memory_space<vmem>>, vector<1x16xf32>,
        %get3A_815 = arith.index_cast %scan3A_727 : i32 to index
        %get3A_816 = arith.constant 128 : index
        %get3A_817 = tpu.vector_load %arg11[%get3A_815, %get3A_816] {strides = array<i32>} : memref<80x160xf32, #tpu.memory_space<vmem>>, vector<1x16xf32>,
        %get3A_818 = vector.shape_cast %get3A_817 : vector<1x16xf32> to vector<16xf32>
        %mul3A_819 = arith.mulf %get3A_818, %get3A_818 : vector<16xf32>
        %mul3A_820 = arith.mulf %mul3A_819, %get3A_818 : vector<16xf32>
        %swap3A_821 = arith.index_cast %scan3A_727 : i32 to index
        %swap3A_822 = arith.constant 128 : index
        %swap3A_823 = tpu.vector_load %arg11[%swap3A_821, %swap3A_822] {strides = array<i32>} : memref<80x160xf32, #tpu.memory_space<vmem>>, vector<1x16xf32>,
        %swap3A_824 = vector.shape_cast %swap3A_823 : vector<1x16xf32> to vector<16xf32>
        %swap3A_825 = vector.shape_cast %mul3A_820 : vector<16xf32> to vector<1x16xf32>
        tpu.vector_store %arg11[%swap3A_821, %swap3A_822], %swap3A_825 {strides = array<i32>} : memref<80x160xf32, #tpu.memory_space<vmem>>, vector<1x16xf32>,
        %get3A_826 = arith.index_cast %scan3A_727 : i32 to index
        %get3A_827 = arith.constant 144 : index
        %get3A_828 = tpu.vector_load %arg11[%get3A_826, %get3A_827] {strides = array<i32>} : memref<80x160xf32, #tpu.memory_space<vmem>>, vector<1x16xf32>,
        %get3A_829 = vector.shape_cast %get3A_828 : vector<1x16xf32> to vector<16xf32>
        %mul3A_830 = arith.mulf %get3A_829, %get3A_829 : vector<16xf32>
        %mul3A_831 = arith.mulf %mul3A_830, %get3A_829 : vector<16xf32>
        %swap3A_832 = arith.index_cast %scan3A_727 : i32 to index
        %swap3A_833 = arith.constant 144 : index
        %swap3A_834 = tpu.vector_load %arg11[%swap3A_832, %swap3A_833] {strides = array<i32>} : memref<80x160xf32, #tpu.memory_space<vmem>>, vector<1x16xf32>,
        %swap3A_835 = vector.shape_cast %swap3A_834 : vector<1x16xf32> to vector<16xf32>
        %swap3A_836 = vector.shape_cast %mul3A_831 : vector<16xf32> to vector<1x16xf32>
        tpu.vector_store %arg11[%swap3A_832, %swap3A_833], %swap3A_836 {strides = array<i32>} : memref<80x160xf32, #tpu.memory_space<vmem>>, vector<1x16xf32>,
        %scan3A_837 = arith.constant 0 : i32
        scf.yield %scan3A_837 : i32
      }
      %scan3A_687 = arith.constant 80 : i32
      %dma_start3A_688 = arith.constant 0 : i32
      %dma_start3A_689 = arith.constant 0 : i32
      %dma_start3A_690 = tpu.memref_slice %arg13[%dma_start3A_688, %dma_start3A_689] : memref<10000x160xf32, #tpu.memory_space<vmem_shared>> -> memref<10000x160xf32, #tpu.memory_space<vmem_shared>>
      tpu.enqueue_indirect_dma source(%arg11 : memref<80x160xf32, #tpu.memory_space<vmem>>) target(%dma_start3A_690 : memref<10000x160xf32, #tpu.memory_space<vmem_shared>>) offsets(%arg9 : memref<80xi32, #tpu.memory_space<vmem>>) semaphore(%arg18 : memref<!tpu.dma_semaphore, #tpu.memory_space<semaphore_mem>>) {add = true}
      %add3A_691 = arith.constant 1 : i32
      %add3A_692 = arith.addi %mul3A_648, %add3A_691 : i32
      %dma_wait3A_693 = arith.constant 0 : i32
      %dma_wait3A_694 = tpu.memref_slice %arg3[%add3A, %add3A_692, %dma_wait3A_693] : memref<32x125x80xi32, #tpu.memory_space<hbm>> -> memref<1x1x80xi32, #tpu.memory_space<hbm>>
      %dma_wait3A_695 = tpu.memref_squeeze %dma_wait3A_694 : memref<1x1x80xi32, #tpu.memory_space<hbm>> -> memref<80xi32, #tpu.memory_space<hbm>>
      %dma_wait3A_696 = arith.constant 0 : i32
      %dma_wait3A_697 = tpu.memref_slice %arg3[%add3A, %add3A_692, %dma_wait3A_696] : memref<32x125x80xi32, #tpu.memory_space<hbm>> -> memref<1x1x80xi32, #tpu.memory_space<hbm>>
      %dma_wait3A_698 = tpu.memref_squeeze %dma_wait3A_697 : memref<1x1x80xi32, #tpu.memory_space<hbm>> -> memref<80xi32, #tpu.memory_space<hbm>>
      tpu.wait_dma2 semaphore(%arg15 : memref<!tpu.dma_semaphore, #tpu.memory_space<semaphore_mem>>) src(%dma_wait3A_698 : memref<80xi32, #tpu.memory_space<hbm>>) dst(%arg10 : memref<80xi32, #tpu.memory_space<vmem>>)
      %mul3A_699 = arith.constant 80 : i32
      %mul3A_700 = arith.muli %add3A_692, %mul3A_699 : i32
      %add3A_701 = arith.addi %mul3A_2, %mul3A_700 : i32
      %dma_wait3A_702 = arith.constant 0 : i32
      %dma_wait3A_703 = tpu.memref_slice %arg2[%add3A_701, %dma_wait3A_702] : memref<320000x160xf32, #tpu.memory_space<hbm>> -> memref<80x160xf32, #tpu.memory_space<hbm>>
      %dma_wait3A_704 = arith.constant 0 : i32
      %dma_wait3A_705 = tpu.memref_slice %arg2[%add3A_701, %dma_wait3A_704] : memref<320000x160xf32, #tpu.memory_space<hbm>> -> memref<80x160xf32, #tpu.memory_space<hbm>>
      tpu.wait_dma2 semaphore(%arg17 : memref<!tpu.dma_semaphore, #tpu.memory_space<semaphore_mem>>) src(%dma_wait3A_705 : memref<80x160xf32, #tpu.memory_space<hbm>>) dst(%arg12 : memref<80x160xf32, #tpu.memory_space<vmem>>)
      %dma_wait3A_706 = arith.constant 0 : i32
      %dma_wait3A_707 = arith.constant 0 : i32
      %dma_wait3A_708 = tpu.memref_slice %arg13[%dma_wait3A_706, %dma_wait3A_707] : memref<10000x160xf32, #tpu.memory_space<vmem_shared>> -> memref<10000x160xf32, #tpu.memory_space<vmem_shared>>
      tpu.wait_indirect_dma semaphore(%arg18 : memref<!tpu.dma_semaphore, #tpu.memory_space<semaphore_mem>>) src(%arg11 : memref<80x160xf32, #tpu.memory_space<vmem>>) dst(%dma_wait3A_708 : memref<10000x160xf32, #tpu.memory_space<vmem_shared>>)
      %add3A_709 = arith.constant 1 : i32
      %add3A_710 = arith.addi %add3A_692, %add3A_709 : i32
      %lt3A_711 = arith.constant 125 : i32
      %lt3A_712 = arith.cmpi slt, %add3A_710, %lt3A_711 : i32
      %convert_element_type3A_713 = arith.extui %lt3A_712 : i1 to i32
      %cond3A_714 = arith.constant 0 : i32
      %cond3A_715 = arith.cmpi ne, %convert_element_type3A_713, %cond3A_714 : i32
      scf.if %cond3A_715 {
        %add3A_727 = arith.constant 1 : i32
        %add3A_728 = arith.addi %add3A_692, %add3A_727 : i32
        %dma_start3A_729 = arith.constant 0 : i32
        %dma_start3A_730 = tpu.memref_slice %arg3[%add3A, %add3A_728, %dma_start3A_729] : memref<32x125x80xi32, #tpu.memory_space<hbm>> -> memref<1x1x80xi32, #tpu.memory_space<hbm>>
        %dma_start3A_731 = tpu.memref_squeeze %dma_start3A_730 : memref<1x1x80xi32, #tpu.memory_space<hbm>> -> memref<80xi32, #tpu.memory_space<hbm>>
        %dma_start3A_732 = arith.constant 0 : i32
        %dma_start3A_733 = tpu.memref_slice %arg3[%add3A, %add3A_728, %dma_start3A_732] : memref<32x125x80xi32, #tpu.memory_space<hbm>> -> memref<1x1x80xi32, #tpu.memory_space<hbm>>
        %dma_start3A_734 = tpu.memref_squeeze %dma_start3A_733 : memref<1x1x80xi32, #tpu.memory_space<hbm>> -> memref<80xi32, #tpu.memory_space<hbm>>
        tpu.enqueue_dma source(%dma_start3A_734 : memref<80xi32, #tpu.memory_space<hbm>>) target(%arg9 : memref<80xi32, #tpu.memory_space<vmem>>) target_semaphore(%arg14 : memref<!tpu.dma_semaphore, #tpu.memory_space<semaphore_mem>>)
        %mul3A_735 = arith.constant 80 : i32
        %mul3A_736 = arith.muli %add3A_728, %mul3A_735 : i32
        %add3A_737 = arith.addi %mul3A_2, %mul3A_736 : i32
        %dma_start3A_738 = arith.constant 0 : i32
        %dma_start3A_739 = tpu.memref_slice %arg2[%add3A_737, %dma_start3A_738] : memref<320000x160xf32, #tpu.memory_space<hbm>> -> memref<80x160xf32, #tpu.memory_space<hbm>>
        %dma_start3A_740 = arith.constant 0 : i32
        %dma_start3A_741 = tpu.memref_slice %arg2[%add3A_737, %dma_start3A_740] : memref<320000x160xf32, #tpu.memory_space<hbm>> -> memref<80x160xf32, #tpu.memory_space<hbm>>
        tpu.enqueue_dma source(%dma_start3A_741 : memref<80x160xf32, #tpu.memory_space<hbm>>) target(%arg11 : memref<80x160xf32, #tpu.memory_space<vmem>>) target_semaphore(%arg16 : memref<!tpu.dma_semaphore, #tpu.memory_space<semaphore_mem>>)
      } else {
      }
      %scan3A_716 = arith.constant 0 : i32
      %scan3A_717 = arith.constant 0 : i32
      %scan3A_718 = arith.constant 80 : i32
      %scan3A_719 = arith.addi %scan3A_717, %scan3A_718 : i32
      %scan3A_720 = arith.constant 1 : i32
      %scan3A_721 = scf.for %scan3A_727 = %scan3A_717 to %scan3A_719 step %scan3A_720 iter_args(%scan3A_728 = %scan3A_716) -> (i32)  : i32 {
        %get3A = arith.index_cast %scan3A_727 : i32 to index
        %get3A_729 = arith.constant 0 : index
        %get3A_730 = tpu.vector_load %arg12[%get3A, %get3A_729] {strides = array<i32>} : memref<80x160xf32, #tpu.memory_space<vmem>>, vector<1x16xf32>,
        %get3A_731 = vector.shape_cast %get3A_730 : vector<1x16xf32> to vector<16xf32>
        %mul3A_732 = arith.mulf %get3A_731, %get3A_731 : vector<16xf32>
        %mul3A_733 = arith.mulf %mul3A_732, %get3A_731 : vector<16xf32>
        %swap3A = arith.index_cast %scan3A_727 : i32 to index
        %swap3A_734 = arith.constant 0 : index
        %swap3A_735 = tpu.vector_load %arg12[%swap3A, %swap3A_734] {strides = array<i32>} : memref<80x160xf32, #tpu.memory_space<vmem>>, vector<1x16xf32>,
        %swap3A_736 = vector.shape_cast %swap3A_735 : vector<1x16xf32> to vector<16xf32>
        %swap3A_737 = vector.shape_cast %mul3A_733 : vector<16xf32> to vector<1x16xf32>
        tpu.vector_store %arg12[%swap3A, %swap3A_734], %swap3A_737 {strides = array<i32>} : memref<80x160xf32, #tpu.memory_space<vmem>>, vector<1x16xf32>,
        %get3A_738 = arith.index_cast %scan3A_727 : i32 to index
        %get3A_739 = arith.constant 16 : index
        %get3A_740 = tpu.vector_load %arg12[%get3A_738, %get3A_739] {strides = array<i32>} : memref<80x160xf32, #tpu.memory_space<vmem>>, vector<1x16xf32>,
        %get3A_741 = vector.shape_cast %get3A_740 : vector<1x16xf32> to vector<16xf32>
        %mul3A_742 = arith.mulf %get3A_741, %get3A_741 : vector<16xf32>
        %mul3A_743 = arith.mulf %mul3A_742, %get3A_741 : vector<16xf32>
        %swap3A_744 = arith.index_cast %scan3A_727 : i32 to index
        %swap3A_745 = arith.constant 16 : index
        %swap3A_746 = tpu.vector_load %arg12[%swap3A_744, %swap3A_745] {strides = array<i32>} : memref<80x160xf32, #tpu.memory_space<vmem>>, vector<1x16xf32>,
        %swap3A_747 = vector.shape_cast %swap3A_746 : vector<1x16xf32> to vector<16xf32>
        %swap3A_748 = vector.shape_cast %mul3A_743 : vector<16xf32> to vector<1x16xf32>
        tpu.vector_store %arg12[%swap3A_744, %swap3A_745], %swap3A_748 {strides = array<i32>} : memref<80x160xf32, #tpu.memory_space<vmem>>, vector<1x16xf32>,
        %get3A_749 = arith.index_cast %scan3A_727 : i32 to index
        %get3A_750 = arith.constant 32 : index
        %get3A_751 = tpu.vector_load %arg12[%get3A_749, %get3A_750] {strides = array<i32>} : memref<80x160xf32, #tpu.memory_space<vmem>>, vector<1x16xf32>,
        %get3A_752 = vector.shape_cast %get3A_751 : vector<1x16xf32> to vector<16xf32>
        %mul3A_753 = arith.mulf %get3A_752, %get3A_752 : vector<16xf32>
        %mul3A_754 = arith.mulf %mul3A_753, %get3A_752 : vector<16xf32>
        %swap3A_755 = arith.index_cast %scan3A_727 : i32 to index
        %swap3A_756 = arith.constant 32 : index
        %swap3A_757 = tpu.vector_load %arg12[%swap3A_755, %swap3A_756] {strides = array<i32>} : memref<80x160xf32, #tpu.memory_space<vmem>>, vector<1x16xf32>,
        %swap3A_758 = vector.shape_cast %swap3A_757 : vector<1x16xf32> to vector<16xf32>
        %swap3A_759 = vector.shape_cast %mul3A_754 : vector<16xf32> to vector<1x16xf32>
        tpu.vector_store %arg12[%swap3A_755, %swap3A_756], %swap3A_759 {strides = array<i32>} : memref<80x160xf32, #tpu.memory_space<vmem>>, vector<1x16xf32>,
        %get3A_760 = arith.index_cast %scan3A_727 : i32 to index
        %get3A_761 = arith.constant 48 : index
        %get3A_762 = tpu.vector_load %arg12[%get3A_760, %get3A_761] {strides = array<i32>} : memref<80x160xf32, #tpu.memory_space<vmem>>, vector<1x16xf32>,
        %get3A_763 = vector.shape_cast %get3A_762 : vector<1x16xf32> to vector<16xf32>
        %mul3A_764 = arith.mulf %get3A_763, %get3A_763 : vector<16xf32>
        %mul3A_765 = arith.mulf %mul3A_764, %get3A_763 : vector<16xf32>
        %swap3A_766 = arith.index_cast %scan3A_727 : i32 to index
        %swap3A_767 = arith.constant 48 : index
        %swap3A_768 = tpu.vector_load %arg12[%swap3A_766, %swap3A_767] {strides = array<i32>} : memref<80x160xf32, #tpu.memory_space<vmem>>, vector<1x16xf32>,
        %swap3A_769 = vector.shape_cast %swap3A_768 : vector<1x16xf32> to vector<16xf32>
        %swap3A_770 = vector.shape_cast %mul3A_765 : vector<16xf32> to vector<1x16xf32>
        tpu.vector_store %arg12[%swap3A_766, %swap3A_767], %swap3A_770 {strides = array<i32>} : memref<80x160xf32, #tpu.memory_space<vmem>>, vector<1x16xf32>,
        %get3A_771 = arith.index_cast %scan3A_727 : i32 to index
        %get3A_772 = arith.constant 64 : index
        %get3A_773 = tpu.vector_load %arg12[%get3A_771, %get3A_772] {strides = array<i32>} : memref<80x160xf32, #tpu.memory_space<vmem>>, vector<1x16xf32>,
        %get3A_774 = vector.shape_cast %get3A_773 : vector<1x16xf32> to vector<16xf32>
        %mul3A_775 = arith.mulf %get3A_774, %get3A_774 : vector<16xf32>
        %mul3A_776 = arith.mulf %mul3A_775, %get3A_774 : vector<16xf32>
        %swap3A_777 = arith.index_cast %scan3A_727 : i32 to index
        %swap3A_778 = arith.constant 64 : index
        %swap3A_779 = tpu.vector_load %arg12[%swap3A_777, %swap3A_778] {strides = array<i32>} : memref<80x160xf32, #tpu.memory_space<vmem>>, vector<1x16xf32>,
        %swap3A_780 = vector.shape_cast %swap3A_779 : vector<1x16xf32> to vector<16xf32>
        %swap3A_781 = vector.shape_cast %mul3A_776 : vector<16xf32> to vector<1x16xf32>
        tpu.vector_store %arg12[%swap3A_777, %swap3A_778], %swap3A_781 {strides = array<i32>} : memref<80x160xf32, #tpu.memory_space<vmem>>, vector<1x16xf32>,
        %get3A_782 = arith.index_cast %scan3A_727 : i32 to index
        %get3A_783 = arith.constant 80 : index
        %get3A_784 = tpu.vector_load %arg12[%get3A_782, %get3A_783] {strides = array<i32>} : memref<80x160xf32, #tpu.memory_space<vmem>>, vector<1x16xf32>,
        %get3A_785 = vector.shape_cast %get3A_784 : vector<1x16xf32> to vector<16xf32>
        %mul3A_786 = arith.mulf %get3A_785, %get3A_785 : vector<16xf32>
        %mul3A_787 = arith.mulf %mul3A_786, %get3A_785 : vector<16xf32>
        %swap3A_788 = arith.index_cast %scan3A_727 : i32 to index
        %swap3A_789 = arith.constant 80 : index
        %swap3A_790 = tpu.vector_load %arg12[%swap3A_788, %swap3A_789] {strides = array<i32>} : memref<80x160xf32, #tpu.memory_space<vmem>>, vector<1x16xf32>,
        %swap3A_791 = vector.shape_cast %swap3A_790 : vector<1x16xf32> to vector<16xf32>
        %swap3A_792 = vector.shape_cast %mul3A_787 : vector<16xf32> to vector<1x16xf32>
        tpu.vector_store %arg12[%swap3A_788, %swap3A_789], %swap3A_792 {strides = array<i32>} : memref<80x160xf32, #tpu.memory_space<vmem>>, vector<1x16xf32>,
        %get3A_793 = arith.index_cast %scan3A_727 : i32 to index
        %get3A_794 = arith.constant 96 : index
        %get3A_795 = tpu.vector_load %arg12[%get3A_793, %get3A_794] {strides = array<i32>} : memref<80x160xf32, #tpu.memory_space<vmem>>, vector<1x16xf32>,
        %get3A_796 = vector.shape_cast %get3A_795 : vector<1x16xf32> to vector<16xf32>
        %mul3A_797 = arith.mulf %get3A_796, %get3A_796 : vector<16xf32>
        %mul3A_798 = arith.mulf %mul3A_797, %get3A_796 : vector<16xf32>
        %swap3A_799 = arith.index_cast %scan3A_727 : i32 to index
        %swap3A_800 = arith.constant 96 : index
        %swap3A_801 = tpu.vector_load %arg12[%swap3A_799, %swap3A_800] {strides = array<i32>} : memref<80x160xf32, #tpu.memory_space<vmem>>, vector<1x16xf32>,
        %swap3A_802 = vector.shape_cast %swap3A_801 : vector<1x16xf32> to vector<16xf32>
        %swap3A_803 = vector.shape_cast %mul3A_798 : vector<16xf32> to vector<1x16xf32>
        tpu.vector_store %arg12[%swap3A_799, %swap3A_800], %swap3A_803 {strides = array<i32>} : memref<80x160xf32, #tpu.memory_space<vmem>>, vector<1x16xf32>,
        %get3A_804 = arith.index_cast %scan3A_727 : i32 to index
        %get3A_805 = arith.constant 112 : index
        %get3A_806 = tpu.vector_load %arg12[%get3A_804, %get3A_805] {strides = array<i32>} : memref<80x160xf32, #tpu.memory_space<vmem>>, vector<1x16xf32>,
        %get3A_807 = vector.shape_cast %get3A_806 : vector<1x16xf32> to vector<16xf32>
        %mul3A_808 = arith.mulf %get3A_807, %get3A_807 : vector<16xf32>
        %mul3A_809 = arith.mulf %mul3A_808, %get3A_807 : vector<16xf32>
        %swap3A_810 = arith.index_cast %scan3A_727 : i32 to index
        %swap3A_811 = arith.constant 112 : index
        %swap3A_812 = tpu.vector_load %arg12[%swap3A_810, %swap3A_811] {strides = array<i32>} : memref<80x160xf32, #tpu.memory_space<vmem>>, vector<1x16xf32>,
        %swap3A_813 = vector.shape_cast %swap3A_812 : vector<1x16xf32> to vector<16xf32>
        %swap3A_814 = vector.shape_cast %mul3A_809 : vector<16xf32> to vector<1x16xf32>
        tpu.vector_store %arg12[%swap3A_810, %swap3A_811], %swap3A_814 {strides = array<i32>} : memref<80x160xf32, #tpu.memory_space<vmem>>, vector<1x16xf32>,
        %get3A_815 = arith.index_cast %scan3A_727 : i32 to index
        %get3A_816 = arith.constant 128 : index
        %get3A_817 = tpu.vector_load %arg12[%get3A_815, %get3A_816] {strides = array<i32>} : memref<80x160xf32, #tpu.memory_space<vmem>>, vector<1x16xf32>,
        %get3A_818 = vector.shape_cast %get3A_817 : vector<1x16xf32> to vector<16xf32>
        %mul3A_819 = arith.mulf %get3A_818, %get3A_818 : vector<16xf32>
        %mul3A_820 = arith.mulf %mul3A_819, %get3A_818 : vector<16xf32>
        %swap3A_821 = arith.index_cast %scan3A_727 : i32 to index
        %swap3A_822 = arith.constant 128 : index
        %swap3A_823 = tpu.vector_load %arg12[%swap3A_821, %swap3A_822] {strides = array<i32>} : memref<80x160xf32, #tpu.memory_space<vmem>>, vector<1x16xf32>,
        %swap3A_824 = vector.shape_cast %swap3A_823 : vector<1x16xf32> to vector<16xf32>
        %swap3A_825 = vector.shape_cast %mul3A_820 : vector<16xf32> to vector<1x16xf32>
        tpu.vector_store %arg12[%swap3A_821, %swap3A_822], %swap3A_825 {strides = array<i32>} : memref<80x160xf32, #tpu.memory_space<vmem>>, vector<1x16xf32>,
        %get3A_826 = arith.index_cast %scan3A_727 : i32 to index
        %get3A_827 = arith.constant 144 : index
        %get3A_828 = tpu.vector_load %arg12[%get3A_826, %get3A_827] {strides = array<i32>} : memref<80x160xf32, #tpu.memory_space<vmem>>, vector<1x16xf32>,
        %get3A_829 = vector.shape_cast %get3A_828 : vector<1x16xf32> to vector<16xf32>
        %mul3A_830 = arith.mulf %get3A_829, %get3A_829 : vector<16xf32>
        %mul3A_831 = arith.mulf %mul3A_830, %get3A_829 : vector<16xf32>
        %swap3A_832 = arith.index_cast %scan3A_727 : i32 to index
        %swap3A_833 = arith.constant 144 : index
        %swap3A_834 = tpu.vector_load %arg12[%swap3A_832, %swap3A_833] {strides = array<i32>} : memref<80x160xf32, #tpu.memory_space<vmem>>, vector<1x16xf32>,
        %swap3A_835 = vector.shape_cast %swap3A_834 : vector<1x16xf32> to vector<16xf32>
        %swap3A_836 = vector.shape_cast %mul3A_831 : vector<16xf32> to vector<1x16xf32>
        tpu.vector_store %arg12[%swap3A_832, %swap3A_833], %swap3A_836 {strides = array<i32>} : memref<80x160xf32, #tpu.memory_space<vmem>>, vector<1x16xf32>,
        %scan3A_837 = arith.constant 0 : i32
        scf.yield %scan3A_837 : i32
      }
      %scan3A_722 = arith.constant 80 : i32
      %dma_start3A_723 = arith.constant 0 : i32
      %dma_start3A_724 = arith.constant 0 : i32
      %dma_start3A_725 = tpu.memref_slice %arg13[%dma_start3A_723, %dma_start3A_724] : memref<10000x160xf32, #tpu.memory_space<vmem_shared>> -> memref<10000x160xf32, #tpu.memory_space<vmem_shared>>
      tpu.enqueue_indirect_dma source(%arg12 : memref<80x160xf32, #tpu.memory_space<vmem>>) target(%dma_start3A_725 : memref<10000x160xf32, #tpu.memory_space<vmem_shared>>) offsets(%arg10 : memref<80xi32, #tpu.memory_space<vmem>>) semaphore(%arg19 : memref<!tpu.dma_semaphore, #tpu.memory_space<semaphore_mem>>) {add = true}
      %scan3A_726 = arith.constant 0 : i32
      scf.yield %scan3A_726 : i32
    }
    %scan3A_393 = arith.constant 62 : i32
    %dma_wait3A_394 = arith.constant 124 : i32
    %dma_wait3A_395 = arith.constant 0 : i32
    %dma_wait3A_396 = tpu.memref_slice %arg3[%add3A, %dma_wait3A_394, %dma_wait3A_395] : memref<32x125x80xi32, #tpu.memory_space<hbm>> -> memref<1x1x80xi32, #tpu.memory_space<hbm>>
    %dma_wait3A_397 = tpu.memref_squeeze %dma_wait3A_396 : memref<1x1x80xi32, #tpu.memory_space<hbm>> -> memref<80xi32, #tpu.memory_space<hbm>>
    %dma_wait3A_398 = arith.constant 0 : i32
    %dma_wait3A_399 = tpu.memref_slice %arg3[%add3A, %dma_wait3A_394, %dma_wait3A_398] : memref<32x125x80xi32, #tpu.memory_space<hbm>> -> memref<1x1x80xi32, #tpu.memory_space<hbm>>
    %dma_wait3A_400 = tpu.memref_squeeze %dma_wait3A_399 : memref<1x1x80xi32, #tpu.memory_space<hbm>> -> memref<80xi32, #tpu.memory_space<hbm>>
    tpu.wait_dma2 semaphore(%arg14 : memref<!tpu.dma_semaphore, #tpu.memory_space<semaphore_mem>>) src(%dma_wait3A_400 : memref<80xi32, #tpu.memory_space<hbm>>) dst(%arg9 : memref<80xi32, #tpu.memory_space<vmem>>)
    %add3A_401 = arith.constant 9920 : i32
    %add3A_402 = arith.addi %mul3A_2, %add3A_401 : i32
    %dma_wait3A_403 = arith.constant 0 : i32
    %dma_wait3A_404 = tpu.memref_slice %arg2[%add3A_402, %dma_wait3A_403] : memref<320000x160xf32, #tpu.memory_space<hbm>> -> memref<80x160xf32, #tpu.memory_space<hbm>>
    %dma_wait3A_405 = arith.constant 0 : i32
    %dma_wait3A_406 = tpu.memref_slice %arg2[%add3A_402, %dma_wait3A_405] : memref<320000x160xf32, #tpu.memory_space<hbm>> -> memref<80x160xf32, #tpu.memory_space<hbm>>
    tpu.wait_dma2 semaphore(%arg16 : memref<!tpu.dma_semaphore, #tpu.memory_space<semaphore_mem>>) src(%dma_wait3A_406 : memref<80x160xf32, #tpu.memory_space<hbm>>) dst(%arg11 : memref<80x160xf32, #tpu.memory_space<vmem>>)
    %dma_wait3A_407 = arith.constant 0 : i32
    %dma_wait3A_408 = arith.constant 0 : i32
    %dma_wait3A_409 = tpu.memref_slice %arg13[%dma_wait3A_407, %dma_wait3A_408] : memref<10000x160xf32, #tpu.memory_space<vmem_shared>> -> memref<10000x160xf32, #tpu.memory_space<vmem_shared>>
    tpu.wait_indirect_dma semaphore(%arg19 : memref<!tpu.dma_semaphore, #tpu.memory_space<semaphore_mem>>) src(%arg12 : memref<80x160xf32, #tpu.memory_space<vmem>>) dst(%dma_wait3A_409 : memref<10000x160xf32, #tpu.memory_space<vmem_shared>>)
    %scan3A_410 = arith.constant 0 : i32
    %scan3A_411 = arith.constant 0 : i32
    %scan3A_412 = arith.constant 80 : i32
    %scan3A_413 = arith.addi %scan3A_411, %scan3A_412 : i32
    %scan3A_414 = arith.constant 1 : i32
    %scan3A_415 = scf.for %scan3A_645 = %scan3A_411 to %scan3A_413 step %scan3A_414 iter_args(%scan3A_646 = %scan3A_410) -> (i32)  : i32 {
      %get3A = arith.index_cast %scan3A_645 : i32 to index
      %get3A_647 = arith.constant 0 : index
      %get3A_648 = tpu.vector_load %arg11[%get3A, %get3A_647] {strides = array<i32>} : memref<80x160xf32, #tpu.memory_space<vmem>>, vector<1x16xf32>,
      %get3A_649 = vector.shape_cast %get3A_648 : vector<1x16xf32> to vector<16xf32>
      %mul3A_650 = arith.mulf %get3A_649, %get3A_649 : vector<16xf32>
      %mul3A_651 = arith.mulf %mul3A_650, %get3A_649 : vector<16xf32>
      %swap3A = arith.index_cast %scan3A_645 : i32 to index
      %swap3A_652 = arith.constant 0 : index
      %swap3A_653 = tpu.vector_load %arg11[%swap3A, %swap3A_652] {strides = array<i32>} : memref<80x160xf32, #tpu.memory_space<vmem>>, vector<1x16xf32>,
      %swap3A_654 = vector.shape_cast %swap3A_653 : vector<1x16xf32> to vector<16xf32>
      %swap3A_655 = vector.shape_cast %mul3A_651 : vector<16xf32> to vector<1x16xf32>
      tpu.vector_store %arg11[%swap3A, %swap3A_652], %swap3A_655 {strides = array<i32>} : memref<80x160xf32, #tpu.memory_space<vmem>>, vector<1x16xf32>,
      %get3A_656 = arith.index_cast %scan3A_645 : i32 to index
      %get3A_657 = arith.constant 16 : index
      %get3A_658 = tpu.vector_load %arg11[%get3A_656, %get3A_657] {strides = array<i32>} : memref<80x160xf32, #tpu.memory_space<vmem>>, vector<1x16xf32>,
      %get3A_659 = vector.shape_cast %get3A_658 : vector<1x16xf32> to vector<16xf32>
      %mul3A_660 = arith.mulf %get3A_659, %get3A_659 : vector<16xf32>
      %mul3A_661 = arith.mulf %mul3A_660, %get3A_659 : vector<16xf32>
      %swap3A_662 = arith.index_cast %scan3A_645 : i32 to index
      %swap3A_663 = arith.constant 16 : index
      %swap3A_664 = tpu.vector_load %arg11[%swap3A_662, %swap3A_663] {strides = array<i32>} : memref<80x160xf32, #tpu.memory_space<vmem>>, vector<1x16xf32>,
      %swap3A_665 = vector.shape_cast %swap3A_664 : vector<1x16xf32> to vector<16xf32>
      %swap3A_666 = vector.shape_cast %mul3A_661 : vector<16xf32> to vector<1x16xf32>
      tpu.vector_store %arg11[%swap3A_662, %swap3A_663], %swap3A_666 {strides = array<i32>} : memref<80x160xf32, #tpu.memory_space<vmem>>, vector<1x16xf32>,
      %get3A_667 = arith.index_cast %scan3A_645 : i32 to index
      %get3A_668 = arith.constant 32 : index
      %get3A_669 = tpu.vector_load %arg11[%get3A_667, %get3A_668] {strides = array<i32>} : memref<80x160xf32, #tpu.memory_space<vmem>>, vector<1x16xf32>,
      %get3A_670 = vector.shape_cast %get3A_669 : vector<1x16xf32> to vector<16xf32>
      %mul3A_671 = arith.mulf %get3A_670, %get3A_670 : vector<16xf32>
      %mul3A_672 = arith.mulf %mul3A_671, %get3A_670 : vector<16xf32>
      %swap3A_673 = arith.index_cast %scan3A_645 : i32 to index
      %swap3A_674 = arith.constant 32 : index
      %swap3A_675 = tpu.vector_load %arg11[%swap3A_673, %swap3A_674] {strides = array<i32>} : memref<80x160xf32, #tpu.memory_space<vmem>>, vector<1x16xf32>,
      %swap3A_676 = vector.shape_cast %swap3A_675 : vector<1x16xf32> to vector<16xf32>
      %swap3A_677 = vector.shape_cast %mul3A_672 : vector<16xf32> to vector<1x16xf32>
      tpu.vector_store %arg11[%swap3A_673, %swap3A_674], %swap3A_677 {strides = array<i32>} : memref<80x160xf32, #tpu.memory_space<vmem>>, vector<1x16xf32>,
      %get3A_678 = arith.index_cast %scan3A_645 : i32 to index
      %get3A_679 = arith.constant 48 : index
      %get3A_680 = tpu.vector_load %arg11[%get3A_678, %get3A_679] {strides = array<i32>} : memref<80x160xf32, #tpu.memory_space<vmem>>, vector<1x16xf32>,
      %get3A_681 = vector.shape_cast %get3A_680 : vector<1x16xf32> to vector<16xf32>
      %mul3A_682 = arith.mulf %get3A_681, %get3A_681 : vector<16xf32>
      %mul3A_683 = arith.mulf %mul3A_682, %get3A_681 : vector<16xf32>
      %swap3A_684 = arith.index_cast %scan3A_645 : i32 to index
      %swap3A_685 = arith.constant 48 : index
      %swap3A_686 = tpu.vector_load %arg11[%swap3A_684, %swap3A_685] {strides = array<i32>} : memref<80x160xf32, #tpu.memory_space<vmem>>, vector<1x16xf32>,
      %swap3A_687 = vector.shape_cast %swap3A_686 : vector<1x16xf32> to vector<16xf32>
      %swap3A_688 = vector.shape_cast %mul3A_683 : vector<16xf32> to vector<1x16xf32>
      tpu.vector_store %arg11[%swap3A_684, %swap3A_685], %swap3A_688 {strides = array<i32>} : memref<80x160xf32, #tpu.memory_space<vmem>>, vector<1x16xf32>,
      %get3A_689 = arith.index_cast %scan3A_645 : i32 to index
      %get3A_690 = arith.constant 64 : index
      %get3A_691 = tpu.vector_load %arg11[%get3A_689, %get3A_690] {strides = array<i32>} : memref<80x160xf32, #tpu.memory_space<vmem>>, vector<1x16xf32>,
      %get3A_692 = vector.shape_cast %get3A_691 : vector<1x16xf32> to vector<16xf32>
      %mul3A_693 = arith.mulf %get3A_692, %get3A_692 : vector<16xf32>
      %mul3A_694 = arith.mulf %mul3A_693, %get3A_692 : vector<16xf32>
      %swap3A_695 = arith.index_cast %scan3A_645 : i32 to index
      %swap3A_696 = arith.constant 64 : index
      %swap3A_697 = tpu.vector_load %arg11[%swap3A_695, %swap3A_696] {strides = array<i32>} : memref<80x160xf32, #tpu.memory_space<vmem>>, vector<1x16xf32>,
      %swap3A_698 = vector.shape_cast %swap3A_697 : vector<1x16xf32> to vector<16xf32>
      %swap3A_699 = vector.shape_cast %mul3A_694 : vector<16xf32> to vector<1x16xf32>
      tpu.vector_store %arg11[%swap3A_695, %swap3A_696], %swap3A_699 {strides = array<i32>} : memref<80x160xf32, #tpu.memory_space<vmem>>, vector<1x16xf32>,
      %get3A_700 = arith.index_cast %scan3A_645 : i32 to index
      %get3A_701 = arith.constant 80 : index
      %get3A_702 = tpu.vector_load %arg11[%get3A_700, %get3A_701] {strides = array<i32>} : memref<80x160xf32, #tpu.memory_space<vmem>>, vector<1x16xf32>,
      %get3A_703 = vector.shape_cast %get3A_702 : vector<1x16xf32> to vector<16xf32>
      %mul3A_704 = arith.mulf %get3A_703, %get3A_703 : vector<16xf32>
      %mul3A_705 = arith.mulf %mul3A_704, %get3A_703 : vector<16xf32>
      %swap3A_706 = arith.index_cast %scan3A_645 : i32 to index
      %swap3A_707 = arith.constant 80 : index
      %swap3A_708 = tpu.vector_load %arg11[%swap3A_706, %swap3A_707] {strides = array<i32>} : memref<80x160xf32, #tpu.memory_space<vmem>>, vector<1x16xf32>,
      %swap3A_709 = vector.shape_cast %swap3A_708 : vector<1x16xf32> to vector<16xf32>
      %swap3A_710 = vector.shape_cast %mul3A_705 : vector<16xf32> to vector<1x16xf32>
      tpu.vector_store %arg11[%swap3A_706, %swap3A_707], %swap3A_710 {strides = array<i32>} : memref<80x160xf32, #tpu.memory_space<vmem>>, vector<1x16xf32>,
      %get3A_711 = arith.index_cast %scan3A_645 : i32 to index
      %get3A_712 = arith.constant 96 : index
      %get3A_713 = tpu.vector_load %arg11[%get3A_711, %get3A_712] {strides = array<i32>} : memref<80x160xf32, #tpu.memory_space<vmem>>, vector<1x16xf32>,
      %get3A_714 = vector.shape_cast %get3A_713 : vector<1x16xf32> to vector<16xf32>
      %mul3A_715 = arith.mulf %get3A_714, %get3A_714 : vector<16xf32>
      %mul3A_716 = arith.mulf %mul3A_715, %get3A_714 : vector<16xf32>
      %swap3A_717 = arith.index_cast %scan3A_645 : i32 to index
      %swap3A_718 = arith.constant 96 : index
      %swap3A_719 = tpu.vector_load %arg11[%swap3A_717, %swap3A_718] {strides = array<i32>} : memref<80x160xf32, #tpu.memory_space<vmem>>, vector<1x16xf32>,
      %swap3A_720 = vector.shape_cast %swap3A_719 : vector<1x16xf32> to vector<16xf32>
      %swap3A_721 = vector.shape_cast %mul3A_716 : vector<16xf32> to vector<1x16xf32>
      tpu.vector_store %arg11[%swap3A_717, %swap3A_718], %swap3A_721 {strides = array<i32>} : memref<80x160xf32, #tpu.memory_space<vmem>>, vector<1x16xf32>,
      %get3A_722 = arith.index_cast %scan3A_645 : i32 to index
      %get3A_723 = arith.constant 112 : index
      %get3A_724 = tpu.vector_load %arg11[%get3A_722, %get3A_723] {strides = array<i32>} : memref<80x160xf32, #tpu.memory_space<vmem>>, vector<1x16xf32>,
      %get3A_725 = vector.shape_cast %get3A_724 : vector<1x16xf32> to vector<16xf32>
      %mul3A_726 = arith.mulf %get3A_725, %get3A_725 : vector<16xf32>
      %mul3A_727 = arith.mulf %mul3A_726, %get3A_725 : vector<16xf32>
      %swap3A_728 = arith.index_cast %scan3A_645 : i32 to index
      %swap3A_729 = arith.constant 112 : index
      %swap3A_730 = tpu.vector_load %arg11[%swap3A_728, %swap3A_729] {strides = array<i32>} : memref<80x160xf32, #tpu.memory_space<vmem>>, vector<1x16xf32>,
      %swap3A_731 = vector.shape_cast %swap3A_730 : vector<1x16xf32> to vector<16xf32>
      %swap3A_732 = vector.shape_cast %mul3A_727 : vector<16xf32> to vector<1x16xf32>
      tpu.vector_store %arg11[%swap3A_728, %swap3A_729], %swap3A_732 {strides = array<i32>} : memref<80x160xf32, #tpu.memory_space<vmem>>, vector<1x16xf32>,
      %get3A_733 = arith.index_cast %scan3A_645 : i32 to index
      %get3A_734 = arith.constant 128 : index
      %get3A_735 = tpu.vector_load %arg11[%get3A_733, %get3A_734] {strides = array<i32>} : memref<80x160xf32, #tpu.memory_space<vmem>>, vector<1x16xf32>,
      %get3A_736 = vector.shape_cast %get3A_735 : vector<1x16xf32> to vector<16xf32>
      %mul3A_737 = arith.mulf %get3A_736, %get3A_736 : vector<16xf32>
      %mul3A_738 = arith.mulf %mul3A_737, %get3A_736 : vector<16xf32>
      %swap3A_739 = arith.index_cast %scan3A_645 : i32 to index
      %swap3A_740 = arith.constant 128 : index
      %swap3A_741 = tpu.vector_load %arg11[%swap3A_739, %swap3A_740] {strides = array<i32>} : memref<80x160xf32, #tpu.memory_space<vmem>>, vector<1x16xf32>,
      %swap3A_742 = vector.shape_cast %swap3A_741 : vector<1x16xf32> to vector<16xf32>
      %swap3A_743 = vector.shape_cast %mul3A_738 : vector<16xf32> to vector<1x16xf32>
      tpu.vector_store %arg11[%swap3A_739, %swap3A_740], %swap3A_743 {strides = array<i32>} : memref<80x160xf32, #tpu.memory_space<vmem>>, vector<1x16xf32>,
      %get3A_744 = arith.index_cast %scan3A_645 : i32 to index
      %get3A_745 = arith.constant 144 : index
      %get3A_746 = tpu.vector_load %arg11[%get3A_744, %get3A_745] {strides = array<i32>} : memref<80x160xf32, #tpu.memory_space<vmem>>, vector<1x16xf32>,
      %get3A_747 = vector.shape_cast %get3A_746 : vector<1x16xf32> to vector<16xf32>
      %mul3A_748 = arith.mulf %get3A_747, %get3A_747 : vector<16xf32>
      %mul3A_749 = arith.mulf %mul3A_748, %get3A_747 : vector<16xf32>
      %swap3A_750 = arith.index_cast %scan3A_645 : i32 to index
      %swap3A_751 = arith.constant 144 : index
      %swap3A_752 = tpu.vector_load %arg11[%swap3A_750, %swap3A_751] {strides = array<i32>} : memref<80x160xf32, #tpu.memory_space<vmem>>, vector<1x16xf32>,
      %swap3A_753 = vector.shape_cast %swap3A_752 : vector<1x16xf32> to vector<16xf32>
      %swap3A_754 = vector.shape_cast %mul3A_749 : vector<16xf32> to vector<1x16xf32>
      tpu.vector_store %arg11[%swap3A_750, %swap3A_751], %swap3A_754 {strides = array<i32>} : memref<80x160xf32, #tpu.memory_space<vmem>>, vector<1x16xf32>,
      %scan3A_755 = arith.constant 0 : i32
      scf.yield %scan3A_755 : i32
    }
    %scan3A_416 = arith.constant 80 : i32
    %dma_start3A_417 = arith.constant 0 : i32
    %dma_start3A_418 = arith.constant 0 : i32
    %dma_start3A_419 = tpu.memref_slice %arg13[%dma_start3A_417, %dma_start3A_418] : memref<10000x160xf32, #tpu.memory_space<vmem_shared>> -> memref<10000x160xf32, #tpu.memory_space<vmem_shared>>
    tpu.enqueue_indirect_dma source(%arg11 : memref<80x160xf32, #tpu.memory_space<vmem>>) target(%dma_start3A_419 : memref<10000x160xf32, #tpu.memory_space<vmem_shared>>) offsets(%arg9 : memref<80xi32, #tpu.memory_space<vmem>>) semaphore(%arg18 : memref<!tpu.dma_semaphore, #tpu.memory_space<semaphore_mem>>) {add = true}
    %dma_wait3A_420 = arith.constant 0 : i32
    %dma_wait3A_421 = arith.constant 0 : i32
    %dma_wait3A_422 = tpu.memref_slice %arg13[%dma_wait3A_420, %dma_wait3A_421] : memref<10000x160xf32, #tpu.memory_space<vmem_shared>> -> memref<10000x160xf32, #tpu.memory_space<vmem_shared>>
    tpu.wait_indirect_dma semaphore(%arg18 : memref<!tpu.dma_semaphore, #tpu.memory_space<semaphore_mem>>) src(%arg11 : memref<80x160xf32, #tpu.memory_space<vmem>>) dst(%dma_wait3A_422 : memref<10000x160xf32, #tpu.memory_space<vmem_shared>>)
    %barrier3A_423 = arith.constant 0 : index
    tpu.barrier barrier_id(%barrier3A_423)
    %add3A_424 = arith.constant 0 : i32
    %add3A_425 = arith.addi %arg1, %add3A_424 : i32
    %lt3A_426 = arith.constant 125 : i32
    %lt3A_427 = arith.cmpi slt, %add3A_425, %lt3A_426 : i32
    %convert_element_type3A_428 = arith.extui %lt3A_427 : i1 to i32
    %cond3A_429 = arith.constant 0 : i32
    %cond3A_430 = arith.cmpi ne, %convert_element_type3A_428, %cond3A_429 : i32
    scf.if %cond3A_430 {
      %mul3A_645 = arith.constant 80 : i32
      %mul3A_646 = arith.muli %add3A_425, %mul3A_645 : i32
      "tpu.region"() ({
        %run_scoped3A = tpu.sem_alloc : memref<!tpu.dma_semaphore, #tpu.memory_space<semaphore_mem>>
        %dma_start3A_647 = arith.constant 0 : i32
        %dma_start3A_648 = tpu.memref_slice %arg7[%arg0, %mul3A_646, %dma_start3A_647] : memref<2x10000x160xf32, #tpu.memory_space<hbm>> -> memref<1x80x160xf32, #tpu.memory_space<hbm>>
        %dma_start3A_649 = tpu.memref_squeeze %dma_start3A_648 : memref<1x80x160xf32, #tpu.memory_space<hbm>> -> memref<80x160xf32, #tpu.memory_space<hbm>>
        %dma_start3A_650 = arith.constant 0 : i32
        %dma_start3A_651 = tpu.memref_slice %arg13[%mul3A_646, %dma_start3A_650] : memref<10000x160xf32, #tpu.memory_space<vmem_shared>> -> memref<80x160xf32, #tpu.memory_space<vmem_shared>>
        tpu.enqueue_dma source(%dma_start3A_651 : memref<80x160xf32, #tpu.memory_space<vmem_shared>>) target(%dma_start3A_649 : memref<80x160xf32, #tpu.memory_space<hbm>>) target_semaphore(%run_scoped3A : memref<!tpu.dma_semaphore, #tpu.memory_space<semaphore_mem>>)
        %dma_wait3A_652 = arith.constant 0 : i32
        %dma_wait3A_653 = tpu.memref_slice %arg7[%arg0, %mul3A_646, %dma_wait3A_652] : memref<2x10000x160xf32, #tpu.memory_space<hbm>> -> memref<1x80x160xf32, #tpu.memory_space<hbm>>
        %dma_wait3A_654 = tpu.memref_squeeze %dma_wait3A_653 : memref<1x80x160xf32, #tpu.memory_space<hbm>> -> memref<80x160xf32, #tpu.memory_space<hbm>>
        %dma_wait3A_655 = arith.constant 0 : i32
        %dma_wait3A_656 = tpu.memref_slice %arg13[%mul3A_646, %dma_wait3A_655] : memref<10000x160xf32, #tpu.memory_space<vmem_shared>> -> memref<80x160xf32, #tpu.memory_space<vmem_shared>>
        tpu.wait_dma2 semaphore(%run_scoped3A : memref<!tpu.dma_semaphore, #tpu.memory_space<semaphore_mem>>) src(%dma_wait3A_656 : memref<80x160xf32, #tpu.memory_space<vmem_shared>>) dst(%dma_wait3A_654 : memref<80x160xf32, #tpu.memory_space<hbm>>)
        tpu.yield
      }) : () -> ()
    } else {
    }
    %add3A_431 = arith.constant 16 : i32
    %add3A_432 = arith.addi %arg1, %add3A_431 : i32
    %lt3A_433 = arith.constant 125 : i32
    %lt3A_434 = arith.cmpi slt, %add3A_432, %lt3A_433 : i32
    %convert_element_type3A_435 = arith.extui %lt3A_434 : i1 to i32
    %cond3A_436 = arith.constant 0 : i32
    %cond3A_437 = arith.cmpi ne, %convert_element_type3A_435, %cond3A_436 : i32
    scf.if %cond3A_437 {
      %mul3A_645 = arith.constant 80 : i32
      %mul3A_646 = arith.muli %add3A_432, %mul3A_645 : i32
      "tpu.region"() ({
        %run_scoped3A = tpu.sem_alloc : memref<!tpu.dma_semaphore, #tpu.memory_space<semaphore_mem>>
        %dma_start3A_647 = arith.constant 0 : i32
        %dma_start3A_648 = tpu.memref_slice %arg7[%arg0, %mul3A_646, %dma_start3A_647] : memref<2x10000x160xf32, #tpu.memory_space<hbm>> -> memref<1x80x160xf32, #tpu.memory_space<hbm>>
        %dma_start3A_649 = tpu.memref_squeeze %dma_start3A_648 : memref<1x80x160xf32, #tpu.memory_space<hbm>> -> memref<80x160xf32, #tpu.memory_space<hbm>>
        %dma_start3A_650 = arith.constant 0 : i32
        %dma_start3A_651 = tpu.memref_slice %arg13[%mul3A_646, %dma_start3A_650] : memref<10000x160xf32, #tpu.memory_space<vmem_shared>> -> memref<80x160xf32, #tpu.memory_space<vmem_shared>>
        tpu.enqueue_dma source(%dma_start3A_651 : memref<80x160xf32, #tpu.memory_space<vmem_shared>>) target(%dma_start3A_649 : memref<80x160xf32, #tpu.memory_space<hbm>>) target_semaphore(%run_scoped3A : memref<!tpu.dma_semaphore, #tpu.memory_space<semaphore_mem>>)
        %dma_wait3A_652 = arith.constant 0 : i32
        %dma_wait3A_653 = tpu.memref_slice %arg7[%arg0, %mul3A_646, %dma_wait3A_652] : memref<2x10000x160xf32, #tpu.memory_space<hbm>> -> memref<1x80x160xf32, #tpu.memory_space<hbm>>
        %dma_wait3A_654 = tpu.memref_squeeze %dma_wait3A_653 : memref<1x80x160xf32, #tpu.memory_space<hbm>> -> memref<80x160xf32, #tpu.memory_space<hbm>>
        %dma_wait3A_655 = arith.constant 0 : i32
        %dma_wait3A_656 = tpu.memref_slice %arg13[%mul3A_646, %dma_wait3A_655] : memref<10000x160xf32, #tpu.memory_space<vmem_shared>> -> memref<80x160xf32, #tpu.memory_space<vmem_shared>>
        tpu.wait_dma2 semaphore(%run_scoped3A : memref<!tpu.dma_semaphore, #tpu.memory_space<semaphore_mem>>) src(%dma_wait3A_656 : memref<80x160xf32, #tpu.memory_space<vmem_shared>>) dst(%dma_wait3A_654 : memref<80x160xf32, #tpu.memory_space<hbm>>)
        tpu.yield
      }) : () -> ()
    } else {
    }
    %add3A_438 = arith.constant 32 : i32
    %add3A_439 = arith.addi %arg1, %add3A_438 : i32
    %lt3A_440 = arith.constant 125 : i32
    %lt3A_441 = arith.cmpi slt, %add3A_439, %lt3A_440 : i32
    %convert_element_type3A_442 = arith.extui %lt3A_441 : i1 to i32
    %cond3A_443 = arith.constant 0 : i32
    %cond3A_444 = arith.cmpi ne, %convert_element_type3A_442, %cond3A_443 : i32
    scf.if %cond3A_444 {
      %mul3A_645 = arith.constant 80 : i32
      %mul3A_646 = arith.muli %add3A_439, %mul3A_645 : i32
      "tpu.region"() ({
        %run_scoped3A = tpu.sem_alloc : memref<!tpu.dma_semaphore, #tpu.memory_space<semaphore_mem>>
        %dma_start3A_647 = arith.constant 0 : i32
        %dma_start3A_648 = tpu.memref_slice %arg7[%arg0, %mul3A_646, %dma_start3A_647] : memref<2x10000x160xf32, #tpu.memory_space<hbm>> -> memref<1x80x160xf32, #tpu.memory_space<hbm>>
        %dma_start3A_649 = tpu.memref_squeeze %dma_start3A_648 : memref<1x80x160xf32, #tpu.memory_space<hbm>> -> memref<80x160xf32, #tpu.memory_space<hbm>>
        %dma_start3A_650 = arith.constant 0 : i32
        %dma_start3A_651 = tpu.memref_slice %arg13[%mul3A_646, %dma_start3A_650] : memref<10000x160xf32, #tpu.memory_space<vmem_shared>> -> memref<80x160xf32, #tpu.memory_space<vmem_shared>>
        tpu.enqueue_dma source(%dma_start3A_651 : memref<80x160xf32, #tpu.memory_space<vmem_shared>>) target(%dma_start3A_649 : memref<80x160xf32, #tpu.memory_space<hbm>>) target_semaphore(%run_scoped3A : memref<!tpu.dma_semaphore, #tpu.memory_space<semaphore_mem>>)
        %dma_wait3A_652 = arith.constant 0 : i32
        %dma_wait3A_653 = tpu.memref_slice %arg7[%arg0, %mul3A_646, %dma_wait3A_652] : memref<2x10000x160xf32, #tpu.memory_space<hbm>> -> memref<1x80x160xf32, #tpu.memory_space<hbm>>
        %dma_wait3A_654 = tpu.memref_squeeze %dma_wait3A_653 : memref<1x80x160xf32, #tpu.memory_space<hbm>> -> memref<80x160xf32, #tpu.memory_space<hbm>>
        %dma_wait3A_655 = arith.constant 0 : i32
        %dma_wait3A_656 = tpu.memref_slice %arg13[%mul3A_646, %dma_wait3A_655] : memref<10000x160xf32, #tpu.memory_space<vmem_shared>> -> memref<80x160xf32, #tpu.memory_space<vmem_shared>>
        tpu.wait_dma2 semaphore(%run_scoped3A : memref<!tpu.dma_semaphore, #tpu.memory_space<semaphore_mem>>) src(%dma_wait3A_656 : memref<80x160xf32, #tpu.memory_space<vmem_shared>>) dst(%dma_wait3A_654 : memref<80x160xf32, #tpu.memory_space<hbm>>)
        tpu.yield
      }) : () -> ()
    } else {
    }
    %add3A_445 = arith.constant 48 : i32
    %add3A_446 = arith.addi %arg1, %add3A_445 : i32
    %lt3A_447 = arith.constant 125 : i32
    %lt3A_448 = arith.cmpi slt, %add3A_446, %lt3A_447 : i32
    %convert_element_type3A_449 = arith.extui %lt3A_448 : i1 to i32
    %cond3A_450 = arith.constant 0 : i32
    %cond3A_451 = arith.cmpi ne, %convert_element_type3A_449, %cond3A_450 : i32
    scf.if %cond3A_451 {
      %mul3A_645 = arith.constant 80 : i32
      %mul3A_646 = arith.muli %add3A_446, %mul3A_645 : i32
      "tpu.region"() ({
        %run_scoped3A = tpu.sem_alloc : memref<!tpu.dma_semaphore, #tpu.memory_space<semaphore_mem>>
        %dma_start3A_647 = arith.constant 0 : i32
        %dma_start3A_648 = tpu.memref_slice %arg7[%arg0, %mul3A_646, %dma_start3A_647] : memref<2x10000x160xf32, #tpu.memory_space<hbm>> -> memref<1x80x160xf32, #tpu.memory_space<hbm>>
        %dma_start3A_649 = tpu.memref_squeeze %dma_start3A_648 : memref<1x80x160xf32, #tpu.memory_space<hbm>> -> memref<80x160xf32, #tpu.memory_space<hbm>>
        %dma_start3A_650 = arith.constant 0 : i32
        %dma_start3A_651 = tpu.memref_slice %arg13[%mul3A_646, %dma_start3A_650] : memref<10000x160xf32, #tpu.memory_space<vmem_shared>> -> memref<80x160xf32, #tpu.memory_space<vmem_shared>>
        tpu.enqueue_dma source(%dma_start3A_651 : memref<80x160xf32, #tpu.memory_space<vmem_shared>>) target(%dma_start3A_649 : memref<80x160xf32, #tpu.memory_space<hbm>>) target_semaphore(%run_scoped3A : memref<!tpu.dma_semaphore, #tpu.memory_space<semaphore_mem>>)
        %dma_wait3A_652 = arith.constant 0 : i32
        %dma_wait3A_653 = tpu.memref_slice %arg7[%arg0, %mul3A_646, %dma_wait3A_652] : memref<2x10000x160xf32, #tpu.memory_space<hbm>> -> memref<1x80x160xf32, #tpu.memory_space<hbm>>
        %dma_wait3A_654 = tpu.memref_squeeze %dma_wait3A_653 : memref<1x80x160xf32, #tpu.memory_space<hbm>> -> memref<80x160xf32, #tpu.memory_space<hbm>>
        %dma_wait3A_655 = arith.constant 0 : i32
        %dma_wait3A_656 = tpu.memref_slice %arg13[%mul3A_646, %dma_wait3A_655] : memref<10000x160xf32, #tpu.memory_space<vmem_shared>> -> memref<80x160xf32, #tpu.memory_space<vmem_shared>>
        tpu.wait_dma2 semaphore(%run_scoped3A : memref<!tpu.dma_semaphore, #tpu.memory_space<semaphore_mem>>) src(%dma_wait3A_656 : memref<80x160xf32, #tpu.memory_space<vmem_shared>>) dst(%dma_wait3A_654 : memref<80x160xf32, #tpu.memory_space<hbm>>)
        tpu.yield
      }) : () -> ()
    } else {
    }
    %add3A_452 = arith.constant 64 : i32
    %add3A_453 = arith.addi %arg1, %add3A_452 : i32
    %lt3A_454 = arith.constant 125 : i32
    %lt3A_455 = arith.cmpi slt, %add3A_453, %lt3A_454 : i32
    %convert_element_type3A_456 = arith.extui %lt3A_455 : i1 to i32
    %cond3A_457 = arith.constant 0 : i32
    %cond3A_458 = arith.cmpi ne, %convert_element_type3A_456, %cond3A_457 : i32
    scf.if %cond3A_458 {
      %mul3A_645 = arith.constant 80 : i32
      %mul3A_646 = arith.muli %add3A_453, %mul3A_645 : i32
      "tpu.region"() ({
        %run_scoped3A = tpu.sem_alloc : memref<!tpu.dma_semaphore, #tpu.memory_space<semaphore_mem>>
        %dma_start3A_647 = arith.constant 0 : i32
        %dma_start3A_648 = tpu.memref_slice %arg7[%arg0, %mul3A_646, %dma_start3A_647] : memref<2x10000x160xf32, #tpu.memory_space<hbm>> -> memref<1x80x160xf32, #tpu.memory_space<hbm>>
        %dma_start3A_649 = tpu.memref_squeeze %dma_start3A_648 : memref<1x80x160xf32, #tpu.memory_space<hbm>> -> memref<80x160xf32, #tpu.memory_space<hbm>>
        %dma_start3A_650 = arith.constant 0 : i32
        %dma_start3A_651 = tpu.memref_slice %arg13[%mul3A_646, %dma_start3A_650] : memref<10000x160xf32, #tpu.memory_space<vmem_shared>> -> memref<80x160xf32, #tpu.memory_space<vmem_shared>>
        tpu.enqueue_dma source(%dma_start3A_651 : memref<80x160xf32, #tpu.memory_space<vmem_shared>>) target(%dma_start3A_649 : memref<80x160xf32, #tpu.memory_space<hbm>>) target_semaphore(%run_scoped3A : memref<!tpu.dma_semaphore, #tpu.memory_space<semaphore_mem>>)
        %dma_wait3A_652 = arith.constant 0 : i32
        %dma_wait3A_653 = tpu.memref_slice %arg7[%arg0, %mul3A_646, %dma_wait3A_652] : memref<2x10000x160xf32, #tpu.memory_space<hbm>> -> memref<1x80x160xf32, #tpu.memory_space<hbm>>
        %dma_wait3A_654 = tpu.memref_squeeze %dma_wait3A_653 : memref<1x80x160xf32, #tpu.memory_space<hbm>> -> memref<80x160xf32, #tpu.memory_space<hbm>>
        %dma_wait3A_655 = arith.constant 0 : i32
        %dma_wait3A_656 = tpu.memref_slice %arg13[%mul3A_646, %dma_wait3A_655] : memref<10000x160xf32, #tpu.memory_space<vmem_shared>> -> memref<80x160xf32, #tpu.memory_space<vmem_shared>>
        tpu.wait_dma2 semaphore(%run_scoped3A : memref<!tpu.dma_semaphore, #tpu.memory_space<semaphore_mem>>) src(%dma_wait3A_656 : memref<80x160xf32, #tpu.memory_space<vmem_shared>>) dst(%dma_wait3A_654 : memref<80x160xf32, #tpu.memory_space<hbm>>)
        tpu.yield
      }) : () -> ()
    } else {
    }
    %add3A_459 = arith.constant 80 : i32
    %add3A_460 = arith.addi %arg1, %add3A_459 : i32
    %lt3A_461 = arith.constant 125 : i32
    %lt3A_462 = arith.cmpi slt, %add3A_460, %lt3A_461 : i32
    %convert_element_type3A_463 = arith.extui %lt3A_462 : i1 to i32
    %cond3A_464 = arith.constant 0 : i32
    %cond3A_465 = arith.cmpi ne, %convert_element_type3A_463, %cond3A_464 : i32
    scf.if %cond3A_465 {
      %mul3A_645 = arith.constant 80 : i32
      %mul3A_646 = arith.muli %add3A_460, %mul3A_645 : i32
      "tpu.region"() ({
        %run_scoped3A = tpu.sem_alloc : memref<!tpu.dma_semaphore, #tpu.memory_space<semaphore_mem>>
        %dma_start3A_647 = arith.constant 0 : i32
        %dma_start3A_648 = tpu.memref_slice %arg7[%arg0, %mul3A_646, %dma_start3A_647] : memref<2x10000x160xf32, #tpu.memory_space<hbm>> -> memref<1x80x160xf32, #tpu.memory_space<hbm>>
        %dma_start3A_649 = tpu.memref_squeeze %dma_start3A_648 : memref<1x80x160xf32, #tpu.memory_space<hbm>> -> memref<80x160xf32, #tpu.memory_space<hbm>>
        %dma_start3A_650 = arith.constant 0 : i32
        %dma_start3A_651 = tpu.memref_slice %arg13[%mul3A_646, %dma_start3A_650] : memref<10000x160xf32, #tpu.memory_space<vmem_shared>> -> memref<80x160xf32, #tpu.memory_space<vmem_shared>>
        tpu.enqueue_dma source(%dma_start3A_651 : memref<80x160xf32, #tpu.memory_space<vmem_shared>>) target(%dma_start3A_649 : memref<80x160xf32, #tpu.memory_space<hbm>>) target_semaphore(%run_scoped3A : memref<!tpu.dma_semaphore, #tpu.memory_space<semaphore_mem>>)
        %dma_wait3A_652 = arith.constant 0 : i32
        %dma_wait3A_653 = tpu.memref_slice %arg7[%arg0, %mul3A_646, %dma_wait3A_652] : memref<2x10000x160xf32, #tpu.memory_space<hbm>> -> memref<1x80x160xf32, #tpu.memory_space<hbm>>
        %dma_wait3A_654 = tpu.memref_squeeze %dma_wait3A_653 : memref<1x80x160xf32, #tpu.memory_space<hbm>> -> memref<80x160xf32, #tpu.memory_space<hbm>>
        %dma_wait3A_655 = arith.constant 0 : i32
        %dma_wait3A_656 = tpu.memref_slice %arg13[%mul3A_646, %dma_wait3A_655] : memref<10000x160xf32, #tpu.memory_space<vmem_shared>> -> memref<80x160xf32, #tpu.memory_space<vmem_shared>>
        tpu.wait_dma2 semaphore(%run_scoped3A : memref<!tpu.dma_semaphore, #tpu.memory_space<semaphore_mem>>) src(%dma_wait3A_656 : memref<80x160xf32, #tpu.memory_space<vmem_shared>>) dst(%dma_wait3A_654 : memref<80x160xf32, #tpu.memory_space<hbm>>)
        tpu.yield
      }) : () -> ()
    } else {
    }
    %add3A_466 = arith.constant 96 : i32
    %add3A_467 = arith.addi %arg1, %add3A_466 : i32
    %lt3A_468 = arith.constant 125 : i32
    %lt3A_469 = arith.cmpi slt, %add3A_467, %lt3A_468 : i32
    %convert_element_type3A_470 = arith.extui %lt3A_469 : i1 to i32
    %cond3A_471 = arith.constant 0 : i32
    %cond3A_472 = arith.cmpi ne, %convert_element_type3A_470, %cond3A_471 : i32
    scf.if %cond3A_472 {
      %mul3A_645 = arith.constant 80 : i32
      %mul3A_646 = arith.muli %add3A_467, %mul3A_645 : i32
      "tpu.region"() ({
        %run_scoped3A = tpu.sem_alloc : memref<!tpu.dma_semaphore, #tpu.memory_space<semaphore_mem>>
        %dma_start3A_647 = arith.constant 0 : i32
        %dma_start3A_648 = tpu.memref_slice %arg7[%arg0, %mul3A_646, %dma_start3A_647] : memref<2x10000x160xf32, #tpu.memory_space<hbm>> -> memref<1x80x160xf32, #tpu.memory_space<hbm>>
        %dma_start3A_649 = tpu.memref_squeeze %dma_start3A_648 : memref<1x80x160xf32, #tpu.memory_space<hbm>> -> memref<80x160xf32, #tpu.memory_space<hbm>>
        %dma_start3A_650 = arith.constant 0 : i32
        %dma_start3A_651 = tpu.memref_slice %arg13[%mul3A_646, %dma_start3A_650] : memref<10000x160xf32, #tpu.memory_space<vmem_shared>> -> memref<80x160xf32, #tpu.memory_space<vmem_shared>>
        tpu.enqueue_dma source(%dma_start3A_651 : memref<80x160xf32, #tpu.memory_space<vmem_shared>>) target(%dma_start3A_649 : memref<80x160xf32, #tpu.memory_space<hbm>>) target_semaphore(%run_scoped3A : memref<!tpu.dma_semaphore, #tpu.memory_space<semaphore_mem>>)
        %dma_wait3A_652 = arith.constant 0 : i32
        %dma_wait3A_653 = tpu.memref_slice %arg7[%arg0, %mul3A_646, %dma_wait3A_652] : memref<2x10000x160xf32, #tpu.memory_space<hbm>> -> memref<1x80x160xf32, #tpu.memory_space<hbm>>
        %dma_wait3A_654 = tpu.memref_squeeze %dma_wait3A_653 : memref<1x80x160xf32, #tpu.memory_space<hbm>> -> memref<80x160xf32, #tpu.memory_space<hbm>>
        %dma_wait3A_655 = arith.constant 0 : i32
        %dma_wait3A_656 = tpu.memref_slice %arg13[%mul3A_646, %dma_wait3A_655] : memref<10000x160xf32, #tpu.memory_space<vmem_shared>> -> memref<80x160xf32, #tpu.memory_space<vmem_shared>>
        tpu.wait_dma2 semaphore(%run_scoped3A : memref<!tpu.dma_semaphore, #tpu.memory_space<semaphore_mem>>) src(%dma_wait3A_656 : memref<80x160xf32, #tpu.memory_space<vmem_shared>>) dst(%dma_wait3A_654 : memref<80x160xf32, #tpu.memory_space<hbm>>)
        tpu.yield
      }) : () -> ()
    } else {
    }
    %add3A_473 = arith.constant 112 : i32
    %add3A_474 = arith.addi %arg1, %add3A_473 : i32
    %lt3A_475 = arith.constant 125 : i32
    %lt3A_476 = arith.cmpi slt, %add3A_474, %lt3A_475 : i32
    %convert_element_type3A_477 = arith.extui %lt3A_476 : i1 to i32
    %cond3A_478 = arith.constant 0 : i32
    %cond3A_479 = arith.cmpi ne, %convert_element_type3A_477, %cond3A_478 : i32
    scf.if %cond3A_479 {
      %mul3A_645 = arith.constant 80 : i32
      %mul3A_646 = arith.muli %add3A_474, %mul3A_645 : i32
      "tpu.region"() ({
        %run_scoped3A = tpu.sem_alloc : memref<!tpu.dma_semaphore, #tpu.memory_space<semaphore_mem>>
        %dma_start3A_647 = arith.constant 0 : i32
        %dma_start3A_648 = tpu.memref_slice %arg7[%arg0, %mul3A_646, %dma_start3A_647] : memref<2x10000x160xf32, #tpu.memory_space<hbm>> -> memref<1x80x160xf32, #tpu.memory_space<hbm>>
        %dma_start3A_649 = tpu.memref_squeeze %dma_start3A_648 : memref<1x80x160xf32, #tpu.memory_space<hbm>> -> memref<80x160xf32, #tpu.memory_space<hbm>>
        %dma_start3A_650 = arith.constant 0 : i32
        %dma_start3A_651 = tpu.memref_slice %arg13[%mul3A_646, %dma_start3A_650] : memref<10000x160xf32, #tpu.memory_space<vmem_shared>> -> memref<80x160xf32, #tpu.memory_space<vmem_shared>>
        tpu.enqueue_dma source(%dma_start3A_651 : memref<80x160xf32, #tpu.memory_space<vmem_shared>>) target(%dma_start3A_649 : memref<80x160xf32, #tpu.memory_space<hbm>>) target_semaphore(%run_scoped3A : memref<!tpu.dma_semaphore, #tpu.memory_space<semaphore_mem>>)
        %dma_wait3A_652 = arith.constant 0 : i32
        %dma_wait3A_653 = tpu.memref_slice %arg7[%arg0, %mul3A_646, %dma_wait3A_652] : memref<2x10000x160xf32, #tpu.memory_space<hbm>> -> memref<1x80x160xf32, #tpu.memory_space<hbm>>
        %dma_wait3A_654 = tpu.memref_squeeze %dma_wait3A_653 : memref<1x80x160xf32, #tpu.memory_space<hbm>> -> memref<80x160xf32, #tpu.memory_space<hbm>>
        %dma_wait3A_655 = arith.constant 0 : i32
        %dma_wait3A_656 = tpu.memref_slice %arg13[%mul3A_646, %dma_wait3A_655] : memref<10000x160xf32, #tpu.memory_space<vmem_shared>> -> memref<80x160xf32, #tpu.memory_space<vmem_shared>>
        tpu.wait_dma2 semaphore(%run_scoped3A : memref<!tpu.dma_semaphore, #tpu.memory_space<semaphore_mem>>) src(%dma_wait3A_656 : memref<80x160xf32, #tpu.memory_space<vmem_shared>>) dst(%dma_wait3A_654 : memref<80x160xf32, #tpu.memory_space<hbm>>)
        tpu.yield
      }) : () -> ()
    } else {
    }
    %barrier3A_480 = arith.constant 0 : index
    tpu.barrier barrier_id(%barrier3A_480)
    %add3A_481 = arith.constant 0 : i32
    %add3A_482 = arith.addi %arg1, %add3A_481 : i32
    %lt3A_483 = arith.constant 125 : i32
    %lt3A_484 = arith.cmpi slt, %add3A_482, %lt3A_483 : i32
    %convert_element_type3A_485 = arith.extui %lt3A_484 : i1 to i32
    %cond3A_486 = arith.constant 0 : i32
    %cond3A_487 = arith.cmpi ne, %convert_element_type3A_485, %cond3A_486 : i32
    scf.if %cond3A_487 {
      %mul3A_645 = arith.constant 80 : i32
      %mul3A_646 = arith.muli %add3A_482, %mul3A_645 : i32
      "tpu.region"() ({
        %run_scoped3A = tpu.sem_alloc : memref<!tpu.dma_semaphore, #tpu.memory_space<semaphore_mem>>
        %dma_start3A_647 = arith.constant 0 : i32
        %dma_start3A_648 = tpu.memref_slice %arg13[%mul3A_646, %dma_start3A_647] : memref<10000x160xf32, #tpu.memory_space<vmem_shared>> -> memref<80x160xf32, #tpu.memory_space<vmem_shared>>
        tpu.enqueue_dma source(%arg4 : memref<80x160xf32, #tpu.memory_space<hbm>>) target(%dma_start3A_648 : memref<80x160xf32, #tpu.memory_space<vmem_shared>>) target_semaphore(%run_scoped3A : memref<!tpu.dma_semaphore, #tpu.memory_space<semaphore_mem>>)
        %dma_wait3A_649 = arith.constant 0 : i32
        %dma_wait3A_650 = tpu.memref_slice %arg13[%mul3A_646, %dma_wait3A_649] : memref<10000x160xf32, #tpu.memory_space<vmem_shared>> -> memref<80x160xf32, #tpu.memory_space<vmem_shared>>
        tpu.wait_dma2 semaphore(%run_scoped3A : memref<!tpu.dma_semaphore, #tpu.memory_space<semaphore_mem>>) src(%arg4 : memref<80x160xf32, #tpu.memory_space<hbm>>) dst(%dma_wait3A_650 : memref<80x160xf32, #tpu.memory_space<vmem_shared>>)
        tpu.yield
      }) : () -> ()
    } else {
    }
    %add3A_488 = arith.constant 16 : i32
    %add3A_489 = arith.addi %arg1, %add3A_488 : i32
    %lt3A_490 = arith.constant 125 : i32
    %lt3A_491 = arith.cmpi slt, %add3A_489, %lt3A_490 : i32
    %convert_element_type3A_492 = arith.extui %lt3A_491 : i1 to i32
    %cond3A_493 = arith.constant 0 : i32
    %cond3A_494 = arith.cmpi ne, %convert_element_type3A_492, %cond3A_493 : i32
    scf.if %cond3A_494 {
      %mul3A_645 = arith.constant 80 : i32
      %mul3A_646 = arith.muli %add3A_489, %mul3A_645 : i32
      "tpu.region"() ({
        %run_scoped3A = tpu.sem_alloc : memref<!tpu.dma_semaphore, #tpu.memory_space<semaphore_mem>>
        %dma_start3A_647 = arith.constant 0 : i32
        %dma_start3A_648 = tpu.memref_slice %arg13[%mul3A_646, %dma_start3A_647] : memref<10000x160xf32, #tpu.memory_space<vmem_shared>> -> memref<80x160xf32, #tpu.memory_space<vmem_shared>>
        tpu.enqueue_dma source(%arg4 : memref<80x160xf32, #tpu.memory_space<hbm>>) target(%dma_start3A_648 : memref<80x160xf32, #tpu.memory_space<vmem_shared>>) target_semaphore(%run_scoped3A : memref<!tpu.dma_semaphore, #tpu.memory_space<semaphore_mem>>)
        %dma_wait3A_649 = arith.constant 0 : i32
        %dma_wait3A_650 = tpu.memref_slice %arg13[%mul3A_646, %dma_wait3A_649] : memref<10000x160xf32, #tpu.memory_space<vmem_shared>> -> memref<80x160xf32, #tpu.memory_space<vmem_shared>>
        tpu.wait_dma2 semaphore(%run_scoped3A : memref<!tpu.dma_semaphore, #tpu.memory_space<semaphore_mem>>) src(%arg4 : memref<80x160xf32, #tpu.memory_space<hbm>>) dst(%dma_wait3A_650 : memref<80x160xf32, #tpu.memory_space<vmem_shared>>)
        tpu.yield
      }) : () -> ()
    } else {
    }
    %add3A_495 = arith.constant 32 : i32
    %add3A_496 = arith.addi %arg1, %add3A_495 : i32
    %lt3A_497 = arith.constant 125 : i32
    %lt3A_498 = arith.cmpi slt, %add3A_496, %lt3A_497 : i32
    %convert_element_type3A_499 = arith.extui %lt3A_498 : i1 to i32
    %cond3A_500 = arith.constant 0 : i32
    %cond3A_501 = arith.cmpi ne, %convert_element_type3A_499, %cond3A_500 : i32
    scf.if %cond3A_501 {
      %mul3A_645 = arith.constant 80 : i32
      %mul3A_646 = arith.muli %add3A_496, %mul3A_645 : i32
      "tpu.region"() ({
        %run_scoped3A = tpu.sem_alloc : memref<!tpu.dma_semaphore, #tpu.memory_space<semaphore_mem>>
        %dma_start3A_647 = arith.constant 0 : i32
        %dma_start3A_648 = tpu.memref_slice %arg13[%mul3A_646, %dma_start3A_647] : memref<10000x160xf32, #tpu.memory_space<vmem_shared>> -> memref<80x160xf32, #tpu.memory_space<vmem_shared>>
        tpu.enqueue_dma source(%arg4 : memref<80x160xf32, #tpu.memory_space<hbm>>) target(%dma_start3A_648 : memref<80x160xf32, #tpu.memory_space<vmem_shared>>) target_semaphore(%run_scoped3A : memref<!tpu.dma_semaphore, #tpu.memory_space<semaphore_mem>>)
        %dma_wait3A_649 = arith.constant 0 : i32
        %dma_wait3A_650 = tpu.memref_slice %arg13[%mul3A_646, %dma_wait3A_649] : memref<10000x160xf32, #tpu.memory_space<vmem_shared>> -> memref<80x160xf32, #tpu.memory_space<vmem_shared>>
        tpu.wait_dma2 semaphore(%run_scoped3A : memref<!tpu.dma_semaphore, #tpu.memory_space<semaphore_mem>>) src(%arg4 : memref<80x160xf32, #tpu.memory_space<hbm>>) dst(%dma_wait3A_650 : memref<80x160xf32, #tpu.memory_space<vmem_shared>>)
        tpu.yield
      }) : () -> ()
    } else {
    }
    %add3A_502 = arith.constant 48 : i32
    %add3A_503 = arith.addi %arg1, %add3A_502 : i32
    %lt3A_504 = arith.constant 125 : i32
    %lt3A_505 = arith.cmpi slt, %add3A_503, %lt3A_504 : i32
    %convert_element_type3A_506 = arith.extui %lt3A_505 : i1 to i32
    %cond3A_507 = arith.constant 0 : i32
    %cond3A_508 = arith.cmpi ne, %convert_element_type3A_506, %cond3A_507 : i32
    scf.if %cond3A_508 {
      %mul3A_645 = arith.constant 80 : i32
      %mul3A_646 = arith.muli %add3A_503, %mul3A_645 : i32
      "tpu.region"() ({
        %run_scoped3A = tpu.sem_alloc : memref<!tpu.dma_semaphore, #tpu.memory_space<semaphore_mem>>
        %dma_start3A_647 = arith.constant 0 : i32
        %dma_start3A_648 = tpu.memref_slice %arg13[%mul3A_646, %dma_start3A_647] : memref<10000x160xf32, #tpu.memory_space<vmem_shared>> -> memref<80x160xf32, #tpu.memory_space<vmem_shared>>
        tpu.enqueue_dma source(%arg4 : memref<80x160xf32, #tpu.memory_space<hbm>>) target(%dma_start3A_648 : memref<80x160xf32, #tpu.memory_space<vmem_shared>>) target_semaphore(%run_scoped3A : memref<!tpu.dma_semaphore, #tpu.memory_space<semaphore_mem>>)
        %dma_wait3A_649 = arith.constant 0 : i32
        %dma_wait3A_650 = tpu.memref_slice %arg13[%mul3A_646, %dma_wait3A_649] : memref<10000x160xf32, #tpu.memory_space<vmem_shared>> -> memref<80x160xf32, #tpu.memory_space<vmem_shared>>
        tpu.wait_dma2 semaphore(%run_scoped3A : memref<!tpu.dma_semaphore, #tpu.memory_space<semaphore_mem>>) src(%arg4 : memref<80x160xf32, #tpu.memory_space<hbm>>) dst(%dma_wait3A_650 : memref<80x160xf32, #tpu.memory_space<vmem_shared>>)
        tpu.yield
      }) : () -> ()
    } else {
    }
    %add3A_509 = arith.constant 64 : i32
    %add3A_510 = arith.addi %arg1, %add3A_509 : i32
    %lt3A_511 = arith.constant 125 : i32
    %lt3A_512 = arith.cmpi slt, %add3A_510, %lt3A_511 : i32
    %convert_element_type3A_513 = arith.extui %lt3A_512 : i1 to i32
    %cond3A_514 = arith.constant 0 : i32
    %cond3A_515 = arith.cmpi ne, %convert_element_type3A_513, %cond3A_514 : i32
    scf.if %cond3A_515 {
      %mul3A_645 = arith.constant 80 : i32
      %mul3A_646 = arith.muli %add3A_510, %mul3A_645 : i32
      "tpu.region"() ({
        %run_scoped3A = tpu.sem_alloc : memref<!tpu.dma_semaphore, #tpu.memory_space<semaphore_mem>>
        %dma_start3A_647 = arith.constant 0 : i32
        %dma_start3A_648 = tpu.memref_slice %arg13[%mul3A_646, %dma_start3A_647] : memref<10000x160xf32, #tpu.memory_space<vmem_shared>> -> memref<80x160xf32, #tpu.memory_space<vmem_shared>>
        tpu.enqueue_dma source(%arg4 : memref<80x160xf32, #tpu.memory_space<hbm>>) target(%dma_start3A_648 : memref<80x160xf32, #tpu.memory_space<vmem_shared>>) target_semaphore(%run_scoped3A : memref<!tpu.dma_semaphore, #tpu.memory_space<semaphore_mem>>)
        %dma_wait3A_649 = arith.constant 0 : i32
        %dma_wait3A_650 = tpu.memref_slice %arg13[%mul3A_646, %dma_wait3A_649] : memref<10000x160xf32, #tpu.memory_space<vmem_shared>> -> memref<80x160xf32, #tpu.memory_space<vmem_shared>>
        tpu.wait_dma2 semaphore(%run_scoped3A : memref<!tpu.dma_semaphore, #tpu.memory_space<semaphore_mem>>) src(%arg4 : memref<80x160xf32, #tpu.memory_space<hbm>>) dst(%dma_wait3A_650 : memref<80x160xf32, #tpu.memory_space<vmem_shared>>)
        tpu.yield
      }) : () -> ()
    } else {
    }
    %add3A_516 = arith.constant 80 : i32
    %add3A_517 = arith.addi %arg1, %add3A_516 : i32
    %lt3A_518 = arith.constant 125 : i32
    %lt3A_519 = arith.cmpi slt, %add3A_517, %lt3A_518 : i32
    %convert_element_type3A_520 = arith.extui %lt3A_519 : i1 to i32
    %cond3A_521 = arith.constant 0 : i32
    %cond3A_522 = arith.cmpi ne, %convert_element_type3A_520, %cond3A_521 : i32
    scf.if %cond3A_522 {
      %mul3A_645 = arith.constant 80 : i32
      %mul3A_646 = arith.muli %add3A_517, %mul3A_645 : i32
      "tpu.region"() ({
        %run_scoped3A = tpu.sem_alloc : memref<!tpu.dma_semaphore, #tpu.memory_space<semaphore_mem>>
        %dma_start3A_647 = arith.constant 0 : i32
        %dma_start3A_648 = tpu.memref_slice %arg13[%mul3A_646, %dma_start3A_647] : memref<10000x160xf32, #tpu.memory_space<vmem_shared>> -> memref<80x160xf32, #tpu.memory_space<vmem_shared>>
        tpu.enqueue_dma source(%arg4 : memref<80x160xf32, #tpu.memory_space<hbm>>) target(%dma_start3A_648 : memref<80x160xf32, #tpu.memory_space<vmem_shared>>) target_semaphore(%run_scoped3A : memref<!tpu.dma_semaphore, #tpu.memory_space<semaphore_mem>>)
        %dma_wait3A_649 = arith.constant 0 : i32
        %dma_wait3A_650 = tpu.memref_slice %arg13[%mul3A_646, %dma_wait3A_649] : memref<10000x160xf32, #tpu.memory_space<vmem_shared>> -> memref<80x160xf32, #tpu.memory_space<vmem_shared>>
        tpu.wait_dma2 semaphore(%run_scoped3A : memref<!tpu.dma_semaphore, #tpu.memory_space<semaphore_mem>>) src(%arg4 : memref<80x160xf32, #tpu.memory_space<hbm>>) dst(%dma_wait3A_650 : memref<80x160xf32, #tpu.memory_space<vmem_shared>>)
        tpu.yield
      }) : () -> ()
    } else {
    }
    %add3A_523 = arith.constant 96 : i32
    %add3A_524 = arith.addi %arg1, %add3A_523 : i32
    %lt3A_525 = arith.constant 125 : i32
    %lt3A_526 = arith.cmpi slt, %add3A_524, %lt3A_525 : i32
    %convert_element_type3A_527 = arith.extui %lt3A_526 : i1 to i32
    %cond3A_528 = arith.constant 0 : i32
    %cond3A_529 = arith.cmpi ne, %convert_element_type3A_527, %cond3A_528 : i32
    scf.if %cond3A_529 {
      %mul3A_645 = arith.constant 80 : i32
      %mul3A_646 = arith.muli %add3A_524, %mul3A_645 : i32
      "tpu.region"() ({
        %run_scoped3A = tpu.sem_alloc : memref<!tpu.dma_semaphore, #tpu.memory_space<semaphore_mem>>
        %dma_start3A_647 = arith.constant 0 : i32
        %dma_start3A_648 = tpu.memref_slice %arg13[%mul3A_646, %dma_start3A_647] : memref<10000x160xf32, #tpu.memory_space<vmem_shared>> -> memref<80x160xf32, #tpu.memory_space<vmem_shared>>
        tpu.enqueue_dma source(%arg4 : memref<80x160xf32, #tpu.memory_space<hbm>>) target(%dma_start3A_648 : memref<80x160xf32, #tpu.memory_space<vmem_shared>>) target_semaphore(%run_scoped3A : memref<!tpu.dma_semaphore, #tpu.memory_space<semaphore_mem>>)
        %dma_wait3A_649 = arith.constant 0 : i32
        %dma_wait3A_650 = tpu.memref_slice %arg13[%mul3A_646, %dma_wait3A_649] : memref<10000x160xf32, #tpu.memory_space<vmem_shared>> -> memref<80x160xf32, #tpu.memory_space<vmem_shared>>
        tpu.wait_dma2 semaphore(%run_scoped3A : memref<!tpu.dma_semaphore, #tpu.memory_space<semaphore_mem>>) src(%arg4 : memref<80x160xf32, #tpu.memory_space<hbm>>) dst(%dma_wait3A_650 : memref<80x160xf32, #tpu.memory_space<vmem_shared>>)
        tpu.yield
      }) : () -> ()
    } else {
    }
    %add3A_530 = arith.constant 112 : i32
    %add3A_531 = arith.addi %arg1, %add3A_530 : i32
    %lt3A_532 = arith.constant 125 : i32
    %lt3A_533 = arith.cmpi slt, %add3A_531, %lt3A_532 : i32
    %convert_element_type3A_534 = arith.extui %lt3A_533 : i1 to i32
    %cond3A_535 = arith.constant 0 : i32
    %cond3A_536 = arith.cmpi ne, %convert_element_type3A_534, %cond3A_535 : i32
    scf.if %cond3A_536 {
      %mul3A_645 = arith.constant 80 : i32
      %mul3A_646 = arith.muli %add3A_531, %mul3A_645 : i32
      "tpu.region"() ({
        %run_scoped3A = tpu.sem_alloc : memref<!tpu.dma_semaphore, #tpu.memory_space<semaphore_mem>>
        %dma_start3A_647 = arith.constant 0 : i32
        %dma_start3A_648 = tpu.memref_slice %arg13[%mul3A_646, %dma_start3A_647] : memref<10000x160xf32, #tpu.memory_space<vmem_shared>> -> memref<80x160xf32, #tpu.memory_space<vmem_shared>>
        tpu.enqueue_dma source(%arg4 : memref<80x160xf32, #tpu.memory_space<hbm>>) target(%dma_start3A_648 : memref<80x160xf32, #tpu.memory_space<vmem_shared>>) target_semaphore(%run_scoped3A : memref<!tpu.dma_semaphore, #tpu.memory_space<semaphore_mem>>)
        %dma_wait3A_649 = arith.constant 0 : i32
        %dma_wait3A_650 = tpu.memref_slice %arg13[%mul3A_646, %dma_wait3A_649] : memref<10000x160xf32, #tpu.memory_space<vmem_shared>> -> memref<80x160xf32, #tpu.memory_space<vmem_shared>>
        tpu.wait_dma2 semaphore(%run_scoped3A : memref<!tpu.dma_semaphore, #tpu.memory_space<semaphore_mem>>) src(%arg4 : memref<80x160xf32, #tpu.memory_space<hbm>>) dst(%dma_wait3A_650 : memref<80x160xf32, #tpu.memory_space<vmem_shared>>)
        tpu.yield
      }) : () -> ()
    } else {
    }
    %barrier3A_537 = arith.constant 0 : index
    tpu.barrier barrier_id(%barrier3A_537)
    %dma_start3A_538 = arith.constant 0 : i32
    %dma_start3A_539 = arith.constant 0 : i32
    %dma_start3A_540 = tpu.memref_slice %arg3[%add3A, %dma_start3A_538, %dma_start3A_539] : memref<32x125x80xi32, #tpu.memory_space<hbm>> -> memref<1x1x80xi32, #tpu.memory_space<hbm>>
    %dma_start3A_541 = tpu.memref_squeeze %dma_start3A_540 : memref<1x1x80xi32, #tpu.memory_space<hbm>> -> memref<80xi32, #tpu.memory_space<hbm>>
    %dma_start3A_542 = arith.constant 0 : i32
    %dma_start3A_543 = tpu.memref_slice %arg3[%add3A, %dma_start3A_538, %dma_start3A_542] : memref<32x125x80xi32, #tpu.memory_space<hbm>> -> memref<1x1x80xi32, #tpu.memory_space<hbm>>
    %dma_start3A_544 = tpu.memref_squeeze %dma_start3A_543 : memref<1x1x80xi32, #tpu.memory_space<hbm>> -> memref<80xi32, #tpu.memory_space<hbm>>
    tpu.enqueue_dma source(%dma_start3A_544 : memref<80xi32, #tpu.memory_space<hbm>>) target(%arg9 : memref<80xi32, #tpu.memory_space<vmem>>) target_semaphore(%arg14 : memref<!tpu.dma_semaphore, #tpu.memory_space<semaphore_mem>>)
    %add3A_545 = arith.constant 0 : i32
    %add3A_546 = arith.addi %mul3A_2, %add3A_545 : i32
    %dma_start3A_547 = arith.constant 0 : i32
    %dma_start3A_548 = tpu.memref_slice %arg2[%add3A_546, %dma_start3A_547] : memref<320000x160xf32, #tpu.memory_space<hbm>> -> memref<80x160xf32, #tpu.memory_space<hbm>>
    %dma_start3A_549 = arith.constant 0 : i32
    %dma_start3A_550 = tpu.memref_slice %arg2[%add3A_546, %dma_start3A_549] : memref<320000x160xf32, #tpu.memory_space<hbm>> -> memref<80x160xf32, #tpu.memory_space<hbm>>
    tpu.enqueue_dma source(%dma_start3A_550 : memref<80x160xf32, #tpu.memory_space<hbm>>) target(%arg11 : memref<80x160xf32, #tpu.memory_space<vmem>>) target_semaphore(%arg16 : memref<!tpu.dma_semaphore, #tpu.memory_space<semaphore_mem>>)
    %scan3A_551 = arith.constant 0 : i32
    %scan3A_552 = arith.constant 0 : i32
    %scan3A_553 = arith.constant 62 : i32
    %scan3A_554 = arith.addi %scan3A_552, %scan3A_553 : i32
    %scan3A_555 = arith.constant 1 : i32
    %scan3A_556 = scf.for %scan3A_645 = %scan3A_552 to %scan3A_554 step %scan3A_555 iter_args(%scan3A_646 = %scan3A_551) -> (i32)  : i32 {
      %mul3A_647 = arith.constant 2 : i32
      %mul3A_648 = arith.muli %mul3A_647, %scan3A_645 : i32
      %dma_wait3A_649 = arith.constant 0 : i32
      %dma_wait3A_650 = tpu.memref_slice %arg3[%add3A, %mul3A_648, %dma_wait3A_649] : memref<32x125x80xi32, #tpu.memory_space<hbm>> -> memref<1x1x80xi32, #tpu.memory_space<hbm>>
      %dma_wait3A_651 = tpu.memref_squeeze %dma_wait3A_650 : memref<1x1x80xi32, #tpu.memory_space<hbm>> -> memref<80xi32, #tpu.memory_space<hbm>>
      %dma_wait3A_652 = arith.constant 0 : i32
      %dma_wait3A_653 = tpu.memref_slice %arg3[%add3A, %mul3A_648, %dma_wait3A_652] : memref<32x125x80xi32, #tpu.memory_space<hbm>> -> memref<1x1x80xi32, #tpu.memory_space<hbm>>
      %dma_wait3A_654 = tpu.memref_squeeze %dma_wait3A_653 : memref<1x1x80xi32, #tpu.memory_space<hbm>> -> memref<80xi32, #tpu.memory_space<hbm>>
      tpu.wait_dma2 semaphore(%arg14 : memref<!tpu.dma_semaphore, #tpu.memory_space<semaphore_mem>>) src(%dma_wait3A_654 : memref<80xi32, #tpu.memory_space<hbm>>) dst(%arg9 : memref<80xi32, #tpu.memory_space<vmem>>)
      %mul3A_655 = arith.constant 80 : i32
      %mul3A_656 = arith.muli %mul3A_648, %mul3A_655 : i32
      %add3A_657 = arith.addi %mul3A_2, %mul3A_656 : i32
      %dma_wait3A_658 = arith.constant 0 : i32
      %dma_wait3A_659 = tpu.memref_slice %arg2[%add3A_657, %dma_wait3A_658] : memref<320000x160xf32, #tpu.memory_space<hbm>> -> memref<80x160xf32, #tpu.memory_space<hbm>>
      %dma_wait3A_660 = arith.constant 0 : i32
      %dma_wait3A_661 = tpu.memref_slice %arg2[%add3A_657, %dma_wait3A_660] : memref<320000x160xf32, #tpu.memory_space<hbm>> -> memref<80x160xf32, #tpu.memory_space<hbm>>
      tpu.wait_dma2 semaphore(%arg16 : memref<!tpu.dma_semaphore, #tpu.memory_space<semaphore_mem>>) src(%dma_wait3A_661 : memref<80x160xf32, #tpu.memory_space<hbm>>) dst(%arg11 : memref<80x160xf32, #tpu.memory_space<vmem>>)
      %gt3A = arith.constant 0 : i32
      %gt3A_662 = arith.cmpi sgt, %scan3A_645, %gt3A : i32
      %convert_element_type3A_663 = arith.extui %gt3A_662 : i1 to i32
      %cond3A_664 = arith.constant 0 : i32
      %cond3A_665 = arith.cmpi ne, %convert_element_type3A_663, %cond3A_664 : i32
      scf.if %cond3A_665 {
        %dma_wait3A_727 = arith.constant 0 : i32
        %dma_wait3A_728 = arith.constant 0 : i32
        %dma_wait3A_729 = tpu.memref_slice %arg13[%dma_wait3A_727, %dma_wait3A_728] : memref<10000x160xf32, #tpu.memory_space<vmem_shared>> -> memref<10000x160xf32, #tpu.memory_space<vmem_shared>>
        tpu.wait_indirect_dma semaphore(%arg19 : memref<!tpu.dma_semaphore, #tpu.memory_space<semaphore_mem>>) src(%arg12 : memref<80x160xf32, #tpu.memory_space<vmem>>) dst(%dma_wait3A_729 : memref<10000x160xf32, #tpu.memory_space<vmem_shared>>)
      } else {
      }
      %add3A_666 = arith.constant 1 : i32
      %add3A_667 = arith.addi %mul3A_648, %add3A_666 : i32
      %dma_start3A_668 = arith.constant 0 : i32
      %dma_start3A_669 = tpu.memref_slice %arg3[%add3A, %add3A_667, %dma_start3A_668] : memref<32x125x80xi32, #tpu.memory_space<hbm>> -> memref<1x1x80xi32, #tpu.memory_space<hbm>>
      %dma_start3A_670 = tpu.memref_squeeze %dma_start3A_669 : memref<1x1x80xi32, #tpu.memory_space<hbm>> -> memref<80xi32, #tpu.memory_space<hbm>>
      %dma_start3A_671 = arith.constant 0 : i32
      %dma_start3A_672 = tpu.memref_slice %arg3[%add3A, %add3A_667, %dma_start3A_671] : memref<32x125x80xi32, #tpu.memory_space<hbm>> -> memref<1x1x80xi32, #tpu.memory_space<hbm>>
      %dma_start3A_673 = tpu.memref_squeeze %dma_start3A_672 : memref<1x1x80xi32, #tpu.memory_space<hbm>> -> memref<80xi32, #tpu.memory_space<hbm>>
      tpu.enqueue_dma source(%dma_start3A_673 : memref<80xi32, #tpu.memory_space<hbm>>) target(%arg10 : memref<80xi32, #tpu.memory_space<vmem>>) target_semaphore(%arg15 : memref<!tpu.dma_semaphore, #tpu.memory_space<semaphore_mem>>)
      %mul3A_674 = arith.constant 80 : i32
      %mul3A_675 = arith.muli %add3A_667, %mul3A_674 : i32
      %add3A_676 = arith.addi %mul3A_2, %mul3A_675 : i32
      %dma_start3A_677 = arith.constant 0 : i32
      %dma_start3A_678 = tpu.memref_slice %arg2[%add3A_676, %dma_start3A_677] : memref<320000x160xf32, #tpu.memory_space<hbm>> -> memref<80x160xf32, #tpu.memory_space<hbm>>
      %dma_start3A_679 = arith.constant 0 : i32
      %dma_start3A_680 = tpu.memref_slice %arg2[%add3A_676, %dma_start3A_679] : memref<320000x160xf32, #tpu.memory_space<hbm>> -> memref<80x160xf32, #tpu.memory_space<hbm>>
      tpu.enqueue_dma source(%dma_start3A_680 : memref<80x160xf32, #tpu.memory_space<hbm>>) target(%arg12 : memref<80x160xf32, #tpu.memory_space<vmem>>) target_semaphore(%arg17 : memref<!tpu.dma_semaphore, #tpu.memory_space<semaphore_mem>>)
      %scan3A_681 = arith.constant 0 : i32
      %scan3A_682 = arith.constant 0 : i32
      %scan3A_683 = arith.constant 80 : i32
      %scan3A_684 = arith.addi %scan3A_682, %scan3A_683 : i32
      %scan3A_685 = arith.constant 1 : i32
      %scan3A_686 = scf.for %scan3A_727 = %scan3A_682 to %scan3A_684 step %scan3A_685 iter_args(%scan3A_728 = %scan3A_681) -> (i32)  : i32 {
        %get3A = arith.index_cast %scan3A_727 : i32 to index
        %get3A_729 = arith.constant 0 : index
        %get3A_730 = tpu.vector_load %arg11[%get3A, %get3A_729] {strides = array<i32>} : memref<80x160xf32, #tpu.memory_space<vmem>>, vector<1x16xf32>,
        %get3A_731 = vector.shape_cast %get3A_730 : vector<1x16xf32> to vector<16xf32>
        %mul3A_732 = arith.mulf %get3A_731, %get3A_731 : vector<16xf32>
        %mul3A_733 = arith.mulf %mul3A_732, %mul3A_732 : vector<16xf32>
        %swap3A = arith.index_cast %scan3A_727 : i32 to index
        %swap3A_734 = arith.constant 0 : index
        %swap3A_735 = tpu.vector_load %arg11[%swap3A, %swap3A_734] {strides = array<i32>} : memref<80x160xf32, #tpu.memory_space<vmem>>, vector<1x16xf32>,
        %swap3A_736 = vector.shape_cast %swap3A_735 : vector<1x16xf32> to vector<16xf32>
        %swap3A_737 = vector.shape_cast %mul3A_733 : vector<16xf32> to vector<1x16xf32>
        tpu.vector_store %arg11[%swap3A, %swap3A_734], %swap3A_737 {strides = array<i32>} : memref<80x160xf32, #tpu.memory_space<vmem>>, vector<1x16xf32>,
        %get3A_738 = arith.index_cast %scan3A_727 : i32 to index
        %get3A_739 = arith.constant 16 : index
        %get3A_740 = tpu.vector_load %arg11[%get3A_738, %get3A_739] {strides = array<i32>} : memref<80x160xf32, #tpu.memory_space<vmem>>, vector<1x16xf32>,
        %get3A_741 = vector.shape_cast %get3A_740 : vector<1x16xf32> to vector<16xf32>
        %mul3A_742 = arith.mulf %get3A_741, %get3A_741 : vector<16xf32>
        %mul3A_743 = arith.mulf %mul3A_742, %mul3A_742 : vector<16xf32>
        %swap3A_744 = arith.index_cast %scan3A_727 : i32 to index
        %swap3A_745 = arith.constant 16 : index
        %swap3A_746 = tpu.vector_load %arg11[%swap3A_744, %swap3A_745] {strides = array<i32>} : memref<80x160xf32, #tpu.memory_space<vmem>>, vector<1x16xf32>,
        %swap3A_747 = vector.shape_cast %swap3A_746 : vector<1x16xf32> to vector<16xf32>
        %swap3A_748 = vector.shape_cast %mul3A_743 : vector<16xf32> to vector<1x16xf32>
        tpu.vector_store %arg11[%swap3A_744, %swap3A_745], %swap3A_748 {strides = array<i32>} : memref<80x160xf32, #tpu.memory_space<vmem>>, vector<1x16xf32>,
        %get3A_749 = arith.index_cast %scan3A_727 : i32 to index
        %get3A_750 = arith.constant 32 : index
        %get3A_751 = tpu.vector_load %arg11[%get3A_749, %get3A_750] {strides = array<i32>} : memref<80x160xf32, #tpu.memory_space<vmem>>, vector<1x16xf32>,
        %get3A_752 = vector.shape_cast %get3A_751 : vector<1x16xf32> to vector<16xf32>
        %mul3A_753 = arith.mulf %get3A_752, %get3A_752 : vector<16xf32>
        %mul3A_754 = arith.mulf %mul3A_753, %mul3A_753 : vector<16xf32>
        %swap3A_755 = arith.index_cast %scan3A_727 : i32 to index
        %swap3A_756 = arith.constant 32 : index
        %swap3A_757 = tpu.vector_load %arg11[%swap3A_755, %swap3A_756] {strides = array<i32>} : memref<80x160xf32, #tpu.memory_space<vmem>>, vector<1x16xf32>,
        %swap3A_758 = vector.shape_cast %swap3A_757 : vector<1x16xf32> to vector<16xf32>
        %swap3A_759 = vector.shape_cast %mul3A_754 : vector<16xf32> to vector<1x16xf32>
        tpu.vector_store %arg11[%swap3A_755, %swap3A_756], %swap3A_759 {strides = array<i32>} : memref<80x160xf32, #tpu.memory_space<vmem>>, vector<1x16xf32>,
        %get3A_760 = arith.index_cast %scan3A_727 : i32 to index
        %get3A_761 = arith.constant 48 : index
        %get3A_762 = tpu.vector_load %arg11[%get3A_760, %get3A_761] {strides = array<i32>} : memref<80x160xf32, #tpu.memory_space<vmem>>, vector<1x16xf32>,
        %get3A_763 = vector.shape_cast %get3A_762 : vector<1x16xf32> to vector<16xf32>
        %mul3A_764 = arith.mulf %get3A_763, %get3A_763 : vector<16xf32>
        %mul3A_765 = arith.mulf %mul3A_764, %mul3A_764 : vector<16xf32>
        %swap3A_766 = arith.index_cast %scan3A_727 : i32 to index
        %swap3A_767 = arith.constant 48 : index
        %swap3A_768 = tpu.vector_load %arg11[%swap3A_766, %swap3A_767] {strides = array<i32>} : memref<80x160xf32, #tpu.memory_space<vmem>>, vector<1x16xf32>,
        %swap3A_769 = vector.shape_cast %swap3A_768 : vector<1x16xf32> to vector<16xf32>
        %swap3A_770 = vector.shape_cast %mul3A_765 : vector<16xf32> to vector<1x16xf32>
        tpu.vector_store %arg11[%swap3A_766, %swap3A_767], %swap3A_770 {strides = array<i32>} : memref<80x160xf32, #tpu.memory_space<vmem>>, vector<1x16xf32>,
        %get3A_771 = arith.index_cast %scan3A_727 : i32 to index
        %get3A_772 = arith.constant 64 : index
        %get3A_773 = tpu.vector_load %arg11[%get3A_771, %get3A_772] {strides = array<i32>} : memref<80x160xf32, #tpu.memory_space<vmem>>, vector<1x16xf32>,
        %get3A_774 = vector.shape_cast %get3A_773 : vector<1x16xf32> to vector<16xf32>
        %mul3A_775 = arith.mulf %get3A_774, %get3A_774 : vector<16xf32>
        %mul3A_776 = arith.mulf %mul3A_775, %mul3A_775 : vector<16xf32>
        %swap3A_777 = arith.index_cast %scan3A_727 : i32 to index
        %swap3A_778 = arith.constant 64 : index
        %swap3A_779 = tpu.vector_load %arg11[%swap3A_777, %swap3A_778] {strides = array<i32>} : memref<80x160xf32, #tpu.memory_space<vmem>>, vector<1x16xf32>,
        %swap3A_780 = vector.shape_cast %swap3A_779 : vector<1x16xf32> to vector<16xf32>
        %swap3A_781 = vector.shape_cast %mul3A_776 : vector<16xf32> to vector<1x16xf32>
        tpu.vector_store %arg11[%swap3A_777, %swap3A_778], %swap3A_781 {strides = array<i32>} : memref<80x160xf32, #tpu.memory_space<vmem>>, vector<1x16xf32>,
        %get3A_782 = arith.index_cast %scan3A_727 : i32 to index
        %get3A_783 = arith.constant 80 : index
        %get3A_784 = tpu.vector_load %arg11[%get3A_782, %get3A_783] {strides = array<i32>} : memref<80x160xf32, #tpu.memory_space<vmem>>, vector<1x16xf32>,
        %get3A_785 = vector.shape_cast %get3A_784 : vector<1x16xf32> to vector<16xf32>
        %mul3A_786 = arith.mulf %get3A_785, %get3A_785 : vector<16xf32>
        %mul3A_787 = arith.mulf %mul3A_786, %mul3A_786 : vector<16xf32>
        %swap3A_788 = arith.index_cast %scan3A_727 : i32 to index
        %swap3A_789 = arith.constant 80 : index
        %swap3A_790 = tpu.vector_load %arg11[%swap3A_788, %swap3A_789] {strides = array<i32>} : memref<80x160xf32, #tpu.memory_space<vmem>>, vector<1x16xf32>,
        %swap3A_791 = vector.shape_cast %swap3A_790 : vector<1x16xf32> to vector<16xf32>
        %swap3A_792 = vector.shape_cast %mul3A_787 : vector<16xf32> to vector<1x16xf32>
        tpu.vector_store %arg11[%swap3A_788, %swap3A_789], %swap3A_792 {strides = array<i32>} : memref<80x160xf32, #tpu.memory_space<vmem>>, vector<1x16xf32>,
        %get3A_793 = arith.index_cast %scan3A_727 : i32 to index
        %get3A_794 = arith.constant 96 : index
        %get3A_795 = tpu.vector_load %arg11[%get3A_793, %get3A_794] {strides = array<i32>} : memref<80x160xf32, #tpu.memory_space<vmem>>, vector<1x16xf32>,
        %get3A_796 = vector.shape_cast %get3A_795 : vector<1x16xf32> to vector<16xf32>
        %mul3A_797 = arith.mulf %get3A_796, %get3A_796 : vector<16xf32>
        %mul3A_798 = arith.mulf %mul3A_797, %mul3A_797 : vector<16xf32>
        %swap3A_799 = arith.index_cast %scan3A_727 : i32 to index
        %swap3A_800 = arith.constant 96 : index
        %swap3A_801 = tpu.vector_load %arg11[%swap3A_799, %swap3A_800] {strides = array<i32>} : memref<80x160xf32, #tpu.memory_space<vmem>>, vector<1x16xf32>,
        %swap3A_802 = vector.shape_cast %swap3A_801 : vector<1x16xf32> to vector<16xf32>
        %swap3A_803 = vector.shape_cast %mul3A_798 : vector<16xf32> to vector<1x16xf32>
        tpu.vector_store %arg11[%swap3A_799, %swap3A_800], %swap3A_803 {strides = array<i32>} : memref<80x160xf32, #tpu.memory_space<vmem>>, vector<1x16xf32>,
        %get3A_804 = arith.index_cast %scan3A_727 : i32 to index
        %get3A_805 = arith.constant 112 : index
        %get3A_806 = tpu.vector_load %arg11[%get3A_804, %get3A_805] {strides = array<i32>} : memref<80x160xf32, #tpu.memory_space<vmem>>, vector<1x16xf32>,
        %get3A_807 = vector.shape_cast %get3A_806 : vector<1x16xf32> to vector<16xf32>
        %mul3A_808 = arith.mulf %get3A_807, %get3A_807 : vector<16xf32>
        %mul3A_809 = arith.mulf %mul3A_808, %mul3A_808 : vector<16xf32>
        %swap3A_810 = arith.index_cast %scan3A_727 : i32 to index
        %swap3A_811 = arith.constant 112 : index
        %swap3A_812 = tpu.vector_load %arg11[%swap3A_810, %swap3A_811] {strides = array<i32>} : memref<80x160xf32, #tpu.memory_space<vmem>>, vector<1x16xf32>,
        %swap3A_813 = vector.shape_cast %swap3A_812 : vector<1x16xf32> to vector<16xf32>
        %swap3A_814 = vector.shape_cast %mul3A_809 : vector<16xf32> to vector<1x16xf32>
        tpu.vector_store %arg11[%swap3A_810, %swap3A_811], %swap3A_814 {strides = array<i32>} : memref<80x160xf32, #tpu.memory_space<vmem>>, vector<1x16xf32>,
        %get3A_815 = arith.index_cast %scan3A_727 : i32 to index
        %get3A_816 = arith.constant 128 : index
        %get3A_817 = tpu.vector_load %arg11[%get3A_815, %get3A_816] {strides = array<i32>} : memref<80x160xf32, #tpu.memory_space<vmem>>, vector<1x16xf32>,
        %get3A_818 = vector.shape_cast %get3A_817 : vector<1x16xf32> to vector<16xf32>
        %mul3A_819 = arith.mulf %get3A_818, %get3A_818 : vector<16xf32>
        %mul3A_820 = arith.mulf %mul3A_819, %mul3A_819 : vector<16xf32>
        %swap3A_821 = arith.index_cast %scan3A_727 : i32 to index
        %swap3A_822 = arith.constant 128 : index
        %swap3A_823 = tpu.vector_load %arg11[%swap3A_821, %swap3A_822] {strides = array<i32>} : memref<80x160xf32, #tpu.memory_space<vmem>>, vector<1x16xf32>,
        %swap3A_824 = vector.shape_cast %swap3A_823 : vector<1x16xf32> to vector<16xf32>
        %swap3A_825 = vector.shape_cast %mul3A_820 : vector<16xf32> to vector<1x16xf32>
        tpu.vector_store %arg11[%swap3A_821, %swap3A_822], %swap3A_825 {strides = array<i32>} : memref<80x160xf32, #tpu.memory_space<vmem>>, vector<1x16xf32>,
        %get3A_826 = arith.index_cast %scan3A_727 : i32 to index
        %get3A_827 = arith.constant 144 : index
        %get3A_828 = tpu.vector_load %arg11[%get3A_826, %get3A_827] {strides = array<i32>} : memref<80x160xf32, #tpu.memory_space<vmem>>, vector<1x16xf32>,
        %get3A_829 = vector.shape_cast %get3A_828 : vector<1x16xf32> to vector<16xf32>
        %mul3A_830 = arith.mulf %get3A_829, %get3A_829 : vector<16xf32>
        %mul3A_831 = arith.mulf %mul3A_830, %mul3A_830 : vector<16xf32>
        %swap3A_832 = arith.index_cast %scan3A_727 : i32 to index
        %swap3A_833 = arith.constant 144 : index
        %swap3A_834 = tpu.vector_load %arg11[%swap3A_832, %swap3A_833] {strides = array<i32>} : memref<80x160xf32, #tpu.memory_space<vmem>>, vector<1x16xf32>,
        %swap3A_835 = vector.shape_cast %swap3A_834 : vector<1x16xf32> to vector<16xf32>
        %swap3A_836 = vector.shape_cast %mul3A_831 : vector<16xf32> to vector<1x16xf32>
        tpu.vector_store %arg11[%swap3A_832, %swap3A_833], %swap3A_836 {strides = array<i32>} : memref<80x160xf32, #tpu.memory_space<vmem>>, vector<1x16xf32>,
        %scan3A_837 = arith.constant 0 : i32
        scf.yield %scan3A_837 : i32
      }
      %scan3A_687 = arith.constant 80 : i32
      %dma_start3A_688 = arith.constant 0 : i32
      %dma_start3A_689 = arith.constant 0 : i32
      %dma_start3A_690 = tpu.memref_slice %arg13[%dma_start3A_688, %dma_start3A_689] : memref<10000x160xf32, #tpu.memory_space<vmem_shared>> -> memref<10000x160xf32, #tpu.memory_space<vmem_shared>>
      tpu.enqueue_indirect_dma source(%arg11 : memref<80x160xf32, #tpu.memory_space<vmem>>) target(%dma_start3A_690 : memref<10000x160xf32, #tpu.memory_space<vmem_shared>>) offsets(%arg9 : memref<80xi32, #tpu.memory_space<vmem>>) semaphore(%arg18 : memref<!tpu.dma_semaphore, #tpu.memory_space<semaphore_mem>>) {add = true}
      %add3A_691 = arith.constant 1 : i32
      %add3A_692 = arith.addi %mul3A_648, %add3A_691 : i32
      %dma_wait3A_693 = arith.constant 0 : i32
      %dma_wait3A_694 = tpu.memref_slice %arg3[%add3A, %add3A_692, %dma_wait3A_693] : memref<32x125x80xi32, #tpu.memory_space<hbm>> -> memref<1x1x80xi32, #tpu.memory_space<hbm>>
      %dma_wait3A_695 = tpu.memref_squeeze %dma_wait3A_694 : memref<1x1x80xi32, #tpu.memory_space<hbm>> -> memref<80xi32, #tpu.memory_space<hbm>>
      %dma_wait3A_696 = arith.constant 0 : i32
      %dma_wait3A_697 = tpu.memref_slice %arg3[%add3A, %add3A_692, %dma_wait3A_696] : memref<32x125x80xi32, #tpu.memory_space<hbm>> -> memref<1x1x80xi32, #tpu.memory_space<hbm>>
      %dma_wait3A_698 = tpu.memref_squeeze %dma_wait3A_697 : memref<1x1x80xi32, #tpu.memory_space<hbm>> -> memref<80xi32, #tpu.memory_space<hbm>>
      tpu.wait_dma2 semaphore(%arg15 : memref<!tpu.dma_semaphore, #tpu.memory_space<semaphore_mem>>) src(%dma_wait3A_698 : memref<80xi32, #tpu.memory_space<hbm>>) dst(%arg10 : memref<80xi32, #tpu.memory_space<vmem>>)
      %mul3A_699 = arith.constant 80 : i32
      %mul3A_700 = arith.muli %add3A_692, %mul3A_699 : i32
      %add3A_701 = arith.addi %mul3A_2, %mul3A_700 : i32
      %dma_wait3A_702 = arith.constant 0 : i32
      %dma_wait3A_703 = tpu.memref_slice %arg2[%add3A_701, %dma_wait3A_702] : memref<320000x160xf32, #tpu.memory_space<hbm>> -> memref<80x160xf32, #tpu.memory_space<hbm>>
      %dma_wait3A_704 = arith.constant 0 : i32
      %dma_wait3A_705 = tpu.memref_slice %arg2[%add3A_701, %dma_wait3A_704] : memref<320000x160xf32, #tpu.memory_space<hbm>> -> memref<80x160xf32, #tpu.memory_space<hbm>>
      tpu.wait_dma2 semaphore(%arg17 : memref<!tpu.dma_semaphore, #tpu.memory_space<semaphore_mem>>) src(%dma_wait3A_705 : memref<80x160xf32, #tpu.memory_space<hbm>>) dst(%arg12 : memref<80x160xf32, #tpu.memory_space<vmem>>)
      %dma_wait3A_706 = arith.constant 0 : i32
      %dma_wait3A_707 = arith.constant 0 : i32
      %dma_wait3A_708 = tpu.memref_slice %arg13[%dma_wait3A_706, %dma_wait3A_707] : memref<10000x160xf32, #tpu.memory_space<vmem_shared>> -> memref<10000x160xf32, #tpu.memory_space<vmem_shared>>
      tpu.wait_indirect_dma semaphore(%arg18 : memref<!tpu.dma_semaphore, #tpu.memory_space<semaphore_mem>>) src(%arg11 : memref<80x160xf32, #tpu.memory_space<vmem>>) dst(%dma_wait3A_708 : memref<10000x160xf32, #tpu.memory_space<vmem_shared>>)
      %add3A_709 = arith.constant 1 : i32
      %add3A_710 = arith.addi %add3A_692, %add3A_709 : i32
      %lt3A_711 = arith.constant 125 : i32
      %lt3A_712 = arith.cmpi slt, %add3A_710, %lt3A_711 : i32
      %convert_element_type3A_713 = arith.extui %lt3A_712 : i1 to i32
      %cond3A_714 = arith.constant 0 : i32
      %cond3A_715 = arith.cmpi ne, %convert_element_type3A_713, %cond3A_714 : i32
      scf.if %cond3A_715 {
        %add3A_727 = arith.constant 1 : i32
        %add3A_728 = arith.addi %add3A_692, %add3A_727 : i32
        %dma_start3A_729 = arith.constant 0 : i32
        %dma_start3A_730 = tpu.memref_slice %arg3[%add3A, %add3A_728, %dma_start3A_729] : memref<32x125x80xi32, #tpu.memory_space<hbm>> -> memref<1x1x80xi32, #tpu.memory_space<hbm>>
        %dma_start3A_731 = tpu.memref_squeeze %dma_start3A_730 : memref<1x1x80xi32, #tpu.memory_space<hbm>> -> memref<80xi32, #tpu.memory_space<hbm>>
        %dma_start3A_732 = arith.constant 0 : i32
        %dma_start3A_733 = tpu.memref_slice %arg3[%add3A, %add3A_728, %dma_start3A_732] : memref<32x125x80xi32, #tpu.memory_space<hbm>> -> memref<1x1x80xi32, #tpu.memory_space<hbm>>
        %dma_start3A_734 = tpu.memref_squeeze %dma_start3A_733 : memref<1x1x80xi32, #tpu.memory_space<hbm>> -> memref<80xi32, #tpu.memory_space<hbm>>
        tpu.enqueue_dma source(%dma_start3A_734 : memref<80xi32, #tpu.memory_space<hbm>>) target(%arg9 : memref<80xi32, #tpu.memory_space<vmem>>) target_semaphore(%arg14 : memref<!tpu.dma_semaphore, #tpu.memory_space<semaphore_mem>>)
        %mul3A_735 = arith.constant 80 : i32
        %mul3A_736 = arith.muli %add3A_728, %mul3A_735 : i32
        %add3A_737 = arith.addi %mul3A_2, %mul3A_736 : i32
        %dma_start3A_738 = arith.constant 0 : i32
        %dma_start3A_739 = tpu.memref_slice %arg2[%add3A_737, %dma_start3A_738] : memref<320000x160xf32, #tpu.memory_space<hbm>> -> memref<80x160xf32, #tpu.memory_space<hbm>>
        %dma_start3A_740 = arith.constant 0 : i32
        %dma_start3A_741 = tpu.memref_slice %arg2[%add3A_737, %dma_start3A_740] : memref<320000x160xf32, #tpu.memory_space<hbm>> -> memref<80x160xf32, #tpu.memory_space<hbm>>
        tpu.enqueue_dma source(%dma_start3A_741 : memref<80x160xf32, #tpu.memory_space<hbm>>) target(%arg11 : memref<80x160xf32, #tpu.memory_space<vmem>>) target_semaphore(%arg16 : memref<!tpu.dma_semaphore, #tpu.memory_space<semaphore_mem>>)
      } else {
      }
      %scan3A_716 = arith.constant 0 : i32
      %scan3A_717 = arith.constant 0 : i32
      %scan3A_718 = arith.constant 80 : i32
      %scan3A_719 = arith.addi %scan3A_717, %scan3A_718 : i32
      %scan3A_720 = arith.constant 1 : i32
      %scan3A_721 = scf.for %scan3A_727 = %scan3A_717 to %scan3A_719 step %scan3A_720 iter_args(%scan3A_728 = %scan3A_716) -> (i32)  : i32 {
        %get3A = arith.index_cast %scan3A_727 : i32 to index
        %get3A_729 = arith.constant 0 : index
        %get3A_730 = tpu.vector_load %arg12[%get3A, %get3A_729] {strides = array<i32>} : memref<80x160xf32, #tpu.memory_space<vmem>>, vector<1x16xf32>,
        %get3A_731 = vector.shape_cast %get3A_730 : vector<1x16xf32> to vector<16xf32>
        %mul3A_732 = arith.mulf %get3A_731, %get3A_731 : vector<16xf32>
        %mul3A_733 = arith.mulf %mul3A_732, %mul3A_732 : vector<16xf32>
        %swap3A = arith.index_cast %scan3A_727 : i32 to index
        %swap3A_734 = arith.constant 0 : index
        %swap3A_735 = tpu.vector_load %arg12[%swap3A, %swap3A_734] {strides = array<i32>} : memref<80x160xf32, #tpu.memory_space<vmem>>, vector<1x16xf32>,
        %swap3A_736 = vector.shape_cast %swap3A_735 : vector<1x16xf32> to vector<16xf32>
        %swap3A_737 = vector.shape_cast %mul3A_733 : vector<16xf32> to vector<1x16xf32>
        tpu.vector_store %arg12[%swap3A, %swap3A_734], %swap3A_737 {strides = array<i32>} : memref<80x160xf32, #tpu.memory_space<vmem>>, vector<1x16xf32>,
        %get3A_738 = arith.index_cast %scan3A_727 : i32 to index
        %get3A_739 = arith.constant 16 : index
        %get3A_740 = tpu.vector_load %arg12[%get3A_738, %get3A_739] {strides = array<i32>} : memref<80x160xf32, #tpu.memory_space<vmem>>, vector<1x16xf32>,
        %get3A_741 = vector.shape_cast %get3A_740 : vector<1x16xf32> to vector<16xf32>
        %mul3A_742 = arith.mulf %get3A_741, %get3A_741 : vector<16xf32>
        %mul3A_743 = arith.mulf %mul3A_742, %mul3A_742 : vector<16xf32>
        %swap3A_744 = arith.index_cast %scan3A_727 : i32 to index
        %swap3A_745 = arith.constant 16 : index
        %swap3A_746 = tpu.vector_load %arg12[%swap3A_744, %swap3A_745] {strides = array<i32>} : memref<80x160xf32, #tpu.memory_space<vmem>>, vector<1x16xf32>,
        %swap3A_747 = vector.shape_cast %swap3A_746 : vector<1x16xf32> to vector<16xf32>
        %swap3A_748 = vector.shape_cast %mul3A_743 : vector<16xf32> to vector<1x16xf32>
        tpu.vector_store %arg12[%swap3A_744, %swap3A_745], %swap3A_748 {strides = array<i32>} : memref<80x160xf32, #tpu.memory_space<vmem>>, vector<1x16xf32>,
        %get3A_749 = arith.index_cast %scan3A_727 : i32 to index
        %get3A_750 = arith.constant 32 : index
        %get3A_751 = tpu.vector_load %arg12[%get3A_749, %get3A_750] {strides = array<i32>} : memref<80x160xf32, #tpu.memory_space<vmem>>, vector<1x16xf32>,
        %get3A_752 = vector.shape_cast %get3A_751 : vector<1x16xf32> to vector<16xf32>
        %mul3A_753 = arith.mulf %get3A_752, %get3A_752 : vector<16xf32>
        %mul3A_754 = arith.mulf %mul3A_753, %mul3A_753 : vector<16xf32>
        %swap3A_755 = arith.index_cast %scan3A_727 : i32 to index
        %swap3A_756 = arith.constant 32 : index
        %swap3A_757 = tpu.vector_load %arg12[%swap3A_755, %swap3A_756] {strides = array<i32>} : memref<80x160xf32, #tpu.memory_space<vmem>>, vector<1x16xf32>,
        %swap3A_758 = vector.shape_cast %swap3A_757 : vector<1x16xf32> to vector<16xf32>
        %swap3A_759 = vector.shape_cast %mul3A_754 : vector<16xf32> to vector<1x16xf32>
        tpu.vector_store %arg12[%swap3A_755, %swap3A_756], %swap3A_759 {strides = array<i32>} : memref<80x160xf32, #tpu.memory_space<vmem>>, vector<1x16xf32>,
        %get3A_760 = arith.index_cast %scan3A_727 : i32 to index
        %get3A_761 = arith.constant 48 : index
        %get3A_762 = tpu.vector_load %arg12[%get3A_760, %get3A_761] {strides = array<i32>} : memref<80x160xf32, #tpu.memory_space<vmem>>, vector<1x16xf32>,
        %get3A_763 = vector.shape_cast %get3A_762 : vector<1x16xf32> to vector<16xf32>
        %mul3A_764 = arith.mulf %get3A_763, %get3A_763 : vector<16xf32>
        %mul3A_765 = arith.mulf %mul3A_764, %mul3A_764 : vector<16xf32>
        %swap3A_766 = arith.index_cast %scan3A_727 : i32 to index
        %swap3A_767 = arith.constant 48 : index
        %swap3A_768 = tpu.vector_load %arg12[%swap3A_766, %swap3A_767] {strides = array<i32>} : memref<80x160xf32, #tpu.memory_space<vmem>>, vector<1x16xf32>,
        %swap3A_769 = vector.shape_cast %swap3A_768 : vector<1x16xf32> to vector<16xf32>
        %swap3A_770 = vector.shape_cast %mul3A_765 : vector<16xf32> to vector<1x16xf32>
        tpu.vector_store %arg12[%swap3A_766, %swap3A_767], %swap3A_770 {strides = array<i32>} : memref<80x160xf32, #tpu.memory_space<vmem>>, vector<1x16xf32>,
        %get3A_771 = arith.index_cast %scan3A_727 : i32 to index
        %get3A_772 = arith.constant 64 : index
        %get3A_773 = tpu.vector_load %arg12[%get3A_771, %get3A_772] {strides = array<i32>} : memref<80x160xf32, #tpu.memory_space<vmem>>, vector<1x16xf32>,
        %get3A_774 = vector.shape_cast %get3A_773 : vector<1x16xf32> to vector<16xf32>
        %mul3A_775 = arith.mulf %get3A_774, %get3A_774 : vector<16xf32>
        %mul3A_776 = arith.mulf %mul3A_775, %mul3A_775 : vector<16xf32>
        %swap3A_777 = arith.index_cast %scan3A_727 : i32 to index
        %swap3A_778 = arith.constant 64 : index
        %swap3A_779 = tpu.vector_load %arg12[%swap3A_777, %swap3A_778] {strides = array<i32>} : memref<80x160xf32, #tpu.memory_space<vmem>>, vector<1x16xf32>,
        %swap3A_780 = vector.shape_cast %swap3A_779 : vector<1x16xf32> to vector<16xf32>
        %swap3A_781 = vector.shape_cast %mul3A_776 : vector<16xf32> to vector<1x16xf32>
        tpu.vector_store %arg12[%swap3A_777, %swap3A_778], %swap3A_781 {strides = array<i32>} : memref<80x160xf32, #tpu.memory_space<vmem>>, vector<1x16xf32>,
        %get3A_782 = arith.index_cast %scan3A_727 : i32 to index
        %get3A_783 = arith.constant 80 : index
        %get3A_784 = tpu.vector_load %arg12[%get3A_782, %get3A_783] {strides = array<i32>} : memref<80x160xf32, #tpu.memory_space<vmem>>, vector<1x16xf32>,
        %get3A_785 = vector.shape_cast %get3A_784 : vector<1x16xf32> to vector<16xf32>
        %mul3A_786 = arith.mulf %get3A_785, %get3A_785 : vector<16xf32>
        %mul3A_787 = arith.mulf %mul3A_786, %mul3A_786 : vector<16xf32>
        %swap3A_788 = arith.index_cast %scan3A_727 : i32 to index
        %swap3A_789 = arith.constant 80 : index
        %swap3A_790 = tpu.vector_load %arg12[%swap3A_788, %swap3A_789] {strides = array<i32>} : memref<80x160xf32, #tpu.memory_space<vmem>>, vector<1x16xf32>,
        %swap3A_791 = vector.shape_cast %swap3A_790 : vector<1x16xf32> to vector<16xf32>
        %swap3A_792 = vector.shape_cast %mul3A_787 : vector<16xf32> to vector<1x16xf32>
        tpu.vector_store %arg12[%swap3A_788, %swap3A_789], %swap3A_792 {strides = array<i32>} : memref<80x160xf32, #tpu.memory_space<vmem>>, vector<1x16xf32>,
        %get3A_793 = arith.index_cast %scan3A_727 : i32 to index
        %get3A_794 = arith.constant 96 : index
        %get3A_795 = tpu.vector_load %arg12[%get3A_793, %get3A_794] {strides = array<i32>} : memref<80x160xf32, #tpu.memory_space<vmem>>, vector<1x16xf32>,
        %get3A_796 = vector.shape_cast %get3A_795 : vector<1x16xf32> to vector<16xf32>
        %mul3A_797 = arith.mulf %get3A_796, %get3A_796 : vector<16xf32>
        %mul3A_798 = arith.mulf %mul3A_797, %mul3A_797 : vector<16xf32>
        %swap3A_799 = arith.index_cast %scan3A_727 : i32 to index
        %swap3A_800 = arith.constant 96 : index
        %swap3A_801 = tpu.vector_load %arg12[%swap3A_799, %swap3A_800] {strides = array<i32>} : memref<80x160xf32, #tpu.memory_space<vmem>>, vector<1x16xf32>,
        %swap3A_802 = vector.shape_cast %swap3A_801 : vector<1x16xf32> to vector<16xf32>
        %swap3A_803 = vector.shape_cast %mul3A_798 : vector<16xf32> to vector<1x16xf32>
        tpu.vector_store %arg12[%swap3A_799, %swap3A_800], %swap3A_803 {strides = array<i32>} : memref<80x160xf32, #tpu.memory_space<vmem>>, vector<1x16xf32>,
        %get3A_804 = arith.index_cast %scan3A_727 : i32 to index
        %get3A_805 = arith.constant 112 : index
        %get3A_806 = tpu.vector_load %arg12[%get3A_804, %get3A_805] {strides = array<i32>} : memref<80x160xf32, #tpu.memory_space<vmem>>, vector<1x16xf32>,
        %get3A_807 = vector.shape_cast %get3A_806 : vector<1x16xf32> to vector<16xf32>
        %mul3A_808 = arith.mulf %get3A_807, %get3A_807 : vector<16xf32>
        %mul3A_809 = arith.mulf %mul3A_808, %mul3A_808 : vector<16xf32>
        %swap3A_810 = arith.index_cast %scan3A_727 : i32 to index
        %swap3A_811 = arith.constant 112 : index
        %swap3A_812 = tpu.vector_load %arg12[%swap3A_810, %swap3A_811] {strides = array<i32>} : memref<80x160xf32, #tpu.memory_space<vmem>>, vector<1x16xf32>,
        %swap3A_813 = vector.shape_cast %swap3A_812 : vector<1x16xf32> to vector<16xf32>
        %swap3A_814 = vector.shape_cast %mul3A_809 : vector<16xf32> to vector<1x16xf32>
        tpu.vector_store %arg12[%swap3A_810, %swap3A_811], %swap3A_814 {strides = array<i32>} : memref<80x160xf32, #tpu.memory_space<vmem>>, vector<1x16xf32>,
        %get3A_815 = arith.index_cast %scan3A_727 : i32 to index
        %get3A_816 = arith.constant 128 : index
        %get3A_817 = tpu.vector_load %arg12[%get3A_815, %get3A_816] {strides = array<i32>} : memref<80x160xf32, #tpu.memory_space<vmem>>, vector<1x16xf32>,
        %get3A_818 = vector.shape_cast %get3A_817 : vector<1x16xf32> to vector<16xf32>
        %mul3A_819 = arith.mulf %get3A_818, %get3A_818 : vector<16xf32>
        %mul3A_820 = arith.mulf %mul3A_819, %mul3A_819 : vector<16xf32>
        %swap3A_821 = arith.index_cast %scan3A_727 : i32 to index
        %swap3A_822 = arith.constant 128 : index
        %swap3A_823 = tpu.vector_load %arg12[%swap3A_821, %swap3A_822] {strides = array<i32>} : memref<80x160xf32, #tpu.memory_space<vmem>>, vector<1x16xf32>,
        %swap3A_824 = vector.shape_cast %swap3A_823 : vector<1x16xf32> to vector<16xf32>
        %swap3A_825 = vector.shape_cast %mul3A_820 : vector<16xf32> to vector<1x16xf32>
        tpu.vector_store %arg12[%swap3A_821, %swap3A_822], %swap3A_825 {strides = array<i32>} : memref<80x160xf32, #tpu.memory_space<vmem>>, vector<1x16xf32>,
        %get3A_826 = arith.index_cast %scan3A_727 : i32 to index
        %get3A_827 = arith.constant 144 : index
        %get3A_828 = tpu.vector_load %arg12[%get3A_826, %get3A_827] {strides = array<i32>} : memref<80x160xf32, #tpu.memory_space<vmem>>, vector<1x16xf32>,
        %get3A_829 = vector.shape_cast %get3A_828 : vector<1x16xf32> to vector<16xf32>
        %mul3A_830 = arith.mulf %get3A_829, %get3A_829 : vector<16xf32>
        %mul3A_831 = arith.mulf %mul3A_830, %mul3A_830 : vector<16xf32>
        %swap3A_832 = arith.index_cast %scan3A_727 : i32 to index
        %swap3A_833 = arith.constant 144 : index
        %swap3A_834 = tpu.vector_load %arg12[%swap3A_832, %swap3A_833] {strides = array<i32>} : memref<80x160xf32, #tpu.memory_space<vmem>>, vector<1x16xf32>,
        %swap3A_835 = vector.shape_cast %swap3A_834 : vector<1x16xf32> to vector<16xf32>
        %swap3A_836 = vector.shape_cast %mul3A_831 : vector<16xf32> to vector<1x16xf32>
        tpu.vector_store %arg12[%swap3A_832, %swap3A_833], %swap3A_836 {strides = array<i32>} : memref<80x160xf32, #tpu.memory_space<vmem>>, vector<1x16xf32>,
        %scan3A_837 = arith.constant 0 : i32
        scf.yield %scan3A_837 : i32
      }
      %scan3A_722 = arith.constant 80 : i32
      %dma_start3A_723 = arith.constant 0 : i32
      %dma_start3A_724 = arith.constant 0 : i32
      %dma_start3A_725 = tpu.memref_slice %arg13[%dma_start3A_723, %dma_start3A_724] : memref<10000x160xf32, #tpu.memory_space<vmem_shared>> -> memref<10000x160xf32, #tpu.memory_space<vmem_shared>>
      tpu.enqueue_indirect_dma source(%arg12 : memref<80x160xf32, #tpu.memory_space<vmem>>) target(%dma_start3A_725 : memref<10000x160xf32, #tpu.memory_space<vmem_shared>>) offsets(%arg10 : memref<80xi32, #tpu.memory_space<vmem>>) semaphore(%arg19 : memref<!tpu.dma_semaphore, #tpu.memory_space<semaphore_mem>>) {add = true}
      %scan3A_726 = arith.constant 0 : i32
      scf.yield %scan3A_726 : i32
    }
    %scan3A_557 = arith.constant 62 : i32
    %dma_wait3A_558 = arith.constant 124 : i32
    %dma_wait3A_559 = arith.constant 0 : i32
    %dma_wait3A_560 = tpu.memref_slice %arg3[%add3A, %dma_wait3A_558, %dma_wait3A_559] : memref<32x125x80xi32, #tpu.memory_space<hbm>> -> memref<1x1x80xi32, #tpu.memory_space<hbm>>
    %dma_wait3A_561 = tpu.memref_squeeze %dma_wait3A_560 : memref<1x1x80xi32, #tpu.memory_space<hbm>> -> memref<80xi32, #tpu.memory_space<hbm>>
    %dma_wait3A_562 = arith.constant 0 : i32
    %dma_wait3A_563 = tpu.memref_slice %arg3[%add3A, %dma_wait3A_558, %dma_wait3A_562] : memref<32x125x80xi32, #tpu.memory_space<hbm>> -> memref<1x1x80xi32, #tpu.memory_space<hbm>>
    %dma_wait3A_564 = tpu.memref_squeeze %dma_wait3A_563 : memref<1x1x80xi32, #tpu.memory_space<hbm>> -> memref<80xi32, #tpu.memory_space<hbm>>
    tpu.wait_dma2 semaphore(%arg14 : memref<!tpu.dma_semaphore, #tpu.memory_space<semaphore_mem>>) src(%dma_wait3A_564 : memref<80xi32, #tpu.memory_space<hbm>>) dst(%arg9 : memref<80xi32, #tpu.memory_space<vmem>>)
    %add3A_565 = arith.constant 9920 : i32
    %add3A_566 = arith.addi %mul3A_2, %add3A_565 : i32
    %dma_wait3A_567 = arith.constant 0 : i32
    %dma_wait3A_568 = tpu.memref_slice %arg2[%add3A_566, %dma_wait3A_567] : memref<320000x160xf32, #tpu.memory_space<hbm>> -> memref<80x160xf32, #tpu.memory_space<hbm>>
    %dma_wait3A_569 = arith.constant 0 : i32
    %dma_wait3A_570 = tpu.memref_slice %arg2[%add3A_566, %dma_wait3A_569] : memref<320000x160xf32, #tpu.memory_space<hbm>> -> memref<80x160xf32, #tpu.memory_space<hbm>>
    tpu.wait_dma2 semaphore(%arg16 : memref<!tpu.dma_semaphore, #tpu.memory_space<semaphore_mem>>) src(%dma_wait3A_570 : memref<80x160xf32, #tpu.memory_space<hbm>>) dst(%arg11 : memref<80x160xf32, #tpu.memory_space<vmem>>)
    %dma_wait3A_571 = arith.constant 0 : i32
    %dma_wait3A_572 = arith.constant 0 : i32
    %dma_wait3A_573 = tpu.memref_slice %arg13[%dma_wait3A_571, %dma_wait3A_572] : memref<10000x160xf32, #tpu.memory_space<vmem_shared>> -> memref<10000x160xf32, #tpu.memory_space<vmem_shared>>
    tpu.wait_indirect_dma semaphore(%arg19 : memref<!tpu.dma_semaphore, #tpu.memory_space<semaphore_mem>>) src(%arg12 : memref<80x160xf32, #tpu.memory_space<vmem>>) dst(%dma_wait3A_573 : memref<10000x160xf32, #tpu.memory_space<vmem_shared>>)
    %scan3A_574 = arith.constant 0 : i32
    %scan3A_575 = arith.constant 0 : i32
    %scan3A_576 = arith.constant 80 : i32
    %scan3A_577 = arith.addi %scan3A_575, %scan3A_576 : i32
    %scan3A_578 = arith.constant 1 : i32
    %scan3A_579 = scf.for %scan3A_645 = %scan3A_575 to %scan3A_577 step %scan3A_578 iter_args(%scan3A_646 = %scan3A_574) -> (i32)  : i32 {
      %get3A = arith.index_cast %scan3A_645 : i32 to index
      %get3A_647 = arith.constant 0 : index
      %get3A_648 = tpu.vector_load %arg11[%get3A, %get3A_647] {strides = array<i32>} : memref<80x160xf32, #tpu.memory_space<vmem>>, vector<1x16xf32>,
      %get3A_649 = vector.shape_cast %get3A_648 : vector<1x16xf32> to vector<16xf32>
      %mul3A_650 = arith.mulf %get3A_649, %get3A_649 : vector<16xf32>
      %mul3A_651 = arith.mulf %mul3A_650, %mul3A_650 : vector<16xf32>
      %swap3A = arith.index_cast %scan3A_645 : i32 to index
      %swap3A_652 = arith.constant 0 : index
      %swap3A_653 = tpu.vector_load %arg11[%swap3A, %swap3A_652] {strides = array<i32>} : memref<80x160xf32, #tpu.memory_space<vmem>>, vector<1x16xf32>,
      %swap3A_654 = vector.shape_cast %swap3A_653 : vector<1x16xf32> to vector<16xf32>
      %swap3A_655 = vector.shape_cast %mul3A_651 : vector<16xf32> to vector<1x16xf32>
      tpu.vector_store %arg11[%swap3A, %swap3A_652], %swap3A_655 {strides = array<i32>} : memref<80x160xf32, #tpu.memory_space<vmem>>, vector<1x16xf32>,
      %get3A_656 = arith.index_cast %scan3A_645 : i32 to index
      %get3A_657 = arith.constant 16 : index
      %get3A_658 = tpu.vector_load %arg11[%get3A_656, %get3A_657] {strides = array<i32>} : memref<80x160xf32, #tpu.memory_space<vmem>>, vector<1x16xf32>,
      %get3A_659 = vector.shape_cast %get3A_658 : vector<1x16xf32> to vector<16xf32>
      %mul3A_660 = arith.mulf %get3A_659, %get3A_659 : vector<16xf32>
      %mul3A_661 = arith.mulf %mul3A_660, %mul3A_660 : vector<16xf32>
      %swap3A_662 = arith.index_cast %scan3A_645 : i32 to index
      %swap3A_663 = arith.constant 16 : index
      %swap3A_664 = tpu.vector_load %arg11[%swap3A_662, %swap3A_663] {strides = array<i32>} : memref<80x160xf32, #tpu.memory_space<vmem>>, vector<1x16xf32>,
      %swap3A_665 = vector.shape_cast %swap3A_664 : vector<1x16xf32> to vector<16xf32>
      %swap3A_666 = vector.shape_cast %mul3A_661 : vector<16xf32> to vector<1x16xf32>
      tpu.vector_store %arg11[%swap3A_662, %swap3A_663], %swap3A_666 {strides = array<i32>} : memref<80x160xf32, #tpu.memory_space<vmem>>, vector<1x16xf32>,
      %get3A_667 = arith.index_cast %scan3A_645 : i32 to index
      %get3A_668 = arith.constant 32 : index
      %get3A_669 = tpu.vector_load %arg11[%get3A_667, %get3A_668] {strides = array<i32>} : memref<80x160xf32, #tpu.memory_space<vmem>>, vector<1x16xf32>,
      %get3A_670 = vector.shape_cast %get3A_669 : vector<1x16xf32> to vector<16xf32>
      %mul3A_671 = arith.mulf %get3A_670, %get3A_670 : vector<16xf32>
      %mul3A_672 = arith.mulf %mul3A_671, %mul3A_671 : vector<16xf32>
      %swap3A_673 = arith.index_cast %scan3A_645 : i32 to index
      %swap3A_674 = arith.constant 32 : index
      %swap3A_675 = tpu.vector_load %arg11[%swap3A_673, %swap3A_674] {strides = array<i32>} : memref<80x160xf32, #tpu.memory_space<vmem>>, vector<1x16xf32>,
      %swap3A_676 = vector.shape_cast %swap3A_675 : vector<1x16xf32> to vector<16xf32>
      %swap3A_677 = vector.shape_cast %mul3A_672 : vector<16xf32> to vector<1x16xf32>
      tpu.vector_store %arg11[%swap3A_673, %swap3A_674], %swap3A_677 {strides = array<i32>} : memref<80x160xf32, #tpu.memory_space<vmem>>, vector<1x16xf32>,
      %get3A_678 = arith.index_cast %scan3A_645 : i32 to index
      %get3A_679 = arith.constant 48 : index
      %get3A_680 = tpu.vector_load %arg11[%get3A_678, %get3A_679] {strides = array<i32>} : memref<80x160xf32, #tpu.memory_space<vmem>>, vector<1x16xf32>,
      %get3A_681 = vector.shape_cast %get3A_680 : vector<1x16xf32> to vector<16xf32>
      %mul3A_682 = arith.mulf %get3A_681, %get3A_681 : vector<16xf32>
      %mul3A_683 = arith.mulf %mul3A_682, %mul3A_682 : vector<16xf32>
      %swap3A_684 = arith.index_cast %scan3A_645 : i32 to index
      %swap3A_685 = arith.constant 48 : index
      %swap3A_686 = tpu.vector_load %arg11[%swap3A_684, %swap3A_685] {strides = array<i32>} : memref<80x160xf32, #tpu.memory_space<vmem>>, vector<1x16xf32>,
      %swap3A_687 = vector.shape_cast %swap3A_686 : vector<1x16xf32> to vector<16xf32>
      %swap3A_688 = vector.shape_cast %mul3A_683 : vector<16xf32> to vector<1x16xf32>
      tpu.vector_store %arg11[%swap3A_684, %swap3A_685], %swap3A_688 {strides = array<i32>} : memref<80x160xf32, #tpu.memory_space<vmem>>, vector<1x16xf32>,
      %get3A_689 = arith.index_cast %scan3A_645 : i32 to index
      %get3A_690 = arith.constant 64 : index
      %get3A_691 = tpu.vector_load %arg11[%get3A_689, %get3A_690] {strides = array<i32>} : memref<80x160xf32, #tpu.memory_space<vmem>>, vector<1x16xf32>,
      %get3A_692 = vector.shape_cast %get3A_691 : vector<1x16xf32> to vector<16xf32>
      %mul3A_693 = arith.mulf %get3A_692, %get3A_692 : vector<16xf32>
      %mul3A_694 = arith.mulf %mul3A_693, %mul3A_693 : vector<16xf32>
      %swap3A_695 = arith.index_cast %scan3A_645 : i32 to index
      %swap3A_696 = arith.constant 64 : index
      %swap3A_697 = tpu.vector_load %arg11[%swap3A_695, %swap3A_696] {strides = array<i32>} : memref<80x160xf32, #tpu.memory_space<vmem>>, vector<1x16xf32>,
      %swap3A_698 = vector.shape_cast %swap3A_697 : vector<1x16xf32> to vector<16xf32>
      %swap3A_699 = vector.shape_cast %mul3A_694 : vector<16xf32> to vector<1x16xf32>
      tpu.vector_store %arg11[%swap3A_695, %swap3A_696], %swap3A_699 {strides = array<i32>} : memref<80x160xf32, #tpu.memory_space<vmem>>, vector<1x16xf32>,
      %get3A_700 = arith.index_cast %scan3A_645 : i32 to index
      %get3A_701 = arith.constant 80 : index
      %get3A_702 = tpu.vector_load %arg11[%get3A_700, %get3A_701] {strides = array<i32>} : memref<80x160xf32, #tpu.memory_space<vmem>>, vector<1x16xf32>,
      %get3A_703 = vector.shape_cast %get3A_702 : vector<1x16xf32> to vector<16xf32>
      %mul3A_704 = arith.mulf %get3A_703, %get3A_703 : vector<16xf32>
      %mul3A_705 = arith.mulf %mul3A_704, %mul3A_704 : vector<16xf32>
      %swap3A_706 = arith.index_cast %scan3A_645 : i32 to index
      %swap3A_707 = arith.constant 80 : index
      %swap3A_708 = tpu.vector_load %arg11[%swap3A_706, %swap3A_707] {strides = array<i32>} : memref<80x160xf32, #tpu.memory_space<vmem>>, vector<1x16xf32>,
      %swap3A_709 = vector.shape_cast %swap3A_708 : vector<1x16xf32> to vector<16xf32>
      %swap3A_710 = vector.shape_cast %mul3A_705 : vector<16xf32> to vector<1x16xf32>
      tpu.vector_store %arg11[%swap3A_706, %swap3A_707], %swap3A_710 {strides = array<i32>} : memref<80x160xf32, #tpu.memory_space<vmem>>, vector<1x16xf32>,
      %get3A_711 = arith.index_cast %scan3A_645 : i32 to index
      %get3A_712 = arith.constant 96 : index
      %get3A_713 = tpu.vector_load %arg11[%get3A_711, %get3A_712] {strides = array<i32>} : memref<80x160xf32, #tpu.memory_space<vmem>>, vector<1x16xf32>,
      %get3A_714 = vector.shape_cast %get3A_713 : vector<1x16xf32> to vector<16xf32>
      %mul3A_715 = arith.mulf %get3A_714, %get3A_714 : vector<16xf32>
      %mul3A_716 = arith.mulf %mul3A_715, %mul3A_715 : vector<16xf32>
      %swap3A_717 = arith.index_cast %scan3A_645 : i32 to index
      %swap3A_718 = arith.constant 96 : index
      %swap3A_719 = tpu.vector_load %arg11[%swap3A_717, %swap3A_718] {strides = array<i32>} : memref<80x160xf32, #tpu.memory_space<vmem>>, vector<1x16xf32>,
      %swap3A_720 = vector.shape_cast %swap3A_719 : vector<1x16xf32> to vector<16xf32>
      %swap3A_721 = vector.shape_cast %mul3A_716 : vector<16xf32> to vector<1x16xf32>
      tpu.vector_store %arg11[%swap3A_717, %swap3A_718], %swap3A_721 {strides = array<i32>} : memref<80x160xf32, #tpu.memory_space<vmem>>, vector<1x16xf32>,
      %get3A_722 = arith.index_cast %scan3A_645 : i32 to index
      %get3A_723 = arith.constant 112 : index
      %get3A_724 = tpu.vector_load %arg11[%get3A_722, %get3A_723] {strides = array<i32>} : memref<80x160xf32, #tpu.memory_space<vmem>>, vector<1x16xf32>,
      %get3A_725 = vector.shape_cast %get3A_724 : vector<1x16xf32> to vector<16xf32>
      %mul3A_726 = arith.mulf %get3A_725, %get3A_725 : vector<16xf32>
      %mul3A_727 = arith.mulf %mul3A_726, %mul3A_726 : vector<16xf32>
      %swap3A_728 = arith.index_cast %scan3A_645 : i32 to index
      %swap3A_729 = arith.constant 112 : index
      %swap3A_730 = tpu.vector_load %arg11[%swap3A_728, %swap3A_729] {strides = array<i32>} : memref<80x160xf32, #tpu.memory_space<vmem>>, vector<1x16xf32>,
      %swap3A_731 = vector.shape_cast %swap3A_730 : vector<1x16xf32> to vector<16xf32>
      %swap3A_732 = vector.shape_cast %mul3A_727 : vector<16xf32> to vector<1x16xf32>
      tpu.vector_store %arg11[%swap3A_728, %swap3A_729], %swap3A_732 {strides = array<i32>} : memref<80x160xf32, #tpu.memory_space<vmem>>, vector<1x16xf32>,
      %get3A_733 = arith.index_cast %scan3A_645 : i32 to index
      %get3A_734 = arith.constant 128 : index
      %get3A_735 = tpu.vector_load %arg11[%get3A_733, %get3A_734] {strides = array<i32>} : memref<80x160xf32, #tpu.memory_space<vmem>>, vector<1x16xf32>,
      %get3A_736 = vector.shape_cast %get3A_735 : vector<1x16xf32> to vector<16xf32>
      %mul3A_737 = arith.mulf %get3A_736, %get3A_736 : vector<16xf32>
      %mul3A_738 = arith.mulf %mul3A_737, %mul3A_737 : vector<16xf32>
      %swap3A_739 = arith.index_cast %scan3A_645 : i32 to index
      %swap3A_740 = arith.constant 128 : index
      %swap3A_741 = tpu.vector_load %arg11[%swap3A_739, %swap3A_740] {strides = array<i32>} : memref<80x160xf32, #tpu.memory_space<vmem>>, vector<1x16xf32>,
      %swap3A_742 = vector.shape_cast %swap3A_741 : vector<1x16xf32> to vector<16xf32>
      %swap3A_743 = vector.shape_cast %mul3A_738 : vector<16xf32> to vector<1x16xf32>
      tpu.vector_store %arg11[%swap3A_739, %swap3A_740], %swap3A_743 {strides = array<i32>} : memref<80x160xf32, #tpu.memory_space<vmem>>, vector<1x16xf32>,
      %get3A_744 = arith.index_cast %scan3A_645 : i32 to index
      %get3A_745 = arith.constant 144 : index
      %get3A_746 = tpu.vector_load %arg11[%get3A_744, %get3A_745] {strides = array<i32>} : memref<80x160xf32, #tpu.memory_space<vmem>>, vector<1x16xf32>,
      %get3A_747 = vector.shape_cast %get3A_746 : vector<1x16xf32> to vector<16xf32>
      %mul3A_748 = arith.mulf %get3A_747, %get3A_747 : vector<16xf32>
      %mul3A_749 = arith.mulf %mul3A_748, %mul3A_748 : vector<16xf32>
      %swap3A_750 = arith.index_cast %scan3A_645 : i32 to index
      %swap3A_751 = arith.constant 144 : index
      %swap3A_752 = tpu.vector_load %arg11[%swap3A_750, %swap3A_751] {strides = array<i32>} : memref<80x160xf32, #tpu.memory_space<vmem>>, vector<1x16xf32>,
      %swap3A_753 = vector.shape_cast %swap3A_752 : vector<1x16xf32> to vector<16xf32>
      %swap3A_754 = vector.shape_cast %mul3A_749 : vector<16xf32> to vector<1x16xf32>
      tpu.vector_store %arg11[%swap3A_750, %swap3A_751], %swap3A_754 {strides = array<i32>} : memref<80x160xf32, #tpu.memory_space<vmem>>, vector<1x16xf32>,
      %scan3A_755 = arith.constant 0 : i32
      scf.yield %scan3A_755 : i32
    }
    %scan3A_580 = arith.constant 80 : i32
    %dma_start3A_581 = arith.constant 0 : i32
    %dma_start3A_582 = arith.constant 0 : i32
    %dma_start3A_583 = tpu.memref_slice %arg13[%dma_start3A_581, %dma_start3A_582] : memref<10000x160xf32, #tpu.memory_space<vmem_shared>> -> memref<10000x160xf32, #tpu.memory_space<vmem_shared>>
    tpu.enqueue_indirect_dma source(%arg11 : memref<80x160xf32, #tpu.memory_space<vmem>>) target(%dma_start3A_583 : memref<10000x160xf32, #tpu.memory_space<vmem_shared>>) offsets(%arg9 : memref<80xi32, #tpu.memory_space<vmem>>) semaphore(%arg18 : memref<!tpu.dma_semaphore, #tpu.memory_space<semaphore_mem>>) {add = true}
    %dma_wait3A_584 = arith.constant 0 : i32
    %dma_wait3A_585 = arith.constant 0 : i32
    %dma_wait3A_586 = tpu.memref_slice %arg13[%dma_wait3A_584, %dma_wait3A_585] : memref<10000x160xf32, #tpu.memory_space<vmem_shared>> -> memref<10000x160xf32, #tpu.memory_space<vmem_shared>>
    tpu.wait_indirect_dma semaphore(%arg18 : memref<!tpu.dma_semaphore, #tpu.memory_space<semaphore_mem>>) src(%arg11 : memref<80x160xf32, #tpu.memory_space<vmem>>) dst(%dma_wait3A_586 : memref<10000x160xf32, #tpu.memory_space<vmem_shared>>)
    %barrier3A_587 = arith.constant 0 : index
    tpu.barrier barrier_id(%barrier3A_587)
    %add3A_588 = arith.constant 0 : i32
    %add3A_589 = arith.addi %arg1, %add3A_588 : i32
    %lt3A_590 = arith.constant 125 : i32
    %lt3A_591 = arith.cmpi slt, %add3A_589, %lt3A_590 : i32
    %convert_element_type3A_592 = arith.extui %lt3A_591 : i1 to i32
    %cond3A_593 = arith.constant 0 : i32
    %cond3A_594 = arith.cmpi ne, %convert_element_type3A_592, %cond3A_593 : i32
    scf.if %cond3A_594 {
      %mul3A_645 = arith.constant 80 : i32
      %mul3A_646 = arith.muli %add3A_589, %mul3A_645 : i32
      "tpu.region"() ({
        %run_scoped3A = tpu.sem_alloc : memref<!tpu.dma_semaphore, #tpu.memory_space<semaphore_mem>>
        %dma_start3A_647 = arith.constant 0 : i32
        %dma_start3A_648 = tpu.memref_slice %arg8[%arg0, %mul3A_646, %dma_start3A_647] : memref<2x10000x160xf32, #tpu.memory_space<hbm>> -> memref<1x80x160xf32, #tpu.memory_space<hbm>>
        %dma_start3A_649 = tpu.memref_squeeze %dma_start3A_648 : memref<1x80x160xf32, #tpu.memory_space<hbm>> -> memref<80x160xf32, #tpu.memory_space<hbm>>
        %dma_start3A_650 = arith.constant 0 : i32
        %dma_start3A_651 = tpu.memref_slice %arg13[%mul3A_646, %dma_start3A_650] : memref<10000x160xf32, #tpu.memory_space<vmem_shared>> -> memref<80x160xf32, #tpu.memory_space<vmem_shared>>
        tpu.enqueue_dma source(%dma_start3A_651 : memref<80x160xf32, #tpu.memory_space<vmem_shared>>) target(%dma_start3A_649 : memref<80x160xf32, #tpu.memory_space<hbm>>) target_semaphore(%run_scoped3A : memref<!tpu.dma_semaphore, #tpu.memory_space<semaphore_mem>>)
        %dma_wait3A_652 = arith.constant 0 : i32
        %dma_wait3A_653 = tpu.memref_slice %arg8[%arg0, %mul3A_646, %dma_wait3A_652] : memref<2x10000x160xf32, #tpu.memory_space<hbm>> -> memref<1x80x160xf32, #tpu.memory_space<hbm>>
        %dma_wait3A_654 = tpu.memref_squeeze %dma_wait3A_653 : memref<1x80x160xf32, #tpu.memory_space<hbm>> -> memref<80x160xf32, #tpu.memory_space<hbm>>
        %dma_wait3A_655 = arith.constant 0 : i32
        %dma_wait3A_656 = tpu.memref_slice %arg13[%mul3A_646, %dma_wait3A_655] : memref<10000x160xf32, #tpu.memory_space<vmem_shared>> -> memref<80x160xf32, #tpu.memory_space<vmem_shared>>
        tpu.wait_dma2 semaphore(%run_scoped3A : memref<!tpu.dma_semaphore, #tpu.memory_space<semaphore_mem>>) src(%dma_wait3A_656 : memref<80x160xf32, #tpu.memory_space<vmem_shared>>) dst(%dma_wait3A_654 : memref<80x160xf32, #tpu.memory_space<hbm>>)
        tpu.yield
      }) : () -> ()
    } else {
    }
    %add3A_595 = arith.constant 16 : i32
    %add3A_596 = arith.addi %arg1, %add3A_595 : i32
    %lt3A_597 = arith.constant 125 : i32
    %lt3A_598 = arith.cmpi slt, %add3A_596, %lt3A_597 : i32
    %convert_element_type3A_599 = arith.extui %lt3A_598 : i1 to i32
    %cond3A_600 = arith.constant 0 : i32
    %cond3A_601 = arith.cmpi ne, %convert_element_type3A_599, %cond3A_600 : i32
    scf.if %cond3A_601 {
      %mul3A_645 = arith.constant 80 : i32
      %mul3A_646 = arith.muli %add3A_596, %mul3A_645 : i32
      "tpu.region"() ({
        %run_scoped3A = tpu.sem_alloc : memref<!tpu.dma_semaphore, #tpu.memory_space<semaphore_mem>>
        %dma_start3A_647 = arith.constant 0 : i32
        %dma_start3A_648 = tpu.memref_slice %arg8[%arg0, %mul3A_646, %dma_start3A_647] : memref<2x10000x160xf32, #tpu.memory_space<hbm>> -> memref<1x80x160xf32, #tpu.memory_space<hbm>>
        %dma_start3A_649 = tpu.memref_squeeze %dma_start3A_648 : memref<1x80x160xf32, #tpu.memory_space<hbm>> -> memref<80x160xf32, #tpu.memory_space<hbm>>
        %dma_start3A_650 = arith.constant 0 : i32
        %dma_start3A_651 = tpu.memref_slice %arg13[%mul3A_646, %dma_start3A_650] : memref<10000x160xf32, #tpu.memory_space<vmem_shared>> -> memref<80x160xf32, #tpu.memory_space<vmem_shared>>
        tpu.enqueue_dma source(%dma_start3A_651 : memref<80x160xf32, #tpu.memory_space<vmem_shared>>) target(%dma_start3A_649 : memref<80x160xf32, #tpu.memory_space<hbm>>) target_semaphore(%run_scoped3A : memref<!tpu.dma_semaphore, #tpu.memory_space<semaphore_mem>>)
        %dma_wait3A_652 = arith.constant 0 : i32
        %dma_wait3A_653 = tpu.memref_slice %arg8[%arg0, %mul3A_646, %dma_wait3A_652] : memref<2x10000x160xf32, #tpu.memory_space<hbm>> -> memref<1x80x160xf32, #tpu.memory_space<hbm>>
        %dma_wait3A_654 = tpu.memref_squeeze %dma_wait3A_653 : memref<1x80x160xf32, #tpu.memory_space<hbm>> -> memref<80x160xf32, #tpu.memory_space<hbm>>
        %dma_wait3A_655 = arith.constant 0 : i32
        %dma_wait3A_656 = tpu.memref_slice %arg13[%mul3A_646, %dma_wait3A_655] : memref<10000x160xf32, #tpu.memory_space<vmem_shared>> -> memref<80x160xf32, #tpu.memory_space<vmem_shared>>
        tpu.wait_dma2 semaphore(%run_scoped3A : memref<!tpu.dma_semaphore, #tpu.memory_space<semaphore_mem>>) src(%dma_wait3A_656 : memref<80x160xf32, #tpu.memory_space<vmem_shared>>) dst(%dma_wait3A_654 : memref<80x160xf32, #tpu.memory_space<hbm>>)
        tpu.yield
      }) : () -> ()
    } else {
    }
    %add3A_602 = arith.constant 32 : i32
    %add3A_603 = arith.addi %arg1, %add3A_602 : i32
    %lt3A_604 = arith.constant 125 : i32
    %lt3A_605 = arith.cmpi slt, %add3A_603, %lt3A_604 : i32
    %convert_element_type3A_606 = arith.extui %lt3A_605 : i1 to i32
    %cond3A_607 = arith.constant 0 : i32
    %cond3A_608 = arith.cmpi ne, %convert_element_type3A_606, %cond3A_607 : i32
    scf.if %cond3A_608 {
      %mul3A_645 = arith.constant 80 : i32
      %mul3A_646 = arith.muli %add3A_603, %mul3A_645 : i32
      "tpu.region"() ({
        %run_scoped3A = tpu.sem_alloc : memref<!tpu.dma_semaphore, #tpu.memory_space<semaphore_mem>>
        %dma_start3A_647 = arith.constant 0 : i32
        %dma_start3A_648 = tpu.memref_slice %arg8[%arg0, %mul3A_646, %dma_start3A_647] : memref<2x10000x160xf32, #tpu.memory_space<hbm>> -> memref<1x80x160xf32, #tpu.memory_space<hbm>>
        %dma_start3A_649 = tpu.memref_squeeze %dma_start3A_648 : memref<1x80x160xf32, #tpu.memory_space<hbm>> -> memref<80x160xf32, #tpu.memory_space<hbm>>
        %dma_start3A_650 = arith.constant 0 : i32
        %dma_start3A_651 = tpu.memref_slice %arg13[%mul3A_646, %dma_start3A_650] : memref<10000x160xf32, #tpu.memory_space<vmem_shared>> -> memref<80x160xf32, #tpu.memory_space<vmem_shared>>
        tpu.enqueue_dma source(%dma_start3A_651 : memref<80x160xf32, #tpu.memory_space<vmem_shared>>) target(%dma_start3A_649 : memref<80x160xf32, #tpu.memory_space<hbm>>) target_semaphore(%run_scoped3A : memref<!tpu.dma_semaphore, #tpu.memory_space<semaphore_mem>>)
        %dma_wait3A_652 = arith.constant 0 : i32
        %dma_wait3A_653 = tpu.memref_slice %arg8[%arg0, %mul3A_646, %dma_wait3A_652] : memref<2x10000x160xf32, #tpu.memory_space<hbm>> -> memref<1x80x160xf32, #tpu.memory_space<hbm>>
        %dma_wait3A_654 = tpu.memref_squeeze %dma_wait3A_653 : memref<1x80x160xf32, #tpu.memory_space<hbm>> -> memref<80x160xf32, #tpu.memory_space<hbm>>
        %dma_wait3A_655 = arith.constant 0 : i32
        %dma_wait3A_656 = tpu.memref_slice %arg13[%mul3A_646, %dma_wait3A_655] : memref<10000x160xf32, #tpu.memory_space<vmem_shared>> -> memref<80x160xf32, #tpu.memory_space<vmem_shared>>
        tpu.wait_dma2 semaphore(%run_scoped3A : memref<!tpu.dma_semaphore, #tpu.memory_space<semaphore_mem>>) src(%dma_wait3A_656 : memref<80x160xf32, #tpu.memory_space<vmem_shared>>) dst(%dma_wait3A_654 : memref<80x160xf32, #tpu.memory_space<hbm>>)
        tpu.yield
      }) : () -> ()
    } else {
    }
    %add3A_609 = arith.constant 48 : i32
    %add3A_610 = arith.addi %arg1, %add3A_609 : i32
    %lt3A_611 = arith.constant 125 : i32
    %lt3A_612 = arith.cmpi slt, %add3A_610, %lt3A_611 : i32
    %convert_element_type3A_613 = arith.extui %lt3A_612 : i1 to i32
    %cond3A_614 = arith.constant 0 : i32
    %cond3A_615 = arith.cmpi ne, %convert_element_type3A_613, %cond3A_614 : i32
    scf.if %cond3A_615 {
      %mul3A_645 = arith.constant 80 : i32
      %mul3A_646 = arith.muli %add3A_610, %mul3A_645 : i32
      "tpu.region"() ({
        %run_scoped3A = tpu.sem_alloc : memref<!tpu.dma_semaphore, #tpu.memory_space<semaphore_mem>>
        %dma_start3A_647 = arith.constant 0 : i32
        %dma_start3A_648 = tpu.memref_slice %arg8[%arg0, %mul3A_646, %dma_start3A_647] : memref<2x10000x160xf32, #tpu.memory_space<hbm>> -> memref<1x80x160xf32, #tpu.memory_space<hbm>>
        %dma_start3A_649 = tpu.memref_squeeze %dma_start3A_648 : memref<1x80x160xf32, #tpu.memory_space<hbm>> -> memref<80x160xf32, #tpu.memory_space<hbm>>
        %dma_start3A_650 = arith.constant 0 : i32
        %dma_start3A_651 = tpu.memref_slice %arg13[%mul3A_646, %dma_start3A_650] : memref<10000x160xf32, #tpu.memory_space<vmem_shared>> -> memref<80x160xf32, #tpu.memory_space<vmem_shared>>
        tpu.enqueue_dma source(%dma_start3A_651 : memref<80x160xf32, #tpu.memory_space<vmem_shared>>) target(%dma_start3A_649 : memref<80x160xf32, #tpu.memory_space<hbm>>) target_semaphore(%run_scoped3A : memref<!tpu.dma_semaphore, #tpu.memory_space<semaphore_mem>>)
        %dma_wait3A_652 = arith.constant 0 : i32
        %dma_wait3A_653 = tpu.memref_slice %arg8[%arg0, %mul3A_646, %dma_wait3A_652] : memref<2x10000x160xf32, #tpu.memory_space<hbm>> -> memref<1x80x160xf32, #tpu.memory_space<hbm>>
        %dma_wait3A_654 = tpu.memref_squeeze %dma_wait3A_653 : memref<1x80x160xf32, #tpu.memory_space<hbm>> -> memref<80x160xf32, #tpu.memory_space<hbm>>
        %dma_wait3A_655 = arith.constant 0 : i32
        %dma_wait3A_656 = tpu.memref_slice %arg13[%mul3A_646, %dma_wait3A_655] : memref<10000x160xf32, #tpu.memory_space<vmem_shared>> -> memref<80x160xf32, #tpu.memory_space<vmem_shared>>
        tpu.wait_dma2 semaphore(%run_scoped3A : memref<!tpu.dma_semaphore, #tpu.memory_space<semaphore_mem>>) src(%dma_wait3A_656 : memref<80x160xf32, #tpu.memory_space<vmem_shared>>) dst(%dma_wait3A_654 : memref<80x160xf32, #tpu.memory_space<hbm>>)
        tpu.yield
      }) : () -> ()
    } else {
    }
    %add3A_616 = arith.constant 64 : i32
    %add3A_617 = arith.addi %arg1, %add3A_616 : i32
    %lt3A_618 = arith.constant 125 : i32
    %lt3A_619 = arith.cmpi slt, %add3A_617, %lt3A_618 : i32
    %convert_element_type3A_620 = arith.extui %lt3A_619 : i1 to i32
    %cond3A_621 = arith.constant 0 : i32
    %cond3A_622 = arith.cmpi ne, %convert_element_type3A_620, %cond3A_621 : i32
    scf.if %cond3A_622 {
      %mul3A_645 = arith.constant 80 : i32
      %mul3A_646 = arith.muli %add3A_617, %mul3A_645 : i32
      "tpu.region"() ({
        %run_scoped3A = tpu.sem_alloc : memref<!tpu.dma_semaphore, #tpu.memory_space<semaphore_mem>>
        %dma_start3A_647 = arith.constant 0 : i32
        %dma_start3A_648 = tpu.memref_slice %arg8[%arg0, %mul3A_646, %dma_start3A_647] : memref<2x10000x160xf32, #tpu.memory_space<hbm>> -> memref<1x80x160xf32, #tpu.memory_space<hbm>>
        %dma_start3A_649 = tpu.memref_squeeze %dma_start3A_648 : memref<1x80x160xf32, #tpu.memory_space<hbm>> -> memref<80x160xf32, #tpu.memory_space<hbm>>
        %dma_start3A_650 = arith.constant 0 : i32
        %dma_start3A_651 = tpu.memref_slice %arg13[%mul3A_646, %dma_start3A_650] : memref<10000x160xf32, #tpu.memory_space<vmem_shared>> -> memref<80x160xf32, #tpu.memory_space<vmem_shared>>
        tpu.enqueue_dma source(%dma_start3A_651 : memref<80x160xf32, #tpu.memory_space<vmem_shared>>) target(%dma_start3A_649 : memref<80x160xf32, #tpu.memory_space<hbm>>) target_semaphore(%run_scoped3A : memref<!tpu.dma_semaphore, #tpu.memory_space<semaphore_mem>>)
        %dma_wait3A_652 = arith.constant 0 : i32
        %dma_wait3A_653 = tpu.memref_slice %arg8[%arg0, %mul3A_646, %dma_wait3A_652] : memref<2x10000x160xf32, #tpu.memory_space<hbm>> -> memref<1x80x160xf32, #tpu.memory_space<hbm>>
        %dma_wait3A_654 = tpu.memref_squeeze %dma_wait3A_653 : memref<1x80x160xf32, #tpu.memory_space<hbm>> -> memref<80x160xf32, #tpu.memory_space<hbm>>
        %dma_wait3A_655 = arith.constant 0 : i32
        %dma_wait3A_656 = tpu.memref_slice %arg13[%mul3A_646, %dma_wait3A_655] : memref<10000x160xf32, #tpu.memory_space<vmem_shared>> -> memref<80x160xf32, #tpu.memory_space<vmem_shared>>
        tpu.wait_dma2 semaphore(%run_scoped3A : memref<!tpu.dma_semaphore, #tpu.memory_space<semaphore_mem>>) src(%dma_wait3A_656 : memref<80x160xf32, #tpu.memory_space<vmem_shared>>) dst(%dma_wait3A_654 : memref<80x160xf32, #tpu.memory_space<hbm>>)
        tpu.yield
      }) : () -> ()
    } else {
    }
    %add3A_623 = arith.constant 80 : i32
    %add3A_624 = arith.addi %arg1, %add3A_623 : i32
    %lt3A_625 = arith.constant 125 : i32
    %lt3A_626 = arith.cmpi slt, %add3A_624, %lt3A_625 : i32
    %convert_element_type3A_627 = arith.extui %lt3A_626 : i1 to i32
    %cond3A_628 = arith.constant 0 : i32
    %cond3A_629 = arith.cmpi ne, %convert_element_type3A_627, %cond3A_628 : i32
    scf.if %cond3A_629 {
      %mul3A_645 = arith.constant 80 : i32
      %mul3A_646 = arith.muli %add3A_624, %mul3A_645 : i32
      "tpu.region"() ({
        %run_scoped3A = tpu.sem_alloc : memref<!tpu.dma_semaphore, #tpu.memory_space<semaphore_mem>>
        %dma_start3A_647 = arith.constant 0 : i32
        %dma_start3A_648 = tpu.memref_slice %arg8[%arg0, %mul3A_646, %dma_start3A_647] : memref<2x10000x160xf32, #tpu.memory_space<hbm>> -> memref<1x80x160xf32, #tpu.memory_space<hbm>>
        %dma_start3A_649 = tpu.memref_squeeze %dma_start3A_648 : memref<1x80x160xf32, #tpu.memory_space<hbm>> -> memref<80x160xf32, #tpu.memory_space<hbm>>
        %dma_start3A_650 = arith.constant 0 : i32
        %dma_start3A_651 = tpu.memref_slice %arg13[%mul3A_646, %dma_start3A_650] : memref<10000x160xf32, #tpu.memory_space<vmem_shared>> -> memref<80x160xf32, #tpu.memory_space<vmem_shared>>
        tpu.enqueue_dma source(%dma_start3A_651 : memref<80x160xf32, #tpu.memory_space<vmem_shared>>) target(%dma_start3A_649 : memref<80x160xf32, #tpu.memory_space<hbm>>) target_semaphore(%run_scoped3A : memref<!tpu.dma_semaphore, #tpu.memory_space<semaphore_mem>>)
        %dma_wait3A_652 = arith.constant 0 : i32
        %dma_wait3A_653 = tpu.memref_slice %arg8[%arg0, %mul3A_646, %dma_wait3A_652] : memref<2x10000x160xf32, #tpu.memory_space<hbm>> -> memref<1x80x160xf32, #tpu.memory_space<hbm>>
        %dma_wait3A_654 = tpu.memref_squeeze %dma_wait3A_653 : memref<1x80x160xf32, #tpu.memory_space<hbm>> -> memref<80x160xf32, #tpu.memory_space<hbm>>
        %dma_wait3A_655 = arith.constant 0 : i32
        %dma_wait3A_656 = tpu.memref_slice %arg13[%mul3A_646, %dma_wait3A_655] : memref<10000x160xf32, #tpu.memory_space<vmem_shared>> -> memref<80x160xf32, #tpu.memory_space<vmem_shared>>
        tpu.wait_dma2 semaphore(%run_scoped3A : memref<!tpu.dma_semaphore, #tpu.memory_space<semaphore_mem>>) src(%dma_wait3A_656 : memref<80x160xf32, #tpu.memory_space<vmem_shared>>) dst(%dma_wait3A_654 : memref<80x160xf32, #tpu.memory_space<hbm>>)
        tpu.yield
      }) : () -> ()
    } else {
    }
    %add3A_630 = arith.constant 96 : i32
    %add3A_631 = arith.addi %arg1, %add3A_630 : i32
    %lt3A_632 = arith.constant 125 : i32
    %lt3A_633 = arith.cmpi slt, %add3A_631, %lt3A_632 : i32
    %convert_element_type3A_634 = arith.extui %lt3A_633 : i1 to i32
    %cond3A_635 = arith.constant 0 : i32
    %cond3A_636 = arith.cmpi ne, %convert_element_type3A_634, %cond3A_635 : i32
    scf.if %cond3A_636 {
      %mul3A_645 = arith.constant 80 : i32
      %mul3A_646 = arith.muli %add3A_631, %mul3A_645 : i32
      "tpu.region"() ({
        %run_scoped3A = tpu.sem_alloc : memref<!tpu.dma_semaphore, #tpu.memory_space<semaphore_mem>>
        %dma_start3A_647 = arith.constant 0 : i32
        %dma_start3A_648 = tpu.memref_slice %arg8[%arg0, %mul3A_646, %dma_start3A_647] : memref<2x10000x160xf32, #tpu.memory_space<hbm>> -> memref<1x80x160xf32, #tpu.memory_space<hbm>>
        %dma_start3A_649 = tpu.memref_squeeze %dma_start3A_648 : memref<1x80x160xf32, #tpu.memory_space<hbm>> -> memref<80x160xf32, #tpu.memory_space<hbm>>
        %dma_start3A_650 = arith.constant 0 : i32
        %dma_start3A_651 = tpu.memref_slice %arg13[%mul3A_646, %dma_start3A_650] : memref<10000x160xf32, #tpu.memory_space<vmem_shared>> -> memref<80x160xf32, #tpu.memory_space<vmem_shared>>
        tpu.enqueue_dma source(%dma_start3A_651 : memref<80x160xf32, #tpu.memory_space<vmem_shared>>) target(%dma_start3A_649 : memref<80x160xf32, #tpu.memory_space<hbm>>) target_semaphore(%run_scoped3A : memref<!tpu.dma_semaphore, #tpu.memory_space<semaphore_mem>>)
        %dma_wait3A_652 = arith.constant 0 : i32
        %dma_wait3A_653 = tpu.memref_slice %arg8[%arg0, %mul3A_646, %dma_wait3A_652] : memref<2x10000x160xf32, #tpu.memory_space<hbm>> -> memref<1x80x160xf32, #tpu.memory_space<hbm>>
        %dma_wait3A_654 = tpu.memref_squeeze %dma_wait3A_653 : memref<1x80x160xf32, #tpu.memory_space<hbm>> -> memref<80x160xf32, #tpu.memory_space<hbm>>
        %dma_wait3A_655 = arith.constant 0 : i32
        %dma_wait3A_656 = tpu.memref_slice %arg13[%mul3A_646, %dma_wait3A_655] : memref<10000x160xf32, #tpu.memory_space<vmem_shared>> -> memref<80x160xf32, #tpu.memory_space<vmem_shared>>
        tpu.wait_dma2 semaphore(%run_scoped3A : memref<!tpu.dma_semaphore, #tpu.memory_space<semaphore_mem>>) src(%dma_wait3A_656 : memref<80x160xf32, #tpu.memory_space<vmem_shared>>) dst(%dma_wait3A_654 : memref<80x160xf32, #tpu.memory_space<hbm>>)
        tpu.yield
      }) : () -> ()
    } else {
    }
    %add3A_637 = arith.constant 112 : i32
    %add3A_638 = arith.addi %arg1, %add3A_637 : i32
    %lt3A_639 = arith.constant 125 : i32
    %lt3A_640 = arith.cmpi slt, %add3A_638, %lt3A_639 : i32
    %convert_element_type3A_641 = arith.extui %lt3A_640 : i1 to i32
    %cond3A_642 = arith.constant 0 : i32
    %cond3A_643 = arith.cmpi ne, %convert_element_type3A_641, %cond3A_642 : i32
    scf.if %cond3A_643 {
      %mul3A_645 = arith.constant 80 : i32
      %mul3A_646 = arith.muli %add3A_638, %mul3A_645 : i32
      "tpu.region"() ({
        %run_scoped3A = tpu.sem_alloc : memref<!tpu.dma_semaphore, #tpu.memory_space<semaphore_mem>>
        %dma_start3A_647 = arith.constant 0 : i32
        %dma_start3A_648 = tpu.memref_slice %arg8[%arg0, %mul3A_646, %dma_start3A_647] : memref<2x10000x160xf32, #tpu.memory_space<hbm>> -> memref<1x80x160xf32, #tpu.memory_space<hbm>>
        %dma_start3A_649 = tpu.memref_squeeze %dma_start3A_648 : memref<1x80x160xf32, #tpu.memory_space<hbm>> -> memref<80x160xf32, #tpu.memory_space<hbm>>
        %dma_start3A_650 = arith.constant 0 : i32
        %dma_start3A_651 = tpu.memref_slice %arg13[%mul3A_646, %dma_start3A_650] : memref<10000x160xf32, #tpu.memory_space<vmem_shared>> -> memref<80x160xf32, #tpu.memory_space<vmem_shared>>
        tpu.enqueue_dma source(%dma_start3A_651 : memref<80x160xf32, #tpu.memory_space<vmem_shared>>) target(%dma_start3A_649 : memref<80x160xf32, #tpu.memory_space<hbm>>) target_semaphore(%run_scoped3A : memref<!tpu.dma_semaphore, #tpu.memory_space<semaphore_mem>>)
        %dma_wait3A_652 = arith.constant 0 : i32
        %dma_wait3A_653 = tpu.memref_slice %arg8[%arg0, %mul3A_646, %dma_wait3A_652] : memref<2x10000x160xf32, #tpu.memory_space<hbm>> -> memref<1x80x160xf32, #tpu.memory_space<hbm>>
        %dma_wait3A_654 = tpu.memref_squeeze %dma_wait3A_653 : memref<1x80x160xf32, #tpu.memory_space<hbm>> -> memref<80x160xf32, #tpu.memory_space<hbm>>
        %dma_wait3A_655 = arith.constant 0 : i32
        %dma_wait3A_656 = tpu.memref_slice %arg13[%mul3A_646, %dma_wait3A_655] : memref<10000x160xf32, #tpu.memory_space<vmem_shared>> -> memref<80x160xf32, #tpu.memory_space<vmem_shared>>
        tpu.wait_dma2 semaphore(%run_scoped3A : memref<!tpu.dma_semaphore, #tpu.memory_space<semaphore_mem>>) src(%dma_wait3A_656 : memref<80x160xf32, #tpu.memory_space<vmem_shared>>) dst(%dma_wait3A_654 : memref<80x160xf32, #tpu.memory_space<hbm>>)
        tpu.yield
      }) : () -> ()
    } else {
    }
    %barrier3A_644 = arith.constant 0 : index
    tpu.barrier barrier_id(%barrier3A_644)
    return
  }
}

module attributes {stable_mosaic.version = 14 : i64} {
  func.func @_edge_mlp_body(%arg0: i32, %arg1: memref<2048x128xf32, #tpu.memory_space<vmem>>, %arg2: memref<2048x16xf32, #tpu.memory_space<vmem>>, %arg3: memref<144x144xbf16, #tpu.memory_space<vmem>>, %arg4: memref<144x144xbf16, #tpu.memory_space<vmem>>, %arg5: memref<1x144xf32, #tpu.memory_space<vmem>>, %arg6: memref<144x160xbf16, #tpu.memory_space<vmem>>, %arg7: memref<144x160xbf16, #tpu.memory_space<vmem>>, %arg8: memref<1x160xf32, #tpu.memory_space<vmem>>, %arg9: memref<2048x160xf32, #tpu.memory_space<vmem>>) attributes {dimension_semantics = [#tpu.dimension_semantics<arbitrary>], iteration_bounds = array<i64: 156>, scalar_prefetch = 0 : i64, scratch_operands = 0 : i64, tpu.core_type = #tpu.core_type<tc>, window_params = [{transform_indices = @transform_0, window_bounds = array<i64: 2048, 128>}, {transform_indices = @transform_1, window_bounds = array<i64: 2048, 16>}, {pipeline_mode = #tpu.pipeline_mode<synchronous>, transform_indices = @transform_2, window_bounds = array<i64: 144, 144>}, {pipeline_mode = #tpu.pipeline_mode<synchronous>, transform_indices = @transform_3, window_bounds = array<i64: 144, 144>}, {pipeline_mode = #tpu.pipeline_mode<synchronous>, transform_indices = @transform_4, window_bounds = array<i64: 1, 144>}, {pipeline_mode = #tpu.pipeline_mode<synchronous>, transform_indices = @transform_5, window_bounds = array<i64: 144, 160>}, {pipeline_mode = #tpu.pipeline_mode<synchronous>, transform_indices = @transform_6, window_bounds = array<i64: 144, 160>}, {pipeline_mode = #tpu.pipeline_mode<synchronous>, transform_indices = @transform_7, window_bounds = array<i64: 1, 160>}, {transform_indices = @transform_8, window_bounds = array<i64: 2048, 160>}]} {
    %get3A = arith.constant 0 : index
    %get3A_0 = arith.constant 0 : index
    %get3A_1 = vector.load %arg1[%get3A, %get3A_0] : memref<2048x128xf32, #tpu.memory_space<vmem>>, vector<2048x128xf32>
    %get3A_2 = arith.constant 0 : index
    %get3A_3 = arith.constant 0 : index
    %get3A_4 = vector.load %arg2[%get3A_2, %get3A_3] : memref<2048x16xf32, #tpu.memory_space<vmem>>, vector<2048x16xf32>
    %concatenate3A = tpu.concatenate %get3A_1, %get3A_4 in 1 : vector<2048x128xf32>, vector<2048x16xf32> -> vector<2048x144xf32>
    %get3A_5 = arith.constant 0 : index
    %get3A_6 = arith.constant 0 : index
    %get3A_7 = vector.load %arg3[%get3A_5, %get3A_6] : memref<144x144xbf16, #tpu.memory_space<vmem>>, vector<144x144xbf16>
    %get3A_8 = arith.constant 0 : index
    %get3A_9 = arith.constant 0 : index
    %get3A_10 = vector.load %arg4[%get3A_8, %get3A_9] : memref<144x144xbf16, #tpu.memory_space<vmem>>, vector<144x144xbf16>
    %convert_element_type3A = arith.truncf %concatenate3A : vector<2048x144xf32> to vector<2048x144xbf16>
    %convert_element_type3A_11 = arith.extf %convert_element_type3A : vector<2048x144xbf16> to vector<2048x144xf32>
    %sub3A = arith.subf %concatenate3A, %convert_element_type3A_11 : vector<2048x144xf32>
    %convert_element_type3A_12 = arith.truncf %sub3A : vector<2048x144xf32> to vector<2048x144xbf16>
    %dot_general3A = arith.constant dense<0.000000e+00> : vector<2048x144xf32>
    %dot_general3A_13 = tpu.matmul %convert_element_type3A, %get3A_7, %dot_general3A {dimension_numbers = #tpu.dot_dimension_numbers<[1], [0], [0], [1], [0, 0, 1, 1], [], []>, transpose_lhs_hint = false} : vector<2048x144xbf16>, vector<144x144xbf16>, vector<2048x144xf32> -> vector<2048x144xf32>
    %dot_general3A_14 = arith.constant dense<0.000000e+00> : vector<2048x144xf32>
    %dot_general3A_15 = tpu.matmul %convert_element_type3A, %get3A_10, %dot_general3A_14 {dimension_numbers = #tpu.dot_dimension_numbers<[1], [0], [0], [1], [0, 0, 1, 1], [], []>, transpose_lhs_hint = false} : vector<2048x144xbf16>, vector<144x144xbf16>, vector<2048x144xf32> -> vector<2048x144xf32>
    %add3A = arith.addf %dot_general3A_13, %dot_general3A_15 : vector<2048x144xf32>
    %dot_general3A_16 = arith.constant dense<0.000000e+00> : vector<2048x144xf32>
    %dot_general3A_17 = tpu.matmul %convert_element_type3A_12, %get3A_7, %dot_general3A_16 {dimension_numbers = #tpu.dot_dimension_numbers<[1], [0], [0], [1], [0, 0, 1, 1], [], []>, transpose_lhs_hint = false} : vector<2048x144xbf16>, vector<144x144xbf16>, vector<2048x144xf32> -> vector<2048x144xf32>
    %add3A_18 = arith.addf %add3A, %dot_general3A_17 : vector<2048x144xf32>
    %get3A_19 = arith.constant 0 : index
    %get3A_20 = arith.constant 0 : index
    %get3A_21 = vector.load %arg5[%get3A_19, %get3A_20] : memref<1x144xf32, #tpu.memory_space<vmem>>, vector<1x144xf32>
    %add3A_22 = vector.broadcast %get3A_21 : vector<1x144xf32> to vector<2048x144xf32>
    %add3A_23 = arith.addf %add3A_18, %add3A_22 : vector<2048x144xf32>
    %ge3A = arith.constant 0.000000e+00 : f32
    %ge3A_24 = vector.broadcast %ge3A : f32 to vector<2048x144xf32>
    %ge3A_25 = arith.cmpf oge, %add3A_23, %ge3A_24 : vector<2048x144xf32>
    %mul3A = arith.constant 2.000000e-01 : f32
    %mul3A_26 = vector.broadcast %mul3A : f32 to vector<2048x144xf32>
    %mul3A_27 = arith.mulf %mul3A_26, %add3A_23 : vector<2048x144xf32>
    %select_n3A = arith.select %ge3A_25, %add3A_23, %mul3A_27 : vector<2048x144xi1>, vector<2048x144xf32>
    %get3A_28 = arith.constant 0 : index
    %get3A_29 = arith.constant 0 : index
    %get3A_30 = vector.load %arg6[%get3A_28, %get3A_29] : memref<144x160xbf16, #tpu.memory_space<vmem>>, vector<144x160xbf16>
    %get3A_31 = arith.constant 0 : index
    %get3A_32 = arith.constant 0 : index
    %get3A_33 = vector.load %arg7[%get3A_31, %get3A_32] : memref<144x160xbf16, #tpu.memory_space<vmem>>, vector<144x160xbf16>
    %convert_element_type3A_34 = arith.truncf %select_n3A : vector<2048x144xf32> to vector<2048x144xbf16>
    %convert_element_type3A_35 = arith.extf %convert_element_type3A_34 : vector<2048x144xbf16> to vector<2048x144xf32>
    %sub3A_36 = arith.subf %select_n3A, %convert_element_type3A_35 : vector<2048x144xf32>
    %convert_element_type3A_37 = arith.truncf %sub3A_36 : vector<2048x144xf32> to vector<2048x144xbf16>
    %dot_general3A_38 = arith.constant dense<0.000000e+00> : vector<2048x160xf32>
    %dot_general3A_39 = tpu.matmul %convert_element_type3A_34, %get3A_30, %dot_general3A_38 {dimension_numbers = #tpu.dot_dimension_numbers<[1], [0], [0], [1], [0, 0, 1, 1], [], []>, transpose_lhs_hint = false} : vector<2048x144xbf16>, vector<144x160xbf16>, vector<2048x160xf32> -> vector<2048x160xf32>
    %dot_general3A_40 = arith.constant dense<0.000000e+00> : vector<2048x160xf32>
    %dot_general3A_41 = tpu.matmul %convert_element_type3A_34, %get3A_33, %dot_general3A_40 {dimension_numbers = #tpu.dot_dimension_numbers<[1], [0], [0], [1], [0, 0, 1, 1], [], []>, transpose_lhs_hint = false} : vector<2048x144xbf16>, vector<144x160xbf16>, vector<2048x160xf32> -> vector<2048x160xf32>
    %add3A_42 = arith.addf %dot_general3A_39, %dot_general3A_41 : vector<2048x160xf32>
    %dot_general3A_43 = arith.constant dense<0.000000e+00> : vector<2048x160xf32>
    %dot_general3A_44 = tpu.matmul %convert_element_type3A_37, %get3A_30, %dot_general3A_43 {dimension_numbers = #tpu.dot_dimension_numbers<[1], [0], [0], [1], [0, 0, 1, 1], [], []>, transpose_lhs_hint = false} : vector<2048x144xbf16>, vector<144x160xbf16>, vector<2048x160xf32> -> vector<2048x160xf32>
    %add3A_45 = arith.addf %add3A_42, %dot_general3A_44 : vector<2048x160xf32>
    %get3A_46 = arith.constant 0 : index
    %get3A_47 = arith.constant 0 : index
    %get3A_48 = vector.load %arg8[%get3A_46, %get3A_47] : memref<1x160xf32, #tpu.memory_space<vmem>>, vector<1x160xf32>
    %add3A_49 = vector.broadcast %get3A_48 : vector<1x160xf32> to vector<2048x160xf32>
    %add3A_50 = arith.addf %add3A_45, %add3A_49 : vector<2048x160xf32>
    %swap3A = arith.constant 0 : index
    %swap3A_51 = arith.constant 0 : index
    %swap3A_52 = vector.load %arg9[%swap3A, %swap3A_51] : memref<2048x160xf32, #tpu.memory_space<vmem>>, vector<2048x160xf32>
    tpu.vector_store %arg9[%swap3A, %swap3A_51], %add3A_50 {strides = array<i32>} : memref<2048x160xf32, #tpu.memory_space<vmem>>, vector<2048x160xf32>,
    return
  }
  func.func @transform_0(%arg0: i32) -> (i32, i32) {
    %c0_i32 = arith.constant 0 : i32
    %c0_i32_0 = arith.constant 0 : i32
    return %arg0, %c0_i32 : i32, i32
  }
  func.func @transform_1(%arg0: i32) -> (i32, i32) {
    %c0_i32 = arith.constant 0 : i32
    %c0_i32_0 = arith.constant 0 : i32
    return %arg0, %c0_i32 : i32, i32
  }
  func.func @transform_2(%arg0: i32) -> (i32, i32) {
    %c0_i32 = arith.constant 0 : i32
    %c0_i32_0 = arith.constant 0 : i32
    %c0_i32_1 = arith.constant 0 : i32
    return %c0_i32, %c0_i32_0 : i32, i32
  }
  func.func @transform_3(%arg0: i32) -> (i32, i32) {
    %c0_i32 = arith.constant 0 : i32
    %c0_i32_0 = arith.constant 0 : i32
    %c0_i32_1 = arith.constant 0 : i32
    return %c0_i32, %c0_i32_0 : i32, i32
  }
  func.func @transform_4(%arg0: i32) -> (i32, i32) {
    %c0_i32 = arith.constant 0 : i32
    %c0_i32_0 = arith.constant 0 : i32
    %c0_i32_1 = arith.constant 0 : i32
    return %c0_i32, %c0_i32_0 : i32, i32
  }
  func.func @transform_5(%arg0: i32) -> (i32, i32) {
    %c0_i32 = arith.constant 0 : i32
    %c0_i32_0 = arith.constant 0 : i32
    %c0_i32_1 = arith.constant 0 : i32
    return %c0_i32, %c0_i32_0 : i32, i32
  }
  func.func @transform_6(%arg0: i32) -> (i32, i32) {
    %c0_i32 = arith.constant 0 : i32
    %c0_i32_0 = arith.constant 0 : i32
    %c0_i32_1 = arith.constant 0 : i32
    return %c0_i32, %c0_i32_0 : i32, i32
  }
  func.func @transform_7(%arg0: i32) -> (i32, i32) {
    %c0_i32 = arith.constant 0 : i32
    %c0_i32_0 = arith.constant 0 : i32
    %c0_i32_1 = arith.constant 0 : i32
    return %c0_i32, %c0_i32_0 : i32, i32
  }
  func.func @transform_8(%arg0: i32) -> (i32, i32) {
    %c0_i32 = arith.constant 0 : i32
    %c0_i32_0 = arith.constant 0 : i32
    return %arg0, %c0_i32 : i32, i32
  }
}

module attributes {stable_mosaic.version = 14 : i64} {
  func.func @_node_mlp_body(%arg0: i32, %arg1: memref<1000x128xf32, #tpu.memory_space<vmem>>, %arg2: memref<2x1000x160xf32, #tpu.memory_space<vmem>>, %arg3: memref<2x1000x160xf32, #tpu.memory_space<vmem>>, %arg4: memref<2x1000x160xf32, #tpu.memory_space<vmem>>, %arg5: memref<2x1000x160xf32, #tpu.memory_space<vmem>>, %arg6: memref<1x128xf32, #tpu.memory_space<vmem>>, %arg7: memref<896x832xbf16, #tpu.memory_space<vmem>>, %arg8: memref<896x832xbf16, #tpu.memory_space<vmem>>, %arg9: memref<1x832xf32, #tpu.memory_space<vmem>>, %arg10: memref<832x128xbf16, #tpu.memory_space<vmem>>, %arg11: memref<832x128xbf16, #tpu.memory_space<vmem>>, %arg12: memref<1x128xf32, #tpu.memory_space<vmem>>, %arg13: memref<1x128xf32, #tpu.memory_space<vmem>>, %arg14: memref<1000x128xf32, #tpu.memory_space<vmem>>) attributes {dimension_semantics = [#tpu.dimension_semantics<arbitrary>], iteration_bounds = array<i64: 10>, scalar_prefetch = 0 : i64, scratch_operands = 0 : i64, tpu.core_type = #tpu.core_type<tc>, window_params = [{transform_indices = @transform_0, window_bounds = array<i64: 1000, 128>}, {transform_indices = @transform_1, window_bounds = array<i64: 2, 1000, 160>}, {transform_indices = @transform_2, window_bounds = array<i64: 2, 1000, 160>}, {transform_indices = @transform_3, window_bounds = array<i64: 2, 1000, 160>}, {transform_indices = @transform_4, window_bounds = array<i64: 2, 1000, 160>}, {pipeline_mode = #tpu.pipeline_mode<synchronous>, transform_indices = @transform_5, window_bounds = array<i64: 1, 128>}, {pipeline_mode = #tpu.pipeline_mode<synchronous>, transform_indices = @transform_6, window_bounds = array<i64: 896, 832>}, {pipeline_mode = #tpu.pipeline_mode<synchronous>, transform_indices = @transform_7, window_bounds = array<i64: 896, 832>}, {pipeline_mode = #tpu.pipeline_mode<synchronous>, transform_indices = @transform_8, window_bounds = array<i64: 1, 832>}, {pipeline_mode = #tpu.pipeline_mode<synchronous>, transform_indices = @transform_9, window_bounds = array<i64: 832, 128>}, {pipeline_mode = #tpu.pipeline_mode<synchronous>, transform_indices = @transform_10, window_bounds = array<i64: 832, 128>}, {pipeline_mode = #tpu.pipeline_mode<synchronous>, transform_indices = @transform_11, window_bounds = array<i64: 1, 128>}, {pipeline_mode = #tpu.pipeline_mode<synchronous>, transform_indices = @transform_12, window_bounds = array<i64: 1, 128>}, {transform_indices = @transform_13, window_bounds = array<i64: 1000, 128>}]} {
    %get3A = arith.constant 0 : index
    %get3A_0 = arith.constant 0 : index
    %get3A_1 = arith.constant 0 : index
    %get3A_2 = vector.load %arg2[%get3A, %get3A_0, %get3A_1] : memref<2x1000x160xf32, #tpu.memory_space<vmem>>, vector<1x1000x160xf32>
    %get3A_3 = vector.shape_cast %get3A_2 : vector<1x1000x160xf32> to vector<1000x160xf32>
    %get3A_4 = arith.constant 1 : index
    %get3A_5 = arith.constant 0 : index
    %get3A_6 = arith.constant 0 : index
    %get3A_7 = vector.load %arg2[%get3A_4, %get3A_5, %get3A_6] : memref<2x1000x160xf32, #tpu.memory_space<vmem>>, vector<1x1000x160xf32>
    %get3A_8 = vector.shape_cast %get3A_7 : vector<1x1000x160xf32> to vector<1000x160xf32>
    %add3A = arith.addf %get3A_3, %get3A_8 : vector<1000x160xf32>
    %iota3A = tpu.iota {dimensions = array<i32: 1>} : vector<1000x160xi32>
    %eq3A = arith.constant 144 : i32
    %eq3A_9 = vector.broadcast %eq3A : i32 to vector<1000x160xi32>
    %eq3A_10 = arith.cmpi eq, %iota3A, %eq3A_9 : vector<1000x160xi32>
    %jit3A = arith.constant 0.000000e+00 : f32
    %broadcast_in_dim3A = vector.broadcast %jit3A : f32 to vector<1000x160xf32>
    %select_n3A = arith.select %eq3A_10, %add3A, %broadcast_in_dim3A : vector<1000x160xi1>, vector<1000x160xf32>
    %reduce_sum3A = arith.constant dense<0.000000e+00> : vector<1000xf32>
    %reduce_sum3A_11 = vector.multi_reduction <add>, %select_n3A, %reduce_sum3A [1] : vector<1000x160xf32> to vector<1000xf32>
    %broadcast_in_dim3A_12 = vector.shape_cast %reduce_sum3A_11 : vector<1000xf32> to vector<1000x1xf32>
    %max3A = arith.constant 1.000000e+00 : f32
    %max3A_13 = vector.broadcast %max3A : f32 to vector<1000x1xf32>
    %max3A_14 = arith.maximumf %broadcast_in_dim3A_12, %max3A_13 : vector<1000x1xf32>
    %get3A_15 = arith.constant 0 : index
    %get3A_16 = arith.constant 0 : index
    %get3A_17 = arith.constant 0 : index
    %get3A_18 = vector.load %arg3[%get3A_15, %get3A_16, %get3A_17] : memref<2x1000x160xf32, #tpu.memory_space<vmem>>, vector<1x1000x160xf32>
    %get3A_19 = vector.shape_cast %get3A_18 : vector<1x1000x160xf32> to vector<1000x160xf32>
    %get3A_20 = arith.constant 1 : index
    %get3A_21 = arith.constant 0 : index
    %get3A_22 = arith.constant 0 : index
    %get3A_23 = vector.load %arg3[%get3A_20, %get3A_21, %get3A_22] : memref<2x1000x160xf32, #tpu.memory_space<vmem>>, vector<1x1000x160xf32>
    %get3A_24 = vector.shape_cast %get3A_23 : vector<1x1000x160xf32> to vector<1000x160xf32>
    %add3A_25 = arith.addf %get3A_19, %get3A_24 : vector<1000x160xf32>
    %get3A_26 = arith.constant 0 : index
    %get3A_27 = arith.constant 0 : index
    %get3A_28 = arith.constant 0 : index
    %get3A_29 = vector.load %arg4[%get3A_26, %get3A_27, %get3A_28] : memref<2x1000x160xf32, #tpu.memory_space<vmem>>, vector<1x1000x160xf32>
    %get3A_30 = vector.shape_cast %get3A_29 : vector<1x1000x160xf32> to vector<1000x160xf32>
    %get3A_31 = arith.constant 1 : index
    %get3A_32 = arith.constant 0 : index
    %get3A_33 = arith.constant 0 : index
    %get3A_34 = vector.load %arg4[%get3A_31, %get3A_32, %get3A_33] : memref<2x1000x160xf32, #tpu.memory_space<vmem>>, vector<1x1000x160xf32>
    %get3A_35 = vector.shape_cast %get3A_34 : vector<1x1000x160xf32> to vector<1000x160xf32>
    %add3A_36 = arith.addf %get3A_30, %get3A_35 : vector<1000x160xf32>
    %get3A_37 = arith.constant 0 : index
    %get3A_38 = arith.constant 0 : index
    %get3A_39 = arith.constant 0 : index
    %get3A_40 = vector.load %arg5[%get3A_37, %get3A_38, %get3A_39] : memref<2x1000x160xf32, #tpu.memory_space<vmem>>, vector<1x1000x160xf32>
    %get3A_41 = vector.shape_cast %get3A_40 : vector<1x1000x160xf32> to vector<1000x160xf32>
    %get3A_42 = arith.constant 1 : index
    %get3A_43 = arith.constant 0 : index
    %get3A_44 = arith.constant 0 : index
    %get3A_45 = vector.load %arg5[%get3A_42, %get3A_43, %get3A_44] : memref<2x1000x160xf32, #tpu.memory_space<vmem>>, vector<1x1000x160xf32>
    %get3A_46 = vector.shape_cast %get3A_45 : vector<1x1000x160xf32> to vector<1000x160xf32>
    %add3A_47 = arith.addf %get3A_41, %get3A_46 : vector<1000x160xf32>
    %div3A = vector.broadcast %max3A_14 : vector<1000x1xf32> to vector<1000x160xf32>
    %div3A_48 = arith.divf %add3A, %div3A : vector<1000x160xf32>
    %div3A_49 = vector.broadcast %max3A_14 : vector<1000x1xf32> to vector<1000x160xf32>
    %div3A_50 = arith.divf %add3A_25, %div3A_49 : vector<1000x160xf32>
    %div3A_51 = vector.broadcast %max3A_14 : vector<1000x1xf32> to vector<1000x160xf32>
    %div3A_52 = arith.divf %add3A_36, %div3A_51 : vector<1000x160xf32>
    %div3A_53 = vector.broadcast %max3A_14 : vector<1000x1xf32> to vector<1000x160xf32>
    %div3A_54 = arith.divf %add3A_47, %div3A_53 : vector<1000x160xf32>
    %mul3A = arith.mulf %div3A_48, %div3A_48 : vector<1000x160xf32>
    %sub3A = arith.subf %div3A_50, %mul3A : vector<1000x160xf32>
    %ge3A = arith.constant 0.000000e+00 : f32
    %ge3A_55 = vector.broadcast %ge3A : f32 to vector<1000x160xf32>
    %ge3A_56 = arith.cmpf oge, %sub3A, %ge3A_55 : vector<1000x160xf32>
    %mul3A_57 = arith.constant 2.000000e-01 : f32
    %mul3A_58 = vector.broadcast %mul3A_57 : f32 to vector<1000x160xf32>
    %mul3A_59 = arith.mulf %mul3A_58, %sub3A : vector<1000x160xf32>
    %select_n3A_60 = arith.select %ge3A_56, %sub3A, %mul3A_59 : vector<1000x160xi1>, vector<1000x160xf32>
    %add3A_61 = arith.constant 9.99999997E-7 : f32
    %add3A_62 = vector.broadcast %add3A_61 : f32 to vector<1000x160xf32>
    %add3A_63 = arith.addf %select_n3A_60, %add3A_62 : vector<1000x160xf32>
    %sqrt3A = math.sqrt %add3A_63 : vector<1000x160xf32>
    %mul3A_64 = arith.constant 3.000000e+00 : f32
    %mul3A_65 = vector.broadcast %mul3A_64 : f32 to vector<1000x160xf32>
    %mul3A_66 = arith.mulf %mul3A_65, %div3A_48 : vector<1000x160xf32>
    %mul3A_67 = arith.mulf %mul3A_66, %div3A_50 : vector<1000x160xf32>
    %sub3A_68 = arith.subf %div3A_52, %mul3A_67 : vector<1000x160xf32>
    %mul3A_69 = arith.constant 2.000000e+00 : f32
    %mul3A_70 = vector.broadcast %mul3A_69 : f32 to vector<1000x160xf32>
    %mul3A_71 = arith.mulf %mul3A_70, %div3A_48 : vector<1000x160xf32>
    %mul3A_72 = arith.mulf %mul3A_71, %mul3A : vector<1000x160xf32>
    %add3A_73 = arith.addf %sub3A_68, %mul3A_72 : vector<1000x160xf32>
    %mul3A_74 = arith.constant 4.000000e+00 : f32
    %mul3A_75 = vector.broadcast %mul3A_74 : f32 to vector<1000x160xf32>
    %mul3A_76 = arith.mulf %mul3A_75, %div3A_48 : vector<1000x160xf32>
    %mul3A_77 = arith.mulf %mul3A_76, %div3A_52 : vector<1000x160xf32>
    %sub3A_78 = arith.subf %div3A_54, %mul3A_77 : vector<1000x160xf32>
    %mul3A_79 = arith.constant 6.000000e+00 : f32
    %mul3A_80 = vector.broadcast %mul3A_79 : f32 to vector<1000x160xf32>
    %mul3A_81 = arith.mulf %mul3A_80, %mul3A : vector<1000x160xf32>
    %mul3A_82 = arith.mulf %mul3A_81, %div3A_50 : vector<1000x160xf32>
    %add3A_83 = arith.addf %sub3A_78, %mul3A_82 : vector<1000x160xf32>
    %mul3A_84 = arith.constant 3.000000e+00 : f32
    %mul3A_85 = vector.broadcast %mul3A_84 : f32 to vector<1000x160xf32>
    %mul3A_86 = arith.mulf %mul3A_85, %mul3A : vector<1000x160xf32>
    %mul3A_87 = arith.mulf %mul3A_86, %mul3A : vector<1000x160xf32>
    %sub3A_88 = arith.subf %add3A_83, %mul3A_87 : vector<1000x160xf32>
    %mul3A_89 = arith.constant 2.000000e-05 : f32
    %mul3A_90 = vector.broadcast %mul3A_89 : f32 to vector<1000x160xf32>
    %mul3A_91 = arith.mulf %mul3A_90, %div3A_50 : vector<1000x160xf32>
    %gt3A = arith.cmpf ogt, %select_n3A_60, %mul3A_91 : vector<1000x160xf32>
    %broadcast_in_dim3A_92 = arith.constant 0.000000e+00 : f32
    %broadcast_in_dim3A_93 = vector.broadcast %broadcast_in_dim3A_92 : f32 to vector<1000x160xf32>
    %mul3A_94 = arith.mulf %add3A_63, %sqrt3A : vector<1000x160xf32>
    %div3A_95 = arith.divf %add3A_73, %mul3A_94 : vector<1000x160xf32>
    %select_n3A_96 = arith.select %gt3A, %div3A_95, %broadcast_in_dim3A_93 : vector<1000x160xi1>, vector<1000x160xf32>
    %mul3A_97 = arith.mulf %add3A_63, %add3A_63 : vector<1000x160xf32>
    %div3A_98 = arith.divf %sub3A_88, %mul3A_97 : vector<1000x160xf32>
    %select_n3A_99 = arith.select %gt3A, %div3A_98, %broadcast_in_dim3A_93 : vector<1000x160xi1>, vector<1000x160xf32>
    %get3A_100 = arith.constant 0 : index
    %get3A_101 = arith.constant 0 : index
    %get3A_102 = vector.load %arg1[%get3A_100, %get3A_101] : memref<1000x128xf32, #tpu.memory_space<vmem>>, vector<1000x128xf32>
    %get3A_103 = arith.constant 0 : index
    %get3A_104 = arith.constant 0 : index
    %get3A_105 = vector.load %arg7[%get3A_103, %get3A_104] : memref<896x832xbf16, #tpu.memory_space<vmem>>, vector<128x832xbf16>
    %get3A_106 = arith.constant 0 : index
    %get3A_107 = arith.constant 0 : index
    %get3A_108 = vector.load %arg8[%get3A_106, %get3A_107] : memref<896x832xbf16, #tpu.memory_space<vmem>>, vector<128x832xbf16>
    %convert_element_type3A = arith.truncf %get3A_102 : vector<1000x128xf32> to vector<1000x128xbf16>
    %convert_element_type3A_109 = arith.extf %convert_element_type3A : vector<1000x128xbf16> to vector<1000x128xf32>
    %sub3A_110 = arith.subf %get3A_102, %convert_element_type3A_109 : vector<1000x128xf32>
    %convert_element_type3A_111 = arith.truncf %sub3A_110 : vector<1000x128xf32> to vector<1000x128xbf16>
    %dot_general3A = arith.constant dense<0.000000e+00> : vector<1000x832xf32>
    %dot_general3A_112 = tpu.matmul %convert_element_type3A, %get3A_105, %dot_general3A {dimension_numbers = #tpu.dot_dimension_numbers<[1], [0], [0], [1], [0, 0, 1, 1], [], []>, transpose_lhs_hint = false} : vector<1000x128xbf16>, vector<128x832xbf16>, vector<1000x832xf32> -> vector<1000x832xf32>
    %dot_general3A_113 = arith.constant dense<0.000000e+00> : vector<1000x832xf32>
    %dot_general3A_114 = tpu.matmul %convert_element_type3A, %get3A_108, %dot_general3A_113 {dimension_numbers = #tpu.dot_dimension_numbers<[1], [0], [0], [1], [0, 0, 1, 1], [], []>, transpose_lhs_hint = false} : vector<1000x128xbf16>, vector<128x832xbf16>, vector<1000x832xf32> -> vector<1000x832xf32>
    %add3A_115 = arith.addf %dot_general3A_112, %dot_general3A_114 : vector<1000x832xf32>
    %dot_general3A_116 = arith.constant dense<0.000000e+00> : vector<1000x832xf32>
    %dot_general3A_117 = tpu.matmul %convert_element_type3A_111, %get3A_105, %dot_general3A_116 {dimension_numbers = #tpu.dot_dimension_numbers<[1], [0], [0], [1], [0, 0, 1, 1], [], []>, transpose_lhs_hint = false} : vector<1000x128xbf16>, vector<128x832xbf16>, vector<1000x832xf32> -> vector<1000x832xf32>
    %add3A_118 = arith.addf %add3A_115, %dot_general3A_117 : vector<1000x832xf32>
    %get3A_119 = arith.constant 128 : index
    %get3A_120 = arith.constant 0 : index
    %get3A_121 = vector.load %arg7[%get3A_119, %get3A_120] : memref<896x832xbf16, #tpu.memory_space<vmem>>, vector<160x832xbf16>
    %get3A_122 = arith.constant 128 : index
    %get3A_123 = arith.constant 0 : index
    %get3A_124 = vector.load %arg8[%get3A_122, %get3A_123] : memref<896x832xbf16, #tpu.memory_space<vmem>>, vector<160x832xbf16>
    %convert_element_type3A_125 = arith.truncf %div3A_48 : vector<1000x160xf32> to vector<1000x160xbf16>
    %convert_element_type3A_126 = arith.extf %convert_element_type3A_125 : vector<1000x160xbf16> to vector<1000x160xf32>
    %sub3A_127 = arith.subf %div3A_48, %convert_element_type3A_126 : vector<1000x160xf32>
    %convert_element_type3A_128 = arith.truncf %sub3A_127 : vector<1000x160xf32> to vector<1000x160xbf16>
    %dot_general3A_129 = arith.constant dense<0.000000e+00> : vector<1000x832xf32>
    %dot_general3A_130 = tpu.matmul %convert_element_type3A_125, %get3A_121, %dot_general3A_129 {dimension_numbers = #tpu.dot_dimension_numbers<[1], [0], [0], [1], [0, 0, 1, 1], [], []>, transpose_lhs_hint = false} : vector<1000x160xbf16>, vector<160x832xbf16>, vector<1000x832xf32> -> vector<1000x832xf32>
    %dot_general3A_131 = arith.constant dense<0.000000e+00> : vector<1000x832xf32>
    %dot_general3A_132 = tpu.matmul %convert_element_type3A_125, %get3A_124, %dot_general3A_131 {dimension_numbers = #tpu.dot_dimension_numbers<[1], [0], [0], [1], [0, 0, 1, 1], [], []>, transpose_lhs_hint = false} : vector<1000x160xbf16>, vector<160x832xbf16>, vector<1000x832xf32> -> vector<1000x832xf32>
    %add3A_133 = arith.addf %dot_general3A_130, %dot_general3A_132 : vector<1000x832xf32>
    %dot_general3A_134 = arith.constant dense<0.000000e+00> : vector<1000x832xf32>
    %dot_general3A_135 = tpu.matmul %convert_element_type3A_128, %get3A_121, %dot_general3A_134 {dimension_numbers = #tpu.dot_dimension_numbers<[1], [0], [0], [1], [0, 0, 1, 1], [], []>, transpose_lhs_hint = false} : vector<1000x160xbf16>, vector<160x832xbf16>, vector<1000x832xf32> -> vector<1000x832xf32>
    %add3A_136 = arith.addf %add3A_133, %dot_general3A_135 : vector<1000x832xf32>
    %add3A_137 = arith.addf %add3A_118, %add3A_136 : vector<1000x832xf32>
    %get3A_138 = arith.constant 288 : index
    %get3A_139 = arith.constant 0 : index
    %get3A_140 = vector.load %arg7[%get3A_138, %get3A_139] : memref<896x832xbf16, #tpu.memory_space<vmem>>, vector<160x832xbf16>
    %get3A_141 = arith.constant 288 : index
    %get3A_142 = arith.constant 0 : index
    %get3A_143 = vector.load %arg8[%get3A_141, %get3A_142] : memref<896x832xbf16, #tpu.memory_space<vmem>>, vector<160x832xbf16>
    %convert_element_type3A_144 = arith.truncf %sqrt3A : vector<1000x160xf32> to vector<1000x160xbf16>
    %convert_element_type3A_145 = arith.extf %convert_element_type3A_144 : vector<1000x160xbf16> to vector<1000x160xf32>
    %sub3A_146 = arith.subf %sqrt3A, %convert_element_type3A_145 : vector<1000x160xf32>
    %convert_element_type3A_147 = arith.truncf %sub3A_146 : vector<1000x160xf32> to vector<1000x160xbf16>
    %dot_general3A_148 = arith.constant dense<0.000000e+00> : vector<1000x832xf32>
    %dot_general3A_149 = tpu.matmul %convert_element_type3A_144, %get3A_140, %dot_general3A_148 {dimension_numbers = #tpu.dot_dimension_numbers<[1], [0], [0], [1], [0, 0, 1, 1], [], []>, transpose_lhs_hint = false} : vector<1000x160xbf16>, vector<160x832xbf16>, vector<1000x832xf32> -> vector<1000x832xf32>
    %dot_general3A_150 = arith.constant dense<0.000000e+00> : vector<1000x832xf32>
    %dot_general3A_151 = tpu.matmul %convert_element_type3A_144, %get3A_143, %dot_general3A_150 {dimension_numbers = #tpu.dot_dimension_numbers<[1], [0], [0], [1], [0, 0, 1, 1], [], []>, transpose_lhs_hint = false} : vector<1000x160xbf16>, vector<160x832xbf16>, vector<1000x832xf32> -> vector<1000x832xf32>
    %add3A_152 = arith.addf %dot_general3A_149, %dot_general3A_151 : vector<1000x832xf32>
    %dot_general3A_153 = arith.constant dense<0.000000e+00> : vector<1000x832xf32>
    %dot_general3A_154 = tpu.matmul %convert_element_type3A_147, %get3A_140, %dot_general3A_153 {dimension_numbers = #tpu.dot_dimension_numbers<[1], [0], [0], [1], [0, 0, 1, 1], [], []>, transpose_lhs_hint = false} : vector<1000x160xbf16>, vector<160x832xbf16>, vector<1000x832xf32> -> vector<1000x832xf32>
    %add3A_155 = arith.addf %add3A_152, %dot_general3A_154 : vector<1000x832xf32>
    %add3A_156 = arith.addf %add3A_137, %add3A_155 : vector<1000x832xf32>
    %get3A_157 = arith.constant 448 : index
    %get3A_158 = arith.constant 0 : index
    %get3A_159 = vector.load %arg7[%get3A_157, %get3A_158] : memref<896x832xbf16, #tpu.memory_space<vmem>>, vector<160x832xbf16>
    %get3A_160 = arith.constant 448 : index
    %get3A_161 = arith.constant 0 : index
    %get3A_162 = vector.load %arg8[%get3A_160, %get3A_161] : memref<896x832xbf16, #tpu.memory_space<vmem>>, vector<160x832xbf16>
    %convert_element_type3A_163 = arith.truncf %select_n3A_96 : vector<1000x160xf32> to vector<1000x160xbf16>
    %convert_element_type3A_164 = arith.extf %convert_element_type3A_163 : vector<1000x160xbf16> to vector<1000x160xf32>
    %sub3A_165 = arith.subf %select_n3A_96, %convert_element_type3A_164 : vector<1000x160xf32>
    %convert_element_type3A_166 = arith.truncf %sub3A_165 : vector<1000x160xf32> to vector<1000x160xbf16>
    %dot_general3A_167 = arith.constant dense<0.000000e+00> : vector<1000x832xf32>
    %dot_general3A_168 = tpu.matmul %convert_element_type3A_163, %get3A_159, %dot_general3A_167 {dimension_numbers = #tpu.dot_dimension_numbers<[1], [0], [0], [1], [0, 0, 1, 1], [], []>, transpose_lhs_hint = false} : vector<1000x160xbf16>, vector<160x832xbf16>, vector<1000x832xf32> -> vector<1000x832xf32>
    %dot_general3A_169 = arith.constant dense<0.000000e+00> : vector<1000x832xf32>
    %dot_general3A_170 = tpu.matmul %convert_element_type3A_163, %get3A_162, %dot_general3A_169 {dimension_numbers = #tpu.dot_dimension_numbers<[1], [0], [0], [1], [0, 0, 1, 1], [], []>, transpose_lhs_hint = false} : vector<1000x160xbf16>, vector<160x832xbf16>, vector<1000x832xf32> -> vector<1000x832xf32>
    %add3A_171 = arith.addf %dot_general3A_168, %dot_general3A_170 : vector<1000x832xf32>
    %dot_general3A_172 = arith.constant dense<0.000000e+00> : vector<1000x832xf32>
    %dot_general3A_173 = tpu.matmul %convert_element_type3A_166, %get3A_159, %dot_general3A_172 {dimension_numbers = #tpu.dot_dimension_numbers<[1], [0], [0], [1], [0, 0, 1, 1], [], []>, transpose_lhs_hint = false} : vector<1000x160xbf16>, vector<160x832xbf16>, vector<1000x832xf32> -> vector<1000x832xf32>
    %add3A_174 = arith.addf %add3A_171, %dot_general3A_173 : vector<1000x832xf32>
    %add3A_175 = arith.addf %add3A_156, %add3A_174 : vector<1000x832xf32>
    %get3A_176 = arith.constant 608 : index
    %get3A_177 = arith.constant 0 : index
    %get3A_178 = vector.load %arg7[%get3A_176, %get3A_177] : memref<896x832xbf16, #tpu.memory_space<vmem>>, vector<160x832xbf16>
    %get3A_179 = arith.constant 608 : index
    %get3A_180 = arith.constant 0 : index
    %get3A_181 = vector.load %arg8[%get3A_179, %get3A_180] : memref<896x832xbf16, #tpu.memory_space<vmem>>, vector<160x832xbf16>
    %convert_element_type3A_182 = arith.truncf %select_n3A_99 : vector<1000x160xf32> to vector<1000x160xbf16>
    %convert_element_type3A_183 = arith.extf %convert_element_type3A_182 : vector<1000x160xbf16> to vector<1000x160xf32>
    %sub3A_184 = arith.subf %select_n3A_99, %convert_element_type3A_183 : vector<1000x160xf32>
    %convert_element_type3A_185 = arith.truncf %sub3A_184 : vector<1000x160xf32> to vector<1000x160xbf16>
    %dot_general3A_186 = arith.constant dense<0.000000e+00> : vector<1000x832xf32>
    %dot_general3A_187 = tpu.matmul %convert_element_type3A_182, %get3A_178, %dot_general3A_186 {dimension_numbers = #tpu.dot_dimension_numbers<[1], [0], [0], [1], [0, 0, 1, 1], [], []>, transpose_lhs_hint = false} : vector<1000x160xbf16>, vector<160x832xbf16>, vector<1000x832xf32> -> vector<1000x832xf32>
    %dot_general3A_188 = arith.constant dense<0.000000e+00> : vector<1000x832xf32>
    %dot_general3A_189 = tpu.matmul %convert_element_type3A_182, %get3A_181, %dot_general3A_188 {dimension_numbers = #tpu.dot_dimension_numbers<[1], [0], [0], [1], [0, 0, 1, 1], [], []>, transpose_lhs_hint = false} : vector<1000x160xbf16>, vector<160x832xbf16>, vector<1000x832xf32> -> vector<1000x832xf32>
    %add3A_190 = arith.addf %dot_general3A_187, %dot_general3A_189 : vector<1000x832xf32>
    %dot_general3A_191 = arith.constant dense<0.000000e+00> : vector<1000x832xf32>
    %dot_general3A_192 = tpu.matmul %convert_element_type3A_185, %get3A_178, %dot_general3A_191 {dimension_numbers = #tpu.dot_dimension_numbers<[1], [0], [0], [1], [0, 0, 1, 1], [], []>, transpose_lhs_hint = false} : vector<1000x160xbf16>, vector<160x832xbf16>, vector<1000x832xf32> -> vector<1000x832xf32>
    %add3A_193 = arith.addf %add3A_190, %dot_general3A_192 : vector<1000x832xf32>
    %add3A_194 = arith.addf %add3A_175, %add3A_193 : vector<1000x832xf32>
    %get3A_195 = arith.constant 0 : index
    %get3A_196 = arith.constant 0 : index
    %get3A_197 = vector.load %arg6[%get3A_195, %get3A_196] : memref<1x128xf32, #tpu.memory_space<vmem>>, vector<1x128xf32>
    %get3A_198 = arith.constant 768 : index
    %get3A_199 = arith.constant 0 : index
    %get3A_200 = vector.load %arg7[%get3A_198, %get3A_199] : memref<896x832xbf16, #tpu.memory_space<vmem>>, vector<128x832xbf16>
    %get3A_201 = arith.constant 768 : index
    %get3A_202 = arith.constant 0 : index
    %get3A_203 = vector.load %arg8[%get3A_201, %get3A_202] : memref<896x832xbf16, #tpu.memory_space<vmem>>, vector<128x832xbf16>
    %convert_element_type3A_204 = arith.truncf %get3A_197 : vector<1x128xf32> to vector<1x128xbf16>
    %convert_element_type3A_205 = arith.extf %convert_element_type3A_204 : vector<1x128xbf16> to vector<1x128xf32>
    %sub3A_206 = arith.subf %get3A_197, %convert_element_type3A_205 : vector<1x128xf32>
    %convert_element_type3A_207 = arith.truncf %sub3A_206 : vector<1x128xf32> to vector<1x128xbf16>
    %dot_general3A_208 = arith.constant dense<0.000000e+00> : vector<1x832xf32>
    %dot_general3A_209 = tpu.matmul %convert_element_type3A_204, %get3A_200, %dot_general3A_208 {dimension_numbers = #tpu.dot_dimension_numbers<[1], [0], [0], [1], [0, 0, 1, 1], [], []>, transpose_lhs_hint = false} : vector<1x128xbf16>, vector<128x832xbf16>, vector<1x832xf32> -> vector<1x832xf32>
    %dot_general3A_210 = arith.constant dense<0.000000e+00> : vector<1x832xf32>
    %dot_general3A_211 = tpu.matmul %convert_element_type3A_204, %get3A_203, %dot_general3A_210 {dimension_numbers = #tpu.dot_dimension_numbers<[1], [0], [0], [1], [0, 0, 1, 1], [], []>, transpose_lhs_hint = false} : vector<1x128xbf16>, vector<128x832xbf16>, vector<1x832xf32> -> vector<1x832xf32>
    %add3A_212 = arith.addf %dot_general3A_209, %dot_general3A_211 : vector<1x832xf32>
    %dot_general3A_213 = arith.constant dense<0.000000e+00> : vector<1x832xf32>
    %dot_general3A_214 = tpu.matmul %convert_element_type3A_207, %get3A_200, %dot_general3A_213 {dimension_numbers = #tpu.dot_dimension_numbers<[1], [0], [0], [1], [0, 0, 1, 1], [], []>, transpose_lhs_hint = false} : vector<1x128xbf16>, vector<128x832xbf16>, vector<1x832xf32> -> vector<1x832xf32>
    %add3A_215 = arith.addf %add3A_212, %dot_general3A_214 : vector<1x832xf32>
    %add3A_216 = vector.broadcast %add3A_215 : vector<1x832xf32> to vector<1000x832xf32>
    %add3A_217 = arith.addf %add3A_194, %add3A_216 : vector<1000x832xf32>
    %get3A_218 = arith.constant 0 : index
    %get3A_219 = arith.constant 0 : index
    %get3A_220 = vector.load %arg9[%get3A_218, %get3A_219] : memref<1x832xf32, #tpu.memory_space<vmem>>, vector<1x832xf32>
    %add3A_221 = vector.broadcast %get3A_220 : vector<1x832xf32> to vector<1000x832xf32>
    %add3A_222 = arith.addf %add3A_217, %add3A_221 : vector<1000x832xf32>
    %ge3A_223 = arith.constant 0.000000e+00 : f32
    %ge3A_224 = vector.broadcast %ge3A_223 : f32 to vector<1000x832xf32>
    %ge3A_225 = arith.cmpf oge, %add3A_222, %ge3A_224 : vector<1000x832xf32>
    %mul3A_226 = arith.constant 2.000000e-01 : f32
    %mul3A_227 = vector.broadcast %mul3A_226 : f32 to vector<1000x832xf32>
    %mul3A_228 = arith.mulf %mul3A_227, %add3A_222 : vector<1000x832xf32>
    %select_n3A_229 = arith.select %ge3A_225, %add3A_222, %mul3A_228 : vector<1000x832xi1>, vector<1000x832xf32>
    %get3A_230 = arith.constant 0 : index
    %get3A_231 = arith.constant 0 : index
    %get3A_232 = vector.load %arg10[%get3A_230, %get3A_231] : memref<832x128xbf16, #tpu.memory_space<vmem>>, vector<832x128xbf16>
    %get3A_233 = arith.constant 0 : index
    %get3A_234 = arith.constant 0 : index
    %get3A_235 = vector.load %arg11[%get3A_233, %get3A_234] : memref<832x128xbf16, #tpu.memory_space<vmem>>, vector<832x128xbf16>
    %convert_element_type3A_236 = arith.truncf %select_n3A_229 : vector<1000x832xf32> to vector<1000x832xbf16>
    %convert_element_type3A_237 = arith.extf %convert_element_type3A_236 : vector<1000x832xbf16> to vector<1000x832xf32>
    %sub3A_238 = arith.subf %select_n3A_229, %convert_element_type3A_237 : vector<1000x832xf32>
    %convert_element_type3A_239 = arith.truncf %sub3A_238 : vector<1000x832xf32> to vector<1000x832xbf16>
    %dot_general3A_240 = arith.constant dense<0.000000e+00> : vector<1000x128xf32>
    %dot_general3A_241 = tpu.matmul %convert_element_type3A_236, %get3A_232, %dot_general3A_240 {dimension_numbers = #tpu.dot_dimension_numbers<[1], [0], [0], [1], [0, 0, 1, 1], [], []>, transpose_lhs_hint = false} : vector<1000x832xbf16>, vector<832x128xbf16>, vector<1000x128xf32> -> vector<1000x128xf32>
    %dot_general3A_242 = arith.constant dense<0.000000e+00> : vector<1000x128xf32>
    %dot_general3A_243 = tpu.matmul %convert_element_type3A_236, %get3A_235, %dot_general3A_242 {dimension_numbers = #tpu.dot_dimension_numbers<[1], [0], [0], [1], [0, 0, 1, 1], [], []>, transpose_lhs_hint = false} : vector<1000x832xbf16>, vector<832x128xbf16>, vector<1000x128xf32> -> vector<1000x128xf32>
    %add3A_244 = arith.addf %dot_general3A_241, %dot_general3A_243 : vector<1000x128xf32>
    %dot_general3A_245 = arith.constant dense<0.000000e+00> : vector<1000x128xf32>
    %dot_general3A_246 = tpu.matmul %convert_element_type3A_239, %get3A_232, %dot_general3A_245 {dimension_numbers = #tpu.dot_dimension_numbers<[1], [0], [0], [1], [0, 0, 1, 1], [], []>, transpose_lhs_hint = false} : vector<1000x832xbf16>, vector<832x128xbf16>, vector<1000x128xf32> -> vector<1000x128xf32>
    %add3A_247 = arith.addf %add3A_244, %dot_general3A_246 : vector<1000x128xf32>
    %get3A_248 = arith.constant 0 : index
    %get3A_249 = arith.constant 0 : index
    %get3A_250 = vector.load %arg12[%get3A_248, %get3A_249] : memref<1x128xf32, #tpu.memory_space<vmem>>, vector<1x128xf32>
    %add3A_251 = vector.broadcast %get3A_250 : vector<1x128xf32> to vector<1000x128xf32>
    %add3A_252 = arith.addf %add3A_247, %add3A_251 : vector<1000x128xf32>
    %mul3A_253 = arith.mulf %add3A_252, %add3A_252 : vector<1000x128xf32>
    %reduce_sum3A_254 = arith.constant dense<0.000000e+00> : vector<1000xf32>
    %reduce_sum3A_255 = vector.multi_reduction <add>, %mul3A_253, %reduce_sum3A_254 [1] : vector<1000x128xf32> to vector<1000xf32>
    %broadcast_in_dim3A_256 = vector.shape_cast %reduce_sum3A_255 : vector<1000xf32> to vector<1000x1xf32>
    %div3A_257 = arith.constant 1.280000e+02 : f32
    %div3A_258 = vector.broadcast %div3A_257 : f32 to vector<1000x1xf32>
    %div3A_259 = arith.divf %broadcast_in_dim3A_256, %div3A_258 : vector<1000x1xf32>
    %add3A_260 = arith.constant 1.1920929E-7 : f32
    %add3A_261 = vector.broadcast %add3A_260 : f32 to vector<1000x1xf32>
    %add3A_262 = arith.addf %div3A_259, %add3A_261 : vector<1000x1xf32>
    %rsqrt3A = math.rsqrt %add3A_262 : vector<1000x1xf32>
    %mul3A_263 = vector.broadcast %rsqrt3A : vector<1000x1xf32> to vector<1000x128xf32>
    %mul3A_264 = arith.mulf %add3A_252, %mul3A_263 : vector<1000x128xf32>
    %get3A_265 = arith.constant 0 : index
    %get3A_266 = arith.constant 0 : index
    %get3A_267 = vector.load %arg13[%get3A_265, %get3A_266] : memref<1x128xf32, #tpu.memory_space<vmem>>, vector<1x128xf32>
    %mul3A_268 = vector.broadcast %get3A_267 : vector<1x128xf32> to vector<1000x128xf32>
    %mul3A_269 = arith.mulf %mul3A_264, %mul3A_268 : vector<1000x128xf32>
    %swap3A = arith.constant 0 : index
    %swap3A_270 = arith.constant 0 : index
    %swap3A_271 = vector.load %arg14[%swap3A, %swap3A_270] : memref<1000x128xf32, #tpu.memory_space<vmem>>, vector<1000x128xf32>
    tpu.vector_store %arg14[%swap3A, %swap3A_270], %mul3A_269 {strides = array<i32>} : memref<1000x128xf32, #tpu.memory_space<vmem>>, vector<1000x128xf32>,
    return
  }
  func.func @transform_0(%arg0: i32) -> (i32, i32) {
    %c0_i32 = arith.constant 0 : i32
    %c0_i32_0 = arith.constant 0 : i32
    return %arg0, %c0_i32 : i32, i32
  }
  func.func @transform_1(%arg0: i32) -> (i32, i32, i32) {
    %c0_i32 = arith.constant 0 : i32
    %c0_i32_0 = arith.constant 0 : i32
    %c0_i32_1 = arith.constant 0 : i32
    return %c0_i32, %arg0, %c0_i32_0 : i32, i32, i32
  }
  func.func @transform_2(%arg0: i32) -> (i32, i32, i32) {
    %c0_i32 = arith.constant 0 : i32
    %c0_i32_0 = arith.constant 0 : i32
    %c0_i32_1 = arith.constant 0 : i32
    return %c0_i32, %arg0, %c0_i32_0 : i32, i32, i32
  }
  func.func @transform_3(%arg0: i32) -> (i32, i32, i32) {
    %c0_i32 = arith.constant 0 : i32
    %c0_i32_0 = arith.constant 0 : i32
    %c0_i32_1 = arith.constant 0 : i32
    return %c0_i32, %arg0, %c0_i32_0 : i32, i32, i32
  }
  func.func @transform_4(%arg0: i32) -> (i32, i32, i32) {
    %c0_i32 = arith.constant 0 : i32
    %c0_i32_0 = arith.constant 0 : i32
    %c0_i32_1 = arith.constant 0 : i32
    return %c0_i32, %arg0, %c0_i32_0 : i32, i32, i32
  }
  func.func @transform_5(%arg0: i32) -> (i32, i32) {
    %c0_i32 = arith.constant 0 : i32
    %c0_i32_0 = arith.constant 0 : i32
    %c0_i32_1 = arith.constant 0 : i32
    return %c0_i32, %c0_i32_0 : i32, i32
  }
  func.func @transform_6(%arg0: i32) -> (i32, i32) {
    %c0_i32 = arith.constant 0 : i32
    %c0_i32_0 = arith.constant 0 : i32
    %c0_i32_1 = arith.constant 0 : i32
    return %c0_i32, %c0_i32_0 : i32, i32
  }
  func.func @transform_7(%arg0: i32) -> (i32, i32) {
    %c0_i32 = arith.constant 0 : i32
    %c0_i32_0 = arith.constant 0 : i32
    %c0_i32_1 = arith.constant 0 : i32
    return %c0_i32, %c0_i32_0 : i32, i32
  }
  func.func @transform_8(%arg0: i32) -> (i32, i32) {
    %c0_i32 = arith.constant 0 : i32
    %c0_i32_0 = arith.constant 0 : i32
    %c0_i32_1 = arith.constant 0 : i32
    return %c0_i32, %c0_i32_0 : i32, i32
  }
  func.func @transform_9(%arg0: i32) -> (i32, i32) {
    %c0_i32 = arith.constant 0 : i32
    %c0_i32_0 = arith.constant 0 : i32
    %c0_i32_1 = arith.constant 0 : i32
    return %c0_i32, %c0_i32_0 : i32, i32
  }
  func.func @transform_10(%arg0: i32) -> (i32, i32) {
    %c0_i32 = arith.constant 0 : i32
    %c0_i32_0 = arith.constant 0 : i32
    %c0_i32_1 = arith.constant 0 : i32
    return %c0_i32, %c0_i32_0 : i32, i32
  }
  func.func @transform_11(%arg0: i32) -> (i32, i32) {
    %c0_i32 = arith.constant 0 : i32
    %c0_i32_0 = arith.constant 0 : i32
    %c0_i32_1 = arith.constant 0 : i32
    return %c0_i32, %c0_i32_0 : i32, i32
  }
  func.func @transform_12(%arg0: i32) -> (i32, i32) {
    %c0_i32 = arith.constant 0 : i32
    %c0_i32_0 = arith.constant 0 : i32
    %c0_i32_1 = arith.constant 0 : i32
    return %c0_i32, %c0_i32_0 : i32, i32
  }
  func.func @transform_13(%arg0: i32) -> (i32, i32) {
    %c0_i32 = arith.constant 0 : i32
    %c0_i32_0 = arith.constant 0 : i32
    return %arg0, %c0_i32 : i32, i32
  }
}

</mosaic_0001>

<sc_bundles>
// kernel: kernel.6.cloned.1.call-start
scs
__scs_entry_jumppad:
0x0: {  	(pc) =	sbr.rel $0x88, $3  }
0x1: {  	(tag) =	ssettag $0x0;
	lr =	simm.s32 $0x1  }
0x2: {  	[smem:$0x3F93] =	sst lr;
	_ =	strace $0xD0000000  }
0x3: {  	_ = 	snop  }
0x4: {  	_ = 	snop  }
0x5: {  	_ = 	snop  }
0x6: {  	_ = 	snop  }
0x7: {  	_ = 	snop  }
__scs_overlays_trampoline_lowered:
0x8: {  	[smem:$0x3FA2] =	sst s0  }
0x9: {  	[smem:$0x3FA3] =	sst s1  }
0xa: {  	[smem:$0x3FA4] =	sst s2  }
0xb: {  	[smem:$0x3FA5] =	sst s3  }
0xc: {  	[smem:$0x3FA6] =	sst s4  }
0xd: {  	[smem:$0x3FA7] =	sst s5  }
0xe: {  	[smem:$0x3FA8] =	sst s6  }
0xf: {  	[smem:$0x3FA9] =	sst s7  }
0x10: {  	[smem:$0x3FAA] =	sst s8  }
0x11: {  	[smem:$0x3FAB] =	sst s9;
	s0 =	simm.s32 @!p0 $0x0  }
0x12: {  	s1 =	sld [smem:$0x3F91];
	s0 =	simm.s32 @p0 $0x1  }
0x13: {  	[smem:$0x3FAC] =	sst s0;
	s0 =	simm.s32 @!p1 $0x0  }
0x14: {  	s2 =	sld [smem:$0x3F90];
	s0 =	simm.s32 @p1 $0x1  }
0x15: {  	[smem:$0x3FAD] =	sst s0;
	s0 =	simm.s32 @!p2 $0x0  }
0x16: {  	s3 =	sld [smem:$0x3FDB];
	s0 =	simm.s32 @p2 $0x1  }
0x17: {  	s4 =	simm.s32 $0x1BF5;
	[smem:$0x3FAF] =	sst s0  }
0x18: {  	s0 =	sld [smem:$0x3F92];
	_ =	swait.ge [sflag:s4], $0x0  }
0x19: {  	s7 =	sld [smem:$0x3F93]  }
0x1a: {  	s8 =	sadd.s32 $0xFFFFE003, lr  }
0x1b: {  	s9 =	sadd.s32 $0xFFFFFEF7, lr;
	s5 =	simm.s32 $0xFFFFFFFF;
	p2 =	slt.u32 s8, $0xFFFFF086  }
0x1c: {  	p1 =	slt.u32 s9, $0xF7A;
	s5 =	simm.s32 @!p2 $0x0  }
0x1d: {  	s5 =	simm.s32 @p1 $0x1;
	p0 =	seq.s32 s7, s2  }
0x1e: {  	s7 =	smul.u32 @!p0 $0xF7A, s2;
	p2 =	seq.s32 @!p0 s5, $0x0  }
0x1f: {  	s9 =	smul.u32 $0xF7A, s1;
	s8 =	simm.s32 @!p0 $0x1BF5;
	p2 =	por !p2, p0  }
0x20: {  	[sflag:s8] =	ssyncset.s32 @!p0 $0xFFFFF086;
	s6 =	sadd.s32 @!p0 s3, s7;
	s7 =	simm.s32 @!p0 $0x108  }
0x21: {  	s3 =	sadd.s32 s3, s9;
	s6 =	sadd.s32 @!p0 $0x88, s6;
	s7 =	simm.s32 @p2 $0x1082  }
0x22: {  	[simem:s7], [sflag:s8] =	dma.local @!p0 [hbm:s6], $0xF7A  }
0x23: {  	s9 =	sor.u32 $0xD0000000, s2;
	s6 =	simm.s32 $0x108;
	_ =	swait.ge @!p0 [sflag:s8], $0x0  }
0x24: {  	s3 =	sadd.s32 $0x88, s3;
	s6 =	simm.s32 @!p1 $0x1082;
	[sflag:s4] =	ssyncset.s32 $0xFFFFF086  }
0x25: {  	[simem:s6], [sflag:s4] =	dma.local [hbm:s3], $0xF7A  }
0x26: {  	[smem:$0x3F93] =	sst s1;
	(tag) =	ssettag s2;
	_ =	strace s9  }
0x27: {  	s1 =	sld [smem:$0x3FA3]  }
0x28: {  	s2 =	sld [smem:$0x3FA4]  }
0x29: {  	s4 =	sld [smem:$0x3FA6]  }
0x2a: {  	p0 =	seq.s32 s5, $0x0;
	s5 =	sld [smem:$0x3FA7]  }
0x2b: {  	s6 =	sld [smem:$0x3FA8]  }
0x2c: {  	s7 =	sld [smem:$0x3FA9]  }
0x2d: {  	s3 =	simm.s32 $0x108;
	s8 =	sld [smem:$0x3FAA]  }
0x2e: {  	s3 =	simm.s32 @!p0 $0x1082;
	s9 =	sld [smem:$0x3FAB]  }
0x2f: {  	lr =	sadd.s32 s0, s3;
	s0 =	sld [smem:$0x3FA2]  }
0x30: {  	s3 =	sld [smem:$0x3FA5]  }
0x31: {  	[smem:$0x3FAE] =	sst s10  }
0x32: {  	s10 =	sld [smem:$0x3FAC];
	_ =	sdelay $0x3  }
0x33: {  	p0 =	seq.s32 s10, $0x1;
	s10 =	sld [smem:$0x3FAE];
	_ =	sdelay $0x3  }
0x34: {  	[smem:$0x3FAE] =	sst s10  }
0x35: {  	s10 =	sld [smem:$0x3FAD];
	_ =	sdelay $0x3  }
0x36: {  	p1 =	seq.s32 s10, $0x1;
	s10 =	sld [smem:$0x3FAE];
	_ =	sdelay $0x3  }
0x37: {  	[smem:$0x3FAE] =	sst s10  }
0x38: {  	s10 =	sld [smem:$0x3FAF]  }
0x39: {  	_ = 	snop;
	(pc) =	sbr.ind lr, $3  }
0x3a: {  	_ = 	snop  }
0x3b: {  	_ = 	snop  }
0x3c: {  	p2 =	seq.s32 s10, $0x1;
	s10 =	sld [smem:$0x3FAE]  }
0x3d: {  	_ =	shalt  }
0x3e: {  	_ =	shalt  }
0x3f: {  	_ =	shalt  }
0x40: {  	_ =	shalt  }
0x41: {  	_ =	shalt  }
0x42: {  	_ =	shalt  }
0x43: {  	_ =	shalt  }
0x44: {  	_ =	shalt  }
0x45: {  	_ =	shalt  }
0x46: {  	_ =	shalt  }
0x47: {  	_ =	shalt  }
0x48: {  	_ =	shalt  }
0x49: {  	_ =	shalt  }
0x4a: {  	_ =	shalt  }
0x4b: {  	_ =	shalt  }
0x4c: {  	_ =	shalt  }
0x4d: {  	_ =	shalt  }
0x4e: {  	_ =	shalt  }
0x4f: {  	_ =	shalt  }
0x50: {  	_ =	shalt  }
0x51: {  	_ =	shalt  }
0x52: {  	_ =	shalt  }
0x53: {  	_ =	shalt  }
0x54: {  	_ =	shalt  }
0x55: {  	_ =	shalt  }
0x56: {  	_ =	shalt  }
0x57: {  	_ =	shalt  }
0x58: {  	_ =	shalt  }
0x59: {  	_ =	shalt  }
0x5a: {  	_ =	shalt  }
0x5b: {  	_ =	shalt  }
0x5c: {  	_ =	shalt  }
0x5d: {  	_ =	shalt  }
0x5e: {  	_ =	shalt  }
0x5f: {  	_ =	shalt  }
0x60: {  	_ =	shalt  }
0x61: {  	_ =	shalt  }
0x62: {  	_ =	shalt  }
0x63: {  	_ =	shalt  }
0x64: {  	_ =	shalt  }
0x65: {  	_ =	shalt  }
0x66: {  	_ =	shalt  }
0x67: {  	_ =	shalt  }
0x68: {  	_ =	shalt  }
0x69: {  	_ =	shalt  }
0x6a: {  	_ =	shalt  }
0x6b: {  	_ =	shalt  }
0x6c: {  	_ =	shalt  }
0x6d: {  	_ =	shalt  }
0x6e: {  	_ =	shalt  }
0x6f: {  	_ =	shalt  }
0x70: {  	_ =	shalt  }
0x71: {  	_ =	shalt  }
0x72: {  	_ =	shalt  }
0x73: {  	_ =	shalt  }
0x74: {  	_ =	shalt  }
0x75: {  	_ =	shalt  }
0x76: {  	_ =	shalt  }
0x77: {  	_ =	shalt  }
0x78: {  	_ =	shalt  }
0x79: {  	_ =	shalt  }
0x7a: {  	_ =	shalt  }
0x7b: {  	_ =	shalt  }
0x7c: {  	_ =	shalt  }
0x7d: {  	_ =	shalt  }
0x7e: {  	_ =	shalt  }
0x7f: {  	_ =	shalt  }
0x80: {  	_ =	shalt  }
0x81: {  	_ =	shalt  }
0x82: {  	_ =	shalt  }
0x83: {  	_ =	shalt  }
0x84: {  	_ =	shalt  }
0x85: {  	_ =	shalt  }
0x86: {  	_ =	shalt  }
0x87: {  	_ =	shalt  }
.Lfunc_end0:
.L_simem_size_0:
called_computation_lowered:
.L_overlay_start_0:
0x88: {  	s2 =	sld [smem:$0x3FD9]  }
0x89: {  	s3 =	sld [smem:$0x3FFE];
	_ =	sdelay $0x1  }
0x8a: {  	s1 =	srdreg.scid  }
0x8b: {  	s0 =	sand.u32 $0x1, s1  }
0x8c: {  	s17 =	sshll.u32 s0, $0xA;
	s2 =	sadd.s32 s3, s2  }
0x8d: {  	s2 =	sadd.s32 s2, s17  }
0x8e: {  	[smem:$0x3FBA] =	sst s2  }
0x8f: {  	_ = 	snop  }
0x90: {  	s2 =	sld [smem:$0x3FC8]  }
0x91: {  	s18 =	sld [smem:$0x3FD0];
	(tm) =	ssettm $0x1  }
0x92: {  	s4 =	sld [smem:$0x3FFB];
	_ =	sdelay $0x3  }
0x93: {  	_ =	strace s4  }
0x94: {  	s4 =	sld [smem:$0x3FFC];
	_ =	sdelay $0x3  }
0x95: {  	_ =	strace s4  }
0x96: {  	s4 =	sld [smem:$0x3FFD];
	_ =	sdelay $0x3  }
0x97: {  	_ =	strace s4  }
0x98: {  	_ =	strace $0x8FFFFFFF  }
0x99: {  	s19 =	sld [smem:$0x3FDB];
	_ =	sdelay $0x1  }
0x9a: {  	s5 =	simm.s32 $_scs_section_size  }
0x9b: {  	s6 =	simm.s32 $_size__tile_overlayer_lowered;
	s7 =	simm.s32 $_tile_overlayer_lowered  }
0x9c: {  	s22 =	simm.s32 $0x1BFF;
	s21 =	sshll.u32 s7, $0x1;
	s4 =	sadd.s32 s5, s19  }
0x9d: {  	s8 =	simm.s32 $0x0;
	s20 =	sshll.u32 s6, $0x1;
	s6 =	sadd.s32 s21, s4  }
0x9e: {  	[timem:s8], [sflag:s22] =	dma.local [hbm:s6], s20  }
0x9f: {  	_ =	swait.ge [sflag:s22], s20  }
0xa0: {  	s5 =	ssub.s32 $0x0, s20;
	[sflag:s22] =	ssyncset.done $0x0  }
0xa1: {  	[sflag:s22] =	ssyncadd.s32 s5;
	_ =	sdelay $0x1  }
0xa2: {  	s23 =	simm.s32 $0x1B8B  }
0xa3: {  	_ =	swait.ge [sflag:s23], $0x1  }
0xa4: {  	[sflag:s23] =	ssyncset.done $0x0  }
0xa5: {  	s25 =	simm.s32 $0x1B8E;
	s24 =	sld [smem:$0x3FFE];
	[sflag:s23] =	ssyncadd.s32 $0xFFFFFFFF  }
0xa6: {  	s26 =	simm.s32 $execute0_lowered;
	[smem:$0x3FD2] =	sst s25  }
0xa7: {  	s6 =	sshll.u32 s26, $0x1;
	_ =	strace $0x80000046;
	[dreg:$0x1] =	wrdreg $0xFFFFFFFF  }
0xa8: {  	s28 =	simm.s32 $_size_execute0_lowered;
	s4 =	sadd.s32 s4, s6;
	[dreg:$0x0] =	wrdreg $0x0  }
0xa9: {  	s6 =	sshll.u32 s28, $0x1;
	[dreg:$0x2] =	wrdreg s4  }
0xaa: {  	[dreg:$0x3] =	wrdreg s6  }
0xab: {  	[dreg:$0x4] =	wrdreg $0xC0  }
0xac: {  	_ =	task [dreg:s8], $0x5FFFF  }
0xad: {  	[dreg:$0x1] =	wrdreg $0xFFFFFFFF  }
0xae: {  	[dreg:$0x0] =	wrdreg $0x60  }
0xaf: {  	[dreg:$0x2] =	wrdreg s2  }
0xb0: {  	[dreg:$0x3] =	wrdreg s18  }
0xb1: {  	[dreg:$0x4] =	wrdreg s24  }
0xb2: {  	[dreg:$0x5] =	wrdreg $0x9  }
0xb3: {  	_ =	task.clear_ibuf [dreg:s8], $0x6FFFF;
	_ =	strace $0x90000046  }
0xb4: {  	s29 =	simm.s32 $0x9;
	_ =	strace $0x80000048  }
0xb5: {  	_ =	swait.ge [sflag:s29], $0x1  }
0xb6: {  	[sflag:s29] =	ssyncadd.s32 $0xFFFFFFFF  }
0xb7: {  	_ =	strace $0x90000048  }
0xb8: {  	_ =	sfence  }
0xb9: {  	s30 =	sld [smem:$0x0];
	_ =	sdelay $0x2  }
0xba: {  	s31 =	sshll.u32 s1, $0xD;
	s1 =	sshrl.u32 s1, $0x2  }
0xbb: {  	s3 =	sand.u32 $0x4000, s31;
	s1 =	sadd.s32 s1, s30  }
0xbc: {  	s0 =	sor.u32 s3, s0;
	s1 =	sshll.u32 s1, $0x11  }
0xbd: {  	s0 =	sor.u32 s1, s0  }
0xbe: {  	s0 =	sadd.s32 $0x8F2B, s0  }
0xbf: {  	[sflag:s0] =	ssyncadd.remote.s32 $0x1  }
0xc0: {  	_ =	sfence.sel $0xFFFF  }
0xc1: {  	[dreg:$0x0] =	wrdreg $0xFFFFFFFF;
	(pc) =	sbr.abs _section_cstart, $3  }
0xc2: {  	[dreg:$0x1] =	wrdreg $0xFFFFFFFF  }
0xc3: {  	_ =	task.clear_ibuf [dreg:s8], $0x2FFFF;
	_ =	strace $0x9FFFFFFF  }
0xc4: {  	(tm) =	ssettm $0x7FFFFFFF  }
0xc5: {  	_ =	shalt  }
tec
execute0_lowered:
.L_overlay_start_1:
0x0: {  	(tag) =	ssettag $0x1  }
0x1: {  	s0 =	rddreg [dreg:$0x0]  }
0x2: {  	s4 =	rddreg [dreg:$0x1]  }
0x3: {  	s1 =	srdreg.scid;
	s6 =	rddreg [dreg:$0x2]  }
0x4: {  	s2 =	stileid.u32;
	s3 =	simm.s32 $0x0;
	s11 =	simm.s32 $0x1  }
0x5: {  	s12 =	simm.s32 $0x6800;
	s5 =	sand.u32 $0x1, s1;
	s1 =	rddreg [dreg:$0x3]  }
0x6: {  	s13 =	simm.s32 $0x2;
	s14 =	simm.s32 $0x0;
	[smem:$0x7FF] =	sst s3  }
0x7: {  	s6 =	sadd.s32 $0xC800, s6;
	s30 =	smul.u32 $0x27100, s2;
	s7 =	sshll.u32 s5, $0x4  }
0x8: {  	s8 =	ssub.s32 $0x2, s5;
	s26 =	smul.u32 $0x271000, s5;
	s7 =	sor.u32 s2, s7  }
0x9: {  	_ =	strace $0x80000047;
	s10 =	sshrl.u32 s8, $0x1;
	s9 =	smul.u32 $0x138800, s7  }
0xa: {  	s8 =	ssub.s32 s8, s10;
	s28 =	sshll.u32 s7, $0xB;
	s31 =	sadd.s32 s26, s6  }
0xb: {  	s10 =	simm.s32 $0x4000;
	s4 =	sadd.s32 s4, s28;
	s9 =	sshrl.u32 s9, $0x3  }
0xc: {  	s7 =	sadd.s32 s30, s31;
	s29 =	sadd.s32 s6, s9;
	s6 =	smax.u32 s8, $0x1  }
0xd: {  	s8 =	simm.s32 $0x3;
	s9 =	simm.s32 $0x50;
	s5 =	sadd.s32 $0x26C00, s29  }
.LBB2_1:
0xe: {  	[tilespmem:s3], [sflag:$0x3] =	stream.linear.gather [hbm4b:s4+s3], $0x3E80, $0x38;
	[tilespmem:$0x9000] =	vst v63  }
0xf: {  	_ =	swait.ge [sflag:s8], $0x3E80  }
0x10: {  	[sflag:s8] =	ssyncset.done $0x0  }
0x11: {  	[sflag:s8] =	ssyncadd.s32 $0xFFFFC180  }
0x12: {  	[tilespmem:s10], [sflag:$0x1] =	stream.indirect.gather [hbm4b:s0+s9], $0x80, s3, s9, $0xb8;
	[tilespmem:$0x9000] =	vst v63  }
0x13: {  	_ =	swait.ge [sflag:s11], $0x2800  }
0x14: {  	[sflag:s11] =	ssyncset.done $0x0  }
0x15: {  	s15 =	simm.s32 $0x80;
	[sflag:s11] =	ssyncadd.s32 $0xFFFFD800  }
0x16: {  	[tilespmem:s12], [sflag:$0x2] =	stream.indirect.gather [hbm4b:s0+s9], $0x80, s15, s9, $0xb8;
	[tilespmem:$0x9000] =	vst v63  }
0x17: {  	s16 =	sadd.s32 $0x0, s7  }
0x18: {  	[hbm4b:s16+s3] =	stream.linear.scatter [tilespmem:s10], [sflag:$0x3], $0x2800, $0x38;
	[tilespmem:$0x9000] =	vst v63  }
0x19: {  	_ =	swait.ge [sflag:s8], $0x2800  }
0x1a: {  	[sflag:s8] =	ssyncset.done $0x0  }
0x1b: {  	[sflag:s8] =	ssyncadd.s32 $0xFFFFD800  }
0x1c: {  	_ =	swait.ge [sflag:s13], $0x2800  }
0x1d: {  	[sflag:s13] =	ssyncset.done $0x0  }
0x1e: {  	s17 =	simm.s32 $0x100;
	[sflag:s13] =	ssyncadd.s32 $0xFFFFD800  }
0x1f: {  	[tilespmem:s10], [sflag:$0x1] =	stream.indirect.gather [hbm4b:s0+s9], $0x80, s17, s9, $0xb8;
	[tilespmem:$0x9000] =	vst v63  }
0x20: {  	s16 =	sadd.s32 $0x500, s16  }
0x21: {  	[hbm4b:s16+s3] =	stream.linear.scatter [tilespmem:s12], [sflag:$0x3], $0x2800, $0x38;
	[tilespmem:$0x9000] =	vst v63  }
0x22: {  	_ =	swait.ge [sflag:s8], $0x2800  }
0x23: {  	s16 =	simm.s32 $0xA00;
	[sflag:s8] =	ssyncset.done $0x0  }
.LBB2_2:
0x24: {  	p0 =	sne.s32 s16, $0x26200;
	[sflag:s8] =	ssyncadd.s32 $0xFFFFD800;
	s15 =	sadd.s32 $0x100, s15  }
0x25: {  	s17 =	smov.u32 s16;
	s16 =	sadd.s32 $0xA00, s16  }
0x26: {  	_ =	swait.ge [sflag:s11], $0x2800  }
0x27: {  	[sflag:s11] =	ssyncset.done $0x0  }
0x28: {  	[sflag:s11] =	ssyncadd.s32 $0xFFFFD800  }
0x29: {  	[tilespmem:s12], [sflag:$0x2] =	stream.indirect.gather [hbm4b:s0+s9], $0x80, s15, s9, $0xb8;
	[tilespmem:$0x9000] =	vst v63  }
0x2a: {  	s17 =	sadd.s32 s17, s7  }
0x2b: {  	[hbm4b:s17+s3] =	stream.linear.scatter [tilespmem:s10], [sflag:$0x3], $0x2800, $0x38;
	[tilespmem:$0x9000] =	vst v63  }
0x2c: {  	_ =	swait.ge [sflag:s8], $0x2800  }
0x2d: {  	[sflag:s8] =	ssyncset.done $0x0  }
0x2e: {  	[sflag:s8] =	ssyncadd.s32 $0xFFFFD800  }
0x2f: {  	_ =	swait.ge [sflag:s13], $0x2800  }
0x30: {  	[sflag:s13] =	ssyncset.done $0x0  }
0x31: {  	s18 =	sadd.s32 $0x80, s15;
	[sflag:s13] =	ssyncadd.s32 $0xFFFFD800  }
0x32: {  	[tilespmem:s10], [sflag:$0x1] =	stream.indirect.gather [hbm4b:s0+s9], $0x80, s18, s9, $0xb8;
	[tilespmem:$0x9000] =	vst v63  }
.Ltmp0:
0x33: {  	_ = 	snop;
	(pc) =	sbr.rel @p0 .LBB2_2-.Ltmp0, $4  }
0x34: {  	s17 =	sadd.s32 $0x500, s17  }
0x35: {  	[hbm4b:s17+s3] =	stream.linear.scatter [tilespmem:s12], [sflag:$0x3], $0x2800, $0x38;
	[tilespmem:$0x9000] =	vst v63  }
0x36: {  	_ =	swait.ge [sflag:s8], $0x2800  }
0x37: {  	[sflag:s8] =	ssyncset.done $0x0  }
0x38: {  	[sflag:s8] =	ssyncadd.s32 $0xFFFFD800  }
0x39: {  	s14 =	sadd.s32 $0x1, s14;
	_ =	swait.ge [sflag:s11], $0x2800  }
0x3a: {  	p0 =	sne.s32 s14, s6;
	[sflag:s11] =	ssyncset.done $0x0  }
.Ltmp1:
0x3b: {  	[sflag:s11] =	ssyncadd.s32 $0xFFFFD800;
	(pc) =	sbr.rel @p0 .LBB2_1-.Ltmp1, $4  }
0x3c: {  	[hbm4b:s5+s3] =	stream.linear.scatter [tilespmem:s10], [sflag:$0x3], $0x2800, $0x38;
	[tilespmem:$0x9000] =	vst v63  }
0x3d: {  	_ =	swait.ge [sflag:s8], $0x2800  }
0x3e: {  	[sflag:s8] =	ssyncset.done $0x0  }
0x3f: {  	[sflag:s8] =	ssyncadd.s32 $0xFFFFD800  }
0x40: {  	_ =	sfence.sel $0x180000  }
0x41: {  	[bflag:$0x0] =	sbarrier.arrive $0xFFFF  }
0x42: {  	p0 =	sne.s32 s2, $0x0;
	_ =	strace $0x90000047  }
0x43: {  	s0 =	sadd.s32 @!p0 $0x100000, s1;
	[bflag:$0x2] =	sbarrier.arrive $0xFFFF  }
0x44: {  	[sflag:s0] =	ssyncadd.tile.s32 @!p0 $0x1;
	_ =	shalt  }
.Lfunc_end2:
_tile_overlayer_lowered:
.L_overlay_start_2:
0x45: {  	(tag) =	ssettag $0x2  }
0x46: {  	s0 =	rddreg [dreg:$0x0];
	s2 =	stileid.u32  }
0x47: {  	s1 =	rddreg [dreg:$0x1];
	p0 =	sne.s32 s2, $0x0  }
0x48: {  	s3 =	rddreg [dreg:$0x2];
	[bflag:$0x3] =	sbarrier.arrive $0xFFFF;
	s2 =	simm.s32 @!p0 $0x1C03  }
0x49: {  	[timem:s3], [sflag:s2] =	dma.local @!p0 [hbm:s0], s1  }
0x4a: {  	s0 =	simm.s32 @!p0 $0x3  }
0x4b: {  	_ =	swait.ge @!p0 [sflag:s0], s1  }
0x4c: {  	s1 =	ssub.s32 @!p0 $0x0, s1;
	[sflag:s0] =	ssyncset.done @!p0 $0x0  }
0x4d: {  	[sflag:s0] =	ssyncadd.s32 @!p0 s1  }
0x4e: {  	[bflag:$0x3] =	sbarrier.arrive $0xFFFF  }
0x4f: {  	_ =	shalt  }

// kernel: kernel.9.cloned.1.call-start
scs
__scs_entry_jumppad:
0x0: {  	(pc) =	sbr.rel $0x88, $3  }
0x1: {  	(tag) =	ssettag $0x0;
	lr =	simm.s32 $0x1  }
0x2: {  	[smem:$0x3F93] =	sst lr;
	_ =	strace $0xD0000000  }
0x3: {  	_ = 	snop  }
0x4: {  	_ = 	snop  }
0x5: {  	_ = 	snop  }
0x6: {  	_ = 	snop  }
0x7: {  	_ = 	snop  }
__scs_overlays_trampoline_lowered:
0x8: {  	[smem:$0x3FA2] =	sst s0  }
0x9: {  	[smem:$0x3FA3] =	sst s1  }
0xa: {  	[smem:$0x3FA4] =	sst s2  }
0xb: {  	[smem:$0x3FA5] =	sst s3  }
0xc: {  	[smem:$0x3FA6] =	sst s4  }
0xd: {  	[smem:$0x3FA7] =	sst s5  }
0xe: {  	[smem:$0x3FA8] =	sst s6  }
0xf: {  	[smem:$0x3FA9] =	sst s7  }
0x10: {  	[smem:$0x3FAA] =	sst s8  }
0x11: {  	[smem:$0x3FAB] =	sst s9;
	s0 =	simm.s32 @!p0 $0x0  }
0x12: {  	s1 =	sld [smem:$0x3F91];
	s0 =	simm.s32 @p0 $0x1  }
0x13: {  	[smem:$0x3FAC] =	sst s0;
	s0 =	simm.s32 @!p1 $0x0  }
0x14: {  	s2 =	sld [smem:$0x3F90];
	s0 =	simm.s32 @p1 $0x1  }
0x15: {  	[smem:$0x3FAD] =	sst s0;
	s0 =	simm.s32 @!p2 $0x0  }
0x16: {  	s3 =	sld [smem:$0x3FDB];
	s0 =	simm.s32 @p2 $0x1  }
0x17: {  	s4 =	simm.s32 $0x1BF5;
	[smem:$0x3FAF] =	sst s0  }
0x18: {  	s0 =	sld [smem:$0x3F92];
	_ =	swait.ge [sflag:s4], $0x0  }
0x19: {  	s7 =	sld [smem:$0x3F93]  }
0x1a: {  	s8 =	sadd.s32 $0xFFFFE003, lr  }
0x1b: {  	s9 =	sadd.s32 $0xFFFFFEF7, lr;
	s5 =	simm.s32 $0xFFFFFFFF;
	p2 =	slt.u32 s8, $0xFFFFF086  }
0x1c: {  	p1 =	slt.u32 s9, $0xF7A;
	s5 =	simm.s32 @!p2 $0x0  }
0x1d: {  	s5 =	simm.s32 @p1 $0x1;
	p0 =	seq.s32 s7, s2  }
0x1e: {  	s7 =	smul.u32 @!p0 $0xF7A, s2;
	p2 =	seq.s32 @!p0 s5, $0x0  }
0x1f: {  	s9 =	smul.u32 $0xF7A, s1;
	s8 =	simm.s32 @!p0 $0x1BF5;
	p2 =	por !p2, p0  }
0x20: {  	[sflag:s8] =	ssyncset.s32 @!p0 $0xFFFFF086;
	s6 =	sadd.s32 @!p0 s3, s7;
	s7 =	simm.s32 @!p0 $0x108  }
0x21: {  	s3 =	sadd.s32 s3, s9;
	s6 =	sadd.s32 @!p0 $0x88, s6;
	s7 =	simm.s32 @p2 $0x1082  }
0x22: {  	[simem:s7], [sflag:s8] =	dma.local @!p0 [hbm:s6], $0xF7A  }
0x23: {  	s9 =	sor.u32 $0xD0000000, s2;
	s6 =	simm.s32 $0x108;
	_ =	swait.ge @!p0 [sflag:s8], $0x0  }
0x24: {  	s3 =	sadd.s32 $0x88, s3;
	s6 =	simm.s32 @!p1 $0x1082;
	[sflag:s4] =	ssyncset.s32 $0xFFFFF086  }
0x25: {  	[simem:s6], [sflag:s4] =	dma.local [hbm:s3], $0xF7A  }
0x26: {  	[smem:$0x3F93] =	sst s1;
	(tag) =	ssettag s2;
	_ =	strace s9  }
0x27: {  	s1 =	sld [smem:$0x3FA3]  }
0x28: {  	s2 =	sld [smem:$0x3FA4]  }
0x29: {  	s4 =	sld [smem:$0x3FA6]  }
0x2a: {  	p0 =	seq.s32 s5, $0x0;
	s5 =	sld [smem:$0x3FA7]  }
0x2b: {  	s6 =	sld [smem:$0x3FA8]  }
0x2c: {  	s7 =	sld [smem:$0x3FA9]  }
0x2d: {  	s3 =	simm.s32 $0x108;
	s8 =	sld [smem:$0x3FAA]  }
0x2e: {  	s3 =	simm.s32 @!p0 $0x1082;
	s9 =	sld [smem:$0x3FAB]  }
0x2f: {  	lr =	sadd.s32 s0, s3;
	s0 =	sld [smem:$0x3FA2]  }
0x30: {  	s3 =	sld [smem:$0x3FA5]  }
0x31: {  	[smem:$0x3FAE] =	sst s10  }
0x32: {  	s10 =	sld [smem:$0x3FAC];
	_ =	sdelay $0x3  }
0x33: {  	p0 =	seq.s32 s10, $0x1;
	s10 =	sld [smem:$0x3FAE];
	_ =	sdelay $0x3  }
0x34: {  	[smem:$0x3FAE] =	sst s10  }
0x35: {  	s10 =	sld [smem:$0x3FAD];
	_ =	sdelay $0x3  }
0x36: {  	p1 =	seq.s32 s10, $0x1;
	s10 =	sld [smem:$0x3FAE];
	_ =	sdelay $0x3  }
0x37: {  	[smem:$0x3FAE] =	sst s10  }
0x38: {  	s10 =	sld [smem:$0x3FAF]  }
0x39: {  	_ = 	snop;
	(pc) =	sbr.ind lr, $3  }
0x3a: {  	_ = 	snop  }
0x3b: {  	_ = 	snop  }
0x3c: {  	p2 =	seq.s32 s10, $0x1;
	s10 =	sld [smem:$0x3FAE]  }
0x3d: {  	_ =	shalt  }
0x3e: {  	_ =	shalt  }
0x3f: {  	_ =	shalt  }
0x40: {  	_ =	shalt  }
0x41: {  	_ =	shalt  }
0x42: {  	_ =	shalt  }
0x43: {  	_ =	shalt  }
0x44: {  	_ =	shalt  }
0x45: {  	_ =	shalt  }
0x46: {  	_ =	shalt  }
0x47: {  	_ =	shalt  }
0x48: {  	_ =	shalt  }
0x49: {  	_ =	shalt  }
0x4a: {  	_ =	shalt  }
0x4b: {  	_ =	shalt  }
0x4c: {  	_ =	shalt  }
0x4d: {  	_ =	shalt  }
0x4e: {  	_ =	shalt  }
0x4f: {  	_ =	shalt  }
0x50: {  	_ =	shalt  }
0x51: {  	_ =	shalt  }
0x52: {  	_ =	shalt  }
0x53: {  	_ =	shalt  }
0x54: {  	_ =	shalt  }
0x55: {  	_ =	shalt  }
0x56: {  	_ =	shalt  }
0x57: {  	_ =	shalt  }
0x58: {  	_ =	shalt  }
0x59: {  	_ =	shalt  }
0x5a: {  	_ =	shalt  }
0x5b: {  	_ =	shalt  }
0x5c: {  	_ =	shalt  }
0x5d: {  	_ =	shalt  }
0x5e: {  	_ =	shalt  }
0x5f: {  	_ =	shalt  }
0x60: {  	_ =	shalt  }
0x61: {  	_ =	shalt  }
0x62: {  	_ =	shalt  }
0x63: {  	_ =	shalt  }
0x64: {  	_ =	shalt  }
0x65: {  	_ =	shalt  }
0x66: {  	_ =	shalt  }
0x67: {  	_ =	shalt  }
0x68: {  	_ =	shalt  }
0x69: {  	_ =	shalt  }
0x6a: {  	_ =	shalt  }
0x6b: {  	_ =	shalt  }
0x6c: {  	_ =	shalt  }
0x6d: {  	_ =	shalt  }
0x6e: {  	_ =	shalt  }
0x6f: {  	_ =	shalt  }
0x70: {  	_ =	shalt  }
0x71: {  	_ =	shalt  }
0x72: {  	_ =	shalt  }
0x73: {  	_ =	shalt  }
0x74: {  	_ =	shalt  }
0x75: {  	_ =	shalt  }
0x76: {  	_ =	shalt  }
0x77: {  	_ =	shalt  }
0x78: {  	_ =	shalt  }
0x79: {  	_ =	shalt  }
0x7a: {  	_ =	shalt  }
0x7b: {  	_ =	shalt  }
0x7c: {  	_ =	shalt  }
0x7d: {  	_ =	shalt  }
0x7e: {  	_ =	shalt  }
0x7f: {  	_ =	shalt  }
0x80: {  	_ =	shalt  }
0x81: {  	_ =	shalt  }
0x82: {  	_ =	shalt  }
0x83: {  	_ =	shalt  }
0x84: {  	_ =	shalt  }
0x85: {  	_ =	shalt  }
0x86: {  	_ =	shalt  }
0x87: {  	_ =	shalt  }
.Lfunc_end0:
.L_simem_size_0:
called_computation.1_lowered:
.L_overlay_start_0:
0x88: {  	s2 =	sld [smem:$0x3FD9]  }
0x89: {  	s3 =	sld [smem:$0x3FFE];
	_ =	sdelay $0x1  }
0x8a: {  	s1 =	srdreg.scid  }
0x8b: {  	s0 =	sand.u32 $0x1, s1  }
0x8c: {  	s17 =	sshll.u32 s0, $0xA;
	s2 =	sadd.s32 s3, s2  }
0x8d: {  	s2 =	sadd.s32 s2, s17  }
0x8e: {  	[smem:$0x3FBA] =	sst s2  }
0x8f: {  	_ = 	snop  }
0x90: {  	s2 =	sld [smem:$0x3FD0];
	(tm) =	ssettm $0x1  }
0x91: {  	s18 =	sld [smem:$0x3FFB];
	_ =	sdelay $0x3  }
0x92: {  	_ =	strace s18  }
0x93: {  	s3 =	sld [smem:$0x3FFC];
	_ =	sdelay $0x3  }
0x94: {  	_ =	strace s3  }
0x95: {  	s3 =	sld [smem:$0x3FFD];
	_ =	sdelay $0x3  }
0x96: {  	_ =	strace s3  }
0x97: {  	_ =	strace $0x8FFFFFFF  }
0x98: {  	s19 =	sld [smem:$0x3FDB];
	_ =	sdelay $0x1  }
0x99: {  	s4 =	simm.s32 $_scs_section_size  }
0x9a: {  	s5 =	simm.s32 $_size__tile_overlayer_lowered;
	s6 =	simm.s32 $_tile_overlayer_lowered  }
0x9b: {  	s22 =	simm.s32 $0x1BFF;
	s21 =	sshll.u32 s6, $0x1;
	s3 =	sadd.s32 s4, s19  }
0x9c: {  	s7 =	simm.s32 $0x0;
	s20 =	sshll.u32 s5, $0x1;
	s5 =	sadd.s32 s21, s3  }
0x9d: {  	[timem:s7], [sflag:s22] =	dma.local [hbm:s5], s20  }
0x9e: {  	_ =	swait.ge [sflag:s22], s20  }
0x9f: {  	s4 =	ssub.s32 $0x0, s20;
	[sflag:s22] =	ssyncset.done $0x0  }
0xa0: {  	[sflag:s22] =	ssyncadd.s32 s4;
	_ =	sdelay $0x1  }
0xa1: {  	s23 =	simm.s32 $0x1B8B  }
0xa2: {  	_ =	swait.ge [sflag:s23], $0x1  }
0xa3: {  	[sflag:s23] =	ssyncset.done $0x0  }
0xa4: {  	s25 =	simm.s32 $0x1B8E;
	s24 =	sld [smem:$0x3FFE];
	[sflag:s23] =	ssyncadd.s32 $0xFFFFFFFF  }
0xa5: {  	s26 =	simm.s32 $execute0_lowered;
	[smem:$0x3FD2] =	sst s25  }
0xa6: {  	s5 =	sshll.u32 s26, $0x1;
	_ =	strace $0x80000049;
	[dreg:$0x1] =	wrdreg $0xFFFFFFFF  }
0xa7: {  	s28 =	simm.s32 $_size_execute0_lowered;
	s3 =	sadd.s32 s3, s5;
	[dreg:$0x0] =	wrdreg $0x0  }
0xa8: {  	s5 =	sshll.u32 s28, $0x1;
	[dreg:$0x2] =	wrdreg s3  }
0xa9: {  	[dreg:$0x3] =	wrdreg s5  }
0xaa: {  	[dreg:$0x4] =	wrdreg $0xC0  }
0xab: {  	_ =	task [dreg:s7], $0x5FFFF  }
0xac: {  	[dreg:$0x1] =	wrdreg $0xFFFFFFFF  }
0xad: {  	[dreg:$0x0] =	wrdreg $0x60  }
0xae: {  	[dreg:$0x2] =	wrdreg s24  }
0xaf: {  	[dreg:$0x3] =	wrdreg s2  }
0xb0: {  	[dreg:$0x4] =	wrdreg $0x64A00  }
0xb1: {  	[dreg:$0x5] =	wrdreg $0x9  }
0xb2: {  	_ =	task.clear_ibuf [dreg:s7], $0x6FFFF;
	_ =	strace $0x90000049  }
0xb3: {  	s29 =	simm.s32 $0x9;
	_ =	strace $0x8000004B  }
0xb4: {  	_ =	swait.ge [sflag:s29], $0x1  }
0xb5: {  	[sflag:s29] =	ssyncadd.s32 $0xFFFFFFFF  }
0xb6: {  	_ =	strace $0x9000004B  }
0xb7: {  	_ =	sfence  }
0xb8: {  	s30 =	sld [smem:$0x0];
	_ =	sdelay $0x2  }
0xb9: {  	s31 =	sshll.u32 s1, $0xD;
	s1 =	sshrl.u32 s1, $0x2  }
0xba: {  	s3 =	sand.u32 $0x4000, s31;
	s1 =	sadd.s32 s1, s30  }
0xbb: {  	s0 =	sor.u32 s3, s0;
	s1 =	sshll.u32 s1, $0x11  }
0xbc: {  	s0 =	sor.u32 s1, s0  }
0xbd: {  	s0 =	sadd.s32 $0x8F2B, s0  }
0xbe: {  	[sflag:s0] =	ssyncadd.remote.s32 $0x1  }
0xbf: {  	_ =	sfence.sel $0xFFFF  }
0xc0: {  	[dreg:$0x0] =	wrdreg $0xFFFFFFFF;
	(pc) =	sbr.abs _section_cstart, $3  }
0xc1: {  	[dreg:$0x1] =	wrdreg $0xFFFFFFFF  }
0xc2: {  	_ =	task.clear_ibuf [dreg:s7], $0x2FFFF;
	_ =	strace $0x9FFFFFFF  }
0xc3: {  	(tm) =	ssettm $0x7FFFFFFF  }
tec
execute0_lowered:
.L_overlay_start_1:
0x0: {  	(tag) =	ssettag $0x1  }
0x1: {  	s0 =	srdreg.scid;
	s29 =	stileid.u32  }
0x2: {  	s8 =	sand.u32 $0x1, s0;
	s2 =	smul.u32 $0x3200, s29  }
0x3: {  	s21 =	sor.u32 $0x10, s29;
	s28 =	smul.u32 $0x186A00, s8  }
0x4: {  	s19 =	sor.u32 $0x20, s29;
	s7 =	smul.u32 $0x3200, s21  }
0x5: {  	s20 =	sor.u32 $0x30, s29;
	s9 =	smul.u32 $0x3200, s19  }
0x6: {  	s18 =	sor.u32 $0x40, s29;
	s10 =	smul.u32 $0x3200, s20  }
0x7: {  	s25 =	rddreg [dreg:$0x0];
	s17 =	sor.u32 $0x50, s29;
	s11 =	smul.u32 $0x3200, s18  }
0x8: {  	s16 =	sor.u32 $0x60, s29;
	s0 =	ssub.s32 $0x2, s8;
	s12 =	smul.u32 $0x3200, s17  }
0x9: {  	s15 =	sor.u32 $0x70, s29;
	s13 =	smul.u32 $0x3200, s16;
	s1 =	sshrl.u32 s0, $0x1  }
0xa: {  	s14 =	smul.u32 $0x3200, s15;
	s0 =	ssub.s32 s0, s1;
	s3 =	sadd.s32 s2, s28  }
0xb: {  	s4 =	sadd.s32 s28, s7;
	s5 =	sadd.s32 s28, s9;
	s6 =	sadd.s32 s28, s10  }
0xc: {  	s22 =	sadd.s32 s28, s11;
	s23 =	sadd.s32 s28, s12;
	s1 =	sadd.s32 s28, s14  }
0xd: {  	s3 =	sshrl.u32 s3, $0x3;
	s26 =	sshrl.u32 s1, $0x3;
	s1 =	sadd.s32 $0x74C400, s25  }
0xe: {  	s24 =	sadd.s32 s28, s13;
	s4 =	sshrl.u32 s4, $0x3;
	s28 =	sadd.s32 s1, s3  }
0xf: {  	s5 =	sshrl.u32 s5, $0x3;
	s30 =	sadd.s32 s1, s4;
	[dreg:$0x4] =	wrdreg s28  }
0x10: {  	s6 =	sshrl.u32 s6, $0x3;
	s31 =	sadd.s32 s1, s5;
	[dreg:$0x5] =	wrdreg s30  }
0x11: {  	s22 =	sshrl.u32 s22, $0x3;
	[dreg:$0x6] =	wrdreg s31;
	s30 =	sadd.s32 s1, s6  }
0x12: {  	s23 =	sshrl.u32 s23, $0x3;
	s31 =	sadd.s32 s1, s22;
	[dreg:$0x7] =	wrdreg s30  }
0x13: {  	s24 =	sshrl.u32 s24, $0x3;
	[dreg:$0x8] =	wrdreg s31;
	s30 =	sadd.s32 s1, s23  }
0x14: {  	s31 =	sadd.s32 s1, s24;
	s1 =	sadd.s32 s1, s26;
	[dreg:$0x9] =	wrdreg s30  }
0x15: {  	[dreg:$0xb] =	wrdreg s1;
	s1 =	sadd.s32 $0x6EA800, s25  }
0x16: {  	[dreg:$0xa] =	wrdreg s31;
	s30 =	sadd.s32 s1, s3  }
0x17: {  	s31 =	sadd.s32 s1, s4;
	[dreg:$0xc] =	wrdreg s30  }
0x18: {  	[dreg:$0xd] =	wrdreg s31;
	s30 =	sadd.s32 s1, s5  }
0x19: {  	s31 =	sadd.s32 s1, s6;
	[dreg:$0xe] =	wrdreg s30  }
0x1a: {  	[dreg:$0xf] =	wrdreg s31;
	s30 =	sadd.s32 s1, s22  }
0x1b: {  	s31 =	sadd.s32 s1, s23;
	[dreg:$0x10] =	wrdreg s30  }
0x1c: {  	[dreg:$0x11] =	wrdreg s31;
	s30 =	sadd.s32 s1, s24;
	s1 =	sadd.s32 s1, s26  }
0x1d: {  	[dreg:$0x13] =	wrdreg s1;
	s1 =	sadd.s32 $0x688C00, s25  }
0x1e: {  	[dreg:$0x12] =	wrdreg s30;
	s31 =	sadd.s32 s1, s3  }
0x1f: {  	s28 =	sadd.s32 $0x627000, s25;
	s30 =	sadd.s32 s1, s4;
	[dreg:$0x14] =	wrdreg s31  }
0x20: {  	s3 =	sadd.s32 s28, s3;
	[dreg:$0x15] =	wrdreg s30  }
0x21: {  	s21 =	smul.u32 $0xC800, s21;
	s31 =	sadd.s32 s1, s5;
	[dreg:$0x1c] =	wrdreg s3  }
0x22: {  	s19 =	smul.u32 $0xC800, s19;
	s30 =	sadd.s32 s1, s6;
	[dreg:$0x16] =	wrdreg s31  }
0x23: {  	s20 =	smul.u32 $0xC800, s20;
	s3 =	sadd.s32 s28, s6;
	[dreg:$0x17] =	wrdreg s30  }
0x24: {  	s18 =	smul.u32 $0xC800, s18;
	s6 =	sadd.s32 s28, s24;
	[dreg:$0x1f] =	wrdreg s3  }
0x25: {  	p0 =	sgt.u32 s29, $0xC;
	s17 =	smul.u32 $0xC800, s17;
	[smem:$0x7E4] =	sst s6  }
0x26: {  	s16 =	smul.u32 $0xC800, s16;
	s31 =	sadd.s32 s1, s22;
	s3 =	rddreg [dreg:$0x1]  }
0x27: {  	s15 =	smul.u32 $0xC800, s15;
	s30 =	sadd.s32 s1, s23;
	[dreg:$0x18] =	wrdreg s31  }
0x28: {  	s21 =	sshrl.u32 s21, $0x2;
	[dreg:$0x19] =	wrdreg s30;
	s31 =	sadd.s32 s1, s24  }
0x29: {  	s19 =	sshrl.u32 s19, $0x2;
	s1 =	sadd.s32 s1, s26;
	[dreg:$0x1a] =	wrdreg s31  }
0x2a: {  	s20 =	sshrl.u32 s20, $0x2;
	s30 =	sadd.s32 s28, s4;
	[dreg:$0x1b] =	wrdreg s1  }
0x2b: {  	s18 =	sshrl.u32 s18, $0x2;
	s4 =	sadd.s32 s28, s22;
	[dreg:$0x1d] =	wrdreg s30  }
0x2c: {  	s17 =	sshrl.u32 s17, $0x2;
	s31 =	sadd.s32 s28, s5;
	[smem:$0x7E2] =	sst s4  }
0x2d: {  	s16 =	sshrl.u32 s16, $0x2;
	s5 =	sadd.s32 s28, s23;
	[dreg:$0x1e] =	wrdreg s31  }
0x2e: {  	s15 =	sshrl.u32 s15, $0x2;
	s23 =	sadd.s32 s28, s26;
	[smem:$0x7E3] =	sst s5  }
0x2f: {  	s0 =	smax.u32 s0, $0x1;
	s1 =	simm.s32 $0x0;
	[smem:$0x7E5] =	sst s23  }
0x30: {  	s6 =	sadd.s32 $0x2A00, s25;
	s22 =	smul.u32 $0x30D400, s8;
	[smem:$0x7FF] =	sst s1  }
0x31: {  	s24 =	smul.u32 $0x30D40, s29;
	s4 =	sadd.s32 $0xC800, s25;
	s5 =	rddreg [dreg:$0x2]  }
0x32: {  	_ =	strace $0x8000004A;
	s21 =	sadd.s32 s21, s5;
	[smem:$0x7F6] =	sst s0  }
0x33: {  	s26 =	smul.u32 $0x27100, s8;
	s19 =	sadd.s32 s19, s5;
	[smem:$0x7E7] =	sst s21  }
0x34: {  	s30 =	smul.u32 $0x2710, s29;
	s18 =	sadd.s32 s18, s5;
	[smem:$0x7E8] =	sst s19  }
0x35: {  	s8 =	sshll.u32 s8, $0x4;
	s17 =	sadd.s32 s17, s5;
	[smem:$0x7EA] =	sst s18  }
0x36: {  	s28 =	sadd.s32 s22, s4;
	s16 =	sadd.s32 s16, s5;
	[smem:$0x7EB] =	sst s17  }
0x37: {  	s31 =	smul.u32 $0xC800, s29;
	s15 =	sadd.s32 s15, s5;
	[smem:$0x7EC] =	sst s16  }
0x38: {  	s23 =	sadd.s32 s24, s28;
	s2 =	sadd.s32 s2, s5;
	[smem:$0x7ED] =	sst s15  }
0x39: {  	s22 =	sadd.s32 s30, s26;
	s7 =	sadd.s32 s7, s5;
	[smem:$0x7EE] =	sst s2  }
0x3a: {  	s28 =	sor.u32 s29, s8;
	s9 =	sadd.s32 s9, s5;
	[smem:$0x7EF] =	sst s7  }
0x3b: {  	s10 =	sadd.s32 s10, s5;
	s11 =	sadd.s32 s11, s5;
	[smem:$0x7F0] =	sst s9  }
0x3c: {  	s12 =	sadd.s32 s12, s5;
	s13 =	sadd.s32 s13, s5;
	[smem:$0x7F1] =	sst s10  }
0x3d: {  	s26 =	sshrl.u32 s31, $0x2;
	s31 =	sshll.u32 s29, $0x6;
	[smem:$0x7F2] =	sst s11  }
0x3e: {  	s21 =	sadd.s32 s20, s5;
	s24 =	smul.u32 $0x2710, s28;
	[smem:$0x7F3] =	sst s12  }
0x3f: {  	s28 =	smul.u32 $0x30D40, s28;
	[smem:$0x7F4] =	sst s13;
	s17 =	sadd.s32 s14, s5  }
0x40: {  	s25 =	sadd.s32 $0x140, s22;
	s11 =	simm.s32 $0x7;
	s12 =	simm.s32 $0xA0  }
0x41: {  	s13 =	simm.s32 $0x1;
	s14 =	simm.s32 $0x3;
	[smem:$0x7E9] =	sst s21  }
0x42: {  	s15 =	simm.s32 $0x50;
	s30 =	sadd.s32 s26, s5;
	[smem:$0x7F5] =	sst s17  }
0x43: {  	s8 =	sor.u32 $0x1C07, s31;
	[smem:$0x7E6] =	sst s30;
	s30 =	sshrl.u32 s24, $0x3  }
0x44: {  	s31 =	sadd.s32 s4, s28;
	s18 =	sadd.s32 $0x50, s24;
	s19 =	sadd.s32 $0xA0, s24  }
0x45: {  	s28 =	sadd.s32 $0xF0, s22;
	s22 =	simm.s32 $0x4;
	s26 =	sadd.s32 s6, s30  }
0x46: {  	s16 =	smul.u32 $0x14, s18;
	s20 =	sshrl.u32 s18, $0x3;
	s24 =	sshrl.u32 s19, $0x3  }
0x47: {  	s30 =	sadd.s32 $0x1900, s23;
	s2 =	sshrl.u32 s28, $0x3;
	[smem:$0x7FB] =	sst s31  }
0x48: {  	s31 =	sadd.s32 $0xC80, s31;
	s23 =	simm.s32 $0x5;
	[smem:$0x7FA] =	sst s30  }
0x49: {  	s0 =	sadd.s32 s6, s20;
	s9 =	sadd.s32 s2, s6;
	[smem:$0x7FC] =	sst s31  }
0x4a: {  	s20 =	simm.s32 $0x32A0;
	s2 =	simm.s32 $0x0;
	[smem:$0x7FD] =	sst s26  }
0x4b: {  	[smem:$0x7F7] =	sst s0;
	s21 =	sadd.s32 s4, s16;
	s0 =	sadd.s32 s6, s24  }
0x4c: {  	s24 =	simm.s32 $0x6;
	[smem:$0x7F9] =	sst s0;
	s0 =	sshrl.u32 s25, $0x3  }
0x4d: {  	[smem:$0x7F8] =	sst s21;
	s21 =	simm.s32 $0x2;
	s7 =	sadd.s32 s0, s6  }
.LBB2_1:
0x4e: {  	s0 =	sld [smem:$0x7E6];
	_ =	sdelay $0x2  }
0x4f: {  	[smem:$0x7DE] =	sst s2;
	s0 =	sshrl.u32 s0, $0x3  }
0x50: {  	[smem:$0x7DF] =	sst s0  }
0x51: {  	[spmem:s0], [sflag:s8] =	dma.local [hbm:s3], $0x640  }
0x52: {  	_ =	swait.ge [sflag:s11], $0x640  }
0x53: {  	s2 =	sld [smem:$0x7E7];
	_ =	sdelay $0x2  }
0x54: {  	[sflag:s11] =	ssyncset.done $0x0;
	s0 =	sshrl.u32 s2, $0x3  }
0x55: {  	[sflag:s11] =	ssyncadd.s32 $0xFFFFF9C0;
	[smem:$0x7E0] =	sst s0  }
0x56: {  	[spmem:s0], [sflag:s8] =	dma.local [hbm:s3], $0x640  }
0x57: {  	_ =	swait.ge [sflag:s11], $0x640  }
0x58: {  	s10 =	sld [smem:$0x7E8];
	_ =	sdelay $0x2  }
0x59: {  	[sflag:s11] =	ssyncset.done $0x0;
	s0 =	sshrl.u32 s10, $0x3  }
0x5a: {  	[sflag:s11] =	ssyncadd.s32 $0xFFFFF9C0;
	[smem:$0x7E1] =	sst s0  }
0x5b: {  	[spmem:s0], [sflag:s8] =	dma.local [hbm:s3], $0x640  }
0x5c: {  	_ =	swait.ge [sflag:s11], $0x640  }
0x5d: {  	s16 =	sld [smem:$0x7E9];
	_ =	sdelay $0x1  }
0x5e: {  	[sflag:s11] =	ssyncset.done $0x0  }
0x5f: {  	[sflag:s11] =	ssyncadd.s32 $0xFFFFF9C0;
	s28 =	sshrl.u32 s16, $0x3  }
0x60: {  	[spmem:s28], [sflag:s8] =	dma.local [hbm:s3], $0x640  }
0x61: {  	_ =	swait.ge [sflag:s11], $0x640  }
0x62: {  	s17 =	sld [smem:$0x7EA];
	_ =	sdelay $0x1  }
0x63: {  	[sflag:s11] =	ssyncset.done $0x0  }
0x64: {  	[sflag:s11] =	ssyncadd.s32 $0xFFFFF9C0;
	s29 =	sshrl.u32 s17, $0x3  }
0x65: {  	[spmem:s29], [sflag:s8] =	dma.local [hbm:s3], $0x640  }
0x66: {  	_ =	swait.ge [sflag:s11], $0x640  }
0x67: {  	s25 =	sld [smem:$0x7EB];
	_ =	sdelay $0x1  }
0x68: {  	[sflag:s11] =	ssyncset.done $0x0  }
0x69: {  	[sflag:s11] =	ssyncadd.s32 $0xFFFFF9C0;
	s30 =	sshrl.u32 s25, $0x3  }
0x6a: {  	[spmem:s30], [sflag:s8] =	dma.local [hbm:s3], $0x640  }
0x6b: {  	_ =	swait.ge [sflag:s11], $0x640  }
0x6c: {  	s2 =	sld [smem:$0x7EC];
	_ =	sdelay $0x1  }
0x6d: {  	[sflag:s11] =	ssyncset.done $0x0  }
0x6e: {  	[sflag:s11] =	ssyncadd.s32 $0xFFFFF9C0;
	s31 =	sshrl.u32 s2, $0x3  }
0x6f: {  	[spmem:s31], [sflag:s8] =	dma.local [hbm:s3], $0x640  }
0x70: {  	_ =	swait.ge [sflag:s11], $0x640  }
0x71: {  	s0 =	sld [smem:$0x7ED];
	_ =	sdelay $0x1  }
0x72: {  	[sflag:s11] =	ssyncset.done $0x0  }
0x73: {  	s2 =	simm.s32 @!p0 $0x7;
	[sflag:s11] =	ssyncadd.s32 $0xFFFFF9C0;
	s0 =	sshrl.u32 @!p0 s0, $0x3  }
0x74: {  	[spmem:s0], [sflag:s8] =	dma.local @!p0 [hbm:s3], $0x640  }
0x75: {  	_ =	swait.ge @!p0 [sflag:s2], $0x640  }
0x76: {  	[sflag:s2] =	ssyncset.done @!p0 $0x0  }
0x77: {  	[sflag:s2] =	ssyncadd.s32 @!p0 $0xFFFFF9C0  }
0x78: {  	[bflag:$0x0] =	sbarrier.arrive $0xFFFF  }
0x79: {  	s10 =	sld [smem:$0x7FB]  }
0x7a: {  	[tilespmem:s1], [sflag:$0x1] =	stream.linear.gather [hbm4b:s26+s1], $0x50, $0x38;
	[tilespmem:$0x1EB40] =	vst v63  }
0x7b: {  	_ = 	snop  }
0x7c: {  	[tilespmem:s12], [sflag:$0x3] =	stream.linear.gather [hbm4b:s10+s1], $0x3200, $0x38;
	[tilespmem:$0x1EB40] =	vst v63  }
0x7d: {  	_ =	swait.ge [sflag:s13], $0x50  }
0x7e: {  	[sflag:s13] =	ssyncset.done $0x0  }
0x7f: {  	[sflag:s13] =	ssyncadd.s32 $0xFFFFFFB0  }
0x80: {  	_ =	swait.ge [sflag:s14], $0x3200  }
0x81: {  	s16 =	sld [smem:$0x7F7]  }
0x82: {  	[sflag:s14] =	ssyncset.done $0x0  }
0x83: {  	s17 =	sld [smem:$0x7F8];
	[sflag:s14] =	ssyncadd.s32 $0xFFFFCE00  }
0x84: {  	[tilespmem:s15], [sflag:$0x2] =	stream.linear.gather [hbm4b:s16+s1], $0x50, $0x38;
	[tilespmem:$0x1EB40] =	vst v63  }
0x85: {  	_ = 	snop  }
0x86: {  	[tilespmem:s20], [sflag:$0x4] =	stream.linear.gather [hbm4b:s17+s1], $0x3200, $0x38;
	[tilespmem:$0x1EB40] =	vst v63  }
0x87: {  	_ = 	snop  }
0x88: {  	[spmem:s5] =	stream.indirect.scatter.add.f32 [tilespmem:s12], [sflag:$0x5], $0xA0, s1, s15, $0xb8;
	[tilespmem:$0x1EB40] =	vst v63  }
0x89: {  	_ =	swait.ge [sflag:s21], $0x50  }
0x8a: {  	[sflag:s21] =	ssyncset.done $0x0  }
0x8b: {  	[sflag:s21] =	ssyncadd.s32 $0xFFFFFFB0  }
0x8c: {  	_ =	swait.ge [sflag:s22], $0x3200  }
0x8d: {  	[sflag:s22] =	ssyncset.done $0x0  }
0x8e: {  	[sflag:s22] =	ssyncadd.s32 $0xFFFFCE00  }
0x8f: {  	_ =	swait.ge [sflag:s23], $0x3200  }
0x90: {  	s25 =	sld [smem:$0x7F9]  }
0x91: {  	[sflag:s23] =	ssyncset.done $0x0  }
0x92: {  	s10 =	sld [smem:$0x7FC];
	[sflag:s23] =	ssyncadd.s32 $0xFFFFCE00  }
0x93: {  	[tilespmem:s1], [sflag:$0x1] =	stream.linear.gather [hbm4b:s25+s1], $0x50, $0x38;
	[tilespmem:$0x1EB40] =	vst v63  }
0x94: {  	_ = 	snop  }
0x95: {  	[tilespmem:s12], [sflag:$0x3] =	stream.linear.gather [hbm4b:s10+s1], $0x3200, $0x38;
	[tilespmem:$0x1EB40] =	vst v63  }
0x96: {  	_ = 	snop  }
0x97: {  	[spmem:s5] =	stream.indirect.scatter.add.f32 [tilespmem:s20], [sflag:$0x6], $0xA0, s15, s15, $0xb8;
	[tilespmem:$0x1EB40] =	vst v63  }
0x98: {  	_ =	swait.ge [sflag:s13], $0x50  }
0x99: {  	[sflag:s13] =	ssyncset.done $0x0  }
0x9a: {  	[sflag:s13] =	ssyncadd.s32 $0xFFFFFFB0  }
0x9b: {  	_ =	swait.ge [sflag:s14], $0x3200  }
0x9c: {  	[sflag:s14] =	ssyncset.done $0x0  }
0x9d: {  	[sflag:s14] =	ssyncadd.s32 $0xFFFFCE00  }
0x9e: {  	_ =	swait.ge [sflag:s24], $0x3200  }
0x9f: {  	[sflag:s24] =	ssyncset.done $0x0;
	s10 =	sld [smem:$0x7FA]  }
0xa0: {  	s16 =	sadd.s32 $0x0, s9;
	[sflag:s24] =	ssyncadd.s32 $0xFFFFCE00  }
0xa1: {  	[tilespmem:s15], [sflag:$0x2] =	stream.linear.gather [hbm4b:s16+s1], $0x50, $0x38;
	[tilespmem:$0x1EB40] =	vst v63  }
0xa2: {  	s17 =	sadd.s32 $0xFFFFF9C0, s10  }
0xa3: {  	[tilespmem:s20], [sflag:$0x4] =	stream.linear.gather [hbm4b:s17+s1], $0x3200, $0x38;
	[tilespmem:$0x1EB40] =	vst v63  }
0xa4: {  	_ = 	snop  }
0xa5: {  	[spmem:s5] =	stream.indirect.scatter.add.f32 [tilespmem:s12], [sflag:$0x5], $0xA0, s1, s15, $0xb8;
	[tilespmem:$0x1EB40] =	vst v63  }
0xa6: {  	_ =	swait.ge [sflag:s21], $0x50  }
0xa7: {  	[sflag:s21] =	ssyncset.done $0x0  }
0xa8: {  	[sflag:s21] =	ssyncadd.s32 $0xFFFFFFB0  }
0xa9: {  	_ =	swait.ge [sflag:s22], $0x3200  }
0xaa: {  	[sflag:s22] =	ssyncset.done $0x0  }
0xab: {  	[sflag:s22] =	ssyncadd.s32 $0xFFFFCE00  }
0xac: {  	_ =	swait.ge [sflag:s23], $0x3200  }
0xad: {  	[sflag:s23] =	ssyncset.done $0x0  }
0xae: {  	s25 =	sadd.s32 $0x0, s7;
	[sflag:s23] =	ssyncadd.s32 $0xFFFFCE00  }
0xaf: {  	[tilespmem:s1], [sflag:$0x1] =	stream.linear.gather [hbm4b:s25+s1], $0x50, $0x38;
	[tilespmem:$0x1EB40] =	vst v63  }
0xb0: {  	_ = 	snop  }
0xb1: {  	[tilespmem:s12], [sflag:$0x3] =	stream.linear.gather [hbm4b:s10+s1], $0x3200, $0x38;
	[tilespmem:$0x1EB40] =	vst v63  }
0xb2: {  	s2 =	simm.s32 $0x14;
	s10 =	sadd.s32 $0xC80, s10  }
.LBB2_2:
0xb3: {  	[spmem:s5] =	stream.indirect.scatter.add.f32 [tilespmem:s20], [sflag:$0x6], $0xA0, s15, s15, $0xb8;
	[tilespmem:$0x1EB40] =	vst v63  }
0xb4: {  	s16 =	smov.u32 s2  }
0xb5: {  	p1 =	sne.s32 s2, $0x4B0;
	s2 =	sadd.s32 $0x14, s2;
	_ =	swait.ge [sflag:s13], $0x50  }
0xb6: {  	[sflag:s13] =	ssyncset.done $0x0  }
0xb7: {  	[sflag:s13] =	ssyncadd.s32 $0xFFFFFFB0  }
0xb8: {  	_ =	swait.ge [sflag:s14], $0x3200  }
0xb9: {  	[sflag:s14] =	ssyncset.done $0x0  }
0xba: {  	[sflag:s14] =	ssyncadd.s32 $0xFFFFCE00  }
0xbb: {  	_ =	swait.ge [sflag:s24], $0x3200  }
0xbc: {  	[sflag:s24] =	ssyncset.done $0x0  }
0xbd: {  	s17 =	sadd.s32 s16, s9;
	[sflag:s24] =	ssyncadd.s32 $0xFFFFCE00  }
0xbe: {  	[tilespmem:s15], [sflag:$0x2] =	stream.linear.gather [hbm4b:s17+s1], $0x50, $0x38;
	[tilespmem:$0x1EB40] =	vst v63  }
0xbf: {  	s17 =	sadd.s32 $0xFFFFF9C0, s10  }
0xc0: {  	[tilespmem:s20], [sflag:$0x4] =	stream.linear.gather [hbm4b:s17+s1], $0x3200, $0x38;
	[tilespmem:$0x1EB40] =	vst v63  }
0xc1: {  	_ = 	snop  }
0xc2: {  	[spmem:s5] =	stream.indirect.scatter.add.f32 [tilespmem:s12], [sflag:$0x5], $0xA0, s1, s15, $0xb8;
	[tilespmem:$0x1EB40] =	vst v63  }
0xc3: {  	_ =	swait.ge [sflag:s21], $0x50  }
0xc4: {  	[sflag:s21] =	ssyncset.done $0x0  }
0xc5: {  	[sflag:s21] =	ssyncadd.s32 $0xFFFFFFB0  }
0xc6: {  	_ =	swait.ge [sflag:s22], $0x3200  }
0xc7: {  	[sflag:s22] =	ssyncset.done $0x0  }
0xc8: {  	[sflag:s22] =	ssyncadd.s32 $0xFFFFCE00  }
0xc9: {  	_ =	swait.ge [sflag:s23], $0x3200  }
0xca: {  	[sflag:s23] =	ssyncset.done $0x0  }
.Ltmp0:
0xcb: {  	s16 =	sadd.s32 s16, s7;
	[sflag:s23] =	ssyncadd.s32 $0xFFFFCE00;
	(pc) =	sbr.rel @p1 .LBB2_2-.Ltmp0, $4  }
0xcc: {  	[tilespmem:s1], [sflag:$0x1] =	stream.linear.gather [hbm4b:s16+s1], $0x50, $0x38;
	[tilespmem:$0x1EB40] =	vst v63  }
0xcd: {  	_ = 	snop  }
0xce: {  	[tilespmem:s12], [sflag:$0x3] =	stream.linear.gather [hbm4b:s10+s1], $0x3200, $0x38;
	[tilespmem:$0x1EB40] =	vst v63  }
0xcf: {  	s10 =	sadd.s32 $0xC80, s10  }
0xd0: {  	[spmem:s5] =	stream.indirect.scatter.add.f32 [tilespmem:s20], [sflag:$0x6], $0xA0, s15, s15, $0xb8;
	[tilespmem:$0x1EB40] =	vst v63  }
0xd1: {  	_ =	swait.ge [sflag:s13], $0x50  }
0xd2: {  	[sflag:s13] =	ssyncset.done $0x0  }
0xd3: {  	[sflag:s13] =	ssyncadd.s32 $0xFFFFFFB0  }
0xd4: {  	_ =	swait.ge [sflag:s14], $0x3200  }
0xd5: {  	[sflag:s14] =	ssyncset.done $0x0  }
0xd6: {  	[sflag:s14] =	ssyncadd.s32 $0xFFFFCE00  }
0xd7: {  	_ =	swait.ge [sflag:s24], $0x3200  }
0xd8: {  	[sflag:s24] =	ssyncset.done $0x0  }
0xd9: {  	[sflag:s24] =	ssyncadd.s32 $0xFFFFCE00  }
0xda: {  	[spmem:s5] =	stream.indirect.scatter.add.f32 [tilespmem:s12], [sflag:$0x5], $0xA0, s1, s15, $0xb8;
	[tilespmem:$0x1EB40] =	vst v63  }
0xdb: {  	_ =	swait.ge [sflag:s23], $0x3200  }
0xdc: {  	[sflag:s23] =	ssyncset.done $0x0  }
0xdd: {  	[sflag:s23] =	ssyncadd.s32 $0xFFFFCE00  }
0xde: {  	[bflag:$0x0] =	sbarrier.arrive $0xFFFF  }
0xdf: {  	s2 =	sld [smem:$0x7EE];
	_ =	sdelay $0x2  }
0xe0: {  	s25 =	rddreg [dreg:$0x4];
	s10 =	sshrl.u32 s2, $0x3  }
0xe1: {  	[smem:$0x7D6] =	sst s10  }
0xe2: {  	[hbm:s25], [sflag:s8] =	dma.local [spmem:s10], $0x640  }
0xe3: {  	_ =	swait.ge [sflag:s11], $0x640  }
0xe4: {  	s16 =	sld [smem:$0x7EF];
	_ =	sdelay $0x2  }
0xe5: {  	[sflag:s11] =	ssyncset.done $0x0;
	s25 =	rddreg [dreg:$0x5];
	s17 =	sshrl.u32 s16, $0x3  }
0xe6: {  	[sflag:s11] =	ssyncadd.s32 $0xFFFFF9C0;
	[smem:$0x7D7] =	sst s17  }
0xe7: {  	[hbm:s25], [sflag:s8] =	dma.local [spmem:s17], $0x640  }
0xe8: {  	_ =	swait.ge [sflag:s11], $0x640  }
0xe9: {  	s16 =	sld [smem:$0x7F0];
	_ =	sdelay $0x2  }
0xea: {  	[sflag:s11] =	ssyncset.done $0x0;
	s25 =	rddreg [dreg:$0x6];
	s17 =	sshrl.u32 s16, $0x3  }
0xeb: {  	[sflag:s11] =	ssyncadd.s32 $0xFFFFF9C0;
	[smem:$0x7D8] =	sst s17  }
0xec: {  	[hbm:s25], [sflag:s8] =	dma.local [spmem:s17], $0x640  }
0xed: {  	_ =	swait.ge [sflag:s11], $0x640  }
0xee: {  	s16 =	sld [smem:$0x7F1];
	_ =	sdelay $0x2  }
0xef: {  	[sflag:s11] =	ssyncset.done $0x0;
	s25 =	rddreg [dreg:$0x7];
	s17 =	sshrl.u32 s16, $0x3  }
0xf0: {  	[sflag:s11] =	ssyncadd.s32 $0xFFFFF9C0;
	[smem:$0x7D9] =	sst s17  }
0xf1: {  	[hbm:s25], [sflag:s8] =	dma.local [spmem:s17], $0x640  }
0xf2: {  	_ =	swait.ge [sflag:s11], $0x640  }
0xf3: {  	s16 =	sld [smem:$0x7F2];
	_ =	sdelay $0x2  }
0xf4: {  	[sflag:s11] =	ssyncset.done $0x0;
	s25 =	rddreg [dreg:$0x8];
	s17 =	sshrl.u32 s16, $0x3  }
0xf5: {  	[sflag:s11] =	ssyncadd.s32 $0xFFFFF9C0;
	[smem:$0x7DA] =	sst s17  }
0xf6: {  	[hbm:s25], [sflag:s8] =	dma.local [spmem:s17], $0x640  }
0xf7: {  	_ =	swait.ge [sflag:s11], $0x640  }
0xf8: {  	s16 =	sld [smem:$0x7F3];
	_ =	sdelay $0x2  }
0xf9: {  	[sflag:s11] =	ssyncset.done $0x0;
	s25 =	rddreg [dreg:$0x9];
	s17 =	sshrl.u32 s16, $0x3  }
0xfa: {  	[sflag:s11] =	ssyncadd.s32 $0xFFFFF9C0;
	[smem:$0x7DB] =	sst s17  }
0xfb: {  	[hbm:s25], [sflag:s8] =	dma.local [spmem:s17], $0x640  }
0xfc: {  	_ =	swait.ge [sflag:s11], $0x640  }
0xfd: {  	s16 =	sld [smem:$0x7F4];
	_ =	sdelay $0x2  }
0xfe: {  	[sflag:s11] =	ssyncset.done $0x0;
	s25 =	rddreg [dreg:$0xa];
	s17 =	sshrl.u32 s16, $0x3  }
0xff: {  	[sflag:s11] =	ssyncadd.s32 $0xFFFFF9C0;
	[smem:$0x7DC] =	sst s17  }
0x100: {  	[hbm:s25], [sflag:s8] =	dma.local [spmem:s17], $0x640  }
0x101: {  	_ =	swait.ge [sflag:s11], $0x640  }
0x102: {  	s2 =	sld [smem:$0x7F5];
	_ =	sdelay $0x2  }
0x103: {  	[sflag:s11] =	ssyncset.done $0x0;
	s10 =	sshrl.u32 @!p0 s2, $0x3;
	s2 =	rddreg [dreg:$0xb]  }
0x104: {  	[sflag:s11] =	ssyncadd.s32 $0xFFFFF9C0;
	[smem:$0x7DD] =	sst s10  }
0x105: {  	[hbm:s2], [sflag:s8] =	dma.local @!p0 [spmem:s10], $0x640  }
0x106: {  	s2 =	simm.s32 @!p0 $0x7  }
0x107: {  	_ =	swait.ge @!p0 [sflag:s2], $0x640  }
0x108: {  	[sflag:s2] =	ssyncset.done @!p0 $0x0  }
0x109: {  	[sflag:s2] =	ssyncadd.s32 @!p0 $0xFFFFF9C0  }
0x10a: {  	[bflag:$0x0] =	sbarrier.arrive $0xFFFF  }
0x10b: {  	s16 =	sld [smem:$0x7DF];
	_ =	sdelay $0x2  }
0x10c: {  	[spmem:s16], [sflag:s8] =	dma.local [hbm:s3], $0x640  }
0x10d: {  	_ =	swait.ge [sflag:s11], $0x640  }
0x10e: {  	s17 =	sld [smem:$0x7E0]  }
0x10f: {  	[sflag:s11] =	ssyncset.done $0x0  }
0x110: {  	[sflag:s11] =	ssyncadd.s32 $0xFFFFF9C0  }
0x111: {  	[spmem:s17], [sflag:s8] =	dma.local [hbm:s3], $0x640  }
0x112: {  	_ =	swait.ge [sflag:s11], $0x640  }
0x113: {  	s25 =	sld [smem:$0x7E1]  }
0x114: {  	[sflag:s11] =	ssyncset.done $0x0  }
0x115: {  	[sflag:s11] =	ssyncadd.s32 $0xFFFFF9C0  }
0x116: {  	[spmem:s25], [sflag:s8] =	dma.local [hbm:s3], $0x640  }
0x117: {  	_ =	swait.ge [sflag:s11], $0x640  }
0x118: {  	[sflag:s11] =	ssyncset.done $0x0  }
0x119: {  	[sflag:s11] =	ssyncadd.s32 $0xFFFFF9C0  }
0x11a: {  	[spmem:s28], [sflag:s8] =	dma.local [hbm:s3], $0x640  }
0x11b: {  	_ =	swait.ge [sflag:s11], $0x640  }
0x11c: {  	[sflag:s11] =	ssyncset.done $0x0  }
0x11d: {  	[sflag:s11] =	ssyncadd.s32 $0xFFFFF9C0  }
0x11e: {  	[spmem:s29], [sflag:s8] =	dma.local [hbm:s3], $0x640  }
0x11f: {  	_ =	swait.ge [sflag:s11], $0x640  }
0x120: {  	[sflag:s11] =	ssyncset.done $0x0  }
0x121: {  	[sflag:s11] =	ssyncadd.s32 $0xFFFFF9C0  }
0x122: {  	[spmem:s30], [sflag:s8] =	dma.local [hbm:s3], $0x640  }
0x123: {  	_ =	swait.ge [sflag:s11], $0x640  }
0x124: {  	[sflag:s11] =	ssyncset.done $0x0  }
0x125: {  	[sflag:s11] =	ssyncadd.s32 $0xFFFFF9C0  }
0x126: {  	[spmem:s31], [sflag:s8] =	dma.local [hbm:s3], $0x640  }
0x127: {  	_ =	swait.ge [sflag:s11], $0x640  }
0x128: {  	[sflag:s11] =	ssyncset.done $0x0  }
0x129: {  	[sflag:s11] =	ssyncadd.s32 $0xFFFFF9C0  }
0x12a: {  	[spmem:s0], [sflag:s8] =	dma.local @!p0 [hbm:s3], $0x640  }
0x12b: {  	_ =	swait.ge @!p0 [sflag:s2], $0x640  }
0x12c: {  	[sflag:s2] =	ssyncset.done @!p0 $0x0  }
0x12d: {  	[sflag:s2] =	ssyncadd.s32 @!p0 $0xFFFFF9C0  }
0x12e: {  	s2 =	simm.s32 $0x0;
	[bflag:$0x0] =	sbarrier.arrive $0xFFFF  }
0x12f: {  	[tilespmem:s2], [sflag:$0x1] =	stream.linear.gather [hbm4b:s26+s2], $0x50, $0x38;
	[tilespmem:$0x1EB40] =	vst v63  }
0x130: {  	s26 =	sld [smem:$0x7FB];
	_ =	sdelay $0x1  }
0x131: {  	s10 =	simm.s32 $0x0  }
0x132: {  	[tilespmem:s12], [sflag:$0x3] =	stream.linear.gather [hbm4b:s26+s2], $0x3200, $0x38;
	[tilespmem:$0x1EB40] =	vst v63  }
.LBB2_4:
0x133: {  	_ =	swait.ge [sflag:s13], $0x50  }
0x134: {  	[sflag:s13] =	ssyncset.done $0x0  }
0x135: {  	[sflag:s13] =	ssyncadd.s32 $0xFFFFFFB0  }
0x136: {  	_ =	swait.ge [sflag:s14], $0x3200  }
0x137: {  	p1 =	seq.s32 s10, $0x0;
	s25 =	smul.u32 $0xA0, s10;
	[sflag:s14] =	ssyncset.done $0x0  }
0x138: {  	s16 =	simm.s32 @!p1 $0x6;
	[sflag:s14] =	ssyncadd.s32 $0xFFFFCE00  }
0x139: {  	s17 =	sadd.s32 s25, s18;
	_ =	swait.ge @!p1 [sflag:s16], $0x3200  }
0x13a: {  	s26 =	sshrl.u32 s17, $0x3;
	[sflag:s16] =	ssyncset.done @!p1 $0x0  }
0x13b: {  	s17 =	smul.u32 $0x14, s17;
	s26 =	sadd.s32 s6, s26;
	[sflag:s16] =	ssyncadd.s32 @!p1 $0xFFFFCE00  }
0x13c: {  	[tilespmem:s15], [sflag:$0x2] =	stream.linear.gather [hbm4b:s26+s2], $0x50, $0x38;
	[tilespmem:$0x1EB40] =	vst v63  }
0x13d: {  	s16 =	simm.s32 $0x0;
	s26 =	sadd.s32 s4, s17  }
0x13e: {  	[tilespmem:s20], [sflag:$0x4] =	stream.linear.gather [hbm4b:s26+s2], $0x3200, $0x38;
	[tilespmem:$0x1EB40] =	vst v63  }
0x13f: {  	v0 =	vld [tilespmem:s16+$0xA0]  }
0x140: {  	v3 =	vld [tilespmem:s16+$0xB0]  }
0x141: {  	v4 =	vld [tilespmem:s16+$0xC0]  }
0x142: {  	v5 =	vld [tilespmem:s16+$0xD0]  }
0x143: {  	v2 =	vld [tilespmem:s16+$0xE0]  }
0x144: {  	v1 =	vld [tilespmem:s16+$0xF0];
	v6 =	vmul.f32 v0, v0  }
0x145: {  	v0 =	vld [tilespmem:s16+$0x100];
	v7 =	vmul.f32 v3, v3  }
0x146: {  	v3 =	vld [tilespmem:s16+$0x110];
	[tilespmem:s16+$0xA0] =	vst v6;
	v6 =	vmul.f32 v4, v4  }
0x147: {  	s17 =	simm.s32 $0x280;
	v5 =	vmul.f32 v5, v5;
	[tilespmem:s16+$0xB0] =	vst v7;
	v4 =	vld [tilespmem:s16+$0x120]  }
.LBB2_5:
0x148: {  	s26 =	sshra.s32 s17, $0x2;
	p1 =	sne.s32 s17, $0xC580;
	[tilespmem:s16+$0xC0] =	vst v6;
	v2 =	vmul.f32 v2, v2;
	v6 =	vld [tilespmem:s16+$0x130]  }
0x149: {  	v7 =	vld [tilespmem:s26+$0xA0];
	[tilespmem:s16+$0xD0] =	vst v5;
	v1 =	vmul.f32 v1, v1  }
0x14a: {  	v5 =	vld [tilespmem:s26+$0xB0];
	[tilespmem:s16+$0xE0] =	vst v2;
	v0 =	vmul.f32 v0, v0  }
0x14b: {  	v8 =	vld [tilespmem:s26+$0xC0];
	[tilespmem:s16+$0xF0] =	vst v1;
	v1 =	vmul.f32 v3, v3  }
0x14c: {  	v9 =	vld [tilespmem:s26+$0xD0];
	[tilespmem:s16+$0x100] =	vst v0;
	v0 =	vmul.f32 v4, v4  }
.Ltmp1:
0x14d: {  	v2 =	vld [tilespmem:s26+$0xE0];
	[tilespmem:s16+$0x110] =	vst v1;
	v3 =	vmul.f32 v6, v6;
	(pc) =	sbr.rel @p1 .LBB2_5-.Ltmp1, $4  }
0x14e: {  	v4 =	vmul.f32 v7, v7;
	v1 =	vld [tilespmem:s26+$0xF0];
	[tilespmem:s16+$0x120] =	vst v0  }
0x14f: {  	v5 =	vmul.f32 v5, v5;
	v0 =	vld [tilespmem:s26+$0x100];
	[tilespmem:s16+$0x130] =	vst v3;
	s16 =	smov.u32 s26  }
0x150: {  	[tilespmem:s16+$0xA0] =	vst v4;
	v6 =	vmul.f32 v8, v8;
	v3 =	vld [tilespmem:s16+$0x110]  }
0x151: {  	s17 =	sadd.s32 $0x280, s17;
	[tilespmem:s16+$0xB0] =	vst v5;
	v5 =	vmul.f32 v9, v9;
	v4 =	vld [tilespmem:s16+$0x120]  }
0x152: {  	[tilespmem:s16+$0xC0] =	vst v6;
	v2 =	vmul.f32 v2, v2;
	v6 =	vld [tilespmem:s16+$0x130]  }
0x153: {  	[tilespmem:s16+$0xD0] =	vst v5;
	v1 =	vmul.f32 v1, v1  }
0x154: {  	[tilespmem:s16+$0xE0] =	vst v2;
	v0 =	vmul.f32 v0, v0  }
0x155: {  	[tilespmem:s16+$0xF0] =	vst v1;
	v1 =	vmul.f32 v3, v3  }
0x156: {  	[tilespmem:s16+$0x100] =	vst v0;
	v0 =	vmul.f32 v4, v4  }
0x157: {  	[tilespmem:s16+$0x110] =	vst v1;
	v1 =	vmul.f32 v6, v6  }
0x158: {  	[tilespmem:s16+$0x120] =	vst v0  }
0x159: {  	s26 =	simm.s32 $0x0;
	[tilespmem:s16+$0x130] =	vst v1  }
0x15a: {  	[spmem:s5] =	stream.indirect.scatter.add.f32 [tilespmem:s12], [sflag:$0x5], $0xA0, s26, s15, $0xb8;
	[tilespmem:$0x1EB40] =	vst v63  }
0x15b: {  	_ =	swait.ge [sflag:s21], $0x50  }
0x15c: {  	[sflag:s21] =	ssyncset.done $0x0  }
0x15d: {  	[sflag:s21] =	ssyncadd.s32 $0xFFFFFFB0  }
0x15e: {  	_ =	swait.ge [sflag:s22], $0x3200  }
0x15f: {  	[sflag:s22] =	ssyncset.done $0x0  }
0x160: {  	[sflag:s22] =	ssyncadd.s32 $0xFFFFCE00  }
0x161: {  	s17 =	sadd.s32 s25, s19;
	_ =	swait.ge [sflag:s23], $0x3200  }
0x162: {  	s25 =	sshrl.u32 s17, $0x3;
	[sflag:s23] =	ssyncset.done $0x0  }
0x163: {  	s17 =	smul.u32 $0x14, s17;
	s25 =	sadd.s32 s6, s25;
	[sflag:s23] =	ssyncadd.s32 $0xFFFFCE00  }
0x164: {  	[tilespmem:s26], [sflag:$0x1] =	stream.linear.gather [hbm4b:s25+s26], $0x50, $0x38;
	[tilespmem:$0x1EB40] =	vst v63  }
0x165: {  	s17 =	sadd.s32 s4, s17;
	s16 =	simm.s32 $0x0  }
0x166: {  	[tilespmem:s12], [sflag:$0x3] =	stream.linear.gather [hbm4b:s17+s26], $0x3200, $0x38;
	[tilespmem:$0x1EB40] =	vst v63  }
0x167: {  	v0 =	vld [tilespmem:s16+$0x32A0]  }
0x168: {  	v3 =	vld [tilespmem:s16+$0x32B0]  }
0x169: {  	v4 =	vld [tilespmem:s16+$0x32C0]  }
0x16a: {  	v5 =	vld [tilespmem:s16+$0x32D0]  }
0x16b: {  	v2 =	vld [tilespmem:s16+$0x32E0]  }
0x16c: {  	v1 =	vld [tilespmem:s16+$0x32F0];
	v6 =	vmul.f32 v0, v0  }
0x16d: {  	v0 =	vld [tilespmem:s16+$0x3300];
	v7 =	vmul.f32 v3, v3  }
0x16e: {  	v3 =	vld [tilespmem:s16+$0x3310];
	[tilespmem:s16+$0x32A0] =	vst v6;
	v6 =	vmul.f32 v4, v4  }
0x16f: {  	s17 =	simm.s32 $0x280;
	v5 =	vmul.f32 v5, v5;
	[tilespmem:s16+$0x32B0] =	vst v7;
	v4 =	vld [tilespmem:s16+$0x3320]  }
.LBB2_7:
0x170: {  	s25 =	sshra.s32 s17, $0x2;
	p1 =	sne.s32 s17, $0xC580;
	[tilespmem:s16+$0x32C0] =	vst v6;
	v2 =	vmul.f32 v2, v2;
	v6 =	vld [tilespmem:s16+$0x3330]  }
0x171: {  	v7 =	vld [tilespmem:s25+$0x32A0];
	[tilespmem:s16+$0x32D0] =	vst v5;
	v1 =	vmul.f32 v1, v1  }
0x172: {  	v5 =	vld [tilespmem:s25+$0x32B0];
	[tilespmem:s16+$0x32E0] =	vst v2;
	v0 =	vmul.f32 v0, v0  }
0x173: {  	v8 =	vld [tilespmem:s25+$0x32C0];
	[tilespmem:s16+$0x32F0] =	vst v1;
	v1 =	vmul.f32 v3, v3  }
0x174: {  	v9 =	vld [tilespmem:s25+$0x32D0];
	[tilespmem:s16+$0x3300] =	vst v0;
	v0 =	vmul.f32 v4, v4  }
.Ltmp2:
0x175: {  	v2 =	vld [tilespmem:s25+$0x32E0];
	[tilespmem:s16+$0x3310] =	vst v1;
	v3 =	vmul.f32 v6, v6;
	(pc) =	sbr.rel @p1 .LBB2_7-.Ltmp2, $4  }
0x176: {  	v4 =	vmul.f32 v7, v7;
	v1 =	vld [tilespmem:s25+$0x32F0];
	[tilespmem:s16+$0x3320] =	vst v0  }
0x177: {  	v5 =	vmul.f32 v5, v5;
	v0 =	vld [tilespmem:s25+$0x3300];
	[tilespmem:s16+$0x3330] =	vst v3;
	s16 =	smov.u32 s25  }
0x178: {  	[tilespmem:s16+$0x32A0] =	vst v4;
	v6 =	vmul.f32 v8, v8;
	v3 =	vld [tilespmem:s16+$0x3310]  }
0x179: {  	s17 =	sadd.s32 $0x280, s17;
	[tilespmem:s16+$0x32B0] =	vst v5;
	v5 =	vmul.f32 v9, v9;
	v4 =	vld [tilespmem:s16+$0x3320]  }
0x17a: {  	[tilespmem:s16+$0x32C0] =	vst v6;
	v2 =	vmul.f32 v2, v2;
	v60 =	vld [tilespmem:s16+$0x3330]  }
0x17b: {  	[tilespmem:s16+$0x32D0] =	vst v5;
	v1 =	vmul.f32 v1, v1  }
0x17c: {  	s10 =	sadd.s32 $0x1, s10;
	[tilespmem:s16+$0x32E0] =	vst v2;
	v0 =	vmul.f32 v0, v0  }
0x17d: {  	p1 =	sne.s32 s10, $0x3E;
	[tilespmem:s16+$0x32F0] =	vst v1;
	v61 =	vmul.f32 v3, v3  }
.Ltmp3:
0x17e: {  	[tilespmem:s16+$0x3300] =	vst v0;
	v62 =	vmul.f32 v4, v4;
	(pc) =	sbr.rel @p1 .LBB2_4-.Ltmp3, $4  }
0x17f: {  	[tilespmem:s16+$0x3310] =	vst v61;
	v63 =	vmul.f32 v60, v60  }
0x180: {  	[tilespmem:s16+$0x3320] =	vst v62  }
0x181: {  	[tilespmem:s16+$0x3330] =	vst v63  }
0x182: {  	[spmem:s5] =	stream.indirect.scatter.add.f32 [tilespmem:s20], [sflag:$0x6], $0xA0, s15, s15, $0xb8;
	[tilespmem:$0x1EB40] =	vst v63  }
0x183: {  	_ =	swait.ge [sflag:s13], $0x50  }
0x184: {  	[sflag:s13] =	ssyncset.done $0x0  }
0x185: {  	[sflag:s13] =	ssyncadd.s32 $0xFFFFFFB0  }
0x186: {  	_ =	swait.ge [sflag:s14], $0x3200  }
0x187: {  	[sflag:s14] =	ssyncset.done $0x0  }
0x188: {  	[sflag:s14] =	ssyncadd.s32 $0xFFFFCE00  }
0x189: {  	_ =	swait.ge [sflag:s24], $0x3200  }
0x18a: {  	[sflag:s24] =	ssyncset.done $0x0  }
0x18b: {  	s2 =	simm.s32 $0x0;
	[sflag:s24] =	ssyncadd.s32 $0xFFFFCE00  }
0x18c: {  	v0 =	vld [tilespmem:s2+$0xA0]  }
0x18d: {  	v3 =	vld [tilespmem:s2+$0xB0]  }
0x18e: {  	v4 =	vld [tilespmem:s2+$0xC0]  }
0x18f: {  	v5 =	vld [tilespmem:s2+$0xD0]  }
0x190: {  	v2 =	vld [tilespmem:s2+$0xE0]  }
0x191: {  	v1 =	vld [tilespmem:s2+$0xF0];
	v6 =	vmul.f32 v0, v0  }
0x192: {  	v0 =	vld [tilespmem:s2+$0x100];
	v7 =	vmul.f32 v3, v3  }
0x193: {  	v3 =	vld [tilespmem:s2+$0x110];
	[tilespmem:s2+$0xA0] =	vst v6;
	v6 =	vmul.f32 v4, v4  }
0x194: {  	s10 =	simm.s32 $0x280;
	v5 =	vmul.f32 v5, v5;
	[tilespmem:s2+$0xB0] =	vst v7;
	v4 =	vld [tilespmem:s2+$0x120]  }
.LBB2_10:
0x195: {  	s16 =	sshra.s32 s10, $0x2;
	p1 =	sne.s32 s10, $0xC580;
	[tilespmem:s2+$0xC0] =	vst v6;
	v2 =	vmul.f32 v2, v2;
	v6 =	vld [tilespmem:s2+$0x130]  }
0x196: {  	v7 =	vld [tilespmem:s16+$0xA0];
	[tilespmem:s2+$0xD0] =	vst v5;
	v1 =	vmul.f32 v1, v1  }
0x197: {  	v5 =	vld [tilespmem:s16+$0xB0];
	[tilespmem:s2+$0xE0] =	vst v2;
	v0 =	vmul.f32 v0, v0  }
0x198: {  	v8 =	vld [tilespmem:s16+$0xC0];
	[tilespmem:s2+$0xF0] =	vst v1;
	v1 =	vmul.f32 v3, v3  }
0x199: {  	v9 =	vld [tilespmem:s16+$0xD0];
	[tilespmem:s2+$0x100] =	vst v0;
	v0 =	vmul.f32 v4, v4  }
.Ltmp4:
0x19a: {  	v2 =	vld [tilespmem:s16+$0xE0];
	[tilespmem:s2+$0x110] =	vst v1;
	v3 =	vmul.f32 v6, v6;
	(pc) =	sbr.rel @p1 .LBB2_10-.Ltmp4, $4  }
0x19b: {  	v4 =	vmul.f32 v7, v7;
	v1 =	vld [tilespmem:s16+$0xF0];
	[tilespmem:s2+$0x120] =	vst v0  }
0x19c: {  	v5 =	vmul.f32 v5, v5;
	v0 =	vld [tilespmem:s16+$0x100];
	[tilespmem:s2+$0x130] =	vst v3;
	s2 =	smov.u32 s16  }
0x19d: {  	[tilespmem:s2+$0xA0] =	vst v4;
	v6 =	vmul.f32 v8, v8;
	v3 =	vld [tilespmem:s2+$0x110]  }
0x19e: {  	s10 =	sadd.s32 $0x280, s10;
	[tilespmem:s2+$0xB0] =	vst v5;
	v5 =	vmul.f32 v9, v9;
	v4 =	vld [tilespmem:s2+$0x120]  }
0x19f: {  	[tilespmem:s2+$0xC0] =	vst v6;
	v2 =	vmul.f32 v2, v2;
	v60 =	vld [tilespmem:s2+$0x130]  }
0x1a0: {  	[tilespmem:s2+$0xD0] =	vst v5;
	v1 =	vmul.f32 v1, v1  }
0x1a1: {  	[tilespmem:s2+$0xE0] =	vst v2;
	v0 =	vmul.f32 v0, v0  }
0x1a2: {  	[tilespmem:s2+$0xF0] =	vst v1;
	v61 =	vmul.f32 v3, v3  }
0x1a3: {  	[tilespmem:s2+$0x100] =	vst v0;
	v62 =	vmul.f32 v4, v4  }
0x1a4: {  	[tilespmem:s2+$0x110] =	vst v61;
	v63 =	vmul.f32 v60, v60  }
0x1a5: {  	[tilespmem:s2+$0x120] =	vst v62  }
0x1a6: {  	[tilespmem:s2+$0x130] =	vst v63  }
0x1a7: {  	[spmem:s5] =	stream.indirect.scatter.add.f32 [tilespmem:s12], [sflag:$0x5], $0xA0, s1, s15, $0xb8;
	[tilespmem:$0x1EB40] =	vst v63  }
0x1a8: {  	_ =	swait.ge [sflag:s23], $0x3200  }
0x1a9: {  	[sflag:s23] =	ssyncset.done $0x0  }
0x1aa: {  	[sflag:s23] =	ssyncadd.s32 $0xFFFFCE00  }
0x1ab: {  	[bflag:$0x0] =	sbarrier.arrive $0xFFFF  }
0x1ac: {  	s10 =	sld [smem:$0x7D6];
	_ =	sdelay $0x1  }
0x1ad: {  	s26 =	rddreg [dreg:$0xc]  }
0x1ae: {  	[hbm:s26], [sflag:s8] =	dma.local [spmem:s10], $0x640  }
0x1af: {  	_ =	swait.ge [sflag:s11], $0x640  }
0x1b0: {  	s17 =	sld [smem:$0x7D7]  }
0x1b1: {  	[sflag:s11] =	ssyncset.done $0x0  }
0x1b2: {  	s16 =	rddreg [dreg:$0xd];
	[sflag:s11] =	ssyncadd.s32 $0xFFFFF9C0  }
0x1b3: {  	[hbm:s16], [sflag:s8] =	dma.local [spmem:s17], $0x640  }
0x1b4: {  	_ =	swait.ge [sflag:s11], $0x640  }
0x1b5: {  	s26 =	sld [smem:$0x7D8]  }
0x1b6: {  	[sflag:s11] =	ssyncset.done $0x0  }
0x1b7: {  	s25 =	rddreg [dreg:$0xe];
	[sflag:s11] =	ssyncadd.s32 $0xFFFFF9C0  }
0x1b8: {  	[hbm:s25], [sflag:s8] =	dma.local [spmem:s26], $0x640  }
0x1b9: {  	_ =	swait.ge [sflag:s11], $0x640  }
0x1ba: {  	s17 =	sld [smem:$0x7D9]  }
0x1bb: {  	[sflag:s11] =	ssyncset.done $0x0  }
0x1bc: {  	s16 =	rddreg [dreg:$0xf];
	[sflag:s11] =	ssyncadd.s32 $0xFFFFF9C0  }
0x1bd: {  	[hbm:s16], [sflag:s8] =	dma.local [spmem:s17], $0x640  }
0x1be: {  	_ =	swait.ge [sflag:s11], $0x640  }
0x1bf: {  	s26 =	sld [smem:$0x7DA]  }
0x1c0: {  	[sflag:s11] =	ssyncset.done $0x0  }
0x1c1: {  	s25 =	rddreg [dreg:$0x10];
	[sflag:s11] =	ssyncadd.s32 $0xFFFFF9C0  }
0x1c2: {  	[hbm:s25], [sflag:s8] =	dma.local [spmem:s26], $0x640  }
0x1c3: {  	_ =	swait.ge [sflag:s11], $0x640  }
0x1c4: {  	s16 =	sld [smem:$0x7DB]  }
0x1c5: {  	[sflag:s11] =	ssyncset.done $0x0  }
0x1c6: {  	s10 =	rddreg [dreg:$0x11];
	[sflag:s11] =	ssyncadd.s32 $0xFFFFF9C0  }
0x1c7: {  	[hbm:s10], [sflag:s8] =	dma.local [spmem:s16], $0x640  }
0x1c8: {  	_ =	swait.ge [sflag:s11], $0x640  }
0x1c9: {  	s25 =	sld [smem:$0x7DC]  }
0x1ca: {  	[sflag:s11] =	ssyncset.done $0x0  }
0x1cb: {  	s17 =	rddreg [dreg:$0x12];
	[sflag:s11] =	ssyncadd.s32 $0xFFFFF9C0  }
0x1cc: {  	[hbm:s17], [sflag:s8] =	dma.local [spmem:s25], $0x640  }
0x1cd: {  	_ =	swait.ge [sflag:s11], $0x640  }
0x1ce: {  	s10 =	sld [smem:$0x7DD]  }
0x1cf: {  	[sflag:s11] =	ssyncset.done $0x0  }
0x1d0: {  	s2 =	rddreg [dreg:$0x13];
	[sflag:s11] =	ssyncadd.s32 $0xFFFFF9C0  }
0x1d1: {  	[hbm:s2], [sflag:s8] =	dma.local @!p0 [spmem:s10], $0x640  }
0x1d2: {  	s2 =	simm.s32 @!p0 $0x7  }
0x1d3: {  	_ =	swait.ge @!p0 [sflag:s2], $0x640  }
0x1d4: {  	[sflag:s2] =	ssyncset.done @!p0 $0x0  }
0x1d5: {  	[sflag:s2] =	ssyncadd.s32 @!p0 $0xFFFFF9C0  }
0x1d6: {  	[bflag:$0x0] =	sbarrier.arrive $0xFFFF  }
0x1d7: {  	s26 =	sld [smem:$0x7DF];
	_ =	sdelay $0x2  }
0x1d8: {  	[spmem:s26], [sflag:s8] =	dma.local [hbm:s3], $0x640  }
0x1d9: {  	_ =	swait.ge [sflag:s11], $0x640  }
0x1da: {  	s16 =	sld [smem:$0x7E0]  }
0x1db: {  	[sflag:s11] =	ssyncset.done $0x0  }
0x1dc: {  	[sflag:s11] =	ssyncadd.s32 $0xFFFFF9C0  }
0x1dd: {  	[spmem:s16], [sflag:s8] =	dma.local [hbm:s3], $0x640  }
0x1de: {  	_ =	swait.ge [sflag:s11], $0x640  }
0x1df: {  	s17 =	sld [smem:$0x7E1]  }
0x1e0: {  	[sflag:s11] =	ssyncset.done $0x0  }
0x1e1: {  	[sflag:s11] =	ssyncadd.s32 $0xFFFFF9C0  }
0x1e2: {  	[spmem:s17], [sflag:s8] =	dma.local [hbm:s3], $0x640  }
0x1e3: {  	_ =	swait.ge [sflag:s11], $0x640  }
0x1e4: {  	[sflag:s11] =	ssyncset.done $0x0  }
0x1e5: {  	[sflag:s11] =	ssyncadd.s32 $0xFFFFF9C0  }
0x1e6: {  	[spmem:s28], [sflag:s8] =	dma.local [hbm:s3], $0x640  }
0x1e7: {  	_ =	swait.ge [sflag:s11], $0x640  }
0x1e8: {  	[sflag:s11] =	ssyncset.done $0x0  }
0x1e9: {  	[sflag:s11] =	ssyncadd.s32 $0xFFFFF9C0  }
0x1ea: {  	[spmem:s29], [sflag:s8] =	dma.local [hbm:s3], $0x640  }
0x1eb: {  	_ =	swait.ge [sflag:s11], $0x640  }
0x1ec: {  	[sflag:s11] =	ssyncset.done $0x0  }
0x1ed: {  	[sflag:s11] =	ssyncadd.s32 $0xFFFFF9C0  }
0x1ee: {  	[spmem:s30], [sflag:s8] =	dma.local [hbm:s3], $0x640  }
0x1ef: {  	_ =	swait.ge [sflag:s11], $0x640  }
0x1f0: {  	[sflag:s11] =	ssyncset.done $0x0  }
0x1f1: {  	[sflag:s11] =	ssyncadd.s32 $0xFFFFF9C0  }
0x1f2: {  	[spmem:s31], [sflag:s8] =	dma.local [hbm:s3], $0x640  }
0x1f3: {  	_ =	swait.ge [sflag:s11], $0x640  }
0x1f4: {  	[sflag:s11] =	ssyncset.done $0x0  }
0x1f5: {  	[sflag:s11] =	ssyncadd.s32 $0xFFFFF9C0  }
0x1f6: {  	[spmem:s0], [sflag:s8] =	dma.local @!p0 [hbm:s3], $0x640  }
0x1f7: {  	_ =	swait.ge @!p0 [sflag:s2], $0x640  }
0x1f8: {  	[sflag:s2] =	ssyncset.done @!p0 $0x0  }
0x1f9: {  	[sflag:s2] =	ssyncadd.s32 @!p0 $0xFFFFF9C0  }
0x1fa: {  	[bflag:$0x0] =	sbarrier.arrive $0xFFFF  }
0x1fb: {  	s25 =	sld [smem:$0x7FD];
	_ =	sdelay $0x1  }
0x1fc: {  	s10 =	simm.s32 $0x0;
	s26 =	sld [smem:$0x7FB]  }
0x1fd: {  	[tilespmem:s10], [sflag:$0x1] =	stream.linear.gather [hbm4b:s25+s10], $0x50, $0x38;
	[tilespmem:$0x1EB40] =	vst v63  }
0x1fe: {  	s2 =	simm.s32 $0x0  }
0x1ff: {  	[tilespmem:s12], [sflag:$0x3] =	stream.linear.gather [hbm4b:s26+s10], $0x3200, $0x38;
	[tilespmem:$0x1EB40] =	vst v63  }
.LBB2_12:
0x200: {  	_ =	swait.ge [sflag:s13], $0x50  }
0x201: {  	[sflag:s13] =	ssyncset.done $0x0  }
0x202: {  	[sflag:s13] =	ssyncadd.s32 $0xFFFFFFB0  }
0x203: {  	_ =	swait.ge [sflag:s14], $0x3200  }
0x204: {  	p1 =	seq.s32 s2, $0x0;
	s25 =	smul.u32 $0xA0, s2;
	[sflag:s14] =	ssyncset.done $0x0  }
0x205: {  	s16 =	simm.s32 @!p1 $0x6;
	[sflag:s14] =	ssyncadd.s32 $0xFFFFCE00  }
0x206: {  	s17 =	sadd.s32 s25, s18;
	_ =	swait.ge @!p1 [sflag:s16], $0x3200  }
0x207: {  	s26 =	sshrl.u32 s17, $0x3;
	[sflag:s16] =	ssyncset.done @!p1 $0x0  }
0x208: {  	s17 =	smul.u32 $0x14, s17;
	s26 =	sadd.s32 s6, s26;
	[sflag:s16] =	ssyncadd.s32 @!p1 $0xFFFFCE00  }
0x209: {  	[tilespmem:s15], [sflag:$0x2] =	stream.linear.gather [hbm4b:s26+s10], $0x50, $0x38;
	[tilespmem:$0x1EB40] =	vst v63  }
0x20a: {  	s16 =	simm.s32 $0x0;
	s26 =	sadd.s32 s4, s17  }
0x20b: {  	[tilespmem:s20], [sflag:$0x4] =	stream.linear.gather [hbm4b:s26+s10], $0x3200, $0x38;
	[tilespmem:$0x1EB40] =	vst v63  }
0x20c: {  	v1 =	vld [tilespmem:s16+$0xA0]  }
0x20d: {  	v7 =	vld [tilespmem:s16+$0xB0]  }
0x20e: {  	v6 =	vld [tilespmem:s16+$0xC0]  }
0x20f: {  	v5 =	vld [tilespmem:s16+$0xD0]  }
0x210: {  	v2 =	vld [tilespmem:s16+$0xE0]  }
0x211: {  	v3 =	vld [tilespmem:s16+$0xF0];
	v4 =	vmul.f32 v1, v1  }
0x212: {  	v0 =	vld [tilespmem:s16+$0x100];
	v8 =	vmul.f32 v7, v7  }
0x213: {  	v10 =	vmul.f32 v6, v6;
	v9 =	vmul.f32 v4, v1;
	v4 =	vld [tilespmem:s16+$0x110]  }
0x214: {  	s17 =	simm.s32 $0x280;
	v7 =	vmul.f32 v8, v7;
	v8 =	vmul.f32 v5, v5;
	v1 =	vld [tilespmem:s16+$0x120]  }
.LBB2_13:
0x215: {  	s26 =	sshra.s32 s17, $0x2;
	p1 =	sne.s32 s17, $0xC580;
	[tilespmem:s16+$0xA0] =	vst v9;
	v6 =	vmul.f32 v10, v6;
	v9 =	vmul.f32 v2, v2;
	v10 =	vld [tilespmem:s16+$0x130]  }
0x216: {  	v11 =	vld [tilespmem:s26+$0xA0];
	[tilespmem:s16+$0xB0] =	vst v7;
	v5 =	vmul.f32 v8, v5;
	v7 =	vmul.f32 v3, v3  }
0x217: {  	v8 =	vld [tilespmem:s26+$0xB0];
	[tilespmem:s16+$0xC0] =	vst v6;
	v2 =	vmul.f32 v9, v2;
	v9 =	vmul.f32 v0, v0  }
0x218: {  	v6 =	vld [tilespmem:s26+$0xC0];
	[tilespmem:s16+$0xD0] =	vst v5;
	v3 =	vmul.f32 v7, v3;
	v7 =	vmul.f32 v4, v4  }
0x219: {  	v5 =	vld [tilespmem:s26+$0xD0];
	[tilespmem:s16+$0xE0] =	vst v2;
	v0 =	vmul.f32 v9, v0;
	v9 =	vmul.f32 v1, v1  }
.Ltmp5:
0x21a: {  	v2 =	vld [tilespmem:s26+$0xE0];
	[tilespmem:s16+$0xF0] =	vst v3;
	v4 =	vmul.f32 v7, v4;
	v7 =	vmul.f32 v10, v10;
	(pc) =	sbr.rel @p1 .LBB2_13-.Ltmp5, $4  }
0x21b: {  	v12 =	vmul.f32 v11, v11;
	v3 =	vld [tilespmem:s26+$0xF0];
	[tilespmem:s16+$0x100] =	vst v0;
	v1 =	vmul.f32 v9, v1  }
0x21c: {  	v13 =	vmul.f32 v8, v8;
	v0 =	vld [tilespmem:s26+$0x100];
	[tilespmem:s16+$0x110] =	vst v4;
	v14 =	vmul.f32 v7, v10  }
0x21d: {  	v9 =	vmul.f32 v12, v11;
	v10 =	vmul.f32 v6, v6;
	v4 =	vld [tilespmem:s26+$0x110];
	[tilespmem:s16+$0x120] =	vst v1  }
0x21e: {  	s17 =	sadd.s32 $0x280, s17;
	v7 =	vmul.f32 v13, v8;
	v8 =	vmul.f32 v5, v5;
	v1 =	vld [tilespmem:s26+$0x120];
	[tilespmem:s16+$0x130] =	vst v14;
	s16 =	smov.u32 s26  }
0x21f: {  	[tilespmem:s16+$0xA0] =	vst v9;
	v6 =	vmul.f32 v10, v6;
	v9 =	vmul.f32 v2, v2;
	v10 =	vld [tilespmem:s16+$0x130]  }
0x220: {  	[tilespmem:s16+$0xB0] =	vst v7;
	v5 =	vmul.f32 v8, v5;
	v7 =	vmul.f32 v3, v3  }
0x221: {  	[tilespmem:s16+$0xC0] =	vst v6;
	v2 =	vmul.f32 v9, v2;
	v6 =	vmul.f32 v0, v0  }
0x222: {  	[tilespmem:s16+$0xD0] =	vst v5;
	v3 =	vmul.f32 v7, v3;
	v5 =	vmul.f32 v4, v4  }
0x223: {  	[tilespmem:s16+$0xE0] =	vst v2;
	v0 =	vmul.f32 v6, v0;
	v2 =	vmul.f32 v1, v1  }
0x224: {  	[tilespmem:s16+$0xF0] =	vst v3;
	v3 =	vmul.f32 v5, v4;
	v4 =	vmul.f32 v10, v10  }
0x225: {  	[tilespmem:s16+$0x100] =	vst v0;
	v0 =	vmul.f32 v2, v1  }
0x226: {  	[tilespmem:s16+$0x110] =	vst v3;
	v1 =	vmul.f32 v4, v10  }
0x227: {  	[tilespmem:s16+$0x120] =	vst v0  }
0x228: {  	s26 =	simm.s32 $0x0;
	[tilespmem:s16+$0x130] =	vst v1  }
0x229: {  	[spmem:s5] =	stream.indirect.scatter.add.f32 [tilespmem:s12], [sflag:$0x5], $0xA0, s26, s15, $0xb8;
	[tilespmem:$0x1EB40] =	vst v63  }
0x22a: {  	_ =	swait.ge [sflag:s21], $0x50  }
0x22b: {  	[sflag:s21] =	ssyncset.done $0x0  }
0x22c: {  	[sflag:s21] =	ssyncadd.s32 $0xFFFFFFB0  }
0x22d: {  	_ =	swait.ge [sflag:s22], $0x3200  }
0x22e: {  	[sflag:s22] =	ssyncset.done $0x0  }
0x22f: {  	[sflag:s22] =	ssyncadd.s32 $0xFFFFCE00  }
0x230: {  	s17 =	sadd.s32 s25, s19;
	_ =	swait.ge [sflag:s23], $0x3200  }
0x231: {  	s25 =	sshrl.u32 s17, $0x3;
	[sflag:s23] =	ssyncset.done $0x0  }
0x232: {  	s17 =	smul.u32 $0x14, s17;
	s25 =	sadd.s32 s6, s25;
	[sflag:s23] =	ssyncadd.s32 $0xFFFFCE00  }
0x233: {  	[tilespmem:s26], [sflag:$0x1] =	stream.linear.gather [hbm4b:s25+s26], $0x50, $0x38;
	[tilespmem:$0x1EB40] =	vst v63  }
0x234: {  	s17 =	sadd.s32 s4, s17;
	s16 =	simm.s32 $0x0  }
0x235: {  	[tilespmem:s12], [sflag:$0x3] =	stream.linear.gather [hbm4b:s17+s26], $0x3200, $0x38;
	[tilespmem:$0x1EB40] =	vst v63  }
0x236: {  	v1 =	vld [tilespmem:s16+$0x32A0]  }
0x237: {  	v7 =	vld [tilespmem:s16+$0x32B0]  }
0x238: {  	v6 =	vld [tilespmem:s16+$0x32C0]  }
0x239: {  	v5 =	vld [tilespmem:s16+$0x32D0]  }
0x23a: {  	v2 =	vld [tilespmem:s16+$0x32E0]  }
0x23b: {  	v3 =	vld [tilespmem:s16+$0x32F0];
	v4 =	vmul.f32 v1, v1  }
0x23c: {  	v0 =	vld [tilespmem:s16+$0x3300];
	v8 =	vmul.f32 v7, v7  }
0x23d: {  	v10 =	vmul.f32 v6, v6;
	v9 =	vmul.f32 v4, v1;
	v4 =	vld [tilespmem:s16+$0x3310]  }
0x23e: {  	s17 =	simm.s32 $0x280;
	v7 =	vmul.f32 v8, v7;
	v8 =	vmul.f32 v5, v5;
	v1 =	vld [tilespmem:s16+$0x3320]  }
.LBB2_15:
0x23f: {  	s25 =	sshra.s32 s17, $0x2;
	p1 =	sne.s32 s17, $0xC580;
	[tilespmem:s16+$0x32A0] =	vst v9;
	v6 =	vmul.f32 v10, v6;
	v9 =	vmul.f32 v2, v2;
	v10 =	vld [tilespmem:s16+$0x3330]  }
0x240: {  	v11 =	vld [tilespmem:s25+$0x32A0];
	[tilespmem:s16+$0x32B0] =	vst v7;
	v5 =	vmul.f32 v8, v5;
	v7 =	vmul.f32 v3, v3  }
0x241: {  	v8 =	vld [tilespmem:s25+$0x32B0];
	[tilespmem:s16+$0x32C0] =	vst v6;
	v2 =	vmul.f32 v9, v2;
	v9 =	vmul.f32 v0, v0  }
0x242: {  	v6 =	vld [tilespmem:s25+$0x32C0];
	[tilespmem:s16+$0x32D0] =	vst v5;
	v3 =	vmul.f32 v7, v3;
	v7 =	vmul.f32 v4, v4  }
0x243: {  	v5 =	vld [tilespmem:s25+$0x32D0];
	[tilespmem:s16+$0x32E0] =	vst v2;
	v0 =	vmul.f32 v9, v0;
	v9 =	vmul.f32 v1, v1  }
.Ltmp6:
0x244: {  	v2 =	vld [tilespmem:s25+$0x32E0];
	[tilespmem:s16+$0x32F0] =	vst v3;
	v4 =	vmul.f32 v7, v4;
	v7 =	vmul.f32 v10, v10;
	(pc) =	sbr.rel @p1 .LBB2_15-.Ltmp6, $4  }
0x245: {  	v12 =	vmul.f32 v11, v11;
	v3 =	vld [tilespmem:s25+$0x32F0];
	[tilespmem:s16+$0x3300] =	vst v0;
	v1 =	vmul.f32 v9, v1  }
0x246: {  	v13 =	vmul.f32 v8, v8;
	v0 =	vld [tilespmem:s25+$0x3300];
	[tilespmem:s16+$0x3310] =	vst v4;
	v14 =	vmul.f32 v7, v10  }
0x247: {  	v9 =	vmul.f32 v12, v11;
	v10 =	vmul.f32 v6, v6;
	v4 =	vld [tilespmem:s25+$0x3310];
	[tilespmem:s16+$0x3320] =	vst v1  }
0x248: {  	s17 =	sadd.s32 $0x280, s17;
	v7 =	vmul.f32 v13, v8;
	v8 =	vmul.f32 v5, v5;
	v1 =	vld [tilespmem:s25+$0x3320];
	[tilespmem:s16+$0x3330] =	vst v14;
	s16 =	smov.u32 s25  }
0x249: {  	[tilespmem:s16+$0x32A0] =	vst v9;
	v6 =	vmul.f32 v10, v6;
	v54 =	vmul.f32 v2, v2;
	v55 =	vld [tilespmem:s16+$0x3330]  }
0x24a: {  	[tilespmem:s16+$0x32B0] =	vst v7;
	v5 =	vmul.f32 v8, v5;
	v56 =	vmul.f32 v3, v3  }
0x24b: {  	[tilespmem:s16+$0x32C0] =	vst v6;
	v2 =	vmul.f32 v54, v2;
	v57 =	vmul.f32 v0, v0  }
0x24c: {  	[tilespmem:s16+$0x32D0] =	vst v5;
	v3 =	vmul.f32 v56, v3;
	v58 =	vmul.f32 v4, v4  }
0x24d: {  	s2 =	sadd.s32 $0x1, s2;
	[tilespmem:s16+$0x32E0] =	vst v2;
	v0 =	vmul.f32 v57, v0;
	v59 =	vmul.f32 v1, v1  }
0x24e: {  	p1 =	sne.s32 s2, $0x3E;
	[tilespmem:s16+$0x32F0] =	vst v3;
	v60 =	vmul.f32 v58, v4;
	v61 =	vmul.f32 v55, v55  }
.Ltmp7:
0x24f: {  	[tilespmem:s16+$0x3300] =	vst v0;
	v62 =	vmul.f32 v59, v1;
	(pc) =	sbr.rel @p1 .LBB2_12-.Ltmp7, $4  }
0x250: {  	[tilespmem:s16+$0x3310] =	vst v60;
	v63 =	vmul.f32 v61, v55  }
0x251: {  	[tilespmem:s16+$0x3320] =	vst v62  }
0x252: {  	[tilespmem:s16+$0x3330] =	vst v63  }
0x253: {  	[spmem:s5] =	stream.indirect.scatter.add.f32 [tilespmem:s20], [sflag:$0x6], $0xA0, s15, s15, $0xb8;
	[tilespmem:$0x1EB40] =	vst v63  }
0x254: {  	_ =	swait.ge [sflag:s13], $0x50  }
0x255: {  	[sflag:s13] =	ssyncset.done $0x0  }
0x256: {  	[sflag:s13] =	ssyncadd.s32 $0xFFFFFFB0  }
0x257: {  	_ =	swait.ge [sflag:s14], $0x3200  }
0x258: {  	[sflag:s14] =	ssyncset.done $0x0  }
0x259: {  	[sflag:s14] =	ssyncadd.s32 $0xFFFFCE00  }
0x25a: {  	_ =	swait.ge [sflag:s24], $0x3200  }
0x25b: {  	[sflag:s24] =	ssyncset.done $0x0  }
0x25c: {  	s2 =	simm.s32 $0x0;
	[sflag:s24] =	ssyncadd.s32 $0xFFFFCE00  }
0x25d: {  	v1 =	vld [tilespmem:s2+$0xA0]  }
0x25e: {  	v7 =	vld [tilespmem:s2+$0xB0]  }
0x25f: {  	v6 =	vld [tilespmem:s2+$0xC0]  }
0x260: {  	v5 =	vld [tilespmem:s2+$0xD0]  }
0x261: {  	v2 =	vld [tilespmem:s2+$0xE0]  }
0x262: {  	v3 =	vld [tilespmem:s2+$0xF0];
	v4 =	vmul.f32 v1, v1  }
0x263: {  	v0 =	vld [tilespmem:s2+$0x100];
	v8 =	vmul.f32 v7, v7  }
0x264: {  	v10 =	vmul.f32 v6, v6;
	v9 =	vmul.f32 v4, v1;
	v4 =	vld [tilespmem:s2+$0x110]  }
0x265: {  	s10 =	simm.s32 $0x280;
	v7 =	vmul.f32 v8, v7;
	v8 =	vmul.f32 v5, v5;
	v1 =	vld [tilespmem:s2+$0x120]  }
.LBB2_18:
0x266: {  	s16 =	sshra.s32 s10, $0x2;
	p1 =	sne.s32 s10, $0xC580;
	[tilespmem:s2+$0xA0] =	vst v9;
	v6 =	vmul.f32 v10, v6;
	v9 =	vmul.f32 v2, v2;
	v10 =	vld [tilespmem:s2+$0x130]  }
0x267: {  	v11 =	vld [tilespmem:s16+$0xA0];
	[tilespmem:s2+$0xB0] =	vst v7;
	v5 =	vmul.f32 v8, v5;
	v7 =	vmul.f32 v3, v3  }
0x268: {  	v8 =	vld [tilespmem:s16+$0xB0];
	[tilespmem:s2+$0xC0] =	vst v6;
	v2 =	vmul.f32 v9, v2;
	v9 =	vmul.f32 v0, v0  }
0x269: {  	v6 =	vld [tilespmem:s16+$0xC0];
	[tilespmem:s2+$0xD0] =	vst v5;
	v3 =	vmul.f32 v7, v3;
	v7 =	vmul.f32 v4, v4  }
0x26a: {  	v5 =	vld [tilespmem:s16+$0xD0];
	[tilespmem:s2+$0xE0] =	vst v2;
	v0 =	vmul.f32 v9, v0;
	v9 =	vmul.f32 v1, v1  }
.Ltmp8:
0x26b: {  	v2 =	vld [tilespmem:s16+$0xE0];
	[tilespmem:s2+$0xF0] =	vst v3;
	v4 =	vmul.f32 v7, v4;
	v7 =	vmul.f32 v10, v10;
	(pc) =	sbr.rel @p1 .LBB2_18-.Ltmp8, $4  }
0x26c: {  	v12 =	vmul.f32 v11, v11;
	v3 =	vld [tilespmem:s16+$0xF0];
	[tilespmem:s2+$0x100] =	vst v0;
	v1 =	vmul.f32 v9, v1  }
0x26d: {  	v13 =	vmul.f32 v8, v8;
	v0 =	vld [tilespmem:s16+$0x100];
	[tilespmem:s2+$0x110] =	vst v4;
	v14 =	vmul.f32 v7, v10  }
0x26e: {  	v9 =	vmul.f32 v12, v11;
	v10 =	vmul.f32 v6, v6;
	v4 =	vld [tilespmem:s16+$0x110];
	[tilespmem:s2+$0x120] =	vst v1  }
0x26f: {  	s10 =	sadd.s32 $0x280, s10;
	v7 =	vmul.f32 v13, v8;
	v8 =	vmul.f32 v5, v5;
	v1 =	vld [tilespmem:s16+$0x120];
	[tilespmem:s2+$0x130] =	vst v14;
	s2 =	smov.u32 s16  }
0x270: {  	[tilespmem:s2+$0xA0] =	vst v9;
	v6 =	vmul.f32 v10, v6;
	v54 =	vmul.f32 v2, v2;
	v55 =	vld [tilespmem:s2+$0x130]  }
0x271: {  	[tilespmem:s2+$0xB0] =	vst v7;
	v5 =	vmul.f32 v8, v5;
	v56 =	vmul.f32 v3, v3  }
0x272: {  	[tilespmem:s2+$0xC0] =	vst v6;
	v2 =	vmul.f32 v54, v2;
	v57 =	vmul.f32 v0, v0  }
0x273: {  	[tilespmem:s2+$0xD0] =	vst v5;
	v3 =	vmul.f32 v56, v3;
	v58 =	vmul.f32 v4, v4  }
0x274: {  	[tilespmem:s2+$0xE0] =	vst v2;
	v0 =	vmul.f32 v57, v0;
	v59 =	vmul.f32 v1, v1  }
0x275: {  	[tilespmem:s2+$0xF0] =	vst v3;
	v60 =	vmul.f32 v58, v4;
	v61 =	vmul.f32 v55, v55  }
0x276: {  	[tilespmem:s2+$0x100] =	vst v0;
	v62 =	vmul.f32 v59, v1  }
0x277: {  	[tilespmem:s2+$0x110] =	vst v60;
	v63 =	vmul.f32 v61, v55  }
0x278: {  	[tilespmem:s2+$0x120] =	vst v62  }
0x279: {  	[tilespmem:s2+$0x130] =	vst v63  }
0x27a: {  	[spmem:s5] =	stream.indirect.scatter.add.f32 [tilespmem:s12], [sflag:$0x5], $0xA0, s1, s15, $0xb8;
	[tilespmem:$0x1EB40] =	vst v63  }
0x27b: {  	_ =	swait.ge [sflag:s23], $0x3200  }
0x27c: {  	[sflag:s23] =	ssyncset.done $0x0  }
0x27d: {  	[sflag:s23] =	ssyncadd.s32 $0xFFFFCE00  }
0x27e: {  	[bflag:$0x0] =	sbarrier.arrive $0xFFFF  }
0x27f: {  	s10 =	sld [smem:$0x7D6];
	_ =	sdelay $0x1  }
0x280: {  	s17 =	rddreg [dreg:$0x14]  }
0x281: {  	[hbm:s17], [sflag:s8] =	dma.local [spmem:s10], $0x640  }
0x282: {  	_ =	swait.ge [sflag:s11], $0x640  }
0x283: {  	s26 =	sld [smem:$0x7D7]  }
0x284: {  	[sflag:s11] =	ssyncset.done $0x0  }
0x285: {  	s25 =	rddreg [dreg:$0x15];
	[sflag:s11] =	ssyncadd.s32 $0xFFFFF9C0  }
0x286: {  	[hbm:s25], [sflag:s8] =	dma.local [spmem:s26], $0x640  }
0x287: {  	_ =	swait.ge [sflag:s11], $0x640  }
0x288: {  	s17 =	sld [smem:$0x7D8]  }
0x289: {  	[sflag:s11] =	ssyncset.done $0x0  }
0x28a: {  	s16 =	rddreg [dreg:$0x16];
	[sflag:s11] =	ssyncadd.s32 $0xFFFFF9C0  }
0x28b: {  	[hbm:s16], [sflag:s8] =	dma.local [spmem:s17], $0x640  }
0x28c: {  	_ =	swait.ge [sflag:s11], $0x640  }
0x28d: {  	s26 =	sld [smem:$0x7D9]  }
0x28e: {  	[sflag:s11] =	ssyncset.done $0x0  }
0x28f: {  	s25 =	rddreg [dreg:$0x17];
	[sflag:s11] =	ssyncadd.s32 $0xFFFFF9C0  }
0x290: {  	[hbm:s25], [sflag:s8] =	dma.local [spmem:s26], $0x640  }
0x291: {  	_ =	swait.ge [sflag:s11], $0x640  }
0x292: {  	s17 =	sld [smem:$0x7DA]  }
0x293: {  	[sflag:s11] =	ssyncset.done $0x0  }
0x294: {  	s16 =	rddreg [dreg:$0x18];
	[sflag:s11] =	ssyncadd.s32 $0xFFFFF9C0  }
0x295: {  	[hbm:s16], [sflag:s8] =	dma.local [spmem:s17], $0x640  }
0x296: {  	_ =	swait.ge [sflag:s11], $0x640  }
0x297: {  	s26 =	sld [smem:$0x7DB]  }
0x298: {  	[sflag:s11] =	ssyncset.done $0x0  }
0x299: {  	s25 =	rddreg [dreg:$0x19];
	[sflag:s11] =	ssyncadd.s32 $0xFFFFF9C0  }
0x29a: {  	[hbm:s25], [sflag:s8] =	dma.local [spmem:s26], $0x640  }
0x29b: {  	_ =	swait.ge [sflag:s11], $0x640  }
0x29c: {  	s16 =	sld [smem:$0x7DC]  }
0x29d: {  	[sflag:s11] =	ssyncset.done $0x0  }
0x29e: {  	s10 =	rddreg [dreg:$0x1a];
	[sflag:s11] =	ssyncadd.s32 $0xFFFFF9C0  }
0x29f: {  	[hbm:s10], [sflag:s8] =	dma.local [spmem:s16], $0x640  }
0x2a0: {  	_ =	swait.ge [sflag:s11], $0x640  }
0x2a1: {  	s10 =	sld [smem:$0x7DD]  }
0x2a2: {  	[sflag:s11] =	ssyncset.done $0x0  }
0x2a3: {  	s2 =	rddreg [dreg:$0x1b];
	[sflag:s11] =	ssyncadd.s32 $0xFFFFF9C0  }
0x2a4: {  	[hbm:s2], [sflag:s8] =	dma.local @!p0 [spmem:s10], $0x640  }
0x2a5: {  	s2 =	simm.s32 @!p0 $0x7  }
0x2a6: {  	_ =	swait.ge @!p0 [sflag:s2], $0x640  }
0x2a7: {  	[sflag:s2] =	ssyncset.done @!p0 $0x0  }
0x2a8: {  	[sflag:s2] =	ssyncadd.s32 @!p0 $0xFFFFF9C0  }
0x2a9: {  	[bflag:$0x0] =	sbarrier.arrive $0xFFFF  }
0x2aa: {  	s17 =	sld [smem:$0x7DF];
	_ =	sdelay $0x2  }
0x2ab: {  	[spmem:s17], [sflag:s8] =	dma.local [hbm:s3], $0x640  }
0x2ac: {  	_ =	swait.ge [sflag:s11], $0x640  }
0x2ad: {  	s25 =	sld [smem:$0x7E0]  }
0x2ae: {  	[sflag:s11] =	ssyncset.done $0x0  }
0x2af: {  	[sflag:s11] =	ssyncadd.s32 $0xFFFFF9C0  }
0x2b0: {  	[spmem:s25], [sflag:s8] =	dma.local [hbm:s3], $0x640  }
0x2b1: {  	_ =	swait.ge [sflag:s11], $0x640  }
0x2b2: {  	s26 =	sld [smem:$0x7E1]  }
0x2b3: {  	[sflag:s11] =	ssyncset.done $0x0  }
0x2b4: {  	[sflag:s11] =	ssyncadd.s32 $0xFFFFF9C0  }
0x2b5: {  	[spmem:s26], [sflag:s8] =	dma.local [hbm:s3], $0x640  }
0x2b6: {  	_ =	swait.ge [sflag:s11], $0x640  }
0x2b7: {  	[sflag:s11] =	ssyncset.done $0x0  }
0x2b8: {  	[sflag:s11] =	ssyncadd.s32 $0xFFFFF9C0  }
0x2b9: {  	[spmem:s28], [sflag:s8] =	dma.local [hbm:s3], $0x640  }
0x2ba: {  	_ =	swait.ge [sflag:s11], $0x640  }
0x2bb: {  	[sflag:s11] =	ssyncset.done $0x0  }
0x2bc: {  	[sflag:s11] =	ssyncadd.s32 $0xFFFFF9C0  }
0x2bd: {  	[spmem:s29], [sflag:s8] =	dma.local [hbm:s3], $0x640  }
0x2be: {  	_ =	swait.ge [sflag:s11], $0x640  }
0x2bf: {  	[sflag:s11] =	ssyncset.done $0x0  }
0x2c0: {  	[sflag:s11] =	ssyncadd.s32 $0xFFFFF9C0  }
0x2c1: {  	[spmem:s30], [sflag:s8] =	dma.local [hbm:s3], $0x640  }
0x2c2: {  	_ =	swait.ge [sflag:s11], $0x640  }
0x2c3: {  	[sflag:s11] =	ssyncset.done $0x0  }
0x2c4: {  	[sflag:s11] =	ssyncadd.s32 $0xFFFFF9C0  }
0x2c5: {  	[spmem:s31], [sflag:s8] =	dma.local [hbm:s3], $0x640  }
0x2c6: {  	_ =	swait.ge [sflag:s11], $0x640  }
0x2c7: {  	[sflag:s11] =	ssyncset.done $0x0  }
0x2c8: {  	[sflag:s11] =	ssyncadd.s32 $0xFFFFF9C0  }
0x2c9: {  	[spmem:s0], [sflag:s8] =	dma.local @!p0 [hbm:s3], $0x640  }
0x2ca: {  	_ =	swait.ge @!p0 [sflag:s2], $0x640  }
0x2cb: {  	[sflag:s2] =	ssyncset.done @!p0 $0x0  }
0x2cc: {  	[sflag:s2] =	ssyncadd.s32 @!p0 $0xFFFFF9C0  }
0x2cd: {  	[bflag:$0x0] =	sbarrier.arrive $0xFFFF  }
0x2ce: {  	s26 =	sld [smem:$0x7FD];
	_ =	sdelay $0x1  }
0x2cf: {  	s0 =	simm.s32 $0x0;
	s31 =	sld [smem:$0x7FB]  }
0x2d0: {  	[tilespmem:s0], [sflag:$0x1] =	stream.linear.gather [hbm4b:s26+s0], $0x50, $0x38;
	[tilespmem:$0x1EB40] =	vst v63  }
0x2d1: {  	s2 =	simm.s32 $0x0  }
0x2d2: {  	[tilespmem:s12], [sflag:$0x3] =	stream.linear.gather [hbm4b:s31+s0], $0x3200, $0x38;
	[tilespmem:$0x1EB40] =	vst v63  }
.LBB2_20:
0x2d3: {  	_ =	swait.ge [sflag:s13], $0x50  }
0x2d4: {  	[sflag:s13] =	ssyncset.done $0x0  }
0x2d5: {  	[sflag:s13] =	ssyncadd.s32 $0xFFFFFFB0  }
0x2d6: {  	_ =	swait.ge [sflag:s14], $0x3200  }
0x2d7: {  	p1 =	seq.s32 s2, $0x0;
	s10 =	smul.u32 $0xA0, s2;
	[sflag:s14] =	ssyncset.done $0x0  }
0x2d8: {  	s16 =	simm.s32 @!p1 $0x6;
	[sflag:s14] =	ssyncadd.s32 $0xFFFFCE00  }
0x2d9: {  	s17 =	sadd.s32 s10, s18;
	_ =	swait.ge @!p1 [sflag:s16], $0x3200  }
0x2da: {  	s25 =	sshrl.u32 s17, $0x3;
	[sflag:s16] =	ssyncset.done @!p1 $0x0  }
0x2db: {  	s17 =	smul.u32 $0x14, s17;
	s30 =	sadd.s32 s6, s25;
	[sflag:s16] =	ssyncadd.s32 @!p1 $0xFFFFCE00  }
0x2dc: {  	[tilespmem:s15], [sflag:$0x2] =	stream.linear.gather [hbm4b:s30+s0], $0x50, $0x38;
	[tilespmem:$0x1EB40] =	vst v63  }
0x2dd: {  	s31 =	sadd.s32 s4, s17;
	s16 =	simm.s32 $0x0  }
0x2de: {  	[tilespmem:s20], [sflag:$0x4] =	stream.linear.gather [hbm4b:s31+s0], $0x3200, $0x38;
	[tilespmem:$0x1EB40] =	vst v63  }
0x2df: {  	v0 =	vld [tilespmem:s16+$0xA0]  }
0x2e0: {  	v2 =	vld [tilespmem:s16+$0xB0]  }
0x2e1: {  	v3 =	vld [tilespmem:s16+$0xC0]  }
0x2e2: {  	v6 =	vld [tilespmem:s16+$0xD0]  }
0x2e3: {  	v4 =	vld [tilespmem:s16+$0xE0]  }
0x2e4: {  	v1 =	vld [tilespmem:s16+$0xF0];
	v5 =	vmul.f32 v0, v0  }
0x2e5: {  	v9 =	vmul.f32 v2, v2;
	v0 =	vld [tilespmem:s16+$0x100]  }
0x2e6: {  	v8 =	vmul.f32 v3, v3;
	v2 =	vld [tilespmem:s16+$0x110];
	v7 =	vmul.f32 v5, v5  }
0x2e7: {  	s17 =	simm.s32 $0x280;
	v6 =	vmul.f32 v6, v6;
	v3 =	vld [tilespmem:s16+$0x120];
	v5 =	vmul.f32 v9, v9  }
.LBB2_21:
0x2e8: {  	s25 =	sshra.s32 s17, $0x2;
	p1 =	sne.s32 s17, $0xC580;
	[tilespmem:s16+$0xA0] =	vst v7;
	v7 =	vmul.f32 v8, v8;
	v4 =	vmul.f32 v4, v4;
	v8 =	vld [tilespmem:s16+$0x130]  }
0x2e9: {  	v9 =	vld [tilespmem:s25+$0xA0];
	[tilespmem:s16+$0xB0] =	vst v5;
	v5 =	vmul.f32 v6, v6;
	v1 =	vmul.f32 v1, v1  }
0x2ea: {  	v6 =	vld [tilespmem:s25+$0xB0];
	[tilespmem:s16+$0xC0] =	vst v7;
	v4 =	vmul.f32 v4, v4;
	v0 =	vmul.f32 v0, v0  }
0x2eb: {  	v10 =	vld [tilespmem:s25+$0xC0];
	[tilespmem:s16+$0xD0] =	vst v5;
	v1 =	vmul.f32 v1, v1;
	v2 =	vmul.f32 v2, v2  }
0x2ec: {  	v11 =	vld [tilespmem:s25+$0xD0];
	[tilespmem:s16+$0xE0] =	vst v4;
	v0 =	vmul.f32 v0, v0;
	v3 =	vmul.f32 v3, v3  }
.Ltmp9:
0x2ed: {  	v4 =	vld [tilespmem:s25+$0xE0];
	[tilespmem:s16+$0xF0] =	vst v1;
	v2 =	vmul.f32 v2, v2;
	v5 =	vmul.f32 v8, v8;
	(pc) =	sbr.rel @p1 .LBB2_21-.Ltmp9, $4  }
0x2ee: {  	v7 =	vmul.f32 v9, v9;
	v1 =	vld [tilespmem:s25+$0xF0];
	[tilespmem:s16+$0x100] =	vst v0;
	v3 =	vmul.f32 v3, v3  }
0x2ef: {  	v6 =	vmul.f32 v6, v6;
	v0 =	vld [tilespmem:s25+$0x100];
	[tilespmem:s16+$0x110] =	vst v2;
	v9 =	vmul.f32 v5, v5  }
0x2f0: {  	v7 =	vmul.f32 v7, v7;
	v8 =	vmul.f32 v10, v10;
	v2 =	vld [tilespmem:s25+$0x110];
	[tilespmem:s16+$0x120] =	vst v3  }
0x2f1: {  	s17 =	sadd.s32 $0x280, s17;
	v5 =	vmul.f32 v6, v6;
	v6 =	vmul.f32 v11, v11;
	v3 =	vld [tilespmem:s25+$0x120];
	[tilespmem:s16+$0x130] =	vst v9;
	s16 =	smov.u32 s25  }
0x2f2: {  	[tilespmem:s16+$0xA0] =	vst v7;
	v7 =	vmul.f32 v8, v8;
	v4 =	vmul.f32 v4, v4;
	v8 =	vld [tilespmem:s16+$0x130]  }
0x2f3: {  	[tilespmem:s16+$0xB0] =	vst v5;
	v5 =	vmul.f32 v6, v6;
	v1 =	vmul.f32 v1, v1  }
0x2f4: {  	[tilespmem:s16+$0xC0] =	vst v7;
	v4 =	vmul.f32 v4, v4;
	v0 =	vmul.f32 v0, v0  }
0x2f5: {  	[tilespmem:s16+$0xD0] =	vst v5;
	v1 =	vmul.f32 v1, v1;
	v2 =	vmul.f32 v2, v2  }
0x2f6: {  	[tilespmem:s16+$0xE0] =	vst v4;
	v0 =	vmul.f32 v0, v0;
	v3 =	vmul.f32 v3, v3  }
0x2f7: {  	[tilespmem:s16+$0xF0] =	vst v1;
	v1 =	vmul.f32 v2, v2;
	v2 =	vmul.f32 v8, v8  }
0x2f8: {  	[tilespmem:s16+$0x100] =	vst v0;
	v0 =	vmul.f32 v3, v3  }
0x2f9: {  	[tilespmem:s16+$0x110] =	vst v1;
	v1 =	vmul.f32 v2, v2  }
0x2fa: {  	[tilespmem:s16+$0x120] =	vst v0  }
0x2fb: {  	s31 =	simm.s32 $0x0;
	[tilespmem:s16+$0x130] =	vst v1  }
0x2fc: {  	[spmem:s5] =	stream.indirect.scatter.add.f32 [tilespmem:s12], [sflag:$0x5], $0xA0, s31, s15, $0xb8;
	[tilespmem:$0x1EB40] =	vst v63  }
0x2fd: {  	_ =	swait.ge [sflag:s21], $0x50  }
0x2fe: {  	[sflag:s21] =	ssyncset.done $0x0  }
0x2ff: {  	[sflag:s21] =	ssyncadd.s32 $0xFFFFFFB0  }
0x300: {  	_ =	swait.ge [sflag:s22], $0x3200  }
0x301: {  	[sflag:s22] =	ssyncset.done $0x0  }
0x302: {  	[sflag:s22] =	ssyncadd.s32 $0xFFFFCE00  }
0x303: {  	s10 =	sadd.s32 s10, s19;
	_ =	swait.ge [sflag:s23], $0x3200  }
0x304: {  	s17 =	sshrl.u32 s10, $0x3;
	[sflag:s23] =	ssyncset.done $0x0  }
0x305: {  	s10 =	smul.u32 $0x14, s10;
	s17 =	sadd.s32 s6, s17;
	[sflag:s23] =	ssyncadd.s32 $0xFFFFCE00  }
0x306: {  	[tilespmem:s31], [sflag:$0x1] =	stream.linear.gather [hbm4b:s17+s31], $0x50, $0x38;
	[tilespmem:$0x1EB40] =	vst v63  }
0x307: {  	s10 =	sadd.s32 s4, s10  }
0x308: {  	[tilespmem:s12], [sflag:$0x3] =	stream.linear.gather [hbm4b:s10+s31], $0x3200, $0x38;
	[tilespmem:$0x1EB40] =	vst v63  }
0x309: {  	s10 =	simm.s32 $0x0  }
0x30a: {  	v0 =	vld [tilespmem:s10+$0x32A0]  }
0x30b: {  	v2 =	vld [tilespmem:s10+$0x32B0]  }
0x30c: {  	v3 =	vld [tilespmem:s10+$0x32C0]  }
0x30d: {  	v6 =	vld [tilespmem:s10+$0x32D0]  }
0x30e: {  	v4 =	vld [tilespmem:s10+$0x32E0]  }
0x30f: {  	v1 =	vld [tilespmem:s10+$0x32F0];
	v5 =	vmul.f32 v0, v0  }
0x310: {  	v9 =	vmul.f32 v2, v2;
	v0 =	vld [tilespmem:s10+$0x3300]  }
0x311: {  	v8 =	vmul.f32 v3, v3;
	v2 =	vld [tilespmem:s10+$0x3310];
	v7 =	vmul.f32 v5, v5  }
0x312: {  	s16 =	simm.s32 $0x280;
	v6 =	vmul.f32 v6, v6;
	v3 =	vld [tilespmem:s10+$0x3320];
	v5 =	vmul.f32 v9, v9  }
.LBB2_23:
0x313: {  	s17 =	sshra.s32 s16, $0x2;
	p1 =	sne.s32 s16, $0xC580;
	[tilespmem:s10+$0x32A0] =	vst v7;
	v7 =	vmul.f32 v8, v8;
	v4 =	vmul.f32 v4, v4;
	v8 =	vld [tilespmem:s10+$0x3330]  }
0x314: {  	v9 =	vld [tilespmem:s17+$0x32A0];
	[tilespmem:s10+$0x32B0] =	vst v5;
	v5 =	vmul.f32 v6, v6;
	v1 =	vmul.f32 v1, v1  }
0x315: {  	v6 =	vld [tilespmem:s17+$0x32B0];
	[tilespmem:s10+$0x32C0] =	vst v7;
	v4 =	vmul.f32 v4, v4;
	v0 =	vmul.f32 v0, v0  }
0x316: {  	v10 =	vld [tilespmem:s17+$0x32C0];
	[tilespmem:s10+$0x32D0] =	vst v5;
	v1 =	vmul.f32 v1, v1;
	v2 =	vmul.f32 v2, v2  }
0x317: {  	v11 =	vld [tilespmem:s17+$0x32D0];
	[tilespmem:s10+$0x32E0] =	vst v4;
	v0 =	vmul.f32 v0, v0;
	v3 =	vmul.f32 v3, v3  }
.Ltmp10:
0x318: {  	v4 =	vld [tilespmem:s17+$0x32E0];
	[tilespmem:s10+$0x32F0] =	vst v1;
	v2 =	vmul.f32 v2, v2;
	v5 =	vmul.f32 v8, v8;
	(pc) =	sbr.rel @p1 .LBB2_23-.Ltmp10, $4  }
0x319: {  	v7 =	vmul.f32 v9, v9;
	v1 =	vld [tilespmem:s17+$0x32F0];
	[tilespmem:s10+$0x3300] =	vst v0;
	v3 =	vmul.f32 v3, v3  }
0x31a: {  	v6 =	vmul.f32 v6, v6;
	v0 =	vld [tilespmem:s17+$0x3300];
	[tilespmem:s10+$0x3310] =	vst v2;
	v9 =	vmul.f32 v5, v5  }
0x31b: {  	v7 =	vmul.f32 v7, v7;
	v8 =	vmul.f32 v10, v10;
	v2 =	vld [tilespmem:s17+$0x3310];
	[tilespmem:s10+$0x3320] =	vst v3  }
0x31c: {  	s16 =	sadd.s32 $0x280, s16;
	v5 =	vmul.f32 v6, v6;
	v6 =	vmul.f32 v11, v11;
	v3 =	vld [tilespmem:s17+$0x3320];
	[tilespmem:s10+$0x3330] =	vst v9;
	s10 =	smov.u32 s17  }
0x31d: {  	[tilespmem:s10+$0x32A0] =	vst v7;
	v57 =	vmul.f32 v8, v8;
	v4 =	vmul.f32 v4, v4;
	v58 =	vld [tilespmem:s10+$0x3330]  }
0x31e: {  	[tilespmem:s10+$0x32B0] =	vst v5;
	v59 =	vmul.f32 v6, v6;
	v1 =	vmul.f32 v1, v1  }
0x31f: {  	[tilespmem:s10+$0x32C0] =	vst v57;
	v4 =	vmul.f32 v4, v4;
	v0 =	vmul.f32 v0, v0  }
0x320: {  	[tilespmem:s10+$0x32D0] =	vst v59;
	v1 =	vmul.f32 v1, v1;
	v2 =	vmul.f32 v2, v2  }
0x321: {  	s2 =	sadd.s32 $0x1, s2;
	[tilespmem:s10+$0x32E0] =	vst v4;
	v0 =	vmul.f32 v0, v0;
	v3 =	vmul.f32 v3, v3  }
0x322: {  	p1 =	sne.s32 s2, $0x3E;
	[tilespmem:s10+$0x32F0] =	vst v1;
	v60 =	vmul.f32 v2, v2;
	v61 =	vmul.f32 v58, v58  }
.Ltmp11:
0x323: {  	[tilespmem:s10+$0x3300] =	vst v0;
	v62 =	vmul.f32 v3, v3;
	(pc) =	sbr.rel @p1 .LBB2_20-.Ltmp11, $4  }
0x324: {  	[tilespmem:s10+$0x3310] =	vst v60;
	v63 =	vmul.f32 v61, v61  }
0x325: {  	[tilespmem:s10+$0x3320] =	vst v62  }
0x326: {  	[tilespmem:s10+$0x3330] =	vst v63  }
0x327: {  	[spmem:s5] =	stream.indirect.scatter.add.f32 [tilespmem:s20], [sflag:$0x6], $0xA0, s15, s15, $0xb8;
	[tilespmem:$0x1EB40] =	vst v63  }
0x328: {  	_ =	swait.ge [sflag:s13], $0x50  }
0x329: {  	[sflag:s13] =	ssyncset.done $0x0  }
0x32a: {  	[sflag:s13] =	ssyncadd.s32 $0xFFFFFFB0  }
0x32b: {  	_ =	swait.ge [sflag:s14], $0x3200  }
0x32c: {  	[sflag:s14] =	ssyncset.done $0x0  }
0x32d: {  	[sflag:s14] =	ssyncadd.s32 $0xFFFFCE00  }
0x32e: {  	_ =	swait.ge [sflag:s24], $0x3200  }
0x32f: {  	[sflag:s24] =	ssyncset.done $0x0  }
0x330: {  	s0 =	simm.s32 $0x0;
	[sflag:s24] =	ssyncadd.s32 $0xFFFFCE00  }
0x331: {  	v0 =	vld [tilespmem:s0+$0xA0]  }
0x332: {  	v2 =	vld [tilespmem:s0+$0xB0]  }
0x333: {  	v3 =	vld [tilespmem:s0+$0xC0]  }
0x334: {  	v6 =	vld [tilespmem:s0+$0xD0]  }
0x335: {  	v4 =	vld [tilespmem:s0+$0xE0]  }
0x336: {  	v1 =	vld [tilespmem:s0+$0xF0];
	v5 =	vmul.f32 v0, v0  }
0x337: {  	v9 =	vmul.f32 v2, v2;
	v0 =	vld [tilespmem:s0+$0x100]  }
0x338: {  	v8 =	vmul.f32 v3, v3;
	v2 =	vld [tilespmem:s0+$0x110];
	v7 =	vmul.f32 v5, v5  }
0x339: {  	s2 =	simm.s32 $0x280;
	v6 =	vmul.f32 v6, v6;
	v3 =	vld [tilespmem:s0+$0x120];
	v5 =	vmul.f32 v9, v9  }
.LBB2_26:
0x33a: {  	s10 =	sshra.s32 s2, $0x2;
	p1 =	sne.s32 s2, $0xC580;
	[tilespmem:s0+$0xA0] =	vst v7;
	v7 =	vmul.f32 v8, v8;
	v4 =	vmul.f32 v4, v4;
	v8 =	vld [tilespmem:s0+$0x130]  }
0x33b: {  	v9 =	vld [tilespmem:s10+$0xA0];
	[tilespmem:s0+$0xB0] =	vst v5;
	v5 =	vmul.f32 v6, v6;
	v1 =	vmul.f32 v1, v1  }
0x33c: {  	v6 =	vld [tilespmem:s10+$0xB0];
	[tilespmem:s0+$0xC0] =	vst v7;
	v4 =	vmul.f32 v4, v4;
	v0 =	vmul.f32 v0, v0  }
0x33d: {  	v10 =	vld [tilespmem:s10+$0xC0];
	[tilespmem:s0+$0xD0] =	vst v5;
	v1 =	vmul.f32 v1, v1;
	v2 =	vmul.f32 v2, v2  }
0x33e: {  	v11 =	vld [tilespmem:s10+$0xD0];
	[tilespmem:s0+$0xE0] =	vst v4;
	v0 =	vmul.f32 v0, v0;
	v3 =	vmul.f32 v3, v3  }
.Ltmp12:
0x33f: {  	v4 =	vld [tilespmem:s10+$0xE0];
	[tilespmem:s0+$0xF0] =	vst v1;
	v2 =	vmul.f32 v2, v2;
	v5 =	vmul.f32 v8, v8;
	(pc) =	sbr.rel @p1 .LBB2_26-.Ltmp12, $4  }
0x340: {  	v7 =	vmul.f32 v9, v9;
	v1 =	vld [tilespmem:s10+$0xF0];
	[tilespmem:s0+$0x100] =	vst v0;
	v3 =	vmul.f32 v3, v3  }
0x341: {  	v6 =	vmul.f32 v6, v6;
	v0 =	vld [tilespmem:s10+$0x100];
	[tilespmem:s0+$0x110] =	vst v2;
	v9 =	vmul.f32 v5, v5  }
0x342: {  	v7 =	vmul.f32 v7, v7;
	v8 =	vmul.f32 v10, v10;
	v2 =	vld [tilespmem:s10+$0x110];
	[tilespmem:s0+$0x120] =	vst v3  }
0x343: {  	s2 =	sadd.s32 $0x280, s2;
	v5 =	vmul.f32 v6, v6;
	v6 =	vmul.f32 v11, v11;
	v3 =	vld [tilespmem:s10+$0x120];
	[tilespmem:s0+$0x130] =	vst v9;
	s0 =	smov.u32 s10  }
0x344: {  	[tilespmem:s0+$0xA0] =	vst v7;
	v57 =	vmul.f32 v8, v8;
	v4 =	vmul.f32 v4, v4;
	v58 =	vld [tilespmem:s0+$0x130]  }
0x345: {  	[tilespmem:s0+$0xB0] =	vst v5;
	v59 =	vmul.f32 v6, v6;
	v1 =	vmul.f32 v1, v1  }
0x346: {  	[tilespmem:s0+$0xC0] =	vst v57;
	v4 =	vmul.f32 v4, v4;
	v0 =	vmul.f32 v0, v0  }
0x347: {  	[tilespmem:s0+$0xD0] =	vst v59;
	v1 =	vmul.f32 v1, v1;
	v2 =	vmul.f32 v2, v2  }
0x348: {  	[tilespmem:s0+$0xE0] =	vst v4;
	v0 =	vmul.f32 v0, v0;
	v3 =	vmul.f32 v3, v3  }
0x349: {  	[tilespmem:s0+$0xF0] =	vst v1;
	v60 =	vmul.f32 v2, v2;
	v61 =	vmul.f32 v58, v58  }
0x34a: {  	[tilespmem:s0+$0x100] =	vst v0;
	v62 =	vmul.f32 v3, v3  }
0x34b: {  	[tilespmem:s0+$0x110] =	vst v60;
	v63 =	vmul.f32 v61, v61  }
0x34c: {  	[tilespmem:s0+$0x120] =	vst v62  }
0x34d: {  	[tilespmem:s0+$0x130] =	vst v63  }
0x34e: {  	[spmem:s5] =	stream.indirect.scatter.add.f32 [tilespmem:s12], [sflag:$0x5], $0xA0, s1, s15, $0xb8;
	[tilespmem:$0x1EB40] =	vst v63  }
0x34f: {  	_ =	swait.ge [sflag:s23], $0x3200  }
0x350: {  	[sflag:s23] =	ssyncset.done $0x0  }
0x351: {  	[sflag:s23] =	ssyncadd.s32 $0xFFFFCE00  }
0x352: {  	[bflag:$0x0] =	sbarrier.arrive $0xFFFF  }
0x353: {  	s2 =	sld [smem:$0x7D6];
	_ =	sdelay $0x1  }
0x354: {  	s16 =	rddreg [dreg:$0x1c]  }
0x355: {  	[hbm:s16], [sflag:s8] =	dma.local [spmem:s2], $0x640  }
0x356: {  	_ =	swait.ge [sflag:s11], $0x640  }
0x357: {  	s25 =	sld [smem:$0x7D7]  }
0x358: {  	[sflag:s11] =	ssyncset.done $0x0  }
0x359: {  	s17 =	rddreg [dreg:$0x1d];
	[sflag:s11] =	ssyncadd.s32 $0xFFFFF9C0  }
0x35a: {  	[hbm:s17], [sflag:s8] =	dma.local [spmem:s25], $0x640  }
0x35b: {  	_ =	swait.ge [sflag:s11], $0x640  }
0x35c: {  	s29 =	sld [smem:$0x7D8]  }
0x35d: {  	[sflag:s11] =	ssyncset.done $0x0  }
0x35e: {  	s28 =	rddreg [dreg:$0x1e];
	[sflag:s11] =	ssyncadd.s32 $0xFFFFF9C0  }
0x35f: {  	[hbm:s28], [sflag:s8] =	dma.local [spmem:s29], $0x640  }
0x360: {  	_ =	swait.ge [sflag:s11], $0x640  }
0x361: {  	s31 =	sld [smem:$0x7D9]  }
0x362: {  	[sflag:s11] =	ssyncset.done $0x0  }
0x363: {  	s30 =	rddreg [dreg:$0x1f];
	[sflag:s11] =	ssyncadd.s32 $0xFFFFF9C0  }
0x364: {  	[hbm:s30], [sflag:s8] =	dma.local [spmem:s31], $0x640  }
0x365: {  	_ =	swait.ge [sflag:s11], $0x640  }
0x366: {  	s10 =	sld [smem:$0x7E2]  }
0x367: {  	s16 =	sld [smem:$0x7DA]  }
0x368: {  	[sflag:s11] =	ssyncset.done $0x0  }
0x369: {  	[sflag:s11] =	ssyncadd.s32 $0xFFFFF9C0  }
0x36a: {  	[hbm:s10], [sflag:s8] =	dma.local [spmem:s16], $0x640  }
0x36b: {  	_ =	swait.ge [sflag:s11], $0x640  }
0x36c: {  	s17 =	sld [smem:$0x7E3]  }
0x36d: {  	s25 =	sld [smem:$0x7DB]  }
0x36e: {  	[sflag:s11] =	ssyncset.done $0x0  }
0x36f: {  	[sflag:s11] =	ssyncadd.s32 $0xFFFFF9C0  }
0x370: {  	[hbm:s17], [sflag:s8] =	dma.local [spmem:s25], $0x640  }
0x371: {  	_ =	swait.ge [sflag:s11], $0x640  }
0x372: {  	s28 =	sld [smem:$0x7E4]  }
0x373: {  	s29 =	sld [smem:$0x7DC]  }
0x374: {  	[sflag:s11] =	ssyncset.done $0x0  }
0x375: {  	[sflag:s11] =	ssyncadd.s32 $0xFFFFF9C0  }
0x376: {  	[hbm:s28], [sflag:s8] =	dma.local [spmem:s29], $0x640  }
0x377: {  	_ =	swait.ge [sflag:s11], $0x640  }
0x378: {  	s0 =	sld [smem:$0x7E5]  }
0x379: {  	s2 =	sld [smem:$0x7DD]  }
0x37a: {  	[sflag:s11] =	ssyncset.done $0x0  }
0x37b: {  	[sflag:s11] =	ssyncadd.s32 $0xFFFFF9C0  }
0x37c: {  	[hbm:s0], [sflag:s8] =	dma.local @!p0 [spmem:s2], $0x640  }
0x37d: {  	s0 =	simm.s32 @!p0 $0x7  }
0x37e: {  	_ =	swait.ge @!p0 [sflag:s0], $0x640  }
0x37f: {  	s30 =	sld [smem:$0x7DE]  }
0x380: {  	s31 =	sld [smem:$0x7F6];
	_ =	sdelay $0x1  }
0x381: {  	s2 =	sadd.s32 $0x1, s30  }
0x382: {  	p1 =	sne.s32 s2, s31  }
.Ltmp13:
0x383: {  	_ = 	snop;
	(pc) =	sbr.rel @p1 .LBB2_1-.Ltmp13, $3  }
0x384: {  	[sflag:s0] =	ssyncset.done @!p0 $0x0  }
0x385: {  	[sflag:s0] =	ssyncadd.s32 @!p0 $0xFFFFF9C0  }
0x386: {  	[bflag:$0x0] =	sbarrier.arrive $0xFFFF;
	_ =	sdelay $0x1  }
0x387: {  	_ =	sfence.sel $0x180000  }
0x388: {  	[bflag:$0x0] =	sbarrier.arrive $0xFFFF  }
0x389: {  	_ =	strace $0x9000004A  }
0x38a: {  	s0 =	stileid.u32;
	[bflag:$0x2] =	sbarrier.arrive $0xFFFF  }
0x38b: {  	p0 =	sne.s32 s0, $0x0;
	s0 =	rddreg [dreg:$0x3]  }
0x38c: {  	s0 =	sadd.s32 @!p0 $0x100000, s0  }
0x38d: {  	[sflag:s0] =	ssyncadd.tile.s32 @!p0 $0x1;
	_ =	shalt  }
.Lfunc_end2:
_tile_overlayer_lowered:
.L_overlay_start_2:
0x38e: {  	(tag) =	ssettag $0x2  }
0x38f: {  	s0 =	rddreg [dreg:$0x0];
	s2 =	stileid.u32  }
0x390: {  	s1 =	rddreg [dreg:$0x1];
	p0 =	sne.s32 s2, $0x0  }
0x391: {  	s3 =	rddreg [dreg:$0x2];
	[bflag:$0x3] =	sbarrier.arrive $0xFFFF;
	s2 =	simm.s32 @!p0 $0x1C07  }
0x392: {  	[timem:s3], [sflag:s2] =	dma.local @!p0 [hbm:s0], s1  }
0x393: {  	s0 =	simm.s32 @!p0 $0x7  }
0x394: {  	_ =	swait.ge @!p0 [sflag:s0], s1  }
0x395: {  	s1 =	ssub.s32 @!p0 $0x0, s1;
	[sflag:s0] =	ssyncset.done @!p0 $0x0  }
0x396: {  	[sflag:s0] =	ssyncadd.s32 @!p0 s1  }
0x397: {  	[bflag:$0x3] =	sbarrier.arrive $0xFFFF  }
0x398: {  	_ =	shalt  }

</sc_bundles>
